<compile_context>
chip_gen: v7x
topology: tpu7x:2x2x1
jax: 0.10.2.dev20260603
libtpu: 0.0.44.dev20260713+nightly
codegen_flags: <defaults>
</compile_context>

<pallas_src>
import functools

import jax
import jax.numpy as jnp
from jax import lax
from jax.experimental import pallas as pl
from jax.experimental.pallas import tpu as pltpu
from jax.experimental.pallas import tpu_sc as plsc

NC = 2
NS = 16
L = 16
NW = NC * NS
B = 16384
D = 64
N = 100000
BPW = B // NW
NCH = BPW // 128
HALF = BPW // 2
CPH = HALF // L
TW = 8192
TH = TW // 2
NTB = (N + TW - 1) // TW
SRP = NTB * TH


def _tstage_body(sT_ref, pT_ref, s_out_ref, p_out_ref):
    for src, dst in ((sT_ref, s_out_ref), (pT_ref, p_out_ref)):
        x = src[...]
        dst[:, 0:D] = x[:, 0:TH].T
        dst[:, D:128] = x[:, TH:TW].T


def _tstage(sT, pT):
    spec_in = pl.BlockSpec((D, TW), lambda j: (0, j))
    spec_out = pl.BlockSpec((TH, 128), lambda j: (j, 0))
    return pl.pallas_call(
        _tstage_body,
        grid=(NTB,),
        in_specs=[spec_in, spec_in],
        out_specs=[spec_out, spec_out],
        out_shape=(jax.ShapeDtypeStruct((SRP, 128), jnp.float32),
                   jax.ShapeDtypeStruct((SRP, 128), jnp.float32)),
    )(sT, pT)


def _svdpp_body(sids_h, pids_h, sfac_h, pfac_h, sbias_h, pbias_h, g_h, out_h,
                sidx_v, pidx_v, sdidx_v, pdidx_v, sh_v, ph_v,
                srows_v, prows_v, sb_v, pb_v, g_v, out_v, sem, semb):
    w = lax.axis_index("s") * NC + lax.axis_index("c")
    base = w * BPW

    pltpu.sync_copy(sids_h.at[pl.ds(w * NCH, NCH)], sidx_v)
    pltpu.sync_copy(pids_h.at[pl.ds(w * NCH, NCH)], pidx_v)
    pltpu.sync_copy(g_h, g_v)

    bcps = []
    for c in range(NCH):
        r = pl.ds(c * 128, 128)
        bcps.append(pltpu.async_copy(sbias_h.at[sidx_v.at[c]], sb_v.at[r], semb))
        bcps.append(pltpu.async_copy(pbias_h.at[pidx_v.at[c]], pb_v.at[r], semb))

    sh1 = TW.bit_length() - 1
    sh2 = sh1 - 1

    def _didx(v):
        return lax.shift_left(lax.shift_right_logical(v, sh1), sh2) + \
            lax.bitwise_and(v, TW // 2 - 1)

    def _hoff(v):
        return lax.shift_left(
            lax.bitwise_and(lax.shift_right_logical(v, sh2), 1), 6)

    for c in range(NCH):
        for j in range(128 // L):
            sl = pl.ds(j * L, L)
            fl = pl.ds(c * 128 + j * L, L)
            sv = sidx_v[c, sl]
            pv = pidx_v[c, sl]
            sdidx_v[c, sl] = _didx(sv)
            pdidx_v[c, sl] = _didx(pv)
            sh_v[fl] = _hoff(sv)
            ph_v[fl] = _hoff(pv)

    iota = lax.broadcasted_iota(jnp.int32, (L,), 0)
    ones = jnp.ones((L,), jnp.int32)
    gvec = g_v[...]

    sbufs = (srows_v.at[pl.ds(0, 128)], srows_v.at[pl.ds(128, 128)])
    pbufs = (prows_v.at[pl.ds(0, 128)], prows_v.at[pl.ds(128, 128)])

    def fire(q):
        return [pltpu.async_copy(sfac_h.at[sdidx_v.at[q]], sbufs[q % 2], sem),
                pltpu.async_copy(pfac_h.at[pdidx_v.at[q]], pbufs[q % 2], sem)]

    pend = fire(0)
    for q in range(NCH):
        if q + 1 < NCH:
            nxt = fire(q + 1)
        for cp in pend:
            cp.wait()
        if q == 0:
            for cp in bcps:
                cp.wait()
        def chunk(i, carry, q=q):
            lrow = (q % 2) * 128 + (i - q * 8) * L + iota
            sh0 = sh_v[pl.ds(i * L, L)]
            ph0 = ph_v[pl.ds(i * L, L)]
            z = jnp.zeros((L,), jnp.float32)

            def dbody(t, st):
                a0, a1, a2, a3, mvec = st
                accs = [a0, a1, a2, a3]
                for k in range(8):
                    m = lax.bitwise_and(mvec + k if k else mvec, 63)
                    sv = plsc.load_gather(srows_v, [lrow, sh0 + m])
                    pv = plsc.load_gather(prows_v, [lrow, ph0 + m])
                    accs[k % 4] = accs[k % 4] + sv * pv
                return (*accs, mvec + 8)

            a0, a1, a2, a3, _ = lax.fori_loop(
                0, D // 8, dbody, (z, z, z, z, iota))
            sl = pl.ds(i * L, L)
            out_v[sl] = ((a0 + a1) + (a2 + a3)) + sb_v[sl] + pb_v[sl] + gvec
            return carry

        lax.fori_loop(q * 8, (q + 1) * 8, chunk, 0)
        if q + 1 < NCH:
            pend = nxt

    pltpu.sync_copy(out_v, out_h.at[pl.ds(base, BPW)])


_svdpp = functools.partial(
    pl.kernel,
    out_type=jax.ShapeDtypeStruct((B,), jnp.float32),
    mesh=plsc.VectorSubcoreMesh(core_axis_name="c", subcore_axis_name="s"),
    scratch_types=[
        pltpu.VMEM((NCH, 128), jnp.int32),
        pltpu.VMEM((NCH, 128), jnp.int32),
        pltpu.VMEM((NCH, 128), jnp.int32),
        pltpu.VMEM((NCH, 128), jnp.int32),
        pltpu.VMEM((BPW,), jnp.int32),
        pltpu.VMEM((BPW,), jnp.int32),
        pltpu.VMEM((HALF, 128), jnp.float32),
        pltpu.VMEM((HALF, 128), jnp.float32),
        pltpu.VMEM((BPW,), jnp.float32),
        pltpu.VMEM((BPW,), jnp.float32),
        pltpu.VMEM((L,), jnp.float32),
        pltpu.VMEM((BPW,), jnp.float32),
        pltpu.SemaphoreType.DMA,
        pltpu.SemaphoreType.DMA,
    ],
    compiler_params=pltpu.CompilerParams(needs_layout_passes=False,
                                         use_tc_tiling_on_sc=True,
                                         disable_bounds_checks=True),
)(_svdpp_body)


def kernel(scientist_ids, paper_ids, scientist_factors, paper_factors,
           implicit_factors, scientist_bias, paper_bias, global_bias):
    del implicit_factors
    sids = scientist_ids.astype(jnp.int32).reshape(NW * NCH, 128)
    pids = paper_ids.astype(jnp.int32).reshape(NW * NCH, 128)
    sfac, pfac = _tstage(scientist_factors.T, paper_factors.T)
    sb = scientist_bias.reshape(-1)
    pb = paper_bias.reshape(-1)
    g16 = jnp.broadcast_to(global_bias.astype(jnp.float32).reshape(()), (L,))
    return _svdpp(sids, pids, sfac, pfac, sb, pb, g16)

# --- scband reference (transcript-rebuilt; emitter-appended) ---
"""Pipeline reference for scband-svdpp-27608049779273 (READ-ONLY COPY).

The authoritative reference and input builder live on the scoring server;
editing this copy changes nothing except your own understanding.
"""

import jax, jax.numpy as jnp
import numpy as np

NUM_SCIENTISTS = 100000
NUM_PAPERS = 100000
EMB_DIM = 64
BATCH = 16384
GLOBAL_MEAN = 3.82


def setup_inputs(seed: int = 0) -> dict:
    key = jax.random.key(seed)
    ks = jax.random.split(key, 8)
    scientist_ids = jax.random.randint(ks[0], (BATCH,), 0, NUM_SCIENTISTS)
    paper_ids = jax.random.randint(ks[1], (BATCH,), 0, NUM_PAPERS)
    scientist_factors = jax.random.normal(ks[2], (NUM_SCIENTISTS, EMB_DIM), dtype=jnp.float32) * 0.1
    paper_factors = jax.random.normal(ks[3], (NUM_PAPERS, EMB_DIM), dtype=jnp.float32) * 0.1
    implicit_factors = jax.random.normal(ks[4], (NUM_PAPERS, EMB_DIM), dtype=jnp.float32) * 0.1
    scientist_bias = jnp.zeros((NUM_SCIENTISTS, 1), dtype=jnp.float32)
    paper_bias = jnp.zeros((NUM_PAPERS, 1), dtype=jnp.float32)
    global_bias = jnp.array([GLOBAL_MEAN], dtype=jnp.float32)
    return {
        'scientist_ids': scientist_ids,
        'paper_ids': paper_ids,
        'scientist_factors': scientist_factors,
        'paper_factors': paper_factors,
        'implicit_factors': implicit_factors,
        'scientist_bias': scientist_bias,
        'paper_bias': paper_bias,
        'global_bias': global_bias,
    }


def reference(scientist_ids, paper_ids, scientist_factors, paper_factors, implicit_factors, scientist_bias, paper_bias, global_bias):
    # Embedding gathers
    scientist_embeddings = jnp.take(scientist_factors, scientist_ids, axis=0)
    paper_embeddings = jnp.take(paper_factors, paper_ids, axis=0)
    scientist_biases = jnp.take(scientist_bias, scientist_ids, axis=0).squeeze(-1)
    paper_biases = jnp.take(paper_bias, paper_ids, axis=0).squeeze(-1)
    # s2p was left at its default (None -> empty dict), so every scientist's
    # implicit paper list is empty and the implicit term is identically zero,
    # exactly matching the torch module's behavior with s2p={}.
    y_u = jnp.zeros_like(scientist_embeddings)
    interaction = ((scientist_embeddings + y_u) * paper_embeddings).sum(axis=1)
    return interaction + scientist_biases + paper_biases + global_bias

if __name__ == "__main__":
    import jax
    _d = setup_inputs()
    print(jax.jit(kernel)(*tuple(_d.values())))

</pallas_src>

<mosaic_0001>
#map = affine_map<(d0, d1) -> (0, 0)>
#map1 = affine_map<(d0, d1) -> (0)>
module attributes {stable_mosaic.version = 14 : i64} {
  func.func @_svdpp_body(%arg0: i32, %arg1: i32, %arg2: memref<128x128xi32, #tpu.memory_space<hbm>>, %arg3: memref<128x128xi32, #tpu.memory_space<hbm>>, %arg4: memref<53248x128xf32, #tpu.memory_space<hbm>>, %arg5: memref<53248x128xf32, #tpu.memory_space<hbm>>, %arg6: memref<100000xf32, #tpu.memory_space<hbm>>, %arg7: memref<100000xf32, #tpu.memory_space<hbm>>, %arg8: memref<16xf32, #tpu.memory_space<hbm>>, %arg9: memref<16384xf32, #tpu.memory_space<hbm>>, %arg10: memref<4x128xi32, #tpu.memory_space<vmem>>, %arg11: memref<4x128xi32, #tpu.memory_space<vmem>>, %arg12: memref<4x128xi32, #tpu.memory_space<vmem>>, %arg13: memref<4x128xi32, #tpu.memory_space<vmem>>, %arg14: memref<512xi32, #tpu.memory_space<vmem>>, %arg15: memref<512xi32, #tpu.memory_space<vmem>>, %arg16: memref<256x128xf32, #tpu.memory_space<vmem>>, %arg17: memref<256x128xf32, #tpu.memory_space<vmem>>, %arg18: memref<512xf32, #tpu.memory_space<vmem>>, %arg19: memref<512xf32, #tpu.memory_space<vmem>>, %arg20: memref<16xf32, #tpu.memory_space<vmem>>, %arg21: memref<512xf32, #tpu.memory_space<vmem>>, %arg22: memref<!tpu.dma_semaphore, #tpu.memory_space<semaphore_mem>>, %arg23: memref<!tpu.dma_semaphore, #tpu.memory_space<semaphore_mem>>) attributes {dimension_semantics = [#tpu.dimension_semantics<core_parallel>, #tpu.dimension_semantics<subcore_parallel>], iteration_bounds = array<i64: 2, 16>, scalar_prefetch = 0 : i64, scratch_operands = 14 : i64, tpu.core_type = #tpu.core_type<sc_vector_subcore>, window_params = [{transform_indices = #map}, {transform_indices = #map}, {transform_indices = #map}, {transform_indices = #map}, {transform_indices = #map1}, {transform_indices = #map1}, {transform_indices = #map1}, {transform_indices = #map1}]} {
    %mul3A = arith.constant 2 : i32
    %mul3A_0 = arith.muli %arg1, %mul3A : i32
    %add3A = arith.addi %mul3A_0, %arg0 : i32
    %mul3A_1 = arith.constant 512 : i32
    %mul3A_2 = arith.muli %add3A, %mul3A_1 : i32
    %mul3A_3 = arith.constant 4 : i32
    %mul3A_4 = arith.muli %add3A, %mul3A_3 : i32
    "tpu.region"() ({
      %run_scoped3A = tpu.sem_alloc : memref<!tpu.dma_semaphore, #tpu.memory_space<semaphore_mem>>
      %dma_start3A_2170 = arith.constant 0 : i32
      %dma_start3A_2171 = tpu.memref_slice %arg2[%mul3A_4, %dma_start3A_2170] : memref<128x128xi32, #tpu.memory_space<hbm>> -> memref<4x128xi32, #tpu.memory_space<hbm>>
      %dma_start3A_2172 = arith.constant 0 : i32
      %dma_start3A_2173 = tpu.memref_slice %arg2[%mul3A_4, %dma_start3A_2172] : memref<128x128xi32, #tpu.memory_space<hbm>> -> memref<4x128xi32, #tpu.memory_space<hbm>>
      tpu.enqueue_dma source(%dma_start3A_2173 : memref<4x128xi32, #tpu.memory_space<hbm>>) target(%arg10 : memref<4x128xi32, #tpu.memory_space<vmem>>) target_semaphore(%run_scoped3A : memref<!tpu.dma_semaphore, #tpu.memory_space<semaphore_mem>>)
      %dma_wait3A_2174 = arith.constant 0 : i32
      %dma_wait3A_2175 = tpu.memref_slice %arg2[%mul3A_4, %dma_wait3A_2174] : memref<128x128xi32, #tpu.memory_space<hbm>> -> memref<4x128xi32, #tpu.memory_space<hbm>>
      %dma_wait3A_2176 = arith.constant 0 : i32
      %dma_wait3A_2177 = tpu.memref_slice %arg2[%mul3A_4, %dma_wait3A_2176] : memref<128x128xi32, #tpu.memory_space<hbm>> -> memref<4x128xi32, #tpu.memory_space<hbm>>
      tpu.wait_dma2 semaphore(%run_scoped3A : memref<!tpu.dma_semaphore, #tpu.memory_space<semaphore_mem>>) src(%dma_wait3A_2177 : memref<4x128xi32, #tpu.memory_space<hbm>>) dst(%arg10 : memref<4x128xi32, #tpu.memory_space<vmem>>)
      tpu.yield
    }) : () -> ()
    %mul3A_5 = arith.constant 4 : i32
    %mul3A_6 = arith.muli %add3A, %mul3A_5 : i32
    "tpu.region"() ({
      %run_scoped3A = tpu.sem_alloc : memref<!tpu.dma_semaphore, #tpu.memory_space<semaphore_mem>>
      %dma_start3A_2170 = arith.constant 0 : i32
      %dma_start3A_2171 = tpu.memref_slice %arg3[%mul3A_6, %dma_start3A_2170] : memref<128x128xi32, #tpu.memory_space<hbm>> -> memref<4x128xi32, #tpu.memory_space<hbm>>
      %dma_start3A_2172 = arith.constant 0 : i32
      %dma_start3A_2173 = tpu.memref_slice %arg3[%mul3A_6, %dma_start3A_2172] : memref<128x128xi32, #tpu.memory_space<hbm>> -> memref<4x128xi32, #tpu.memory_space<hbm>>
      tpu.enqueue_dma source(%dma_start3A_2173 : memref<4x128xi32, #tpu.memory_space<hbm>>) target(%arg11 : memref<4x128xi32, #tpu.memory_space<vmem>>) target_semaphore(%run_scoped3A : memref<!tpu.dma_semaphore, #tpu.memory_space<semaphore_mem>>)
      %dma_wait3A_2174 = arith.constant 0 : i32
      %dma_wait3A_2175 = tpu.memref_slice %arg3[%mul3A_6, %dma_wait3A_2174] : memref<128x128xi32, #tpu.memory_space<hbm>> -> memref<4x128xi32, #tpu.memory_space<hbm>>
      %dma_wait3A_2176 = arith.constant 0 : i32
      %dma_wait3A_2177 = tpu.memref_slice %arg3[%mul3A_6, %dma_wait3A_2176] : memref<128x128xi32, #tpu.memory_space<hbm>> -> memref<4x128xi32, #tpu.memory_space<hbm>>
      tpu.wait_dma2 semaphore(%run_scoped3A : memref<!tpu.dma_semaphore, #tpu.memory_space<semaphore_mem>>) src(%dma_wait3A_2177 : memref<4x128xi32, #tpu.memory_space<hbm>>) dst(%arg11 : memref<4x128xi32, #tpu.memory_space<vmem>>)
      tpu.yield
    }) : () -> ()
    "tpu.region"() ({
      %run_scoped3A = tpu.sem_alloc : memref<!tpu.dma_semaphore, #tpu.memory_space<semaphore_mem>>
      tpu.enqueue_dma source(%arg8 : memref<16xf32, #tpu.memory_space<hbm>>) target(%arg20 : memref<16xf32, #tpu.memory_space<vmem>>) target_semaphore(%run_scoped3A : memref<!tpu.dma_semaphore, #tpu.memory_space<semaphore_mem>>)
      tpu.wait_dma2 semaphore(%run_scoped3A : memref<!tpu.dma_semaphore, #tpu.memory_space<semaphore_mem>>) src(%arg8 : memref<16xf32, #tpu.memory_space<hbm>>) dst(%arg20 : memref<16xf32, #tpu.memory_space<vmem>>)
      tpu.yield
    }) : () -> ()
    %dma_start3A = arith.constant 0 : i32
    %dma_start3A_7 = arith.constant 0 : i32
    %dma_start3A_8 = tpu.memref_slice %arg18[%dma_start3A_7] : memref<512xf32, #tpu.memory_space<vmem>> -> memref<128xf32, #tpu.memory_space<vmem>>
    %dma_start3A_9 = arith.constant 0 : i32
    %dma_start3A_10 = tpu.memref_slice %arg10[%dma_start3A, %dma_start3A_9] : memref<4x128xi32, #tpu.memory_space<vmem>> -> memref<1x128xi32, #tpu.memory_space<vmem>>
    %dma_start3A_11 = tpu.memref_squeeze %dma_start3A_10 : memref<1x128xi32, #tpu.memory_space<vmem>> -> memref<128xi32, #tpu.memory_space<vmem>>
    %dma_start3A_12 = arith.constant 0 : i32
    %dma_start3A_13 = tpu.memref_slice %arg6[%dma_start3A_12] : memref<100000xf32, #tpu.memory_space<hbm>> -> memref<100000xf32, #tpu.memory_space<hbm>>
    tpu.enqueue_indirect_dma source(%dma_start3A_13 : memref<100000xf32, #tpu.memory_space<hbm>>) target(%dma_start3A_8 : memref<128xf32, #tpu.memory_space<vmem>>) offsets(%dma_start3A_11 : memref<128xi32, #tpu.memory_space<vmem>>) semaphore(%arg23 : memref<!tpu.dma_semaphore, #tpu.memory_space<semaphore_mem>>)
    %dma_start3A_14 = arith.constant 0 : i32
    %dma_start3A_15 = arith.constant 0 : i32
    %dma_start3A_16 = tpu.memref_slice %arg19[%dma_start3A_15] : memref<512xf32, #tpu.memory_space<vmem>> -> memref<128xf32, #tpu.memory_space<vmem>>
    %dma_start3A_17 = arith.constant 0 : i32
    %dma_start3A_18 = tpu.memref_slice %arg11[%dma_start3A_14, %dma_start3A_17] : memref<4x128xi32, #tpu.memory_space<vmem>> -> memref<1x128xi32, #tpu.memory_space<vmem>>
    %dma_start3A_19 = tpu.memref_squeeze %dma_start3A_18 : memref<1x128xi32, #tpu.memory_space<vmem>> -> memref<128xi32, #tpu.memory_space<vmem>>
    %dma_start3A_20 = arith.constant 0 : i32
    %dma_start3A_21 = tpu.memref_slice %arg7[%dma_start3A_20] : memref<100000xf32, #tpu.memory_space<hbm>> -> memref<100000xf32, #tpu.memory_space<hbm>>
    tpu.enqueue_indirect_dma source(%dma_start3A_21 : memref<100000xf32, #tpu.memory_space<hbm>>) target(%dma_start3A_16 : memref<128xf32, #tpu.memory_space<vmem>>) offsets(%dma_start3A_19 : memref<128xi32, #tpu.memory_space<vmem>>) semaphore(%arg23 : memref<!tpu.dma_semaphore, #tpu.memory_space<semaphore_mem>>)
    %dma_start3A_22 = arith.constant 1 : i32
    %dma_start3A_23 = arith.constant 128 : i32
    %dma_start3A_24 = tpu.memref_slice %arg18[%dma_start3A_23] : memref<512xf32, #tpu.memory_space<vmem>> -> memref<128xf32, #tpu.memory_space<vmem>>
    %dma_start3A_25 = arith.constant 0 : i32
    %dma_start3A_26 = tpu.memref_slice %arg10[%dma_start3A_22, %dma_start3A_25] : memref<4x128xi32, #tpu.memory_space<vmem>> -> memref<1x128xi32, #tpu.memory_space<vmem>>
    %dma_start3A_27 = tpu.memref_squeeze %dma_start3A_26 : memref<1x128xi32, #tpu.memory_space<vmem>> -> memref<128xi32, #tpu.memory_space<vmem>>
    %dma_start3A_28 = arith.constant 0 : i32
    %dma_start3A_29 = tpu.memref_slice %arg6[%dma_start3A_28] : memref<100000xf32, #tpu.memory_space<hbm>> -> memref<100000xf32, #tpu.memory_space<hbm>>
    tpu.enqueue_indirect_dma source(%dma_start3A_29 : memref<100000xf32, #tpu.memory_space<hbm>>) target(%dma_start3A_24 : memref<128xf32, #tpu.memory_space<vmem>>) offsets(%dma_start3A_27 : memref<128xi32, #tpu.memory_space<vmem>>) semaphore(%arg23 : memref<!tpu.dma_semaphore, #tpu.memory_space<semaphore_mem>>)
    %dma_start3A_30 = arith.constant 1 : i32
    %dma_start3A_31 = arith.constant 128 : i32
    %dma_start3A_32 = tpu.memref_slice %arg19[%dma_start3A_31] : memref<512xf32, #tpu.memory_space<vmem>> -> memref<128xf32, #tpu.memory_space<vmem>>
    %dma_start3A_33 = arith.constant 0 : i32
    %dma_start3A_34 = tpu.memref_slice %arg11[%dma_start3A_30, %dma_start3A_33] : memref<4x128xi32, #tpu.memory_space<vmem>> -> memref<1x128xi32, #tpu.memory_space<vmem>>
    %dma_start3A_35 = tpu.memref_squeeze %dma_start3A_34 : memref<1x128xi32, #tpu.memory_space<vmem>> -> memref<128xi32, #tpu.memory_space<vmem>>
    %dma_start3A_36 = arith.constant 0 : i32
    %dma_start3A_37 = tpu.memref_slice %arg7[%dma_start3A_36] : memref<100000xf32, #tpu.memory_space<hbm>> -> memref<100000xf32, #tpu.memory_space<hbm>>
    tpu.enqueue_indirect_dma source(%dma_start3A_37 : memref<100000xf32, #tpu.memory_space<hbm>>) target(%dma_start3A_32 : memref<128xf32, #tpu.memory_space<vmem>>) offsets(%dma_start3A_35 : memref<128xi32, #tpu.memory_space<vmem>>) semaphore(%arg23 : memref<!tpu.dma_semaphore, #tpu.memory_space<semaphore_mem>>)
    %dma_start3A_38 = arith.constant 2 : i32
    %dma_start3A_39 = arith.constant 256 : i32
    %dma_start3A_40 = tpu.memref_slice %arg18[%dma_start3A_39] : memref<512xf32, #tpu.memory_space<vmem>> -> memref<128xf32, #tpu.memory_space<vmem>>
    %dma_start3A_41 = arith.constant 0 : i32
    %dma_start3A_42 = tpu.memref_slice %arg10[%dma_start3A_38, %dma_start3A_41] : memref<4x128xi32, #tpu.memory_space<vmem>> -> memref<1x128xi32, #tpu.memory_space<vmem>>
    %dma_start3A_43 = tpu.memref_squeeze %dma_start3A_42 : memref<1x128xi32, #tpu.memory_space<vmem>> -> memref<128xi32, #tpu.memory_space<vmem>>
    %dma_start3A_44 = arith.constant 0 : i32
    %dma_start3A_45 = tpu.memref_slice %arg6[%dma_start3A_44] : memref<100000xf32, #tpu.memory_space<hbm>> -> memref<100000xf32, #tpu.memory_space<hbm>>
    tpu.enqueue_indirect_dma source(%dma_start3A_45 : memref<100000xf32, #tpu.memory_space<hbm>>) target(%dma_start3A_40 : memref<128xf32, #tpu.memory_space<vmem>>) offsets(%dma_start3A_43 : memref<128xi32, #tpu.memory_space<vmem>>) semaphore(%arg23 : memref<!tpu.dma_semaphore, #tpu.memory_space<semaphore_mem>>)
    %dma_start3A_46 = arith.constant 2 : i32
    %dma_start3A_47 = arith.constant 256 : i32
    %dma_start3A_48 = tpu.memref_slice %arg19[%dma_start3A_47] : memref<512xf32, #tpu.memory_space<vmem>> -> memref<128xf32, #tpu.memory_space<vmem>>
    %dma_start3A_49 = arith.constant 0 : i32
    %dma_start3A_50 = tpu.memref_slice %arg11[%dma_start3A_46, %dma_start3A_49] : memref<4x128xi32, #tpu.memory_space<vmem>> -> memref<1x128xi32, #tpu.memory_space<vmem>>
    %dma_start3A_51 = tpu.memref_squeeze %dma_start3A_50 : memref<1x128xi32, #tpu.memory_space<vmem>> -> memref<128xi32, #tpu.memory_space<vmem>>
    %dma_start3A_52 = arith.constant 0 : i32
    %dma_start3A_53 = tpu.memref_slice %arg7[%dma_start3A_52] : memref<100000xf32, #tpu.memory_space<hbm>> -> memref<100000xf32, #tpu.memory_space<hbm>>
    tpu.enqueue_indirect_dma source(%dma_start3A_53 : memref<100000xf32, #tpu.memory_space<hbm>>) target(%dma_start3A_48 : memref<128xf32, #tpu.memory_space<vmem>>) offsets(%dma_start3A_51 : memref<128xi32, #tpu.memory_space<vmem>>) semaphore(%arg23 : memref<!tpu.dma_semaphore, #tpu.memory_space<semaphore_mem>>)
    %dma_start3A_54 = arith.constant 3 : i32
    %dma_start3A_55 = arith.constant 384 : i32
    %dma_start3A_56 = tpu.memref_slice %arg18[%dma_start3A_55] : memref<512xf32, #tpu.memory_space<vmem>> -> memref<128xf32, #tpu.memory_space<vmem>>
    %dma_start3A_57 = arith.constant 0 : i32
    %dma_start3A_58 = tpu.memref_slice %arg10[%dma_start3A_54, %dma_start3A_57] : memref<4x128xi32, #tpu.memory_space<vmem>> -> memref<1x128xi32, #tpu.memory_space<vmem>>
    %dma_start3A_59 = tpu.memref_squeeze %dma_start3A_58 : memref<1x128xi32, #tpu.memory_space<vmem>> -> memref<128xi32, #tpu.memory_space<vmem>>
    %dma_start3A_60 = arith.constant 0 : i32
    %dma_start3A_61 = tpu.memref_slice %arg6[%dma_start3A_60] : memref<100000xf32, #tpu.memory_space<hbm>> -> memref<100000xf32, #tpu.memory_space<hbm>>
    tpu.enqueue_indirect_dma source(%dma_start3A_61 : memref<100000xf32, #tpu.memory_space<hbm>>) target(%dma_start3A_56 : memref<128xf32, #tpu.memory_space<vmem>>) offsets(%dma_start3A_59 : memref<128xi32, #tpu.memory_space<vmem>>) semaphore(%arg23 : memref<!tpu.dma_semaphore, #tpu.memory_space<semaphore_mem>>)
    %dma_start3A_62 = arith.constant 3 : i32
    %dma_start3A_63 = arith.constant 384 : i32
    %dma_start3A_64 = tpu.memref_slice %arg19[%dma_start3A_63] : memref<512xf32, #tpu.memory_space<vmem>> -> memref<128xf32, #tpu.memory_space<vmem>>
    %dma_start3A_65 = arith.constant 0 : i32
    %dma_start3A_66 = tpu.memref_slice %arg11[%dma_start3A_62, %dma_start3A_65] : memref<4x128xi32, #tpu.memory_space<vmem>> -> memref<1x128xi32, #tpu.memory_space<vmem>>
    %dma_start3A_67 = tpu.memref_squeeze %dma_start3A_66 : memref<1x128xi32, #tpu.memory_space<vmem>> -> memref<128xi32, #tpu.memory_space<vmem>>
    %dma_start3A_68 = arith.constant 0 : i32
    %dma_start3A_69 = tpu.memref_slice %arg7[%dma_start3A_68] : memref<100000xf32, #tpu.memory_space<hbm>> -> memref<100000xf32, #tpu.memory_space<hbm>>
    tpu.enqueue_indirect_dma source(%dma_start3A_69 : memref<100000xf32, #tpu.memory_space<hbm>>) target(%dma_start3A_64 : memref<128xf32, #tpu.memory_space<vmem>>) offsets(%dma_start3A_67 : memref<128xi32, #tpu.memory_space<vmem>>) semaphore(%arg23 : memref<!tpu.dma_semaphore, #tpu.memory_space<semaphore_mem>>)
    %get3A = arith.constant 0 : i32
    %get3A_70 = arith.index_cast %get3A : i32 to index
    %get3A_71 = arith.constant 0 : index
    %get3A_72 = tpu.vector_load %arg10[%get3A_70, %get3A_71] {strides = array<i32>} : memref<4x128xi32, #tpu.memory_space<vmem>>, vector<16xi32>,
    %get3A_73 = arith.constant 0 : i32
    %get3A_74 = arith.index_cast %get3A_73 : i32 to index
    %get3A_75 = arith.constant 0 : index
    %get3A_76 = tpu.vector_load %arg11[%get3A_74, %get3A_75] {strides = array<i32>} : memref<4x128xi32, #tpu.memory_space<vmem>>, vector<16xi32>,
    %shift_right_logical3A = arith.constant 13 : i32
    %shift_right_logical3A_77 = vector.broadcast %shift_right_logical3A : i32 to vector<16xi32>
    %shift_right_logical3A_78 = arith.shrui %get3A_72, %shift_right_logical3A_77 : vector<16xi32>
    %shift_left3A = arith.constant 12 : i32
    %shift_left3A_79 = vector.broadcast %shift_left3A : i32 to vector<16xi32>
    %shift_left3A_80 = arith.shli %shift_right_logical3A_78, %shift_left3A_79 : vector<16xi32>
    %and3A = arith.constant 4095 : i32
    %and3A_81 = vector.broadcast %and3A : i32 to vector<16xi32>
    %and3A_82 = arith.andi %get3A_72, %and3A_81 : vector<16xi32>
    %add3A_83 = arith.addi %shift_left3A_80, %and3A_82 : vector<16xi32>
    %swap3A = arith.constant 0 : i32
    %swap3A_84 = arith.index_cast %swap3A : i32 to index
    %swap3A_85 = arith.constant 0 : index
    %swap3A_86 = tpu.vector_load %arg12[%swap3A_84, %swap3A_85] {strides = array<i32>} : memref<4x128xi32, #tpu.memory_space<vmem>>, vector<16xi32>,
    tpu.vector_store %arg12[%swap3A_84, %swap3A_85], %add3A_83 {strides = array<i32>} : memref<4x128xi32, #tpu.memory_space<vmem>>, vector<16xi32>,
    %shift_right_logical3A_87 = arith.constant 13 : i32
    %shift_right_logical3A_88 = vector.broadcast %shift_right_logical3A_87 : i32 to vector<16xi32>
    %shift_right_logical3A_89 = arith.shrui %get3A_76, %shift_right_logical3A_88 : vector<16xi32>
    %shift_left3A_90 = arith.constant 12 : i32
    %shift_left3A_91 = vector.broadcast %shift_left3A_90 : i32 to vector<16xi32>
    %shift_left3A_92 = arith.shli %shift_right_logical3A_89, %shift_left3A_91 : vector<16xi32>
    %and3A_93 = arith.constant 4095 : i32
    %and3A_94 = vector.broadcast %and3A_93 : i32 to vector<16xi32>
    %and3A_95 = arith.andi %get3A_76, %and3A_94 : vector<16xi32>
    %add3A_96 = arith.addi %shift_left3A_92, %and3A_95 : vector<16xi32>
    %swap3A_97 = arith.constant 0 : i32
    %swap3A_98 = arith.index_cast %swap3A_97 : i32 to index
    %swap3A_99 = arith.constant 0 : index
    %swap3A_100 = tpu.vector_load %arg13[%swap3A_98, %swap3A_99] {strides = array<i32>} : memref<4x128xi32, #tpu.memory_space<vmem>>, vector<16xi32>,
    tpu.vector_store %arg13[%swap3A_98, %swap3A_99], %add3A_96 {strides = array<i32>} : memref<4x128xi32, #tpu.memory_space<vmem>>, vector<16xi32>,
    %shift_right_logical3A_101 = arith.constant 12 : i32
    %shift_right_logical3A_102 = vector.broadcast %shift_right_logical3A_101 : i32 to vector<16xi32>
    %shift_right_logical3A_103 = arith.shrui %get3A_72, %shift_right_logical3A_102 : vector<16xi32>
    %and3A_104 = arith.constant 1 : i32
    %and3A_105 = vector.broadcast %and3A_104 : i32 to vector<16xi32>
    %and3A_106 = arith.andi %shift_right_logical3A_103, %and3A_105 : vector<16xi32>
    %shift_left3A_107 = arith.constant 6 : i32
    %shift_left3A_108 = vector.broadcast %shift_left3A_107 : i32 to vector<16xi32>
    %shift_left3A_109 = arith.shli %and3A_106, %shift_left3A_108 : vector<16xi32>
    %swap3A_110 = arith.constant 0 : index
    %swap3A_111 = tpu.vector_load %arg14[%swap3A_110] {strides = array<i32>} : memref<512xi32, #tpu.memory_space<vmem>>, vector<16xi32>,
    tpu.vector_store %arg14[%swap3A_110], %shift_left3A_109 {strides = array<i32>} : memref<512xi32, #tpu.memory_space<vmem>>, vector<16xi32>,
    %shift_right_logical3A_112 = arith.constant 12 : i32
    %shift_right_logical3A_113 = vector.broadcast %shift_right_logical3A_112 : i32 to vector<16xi32>
    %shift_right_logical3A_114 = arith.shrui %get3A_76, %shift_right_logical3A_113 : vector<16xi32>
    %and3A_115 = arith.constant 1 : i32
    %and3A_116 = vector.broadcast %and3A_115 : i32 to vector<16xi32>
    %and3A_117 = arith.andi %shift_right_logical3A_114, %and3A_116 : vector<16xi32>
    %shift_left3A_118 = arith.constant 6 : i32
    %shift_left3A_119 = vector.broadcast %shift_left3A_118 : i32 to vector<16xi32>
    %shift_left3A_120 = arith.shli %and3A_117, %shift_left3A_119 : vector<16xi32>
    %swap3A_121 = arith.constant 0 : index
    %swap3A_122 = tpu.vector_load %arg15[%swap3A_121] {strides = array<i32>} : memref<512xi32, #tpu.memory_space<vmem>>, vector<16xi32>,
    tpu.vector_store %arg15[%swap3A_121], %shift_left3A_120 {strides = array<i32>} : memref<512xi32, #tpu.memory_space<vmem>>, vector<16xi32>,
    %get3A_123 = arith.constant 0 : i32
    %get3A_124 = arith.index_cast %get3A_123 : i32 to index
    %get3A_125 = arith.constant 16 : index
    %get3A_126 = tpu.vector_load %arg10[%get3A_124, %get3A_125] {strides = array<i32>} : memref<4x128xi32, #tpu.memory_space<vmem>>, vector<16xi32>,
    %get3A_127 = arith.constant 0 : i32
    %get3A_128 = arith.index_cast %get3A_127 : i32 to index
    %get3A_129 = arith.constant 16 : index
    %get3A_130 = tpu.vector_load %arg11[%get3A_128, %get3A_129] {strides = array<i32>} : memref<4x128xi32, #tpu.memory_space<vmem>>, vector<16xi32>,
    %shift_right_logical3A_131 = arith.constant 13 : i32
    %shift_right_logical3A_132 = vector.broadcast %shift_right_logical3A_131 : i32 to vector<16xi32>
    %shift_right_logical3A_133 = arith.shrui %get3A_126, %shift_right_logical3A_132 : vector<16xi32>
    %shift_left3A_134 = arith.constant 12 : i32
    %shift_left3A_135 = vector.broadcast %shift_left3A_134 : i32 to vector<16xi32>
    %shift_left3A_136 = arith.shli %shift_right_logical3A_133, %shift_left3A_135 : vector<16xi32>
    %and3A_137 = arith.constant 4095 : i32
    %and3A_138 = vector.broadcast %and3A_137 : i32 to vector<16xi32>
    %and3A_139 = arith.andi %get3A_126, %and3A_138 : vector<16xi32>
    %add3A_140 = arith.addi %shift_left3A_136, %and3A_139 : vector<16xi32>
    %swap3A_141 = arith.constant 0 : i32
    %swap3A_142 = arith.index_cast %swap3A_141 : i32 to index
    %swap3A_143 = arith.constant 16 : index
    %swap3A_144 = tpu.vector_load %arg12[%swap3A_142, %swap3A_143] {strides = array<i32>} : memref<4x128xi32, #tpu.memory_space<vmem>>, vector<16xi32>,
    tpu.vector_store %arg12[%swap3A_142, %swap3A_143], %add3A_140 {strides = array<i32>} : memref<4x128xi32, #tpu.memory_space<vmem>>, vector<16xi32>,
    %shift_right_logical3A_145 = arith.constant 13 : i32
    %shift_right_logical3A_146 = vector.broadcast %shift_right_logical3A_145 : i32 to vector<16xi32>
    %shift_right_logical3A_147 = arith.shrui %get3A_130, %shift_right_logical3A_146 : vector<16xi32>
    %shift_left3A_148 = arith.constant 12 : i32
    %shift_left3A_149 = vector.broadcast %shift_left3A_148 : i32 to vector<16xi32>
    %shift_left3A_150 = arith.shli %shift_right_logical3A_147, %shift_left3A_149 : vector<16xi32>
    %and3A_151 = arith.constant 4095 : i32
    %and3A_152 = vector.broadcast %and3A_151 : i32 to vector<16xi32>
    %and3A_153 = arith.andi %get3A_130, %and3A_152 : vector<16xi32>
    %add3A_154 = arith.addi %shift_left3A_150, %and3A_153 : vector<16xi32>
    %swap3A_155 = arith.constant 0 : i32
    %swap3A_156 = arith.index_cast %swap3A_155 : i32 to index
    %swap3A_157 = arith.constant 16 : index
    %swap3A_158 = tpu.vector_load %arg13[%swap3A_156, %swap3A_157] {strides = array<i32>} : memref<4x128xi32, #tpu.memory_space<vmem>>, vector<16xi32>,
    tpu.vector_store %arg13[%swap3A_156, %swap3A_157], %add3A_154 {strides = array<i32>} : memref<4x128xi32, #tpu.memory_space<vmem>>, vector<16xi32>,
    %shift_right_logical3A_159 = arith.constant 12 : i32
    %shift_right_logical3A_160 = vector.broadcast %shift_right_logical3A_159 : i32 to vector<16xi32>
    %shift_right_logical3A_161 = arith.shrui %get3A_126, %shift_right_logical3A_160 : vector<16xi32>
    %and3A_162 = arith.constant 1 : i32
    %and3A_163 = vector.broadcast %and3A_162 : i32 to vector<16xi32>
    %and3A_164 = arith.andi %shift_right_logical3A_161, %and3A_163 : vector<16xi32>
    %shift_left3A_165 = arith.constant 6 : i32
    %shift_left3A_166 = vector.broadcast %shift_left3A_165 : i32 to vector<16xi32>
    %shift_left3A_167 = arith.shli %and3A_164, %shift_left3A_166 : vector<16xi32>
    %swap3A_168 = arith.constant 16 : index
    %swap3A_169 = tpu.vector_load %arg14[%swap3A_168] {strides = array<i32>} : memref<512xi32, #tpu.memory_space<vmem>>, vector<16xi32>,
    tpu.vector_store %arg14[%swap3A_168], %shift_left3A_167 {strides = array<i32>} : memref<512xi32, #tpu.memory_space<vmem>>, vector<16xi32>,
    %shift_right_logical3A_170 = arith.constant 12 : i32
    %shift_right_logical3A_171 = vector.broadcast %shift_right_logical3A_170 : i32 to vector<16xi32>
    %shift_right_logical3A_172 = arith.shrui %get3A_130, %shift_right_logical3A_171 : vector<16xi32>
    %and3A_173 = arith.constant 1 : i32
    %and3A_174 = vector.broadcast %and3A_173 : i32 to vector<16xi32>
    %and3A_175 = arith.andi %shift_right_logical3A_172, %and3A_174 : vector<16xi32>
    %shift_left3A_176 = arith.constant 6 : i32
    %shift_left3A_177 = vector.broadcast %shift_left3A_176 : i32 to vector<16xi32>
    %shift_left3A_178 = arith.shli %and3A_175, %shift_left3A_177 : vector<16xi32>
    %swap3A_179 = arith.constant 16 : index
    %swap3A_180 = tpu.vector_load %arg15[%swap3A_179] {strides = array<i32>} : memref<512xi32, #tpu.memory_space<vmem>>, vector<16xi32>,
    tpu.vector_store %arg15[%swap3A_179], %shift_left3A_178 {strides = array<i32>} : memref<512xi32, #tpu.memory_space<vmem>>, vector<16xi32>,
    %get3A_181 = arith.constant 0 : i32
    %get3A_182 = arith.index_cast %get3A_181 : i32 to index
    %get3A_183 = arith.constant 32 : index
    %get3A_184 = tpu.vector_load %arg10[%get3A_182, %get3A_183] {strides = array<i32>} : memref<4x128xi32, #tpu.memory_space<vmem>>, vector<16xi32>,
    %get3A_185 = arith.constant 0 : i32
    %get3A_186 = arith.index_cast %get3A_185 : i32 to index
    %get3A_187 = arith.constant 32 : index
    %get3A_188 = tpu.vector_load %arg11[%get3A_186, %get3A_187] {strides = array<i32>} : memref<4x128xi32, #tpu.memory_space<vmem>>, vector<16xi32>,
    %shift_right_logical3A_189 = arith.constant 13 : i32
    %shift_right_logical3A_190 = vector.broadcast %shift_right_logical3A_189 : i32 to vector<16xi32>
    %shift_right_logical3A_191 = arith.shrui %get3A_184, %shift_right_logical3A_190 : vector<16xi32>
    %shift_left3A_192 = arith.constant 12 : i32
    %shift_left3A_193 = vector.broadcast %shift_left3A_192 : i32 to vector<16xi32>
    %shift_left3A_194 = arith.shli %shift_right_logical3A_191, %shift_left3A_193 : vector<16xi32>
    %and3A_195 = arith.constant 4095 : i32
    %and3A_196 = vector.broadcast %and3A_195 : i32 to vector<16xi32>
    %and3A_197 = arith.andi %get3A_184, %and3A_196 : vector<16xi32>
    %add3A_198 = arith.addi %shift_left3A_194, %and3A_197 : vector<16xi32>
    %swap3A_199 = arith.constant 0 : i32
    %swap3A_200 = arith.index_cast %swap3A_199 : i32 to index
    %swap3A_201 = arith.constant 32 : index
    %swap3A_202 = tpu.vector_load %arg12[%swap3A_200, %swap3A_201] {strides = array<i32>} : memref<4x128xi32, #tpu.memory_space<vmem>>, vector<16xi32>,
    tpu.vector_store %arg12[%swap3A_200, %swap3A_201], %add3A_198 {strides = array<i32>} : memref<4x128xi32, #tpu.memory_space<vmem>>, vector<16xi32>,
    %shift_right_logical3A_203 = arith.constant 13 : i32
    %shift_right_logical3A_204 = vector.broadcast %shift_right_logical3A_203 : i32 to vector<16xi32>
    %shift_right_logical3A_205 = arith.shrui %get3A_188, %shift_right_logical3A_204 : vector<16xi32>
    %shift_left3A_206 = arith.constant 12 : i32
    %shift_left3A_207 = vector.broadcast %shift_left3A_206 : i32 to vector<16xi32>
    %shift_left3A_208 = arith.shli %shift_right_logical3A_205, %shift_left3A_207 : vector<16xi32>
    %and3A_209 = arith.constant 4095 : i32
    %and3A_210 = vector.broadcast %and3A_209 : i32 to vector<16xi32>
    %and3A_211 = arith.andi %get3A_188, %and3A_210 : vector<16xi32>
    %add3A_212 = arith.addi %shift_left3A_208, %and3A_211 : vector<16xi32>
    %swap3A_213 = arith.constant 0 : i32
    %swap3A_214 = arith.index_cast %swap3A_213 : i32 to index
    %swap3A_215 = arith.constant 32 : index
    %swap3A_216 = tpu.vector_load %arg13[%swap3A_214, %swap3A_215] {strides = array<i32>} : memref<4x128xi32, #tpu.memory_space<vmem>>, vector<16xi32>,
    tpu.vector_store %arg13[%swap3A_214, %swap3A_215], %add3A_212 {strides = array<i32>} : memref<4x128xi32, #tpu.memory_space<vmem>>, vector<16xi32>,
    %shift_right_logical3A_217 = arith.constant 12 : i32
    %shift_right_logical3A_218 = vector.broadcast %shift_right_logical3A_217 : i32 to vector<16xi32>
    %shift_right_logical3A_219 = arith.shrui %get3A_184, %shift_right_logical3A_218 : vector<16xi32>
    %and3A_220 = arith.constant 1 : i32
    %and3A_221 = vector.broadcast %and3A_220 : i32 to vector<16xi32>
    %and3A_222 = arith.andi %shift_right_logical3A_219, %and3A_221 : vector<16xi32>
    %shift_left3A_223 = arith.constant 6 : i32
    %shift_left3A_224 = vector.broadcast %shift_left3A_223 : i32 to vector<16xi32>
    %shift_left3A_225 = arith.shli %and3A_222, %shift_left3A_224 : vector<16xi32>
    %swap3A_226 = arith.constant 32 : index
    %swap3A_227 = tpu.vector_load %arg14[%swap3A_226] {strides = array<i32>} : memref<512xi32, #tpu.memory_space<vmem>>, vector<16xi32>,
    tpu.vector_store %arg14[%swap3A_226], %shift_left3A_225 {strides = array<i32>} : memref<512xi32, #tpu.memory_space<vmem>>, vector<16xi32>,
    %shift_right_logical3A_228 = arith.constant 12 : i32
    %shift_right_logical3A_229 = vector.broadcast %shift_right_logical3A_228 : i32 to vector<16xi32>
    %shift_right_logical3A_230 = arith.shrui %get3A_188, %shift_right_logical3A_229 : vector<16xi32>
    %and3A_231 = arith.constant 1 : i32
    %and3A_232 = vector.broadcast %and3A_231 : i32 to vector<16xi32>
    %and3A_233 = arith.andi %shift_right_logical3A_230, %and3A_232 : vector<16xi32>
    %shift_left3A_234 = arith.constant 6 : i32
    %shift_left3A_235 = vector.broadcast %shift_left3A_234 : i32 to vector<16xi32>
    %shift_left3A_236 = arith.shli %and3A_233, %shift_left3A_235 : vector<16xi32>
    %swap3A_237 = arith.constant 32 : index
    %swap3A_238 = tpu.vector_load %arg15[%swap3A_237] {strides = array<i32>} : memref<512xi32, #tpu.memory_space<vmem>>, vector<16xi32>,
    tpu.vector_store %arg15[%swap3A_237], %shift_left3A_236 {strides = array<i32>} : memref<512xi32, #tpu.memory_space<vmem>>, vector<16xi32>,
    %get3A_239 = arith.constant 0 : i32
    %get3A_240 = arith.index_cast %get3A_239 : i32 to index
    %get3A_241 = arith.constant 48 : index
    %get3A_242 = tpu.vector_load %arg10[%get3A_240, %get3A_241] {strides = array<i32>} : memref<4x128xi32, #tpu.memory_space<vmem>>, vector<16xi32>,
    %get3A_243 = arith.constant 0 : i32
    %get3A_244 = arith.index_cast %get3A_243 : i32 to index
    %get3A_245 = arith.constant 48 : index
    %get3A_246 = tpu.vector_load %arg11[%get3A_244, %get3A_245] {strides = array<i32>} : memref<4x128xi32, #tpu.memory_space<vmem>>, vector<16xi32>,
    %shift_right_logical3A_247 = arith.constant 13 : i32
    %shift_right_logical3A_248 = vector.broadcast %shift_right_logical3A_247 : i32 to vector<16xi32>
    %shift_right_logical3A_249 = arith.shrui %get3A_242, %shift_right_logical3A_248 : vector<16xi32>
    %shift_left3A_250 = arith.constant 12 : i32
    %shift_left3A_251 = vector.broadcast %shift_left3A_250 : i32 to vector<16xi32>
    %shift_left3A_252 = arith.shli %shift_right_logical3A_249, %shift_left3A_251 : vector<16xi32>
    %and3A_253 = arith.constant 4095 : i32
    %and3A_254 = vector.broadcast %and3A_253 : i32 to vector<16xi32>
    %and3A_255 = arith.andi %get3A_242, %and3A_254 : vector<16xi32>
    %add3A_256 = arith.addi %shift_left3A_252, %and3A_255 : vector<16xi32>
    %swap3A_257 = arith.constant 0 : i32
    %swap3A_258 = arith.index_cast %swap3A_257 : i32 to index
    %swap3A_259 = arith.constant 48 : index
    %swap3A_260 = tpu.vector_load %arg12[%swap3A_258, %swap3A_259] {strides = array<i32>} : memref<4x128xi32, #tpu.memory_space<vmem>>, vector<16xi32>,
    tpu.vector_store %arg12[%swap3A_258, %swap3A_259], %add3A_256 {strides = array<i32>} : memref<4x128xi32, #tpu.memory_space<vmem>>, vector<16xi32>,
    %shift_right_logical3A_261 = arith.constant 13 : i32
    %shift_right_logical3A_262 = vector.broadcast %shift_right_logical3A_261 : i32 to vector<16xi32>
    %shift_right_logical3A_263 = arith.shrui %get3A_246, %shift_right_logical3A_262 : vector<16xi32>
    %shift_left3A_264 = arith.constant 12 : i32
    %shift_left3A_265 = vector.broadcast %shift_left3A_264 : i32 to vector<16xi32>
    %shift_left3A_266 = arith.shli %shift_right_logical3A_263, %shift_left3A_265 : vector<16xi32>
    %and3A_267 = arith.constant 4095 : i32
    %and3A_268 = vector.broadcast %and3A_267 : i32 to vector<16xi32>
    %and3A_269 = arith.andi %get3A_246, %and3A_268 : vector<16xi32>
    %add3A_270 = arith.addi %shift_left3A_266, %and3A_269 : vector<16xi32>
    %swap3A_271 = arith.constant 0 : i32
    %swap3A_272 = arith.index_cast %swap3A_271 : i32 to index
    %swap3A_273 = arith.constant 48 : index
    %swap3A_274 = tpu.vector_load %arg13[%swap3A_272, %swap3A_273] {strides = array<i32>} : memref<4x128xi32, #tpu.memory_space<vmem>>, vector<16xi32>,
    tpu.vector_store %arg13[%swap3A_272, %swap3A_273], %add3A_270 {strides = array<i32>} : memref<4x128xi32, #tpu.memory_space<vmem>>, vector<16xi32>,
    %shift_right_logical3A_275 = arith.constant 12 : i32
    %shift_right_logical3A_276 = vector.broadcast %shift_right_logical3A_275 : i32 to vector<16xi32>
    %shift_right_logical3A_277 = arith.shrui %get3A_242, %shift_right_logical3A_276 : vector<16xi32>
    %and3A_278 = arith.constant 1 : i32
    %and3A_279 = vector.broadcast %and3A_278 : i32 to vector<16xi32>
    %and3A_280 = arith.andi %shift_right_logical3A_277, %and3A_279 : vector<16xi32>
    %shift_left3A_281 = arith.constant 6 : i32
    %shift_left3A_282 = vector.broadcast %shift_left3A_281 : i32 to vector<16xi32>
    %shift_left3A_283 = arith.shli %and3A_280, %shift_left3A_282 : vector<16xi32>
    %swap3A_284 = arith.constant 48 : index
    %swap3A_285 = tpu.vector_load %arg14[%swap3A_284] {strides = array<i32>} : memref<512xi32, #tpu.memory_space<vmem>>, vector<16xi32>,
    tpu.vector_store %arg14[%swap3A_284], %shift_left3A_283 {strides = array<i32>} : memref<512xi32, #tpu.memory_space<vmem>>, vector<16xi32>,
    %shift_right_logical3A_286 = arith.constant 12 : i32
    %shift_right_logical3A_287 = vector.broadcast %shift_right_logical3A_286 : i32 to vector<16xi32>
    %shift_right_logical3A_288 = arith.shrui %get3A_246, %shift_right_logical3A_287 : vector<16xi32>
    %and3A_289 = arith.constant 1 : i32
    %and3A_290 = vector.broadcast %and3A_289 : i32 to vector<16xi32>
    %and3A_291 = arith.andi %shift_right_logical3A_288, %and3A_290 : vector<16xi32>
    %shift_left3A_292 = arith.constant 6 : i32
    %shift_left3A_293 = vector.broadcast %shift_left3A_292 : i32 to vector<16xi32>
    %shift_left3A_294 = arith.shli %and3A_291, %shift_left3A_293 : vector<16xi32>
    %swap3A_295 = arith.constant 48 : index
    %swap3A_296 = tpu.vector_load %arg15[%swap3A_295] {strides = array<i32>} : memref<512xi32, #tpu.memory_space<vmem>>, vector<16xi32>,
    tpu.vector_store %arg15[%swap3A_295], %shift_left3A_294 {strides = array<i32>} : memref<512xi32, #tpu.memory_space<vmem>>, vector<16xi32>,
    %get3A_297 = arith.constant 0 : i32
    %get3A_298 = arith.index_cast %get3A_297 : i32 to index
    %get3A_299 = arith.constant 64 : index
    %get3A_300 = tpu.vector_load %arg10[%get3A_298, %get3A_299] {strides = array<i32>} : memref<4x128xi32, #tpu.memory_space<vmem>>, vector<16xi32>,
    %get3A_301 = arith.constant 0 : i32
    %get3A_302 = arith.index_cast %get3A_301 : i32 to index
    %get3A_303 = arith.constant 64 : index
    %get3A_304 = tpu.vector_load %arg11[%get3A_302, %get3A_303] {strides = array<i32>} : memref<4x128xi32, #tpu.memory_space<vmem>>, vector<16xi32>,
    %shift_right_logical3A_305 = arith.constant 13 : i32
    %shift_right_logical3A_306 = vector.broadcast %shift_right_logical3A_305 : i32 to vector<16xi32>
    %shift_right_logical3A_307 = arith.shrui %get3A_300, %shift_right_logical3A_306 : vector<16xi32>
    %shift_left3A_308 = arith.constant 12 : i32
    %shift_left3A_309 = vector.broadcast %shift_left3A_308 : i32 to vector<16xi32>
    %shift_left3A_310 = arith.shli %shift_right_logical3A_307, %shift_left3A_309 : vector<16xi32>
    %and3A_311 = arith.constant 4095 : i32
    %and3A_312 = vector.broadcast %and3A_311 : i32 to vector<16xi32>
    %and3A_313 = arith.andi %get3A_300, %and3A_312 : vector<16xi32>
    %add3A_314 = arith.addi %shift_left3A_310, %and3A_313 : vector<16xi32>
    %swap3A_315 = arith.constant 0 : i32
    %swap3A_316 = arith.index_cast %swap3A_315 : i32 to index
    %swap3A_317 = arith.constant 64 : index
    %swap3A_318 = tpu.vector_load %arg12[%swap3A_316, %swap3A_317] {strides = array<i32>} : memref<4x128xi32, #tpu.memory_space<vmem>>, vector<16xi32>,
    tpu.vector_store %arg12[%swap3A_316, %swap3A_317], %add3A_314 {strides = array<i32>} : memref<4x128xi32, #tpu.memory_space<vmem>>, vector<16xi32>,
    %shift_right_logical3A_319 = arith.constant 13 : i32
    %shift_right_logical3A_320 = vector.broadcast %shift_right_logical3A_319 : i32 to vector<16xi32>
    %shift_right_logical3A_321 = arith.shrui %get3A_304, %shift_right_logical3A_320 : vector<16xi32>
    %shift_left3A_322 = arith.constant 12 : i32
    %shift_left3A_323 = vector.broadcast %shift_left3A_322 : i32 to vector<16xi32>
    %shift_left3A_324 = arith.shli %shift_right_logical3A_321, %shift_left3A_323 : vector<16xi32>
    %and3A_325 = arith.constant 4095 : i32
    %and3A_326 = vector.broadcast %and3A_325 : i32 to vector<16xi32>
    %and3A_327 = arith.andi %get3A_304, %and3A_326 : vector<16xi32>
    %add3A_328 = arith.addi %shift_left3A_324, %and3A_327 : vector<16xi32>
    %swap3A_329 = arith.constant 0 : i32
    %swap3A_330 = arith.index_cast %swap3A_329 : i32 to index
    %swap3A_331 = arith.constant 64 : index
    %swap3A_332 = tpu.vector_load %arg13[%swap3A_330, %swap3A_331] {strides = array<i32>} : memref<4x128xi32, #tpu.memory_space<vmem>>, vector<16xi32>,
    tpu.vector_store %arg13[%swap3A_330, %swap3A_331], %add3A_328 {strides = array<i32>} : memref<4x128xi32, #tpu.memory_space<vmem>>, vector<16xi32>,
    %shift_right_logical3A_333 = arith.constant 12 : i32
    %shift_right_logical3A_334 = vector.broadcast %shift_right_logical3A_333 : i32 to vector<16xi32>
    %shift_right_logical3A_335 = arith.shrui %get3A_300, %shift_right_logical3A_334 : vector<16xi32>
    %and3A_336 = arith.constant 1 : i32
    %and3A_337 = vector.broadcast %and3A_336 : i32 to vector<16xi32>
    %and3A_338 = arith.andi %shift_right_logical3A_335, %and3A_337 : vector<16xi32>
    %shift_left3A_339 = arith.constant 6 : i32
    %shift_left3A_340 = vector.broadcast %shift_left3A_339 : i32 to vector<16xi32>
    %shift_left3A_341 = arith.shli %and3A_338, %shift_left3A_340 : vector<16xi32>
    %swap3A_342 = arith.constant 64 : index
    %swap3A_343 = tpu.vector_load %arg14[%swap3A_342] {strides = array<i32>} : memref<512xi32, #tpu.memory_space<vmem>>, vector<16xi32>,
    tpu.vector_store %arg14[%swap3A_342], %shift_left3A_341 {strides = array<i32>} : memref<512xi32, #tpu.memory_space<vmem>>, vector<16xi32>,
    %shift_right_logical3A_344 = arith.constant 12 : i32
    %shift_right_logical3A_345 = vector.broadcast %shift_right_logical3A_344 : i32 to vector<16xi32>
    %shift_right_logical3A_346 = arith.shrui %get3A_304, %shift_right_logical3A_345 : vector<16xi32>
    %and3A_347 = arith.constant 1 : i32
    %and3A_348 = vector.broadcast %and3A_347 : i32 to vector<16xi32>
    %and3A_349 = arith.andi %shift_right_logical3A_346, %and3A_348 : vector<16xi32>
    %shift_left3A_350 = arith.constant 6 : i32
    %shift_left3A_351 = vector.broadcast %shift_left3A_350 : i32 to vector<16xi32>
    %shift_left3A_352 = arith.shli %and3A_349, %shift_left3A_351 : vector<16xi32>
    %swap3A_353 = arith.constant 64 : index
    %swap3A_354 = tpu.vector_load %arg15[%swap3A_353] {strides = array<i32>} : memref<512xi32, #tpu.memory_space<vmem>>, vector<16xi32>,
    tpu.vector_store %arg15[%swap3A_353], %shift_left3A_352 {strides = array<i32>} : memref<512xi32, #tpu.memory_space<vmem>>, vector<16xi32>,
    %get3A_355 = arith.constant 0 : i32
    %get3A_356 = arith.index_cast %get3A_355 : i32 to index
    %get3A_357 = arith.constant 80 : index
    %get3A_358 = tpu.vector_load %arg10[%get3A_356, %get3A_357] {strides = array<i32>} : memref<4x128xi32, #tpu.memory_space<vmem>>, vector<16xi32>,
    %get3A_359 = arith.constant 0 : i32
    %get3A_360 = arith.index_cast %get3A_359 : i32 to index
    %get3A_361 = arith.constant 80 : index
    %get3A_362 = tpu.vector_load %arg11[%get3A_360, %get3A_361] {strides = array<i32>} : memref<4x128xi32, #tpu.memory_space<vmem>>, vector<16xi32>,
    %shift_right_logical3A_363 = arith.constant 13 : i32
    %shift_right_logical3A_364 = vector.broadcast %shift_right_logical3A_363 : i32 to vector<16xi32>
    %shift_right_logical3A_365 = arith.shrui %get3A_358, %shift_right_logical3A_364 : vector<16xi32>
    %shift_left3A_366 = arith.constant 12 : i32
    %shift_left3A_367 = vector.broadcast %shift_left3A_366 : i32 to vector<16xi32>
    %shift_left3A_368 = arith.shli %shift_right_logical3A_365, %shift_left3A_367 : vector<16xi32>
    %and3A_369 = arith.constant 4095 : i32
    %and3A_370 = vector.broadcast %and3A_369 : i32 to vector<16xi32>
    %and3A_371 = arith.andi %get3A_358, %and3A_370 : vector<16xi32>
    %add3A_372 = arith.addi %shift_left3A_368, %and3A_371 : vector<16xi32>
    %swap3A_373 = arith.constant 0 : i32
    %swap3A_374 = arith.index_cast %swap3A_373 : i32 to index
    %swap3A_375 = arith.constant 80 : index
    %swap3A_376 = tpu.vector_load %arg12[%swap3A_374, %swap3A_375] {strides = array<i32>} : memref<4x128xi32, #tpu.memory_space<vmem>>, vector<16xi32>,
    tpu.vector_store %arg12[%swap3A_374, %swap3A_375], %add3A_372 {strides = array<i32>} : memref<4x128xi32, #tpu.memory_space<vmem>>, vector<16xi32>,
    %shift_right_logical3A_377 = arith.constant 13 : i32
    %shift_right_logical3A_378 = vector.broadcast %shift_right_logical3A_377 : i32 to vector<16xi32>
    %shift_right_logical3A_379 = arith.shrui %get3A_362, %shift_right_logical3A_378 : vector<16xi32>
    %shift_left3A_380 = arith.constant 12 : i32
    %shift_left3A_381 = vector.broadcast %shift_left3A_380 : i32 to vector<16xi32>
    %shift_left3A_382 = arith.shli %shift_right_logical3A_379, %shift_left3A_381 : vector<16xi32>
    %and3A_383 = arith.constant 4095 : i32
    %and3A_384 = vector.broadcast %and3A_383 : i32 to vector<16xi32>
    %and3A_385 = arith.andi %get3A_362, %and3A_384 : vector<16xi32>
    %add3A_386 = arith.addi %shift_left3A_382, %and3A_385 : vector<16xi32>
    %swap3A_387 = arith.constant 0 : i32
    %swap3A_388 = arith.index_cast %swap3A_387 : i32 to index
    %swap3A_389 = arith.constant 80 : index
    %swap3A_390 = tpu.vector_load %arg13[%swap3A_388, %swap3A_389] {strides = array<i32>} : memref<4x128xi32, #tpu.memory_space<vmem>>, vector<16xi32>,
    tpu.vector_store %arg13[%swap3A_388, %swap3A_389], %add3A_386 {strides = array<i32>} : memref<4x128xi32, #tpu.memory_space<vmem>>, vector<16xi32>,
    %shift_right_logical3A_391 = arith.constant 12 : i32
    %shift_right_logical3A_392 = vector.broadcast %shift_right_logical3A_391 : i32 to vector<16xi32>
    %shift_right_logical3A_393 = arith.shrui %get3A_358, %shift_right_logical3A_392 : vector<16xi32>
    %and3A_394 = arith.constant 1 : i32
    %and3A_395 = vector.broadcast %and3A_394 : i32 to vector<16xi32>
    %and3A_396 = arith.andi %shift_right_logical3A_393, %and3A_395 : vector<16xi32>
    %shift_left3A_397 = arith.constant 6 : i32
    %shift_left3A_398 = vector.broadcast %shift_left3A_397 : i32 to vector<16xi32>
    %shift_left3A_399 = arith.shli %and3A_396, %shift_left3A_398 : vector<16xi32>
    %swap3A_400 = arith.constant 80 : index
    %swap3A_401 = tpu.vector_load %arg14[%swap3A_400] {strides = array<i32>} : memref<512xi32, #tpu.memory_space<vmem>>, vector<16xi32>,
    tpu.vector_store %arg14[%swap3A_400], %shift_left3A_399 {strides = array<i32>} : memref<512xi32, #tpu.memory_space<vmem>>, vector<16xi32>,
    %shift_right_logical3A_402 = arith.constant 12 : i32
    %shift_right_logical3A_403 = vector.broadcast %shift_right_logical3A_402 : i32 to vector<16xi32>
    %shift_right_logical3A_404 = arith.shrui %get3A_362, %shift_right_logical3A_403 : vector<16xi32>
    %and3A_405 = arith.constant 1 : i32
    %and3A_406 = vector.broadcast %and3A_405 : i32 to vector<16xi32>
    %and3A_407 = arith.andi %shift_right_logical3A_404, %and3A_406 : vector<16xi32>
    %shift_left3A_408 = arith.constant 6 : i32
    %shift_left3A_409 = vector.broadcast %shift_left3A_408 : i32 to vector<16xi32>
    %shift_left3A_410 = arith.shli %and3A_407, %shift_left3A_409 : vector<16xi32>
    %swap3A_411 = arith.constant 80 : index
    %swap3A_412 = tpu.vector_load %arg15[%swap3A_411] {strides = array<i32>} : memref<512xi32, #tpu.memory_space<vmem>>, vector<16xi32>,
    tpu.vector_store %arg15[%swap3A_411], %shift_left3A_410 {strides = array<i32>} : memref<512xi32, #tpu.memory_space<vmem>>, vector<16xi32>,
    %get3A_413 = arith.constant 0 : i32
    %get3A_414 = arith.index_cast %get3A_413 : i32 to index
    %get3A_415 = arith.constant 96 : index
    %get3A_416 = tpu.vector_load %arg10[%get3A_414, %get3A_415] {strides = array<i32>} : memref<4x128xi32, #tpu.memory_space<vmem>>, vector<16xi32>,
    %get3A_417 = arith.constant 0 : i32
    %get3A_418 = arith.index_cast %get3A_417 : i32 to index
    %get3A_419 = arith.constant 96 : index
    %get3A_420 = tpu.vector_load %arg11[%get3A_418, %get3A_419] {strides = array<i32>} : memref<4x128xi32, #tpu.memory_space<vmem>>, vector<16xi32>,
    %shift_right_logical3A_421 = arith.constant 13 : i32
    %shift_right_logical3A_422 = vector.broadcast %shift_right_logical3A_421 : i32 to vector<16xi32>
    %shift_right_logical3A_423 = arith.shrui %get3A_416, %shift_right_logical3A_422 : vector<16xi32>
    %shift_left3A_424 = arith.constant 12 : i32
    %shift_left3A_425 = vector.broadcast %shift_left3A_424 : i32 to vector<16xi32>
    %shift_left3A_426 = arith.shli %shift_right_logical3A_423, %shift_left3A_425 : vector<16xi32>
    %and3A_427 = arith.constant 4095 : i32
    %and3A_428 = vector.broadcast %and3A_427 : i32 to vector<16xi32>
    %and3A_429 = arith.andi %get3A_416, %and3A_428 : vector<16xi32>
    %add3A_430 = arith.addi %shift_left3A_426, %and3A_429 : vector<16xi32>
    %swap3A_431 = arith.constant 0 : i32
    %swap3A_432 = arith.index_cast %swap3A_431 : i32 to index
    %swap3A_433 = arith.constant 96 : index
    %swap3A_434 = tpu.vector_load %arg12[%swap3A_432, %swap3A_433] {strides = array<i32>} : memref<4x128xi32, #tpu.memory_space<vmem>>, vector<16xi32>,
    tpu.vector_store %arg12[%swap3A_432, %swap3A_433], %add3A_430 {strides = array<i32>} : memref<4x128xi32, #tpu.memory_space<vmem>>, vector<16xi32>,
    %shift_right_logical3A_435 = arith.constant 13 : i32
    %shift_right_logical3A_436 = vector.broadcast %shift_right_logical3A_435 : i32 to vector<16xi32>
    %shift_right_logical3A_437 = arith.shrui %get3A_420, %shift_right_logical3A_436 : vector<16xi32>
    %shift_left3A_438 = arith.constant 12 : i32
    %shift_left3A_439 = vector.broadcast %shift_left3A_438 : i32 to vector<16xi32>
    %shift_left3A_440 = arith.shli %shift_right_logical3A_437, %shift_left3A_439 : vector<16xi32>
    %and3A_441 = arith.constant 4095 : i32
    %and3A_442 = vector.broadcast %and3A_441 : i32 to vector<16xi32>
    %and3A_443 = arith.andi %get3A_420, %and3A_442 : vector<16xi32>
    %add3A_444 = arith.addi %shift_left3A_440, %and3A_443 : vector<16xi32>
    %swap3A_445 = arith.constant 0 : i32
    %swap3A_446 = arith.index_cast %swap3A_445 : i32 to index
    %swap3A_447 = arith.constant 96 : index
    %swap3A_448 = tpu.vector_load %arg13[%swap3A_446, %swap3A_447] {strides = array<i32>} : memref<4x128xi32, #tpu.memory_space<vmem>>, vector<16xi32>,
    tpu.vector_store %arg13[%swap3A_446, %swap3A_447], %add3A_444 {strides = array<i32>} : memref<4x128xi32, #tpu.memory_space<vmem>>, vector<16xi32>,
    %shift_right_logical3A_449 = arith.constant 12 : i32
    %shift_right_logical3A_450 = vector.broadcast %shift_right_logical3A_449 : i32 to vector<16xi32>
    %shift_right_logical3A_451 = arith.shrui %get3A_416, %shift_right_logical3A_450 : vector<16xi32>
    %and3A_452 = arith.constant 1 : i32
    %and3A_453 = vector.broadcast %and3A_452 : i32 to vector<16xi32>
    %and3A_454 = arith.andi %shift_right_logical3A_451, %and3A_453 : vector<16xi32>
    %shift_left3A_455 = arith.constant 6 : i32
    %shift_left3A_456 = vector.broadcast %shift_left3A_455 : i32 to vector<16xi32>
    %shift_left3A_457 = arith.shli %and3A_454, %shift_left3A_456 : vector<16xi32>
    %swap3A_458 = arith.constant 96 : index
    %swap3A_459 = tpu.vector_load %arg14[%swap3A_458] {strides = array<i32>} : memref<512xi32, #tpu.memory_space<vmem>>, vector<16xi32>,
    tpu.vector_store %arg14[%swap3A_458], %shift_left3A_457 {strides = array<i32>} : memref<512xi32, #tpu.memory_space<vmem>>, vector<16xi32>,
    %shift_right_logical3A_460 = arith.constant 12 : i32
    %shift_right_logical3A_461 = vector.broadcast %shift_right_logical3A_460 : i32 to vector<16xi32>
    %shift_right_logical3A_462 = arith.shrui %get3A_420, %shift_right_logical3A_461 : vector<16xi32>
    %and3A_463 = arith.constant 1 : i32
    %and3A_464 = vector.broadcast %and3A_463 : i32 to vector<16xi32>
    %and3A_465 = arith.andi %shift_right_logical3A_462, %and3A_464 : vector<16xi32>
    %shift_left3A_466 = arith.constant 6 : i32
    %shift_left3A_467 = vector.broadcast %shift_left3A_466 : i32 to vector<16xi32>
    %shift_left3A_468 = arith.shli %and3A_465, %shift_left3A_467 : vector<16xi32>
    %swap3A_469 = arith.constant 96 : index
    %swap3A_470 = tpu.vector_load %arg15[%swap3A_469] {strides = array<i32>} : memref<512xi32, #tpu.memory_space<vmem>>, vector<16xi32>,
    tpu.vector_store %arg15[%swap3A_469], %shift_left3A_468 {strides = array<i32>} : memref<512xi32, #tpu.memory_space<vmem>>, vector<16xi32>,
    %get3A_471 = arith.constant 0 : i32
    %get3A_472 = arith.index_cast %get3A_471 : i32 to index
    %get3A_473 = arith.constant 112 : index
    %get3A_474 = tpu.vector_load %arg10[%get3A_472, %get3A_473] {strides = array<i32>} : memref<4x128xi32, #tpu.memory_space<vmem>>, vector<16xi32>,
    %get3A_475 = arith.constant 0 : i32
    %get3A_476 = arith.index_cast %get3A_475 : i32 to index
    %get3A_477 = arith.constant 112 : index
    %get3A_478 = tpu.vector_load %arg11[%get3A_476, %get3A_477] {strides = array<i32>} : memref<4x128xi32, #tpu.memory_space<vmem>>, vector<16xi32>,
    %shift_right_logical3A_479 = arith.constant 13 : i32
    %shift_right_logical3A_480 = vector.broadcast %shift_right_logical3A_479 : i32 to vector<16xi32>
    %shift_right_logical3A_481 = arith.shrui %get3A_474, %shift_right_logical3A_480 : vector<16xi32>
    %shift_left3A_482 = arith.constant 12 : i32
    %shift_left3A_483 = vector.broadcast %shift_left3A_482 : i32 to vector<16xi32>
    %shift_left3A_484 = arith.shli %shift_right_logical3A_481, %shift_left3A_483 : vector<16xi32>
    %and3A_485 = arith.constant 4095 : i32
    %and3A_486 = vector.broadcast %and3A_485 : i32 to vector<16xi32>
    %and3A_487 = arith.andi %get3A_474, %and3A_486 : vector<16xi32>
    %add3A_488 = arith.addi %shift_left3A_484, %and3A_487 : vector<16xi32>
    %swap3A_489 = arith.constant 0 : i32
    %swap3A_490 = arith.index_cast %swap3A_489 : i32 to index
    %swap3A_491 = arith.constant 112 : index
    %swap3A_492 = tpu.vector_load %arg12[%swap3A_490, %swap3A_491] {strides = array<i32>} : memref<4x128xi32, #tpu.memory_space<vmem>>, vector<16xi32>,
    tpu.vector_store %arg12[%swap3A_490, %swap3A_491], %add3A_488 {strides = array<i32>} : memref<4x128xi32, #tpu.memory_space<vmem>>, vector<16xi32>,
    %shift_right_logical3A_493 = arith.constant 13 : i32
    %shift_right_logical3A_494 = vector.broadcast %shift_right_logical3A_493 : i32 to vector<16xi32>
    %shift_right_logical3A_495 = arith.shrui %get3A_478, %shift_right_logical3A_494 : vector<16xi32>
    %shift_left3A_496 = arith.constant 12 : i32
    %shift_left3A_497 = vector.broadcast %shift_left3A_496 : i32 to vector<16xi32>
    %shift_left3A_498 = arith.shli %shift_right_logical3A_495, %shift_left3A_497 : vector<16xi32>
    %and3A_499 = arith.constant 4095 : i32
    %and3A_500 = vector.broadcast %and3A_499 : i32 to vector<16xi32>
    %and3A_501 = arith.andi %get3A_478, %and3A_500 : vector<16xi32>
    %add3A_502 = arith.addi %shift_left3A_498, %and3A_501 : vector<16xi32>
    %swap3A_503 = arith.constant 0 : i32
    %swap3A_504 = arith.index_cast %swap3A_503 : i32 to index
    %swap3A_505 = arith.constant 112 : index
    %swap3A_506 = tpu.vector_load %arg13[%swap3A_504, %swap3A_505] {strides = array<i32>} : memref<4x128xi32, #tpu.memory_space<vmem>>, vector<16xi32>,
    tpu.vector_store %arg13[%swap3A_504, %swap3A_505], %add3A_502 {strides = array<i32>} : memref<4x128xi32, #tpu.memory_space<vmem>>, vector<16xi32>,
    %shift_right_logical3A_507 = arith.constant 12 : i32
    %shift_right_logical3A_508 = vector.broadcast %shift_right_logical3A_507 : i32 to vector<16xi32>
    %shift_right_logical3A_509 = arith.shrui %get3A_474, %shift_right_logical3A_508 : vector<16xi32>
    %and3A_510 = arith.constant 1 : i32
    %and3A_511 = vector.broadcast %and3A_510 : i32 to vector<16xi32>
    %and3A_512 = arith.andi %shift_right_logical3A_509, %and3A_511 : vector<16xi32>
    %shift_left3A_513 = arith.constant 6 : i32
    %shift_left3A_514 = vector.broadcast %shift_left3A_513 : i32 to vector<16xi32>
    %shift_left3A_515 = arith.shli %and3A_512, %shift_left3A_514 : vector<16xi32>
    %swap3A_516 = arith.constant 112 : index
    %swap3A_517 = tpu.vector_load %arg14[%swap3A_516] {strides = array<i32>} : memref<512xi32, #tpu.memory_space<vmem>>, vector<16xi32>,
    tpu.vector_store %arg14[%swap3A_516], %shift_left3A_515 {strides = array<i32>} : memref<512xi32, #tpu.memory_space<vmem>>, vector<16xi32>,
    %shift_right_logical3A_518 = arith.constant 12 : i32
    %shift_right_logical3A_519 = vector.broadcast %shift_right_logical3A_518 : i32 to vector<16xi32>
    %shift_right_logical3A_520 = arith.shrui %get3A_478, %shift_right_logical3A_519 : vector<16xi32>
    %and3A_521 = arith.constant 1 : i32
    %and3A_522 = vector.broadcast %and3A_521 : i32 to vector<16xi32>
    %and3A_523 = arith.andi %shift_right_logical3A_520, %and3A_522 : vector<16xi32>
    %shift_left3A_524 = arith.constant 6 : i32
    %shift_left3A_525 = vector.broadcast %shift_left3A_524 : i32 to vector<16xi32>
    %shift_left3A_526 = arith.shli %and3A_523, %shift_left3A_525 : vector<16xi32>
    %swap3A_527 = arith.constant 112 : index
    %swap3A_528 = tpu.vector_load %arg15[%swap3A_527] {strides = array<i32>} : memref<512xi32, #tpu.memory_space<vmem>>, vector<16xi32>,
    tpu.vector_store %arg15[%swap3A_527], %shift_left3A_526 {strides = array<i32>} : memref<512xi32, #tpu.memory_space<vmem>>, vector<16xi32>,
    %get3A_529 = arith.constant 1 : i32
    %get3A_530 = arith.index_cast %get3A_529 : i32 to index
    %get3A_531 = arith.constant 0 : index
    %get3A_532 = tpu.vector_load %arg10[%get3A_530, %get3A_531] {strides = array<i32>} : memref<4x128xi32, #tpu.memory_space<vmem>>, vector<16xi32>,
    %get3A_533 = arith.constant 1 : i32
    %get3A_534 = arith.index_cast %get3A_533 : i32 to index
    %get3A_535 = arith.constant 0 : index
    %get3A_536 = tpu.vector_load %arg11[%get3A_534, %get3A_535] {strides = array<i32>} : memref<4x128xi32, #tpu.memory_space<vmem>>, vector<16xi32>,
    %shift_right_logical3A_537 = arith.constant 13 : i32
    %shift_right_logical3A_538 = vector.broadcast %shift_right_logical3A_537 : i32 to vector<16xi32>
    %shift_right_logical3A_539 = arith.shrui %get3A_532, %shift_right_logical3A_538 : vector<16xi32>
    %shift_left3A_540 = arith.constant 12 : i32
    %shift_left3A_541 = vector.broadcast %shift_left3A_540 : i32 to vector<16xi32>
    %shift_left3A_542 = arith.shli %shift_right_logical3A_539, %shift_left3A_541 : vector<16xi32>
    %and3A_543 = arith.constant 4095 : i32
    %and3A_544 = vector.broadcast %and3A_543 : i32 to vector<16xi32>
    %and3A_545 = arith.andi %get3A_532, %and3A_544 : vector<16xi32>
    %add3A_546 = arith.addi %shift_left3A_542, %and3A_545 : vector<16xi32>
    %swap3A_547 = arith.constant 1 : i32
    %swap3A_548 = arith.index_cast %swap3A_547 : i32 to index
    %swap3A_549 = arith.constant 0 : index
    %swap3A_550 = tpu.vector_load %arg12[%swap3A_548, %swap3A_549] {strides = array<i32>} : memref<4x128xi32, #tpu.memory_space<vmem>>, vector<16xi32>,
    tpu.vector_store %arg12[%swap3A_548, %swap3A_549], %add3A_546 {strides = array<i32>} : memref<4x128xi32, #tpu.memory_space<vmem>>, vector<16xi32>,
    %shift_right_logical3A_551 = arith.constant 13 : i32
    %shift_right_logical3A_552 = vector.broadcast %shift_right_logical3A_551 : i32 to vector<16xi32>
    %shift_right_logical3A_553 = arith.shrui %get3A_536, %shift_right_logical3A_552 : vector<16xi32>
    %shift_left3A_554 = arith.constant 12 : i32
    %shift_left3A_555 = vector.broadcast %shift_left3A_554 : i32 to vector<16xi32>
    %shift_left3A_556 = arith.shli %shift_right_logical3A_553, %shift_left3A_555 : vector<16xi32>
    %and3A_557 = arith.constant 4095 : i32
    %and3A_558 = vector.broadcast %and3A_557 : i32 to vector<16xi32>
    %and3A_559 = arith.andi %get3A_536, %and3A_558 : vector<16xi32>
    %add3A_560 = arith.addi %shift_left3A_556, %and3A_559 : vector<16xi32>
    %swap3A_561 = arith.constant 1 : i32
    %swap3A_562 = arith.index_cast %swap3A_561 : i32 to index
    %swap3A_563 = arith.constant 0 : index
    %swap3A_564 = tpu.vector_load %arg13[%swap3A_562, %swap3A_563] {strides = array<i32>} : memref<4x128xi32, #tpu.memory_space<vmem>>, vector<16xi32>,
    tpu.vector_store %arg13[%swap3A_562, %swap3A_563], %add3A_560 {strides = array<i32>} : memref<4x128xi32, #tpu.memory_space<vmem>>, vector<16xi32>,
    %shift_right_logical3A_565 = arith.constant 12 : i32
    %shift_right_logical3A_566 = vector.broadcast %shift_right_logical3A_565 : i32 to vector<16xi32>
    %shift_right_logical3A_567 = arith.shrui %get3A_532, %shift_right_logical3A_566 : vector<16xi32>
    %and3A_568 = arith.constant 1 : i32
    %and3A_569 = vector.broadcast %and3A_568 : i32 to vector<16xi32>
    %and3A_570 = arith.andi %shift_right_logical3A_567, %and3A_569 : vector<16xi32>
    %shift_left3A_571 = arith.constant 6 : i32
    %shift_left3A_572 = vector.broadcast %shift_left3A_571 : i32 to vector<16xi32>
    %shift_left3A_573 = arith.shli %and3A_570, %shift_left3A_572 : vector<16xi32>
    %swap3A_574 = arith.constant 128 : index
    %swap3A_575 = tpu.vector_load %arg14[%swap3A_574] {strides = array<i32>} : memref<512xi32, #tpu.memory_space<vmem>>, vector<16xi32>,
    tpu.vector_store %arg14[%swap3A_574], %shift_left3A_573 {strides = array<i32>} : memref<512xi32, #tpu.memory_space<vmem>>, vector<16xi32>,
    %shift_right_logical3A_576 = arith.constant 12 : i32
    %shift_right_logical3A_577 = vector.broadcast %shift_right_logical3A_576 : i32 to vector<16xi32>
    %shift_right_logical3A_578 = arith.shrui %get3A_536, %shift_right_logical3A_577 : vector<16xi32>
    %and3A_579 = arith.constant 1 : i32
    %and3A_580 = vector.broadcast %and3A_579 : i32 to vector<16xi32>
    %and3A_581 = arith.andi %shift_right_logical3A_578, %and3A_580 : vector<16xi32>
    %shift_left3A_582 = arith.constant 6 : i32
    %shift_left3A_583 = vector.broadcast %shift_left3A_582 : i32 to vector<16xi32>
    %shift_left3A_584 = arith.shli %and3A_581, %shift_left3A_583 : vector<16xi32>
    %swap3A_585 = arith.constant 128 : index
    %swap3A_586 = tpu.vector_load %arg15[%swap3A_585] {strides = array<i32>} : memref<512xi32, #tpu.memory_space<vmem>>, vector<16xi32>,
    tpu.vector_store %arg15[%swap3A_585], %shift_left3A_584 {strides = array<i32>} : memref<512xi32, #tpu.memory_space<vmem>>, vector<16xi32>,
    %get3A_587 = arith.constant 1 : i32
    %get3A_588 = arith.index_cast %get3A_587 : i32 to index
    %get3A_589 = arith.constant 16 : index
    %get3A_590 = tpu.vector_load %arg10[%get3A_588, %get3A_589] {strides = array<i32>} : memref<4x128xi32, #tpu.memory_space<vmem>>, vector<16xi32>,
    %get3A_591 = arith.constant 1 : i32
    %get3A_592 = arith.index_cast %get3A_591 : i32 to index
    %get3A_593 = arith.constant 16 : index
    %get3A_594 = tpu.vector_load %arg11[%get3A_592, %get3A_593] {strides = array<i32>} : memref<4x128xi32, #tpu.memory_space<vmem>>, vector<16xi32>,
    %shift_right_logical3A_595 = arith.constant 13 : i32
    %shift_right_logical3A_596 = vector.broadcast %shift_right_logical3A_595 : i32 to vector<16xi32>
    %shift_right_logical3A_597 = arith.shrui %get3A_590, %shift_right_logical3A_596 : vector<16xi32>
    %shift_left3A_598 = arith.constant 12 : i32
    %shift_left3A_599 = vector.broadcast %shift_left3A_598 : i32 to vector<16xi32>
    %shift_left3A_600 = arith.shli %shift_right_logical3A_597, %shift_left3A_599 : vector<16xi32>
    %and3A_601 = arith.constant 4095 : i32
    %and3A_602 = vector.broadcast %and3A_601 : i32 to vector<16xi32>
    %and3A_603 = arith.andi %get3A_590, %and3A_602 : vector<16xi32>
    %add3A_604 = arith.addi %shift_left3A_600, %and3A_603 : vector<16xi32>
    %swap3A_605 = arith.constant 1 : i32
    %swap3A_606 = arith.index_cast %swap3A_605 : i32 to index
    %swap3A_607 = arith.constant 16 : index
    %swap3A_608 = tpu.vector_load %arg12[%swap3A_606, %swap3A_607] {strides = array<i32>} : memref<4x128xi32, #tpu.memory_space<vmem>>, vector<16xi32>,
    tpu.vector_store %arg12[%swap3A_606, %swap3A_607], %add3A_604 {strides = array<i32>} : memref<4x128xi32, #tpu.memory_space<vmem>>, vector<16xi32>,
    %shift_right_logical3A_609 = arith.constant 13 : i32
    %shift_right_logical3A_610 = vector.broadcast %shift_right_logical3A_609 : i32 to vector<16xi32>
    %shift_right_logical3A_611 = arith.shrui %get3A_594, %shift_right_logical3A_610 : vector<16xi32>
    %shift_left3A_612 = arith.constant 12 : i32
    %shift_left3A_613 = vector.broadcast %shift_left3A_612 : i32 to vector<16xi32>
    %shift_left3A_614 = arith.shli %shift_right_logical3A_611, %shift_left3A_613 : vector<16xi32>
    %and3A_615 = arith.constant 4095 : i32
    %and3A_616 = vector.broadcast %and3A_615 : i32 to vector<16xi32>
    %and3A_617 = arith.andi %get3A_594, %and3A_616 : vector<16xi32>
    %add3A_618 = arith.addi %shift_left3A_614, %and3A_617 : vector<16xi32>
    %swap3A_619 = arith.constant 1 : i32
    %swap3A_620 = arith.index_cast %swap3A_619 : i32 to index
    %swap3A_621 = arith.constant 16 : index
    %swap3A_622 = tpu.vector_load %arg13[%swap3A_620, %swap3A_621] {strides = array<i32>} : memref<4x128xi32, #tpu.memory_space<vmem>>, vector<16xi32>,
    tpu.vector_store %arg13[%swap3A_620, %swap3A_621], %add3A_618 {strides = array<i32>} : memref<4x128xi32, #tpu.memory_space<vmem>>, vector<16xi32>,
    %shift_right_logical3A_623 = arith.constant 12 : i32
    %shift_right_logical3A_624 = vector.broadcast %shift_right_logical3A_623 : i32 to vector<16xi32>
    %shift_right_logical3A_625 = arith.shrui %get3A_590, %shift_right_logical3A_624 : vector<16xi32>
    %and3A_626 = arith.constant 1 : i32
    %and3A_627 = vector.broadcast %and3A_626 : i32 to vector<16xi32>
    %and3A_628 = arith.andi %shift_right_logical3A_625, %and3A_627 : vector<16xi32>
    %shift_left3A_629 = arith.constant 6 : i32
    %shift_left3A_630 = vector.broadcast %shift_left3A_629 : i32 to vector<16xi32>
    %shift_left3A_631 = arith.shli %and3A_628, %shift_left3A_630 : vector<16xi32>
    %swap3A_632 = arith.constant 144 : index
    %swap3A_633 = tpu.vector_load %arg14[%swap3A_632] {strides = array<i32>} : memref<512xi32, #tpu.memory_space<vmem>>, vector<16xi32>,
    tpu.vector_store %arg14[%swap3A_632], %shift_left3A_631 {strides = array<i32>} : memref<512xi32, #tpu.memory_space<vmem>>, vector<16xi32>,
    %shift_right_logical3A_634 = arith.constant 12 : i32
    %shift_right_logical3A_635 = vector.broadcast %shift_right_logical3A_634 : i32 to vector<16xi32>
    %shift_right_logical3A_636 = arith.shrui %get3A_594, %shift_right_logical3A_635 : vector<16xi32>
    %and3A_637 = arith.constant 1 : i32
    %and3A_638 = vector.broadcast %and3A_637 : i32 to vector<16xi32>
    %and3A_639 = arith.andi %shift_right_logical3A_636, %and3A_638 : vector<16xi32>
    %shift_left3A_640 = arith.constant 6 : i32
    %shift_left3A_641 = vector.broadcast %shift_left3A_640 : i32 to vector<16xi32>
    %shift_left3A_642 = arith.shli %and3A_639, %shift_left3A_641 : vector<16xi32>
    %swap3A_643 = arith.constant 144 : index
    %swap3A_644 = tpu.vector_load %arg15[%swap3A_643] {strides = array<i32>} : memref<512xi32, #tpu.memory_space<vmem>>, vector<16xi32>,
    tpu.vector_store %arg15[%swap3A_643], %shift_left3A_642 {strides = array<i32>} : memref<512xi32, #tpu.memory_space<vmem>>, vector<16xi32>,
    %get3A_645 = arith.constant 1 : i32
    %get3A_646 = arith.index_cast %get3A_645 : i32 to index
    %get3A_647 = arith.constant 32 : index
    %get3A_648 = tpu.vector_load %arg10[%get3A_646, %get3A_647] {strides = array<i32>} : memref<4x128xi32, #tpu.memory_space<vmem>>, vector<16xi32>,
    %get3A_649 = arith.constant 1 : i32
    %get3A_650 = arith.index_cast %get3A_649 : i32 to index
    %get3A_651 = arith.constant 32 : index
    %get3A_652 = tpu.vector_load %arg11[%get3A_650, %get3A_651] {strides = array<i32>} : memref<4x128xi32, #tpu.memory_space<vmem>>, vector<16xi32>,
    %shift_right_logical3A_653 = arith.constant 13 : i32
    %shift_right_logical3A_654 = vector.broadcast %shift_right_logical3A_653 : i32 to vector<16xi32>
    %shift_right_logical3A_655 = arith.shrui %get3A_648, %shift_right_logical3A_654 : vector<16xi32>
    %shift_left3A_656 = arith.constant 12 : i32
    %shift_left3A_657 = vector.broadcast %shift_left3A_656 : i32 to vector<16xi32>
    %shift_left3A_658 = arith.shli %shift_right_logical3A_655, %shift_left3A_657 : vector<16xi32>
    %and3A_659 = arith.constant 4095 : i32
    %and3A_660 = vector.broadcast %and3A_659 : i32 to vector<16xi32>
    %and3A_661 = arith.andi %get3A_648, %and3A_660 : vector<16xi32>
    %add3A_662 = arith.addi %shift_left3A_658, %and3A_661 : vector<16xi32>
    %swap3A_663 = arith.constant 1 : i32
    %swap3A_664 = arith.index_cast %swap3A_663 : i32 to index
    %swap3A_665 = arith.constant 32 : index
    %swap3A_666 = tpu.vector_load %arg12[%swap3A_664, %swap3A_665] {strides = array<i32>} : memref<4x128xi32, #tpu.memory_space<vmem>>, vector<16xi32>,
    tpu.vector_store %arg12[%swap3A_664, %swap3A_665], %add3A_662 {strides = array<i32>} : memref<4x128xi32, #tpu.memory_space<vmem>>, vector<16xi32>,
    %shift_right_logical3A_667 = arith.constant 13 : i32
    %shift_right_logical3A_668 = vector.broadcast %shift_right_logical3A_667 : i32 to vector<16xi32>
    %shift_right_logical3A_669 = arith.shrui %get3A_652, %shift_right_logical3A_668 : vector<16xi32>
    %shift_left3A_670 = arith.constant 12 : i32
    %shift_left3A_671 = vector.broadcast %shift_left3A_670 : i32 to vector<16xi32>
    %shift_left3A_672 = arith.shli %shift_right_logical3A_669, %shift_left3A_671 : vector<16xi32>
    %and3A_673 = arith.constant 4095 : i32
    %and3A_674 = vector.broadcast %and3A_673 : i32 to vector<16xi32>
    %and3A_675 = arith.andi %get3A_652, %and3A_674 : vector<16xi32>
    %add3A_676 = arith.addi %shift_left3A_672, %and3A_675 : vector<16xi32>
    %swap3A_677 = arith.constant 1 : i32
    %swap3A_678 = arith.index_cast %swap3A_677 : i32 to index
    %swap3A_679 = arith.constant 32 : index
    %swap3A_680 = tpu.vector_load %arg13[%swap3A_678, %swap3A_679] {strides = array<i32>} : memref<4x128xi32, #tpu.memory_space<vmem>>, vector<16xi32>,
    tpu.vector_store %arg13[%swap3A_678, %swap3A_679], %add3A_676 {strides = array<i32>} : memref<4x128xi32, #tpu.memory_space<vmem>>, vector<16xi32>,
    %shift_right_logical3A_681 = arith.constant 12 : i32
    %shift_right_logical3A_682 = vector.broadcast %shift_right_logical3A_681 : i32 to vector<16xi32>
    %shift_right_logical3A_683 = arith.shrui %get3A_648, %shift_right_logical3A_682 : vector<16xi32>
    %and3A_684 = arith.constant 1 : i32
    %and3A_685 = vector.broadcast %and3A_684 : i32 to vector<16xi32>
    %and3A_686 = arith.andi %shift_right_logical3A_683, %and3A_685 : vector<16xi32>
    %shift_left3A_687 = arith.constant 6 : i32
    %shift_left3A_688 = vector.broadcast %shift_left3A_687 : i32 to vector<16xi32>
    %shift_left3A_689 = arith.shli %and3A_686, %shift_left3A_688 : vector<16xi32>
    %swap3A_690 = arith.constant 160 : index
    %swap3A_691 = tpu.vector_load %arg14[%swap3A_690] {strides = array<i32>} : memref<512xi32, #tpu.memory_space<vmem>>, vector<16xi32>,
    tpu.vector_store %arg14[%swap3A_690], %shift_left3A_689 {strides = array<i32>} : memref<512xi32, #tpu.memory_space<vmem>>, vector<16xi32>,
    %shift_right_logical3A_692 = arith.constant 12 : i32
    %shift_right_logical3A_693 = vector.broadcast %shift_right_logical3A_692 : i32 to vector<16xi32>
    %shift_right_logical3A_694 = arith.shrui %get3A_652, %shift_right_logical3A_693 : vector<16xi32>
    %and3A_695 = arith.constant 1 : i32
    %and3A_696 = vector.broadcast %and3A_695 : i32 to vector<16xi32>
    %and3A_697 = arith.andi %shift_right_logical3A_694, %and3A_696 : vector<16xi32>
    %shift_left3A_698 = arith.constant 6 : i32
    %shift_left3A_699 = vector.broadcast %shift_left3A_698 : i32 to vector<16xi32>
    %shift_left3A_700 = arith.shli %and3A_697, %shift_left3A_699 : vector<16xi32>
    %swap3A_701 = arith.constant 160 : index
    %swap3A_702 = tpu.vector_load %arg15[%swap3A_701] {strides = array<i32>} : memref<512xi32, #tpu.memory_space<vmem>>, vector<16xi32>,
    tpu.vector_store %arg15[%swap3A_701], %shift_left3A_700 {strides = array<i32>} : memref<512xi32, #tpu.memory_space<vmem>>, vector<16xi32>,
    %get3A_703 = arith.constant 1 : i32
    %get3A_704 = arith.index_cast %get3A_703 : i32 to index
    %get3A_705 = arith.constant 48 : index
    %get3A_706 = tpu.vector_load %arg10[%get3A_704, %get3A_705] {strides = array<i32>} : memref<4x128xi32, #tpu.memory_space<vmem>>, vector<16xi32>,
    %get3A_707 = arith.constant 1 : i32
    %get3A_708 = arith.index_cast %get3A_707 : i32 to index
    %get3A_709 = arith.constant 48 : index
    %get3A_710 = tpu.vector_load %arg11[%get3A_708, %get3A_709] {strides = array<i32>} : memref<4x128xi32, #tpu.memory_space<vmem>>, vector<16xi32>,
    %shift_right_logical3A_711 = arith.constant 13 : i32
    %shift_right_logical3A_712 = vector.broadcast %shift_right_logical3A_711 : i32 to vector<16xi32>
    %shift_right_logical3A_713 = arith.shrui %get3A_706, %shift_right_logical3A_712 : vector<16xi32>
    %shift_left3A_714 = arith.constant 12 : i32
    %shift_left3A_715 = vector.broadcast %shift_left3A_714 : i32 to vector<16xi32>
    %shift_left3A_716 = arith.shli %shift_right_logical3A_713, %shift_left3A_715 : vector<16xi32>
    %and3A_717 = arith.constant 4095 : i32
    %and3A_718 = vector.broadcast %and3A_717 : i32 to vector<16xi32>
    %and3A_719 = arith.andi %get3A_706, %and3A_718 : vector<16xi32>
    %add3A_720 = arith.addi %shift_left3A_716, %and3A_719 : vector<16xi32>
    %swap3A_721 = arith.constant 1 : i32
    %swap3A_722 = arith.index_cast %swap3A_721 : i32 to index
    %swap3A_723 = arith.constant 48 : index
    %swap3A_724 = tpu.vector_load %arg12[%swap3A_722, %swap3A_723] {strides = array<i32>} : memref<4x128xi32, #tpu.memory_space<vmem>>, vector<16xi32>,
    tpu.vector_store %arg12[%swap3A_722, %swap3A_723], %add3A_720 {strides = array<i32>} : memref<4x128xi32, #tpu.memory_space<vmem>>, vector<16xi32>,
    %shift_right_logical3A_725 = arith.constant 13 : i32
    %shift_right_logical3A_726 = vector.broadcast %shift_right_logical3A_725 : i32 to vector<16xi32>
    %shift_right_logical3A_727 = arith.shrui %get3A_710, %shift_right_logical3A_726 : vector<16xi32>
    %shift_left3A_728 = arith.constant 12 : i32
    %shift_left3A_729 = vector.broadcast %shift_left3A_728 : i32 to vector<16xi32>
    %shift_left3A_730 = arith.shli %shift_right_logical3A_727, %shift_left3A_729 : vector<16xi32>
    %and3A_731 = arith.constant 4095 : i32
    %and3A_732 = vector.broadcast %and3A_731 : i32 to vector<16xi32>
    %and3A_733 = arith.andi %get3A_710, %and3A_732 : vector<16xi32>
    %add3A_734 = arith.addi %shift_left3A_730, %and3A_733 : vector<16xi32>
    %swap3A_735 = arith.constant 1 : i32
    %swap3A_736 = arith.index_cast %swap3A_735 : i32 to index
    %swap3A_737 = arith.constant 48 : index
    %swap3A_738 = tpu.vector_load %arg13[%swap3A_736, %swap3A_737] {strides = array<i32>} : memref<4x128xi32, #tpu.memory_space<vmem>>, vector<16xi32>,
    tpu.vector_store %arg13[%swap3A_736, %swap3A_737], %add3A_734 {strides = array<i32>} : memref<4x128xi32, #tpu.memory_space<vmem>>, vector<16xi32>,
    %shift_right_logical3A_739 = arith.constant 12 : i32
    %shift_right_logical3A_740 = vector.broadcast %shift_right_logical3A_739 : i32 to vector<16xi32>
    %shift_right_logical3A_741 = arith.shrui %get3A_706, %shift_right_logical3A_740 : vector<16xi32>
    %and3A_742 = arith.constant 1 : i32
    %and3A_743 = vector.broadcast %and3A_742 : i32 to vector<16xi32>
    %and3A_744 = arith.andi %shift_right_logical3A_741, %and3A_743 : vector<16xi32>
    %shift_left3A_745 = arith.constant 6 : i32
    %shift_left3A_746 = vector.broadcast %shift_left3A_745 : i32 to vector<16xi32>
    %shift_left3A_747 = arith.shli %and3A_744, %shift_left3A_746 : vector<16xi32>
    %swap3A_748 = arith.constant 176 : index
    %swap3A_749 = tpu.vector_load %arg14[%swap3A_748] {strides = array<i32>} : memref<512xi32, #tpu.memory_space<vmem>>, vector<16xi32>,
    tpu.vector_store %arg14[%swap3A_748], %shift_left3A_747 {strides = array<i32>} : memref<512xi32, #tpu.memory_space<vmem>>, vector<16xi32>,
    %shift_right_logical3A_750 = arith.constant 12 : i32
    %shift_right_logical3A_751 = vector.broadcast %shift_right_logical3A_750 : i32 to vector<16xi32>
    %shift_right_logical3A_752 = arith.shrui %get3A_710, %shift_right_logical3A_751 : vector<16xi32>
    %and3A_753 = arith.constant 1 : i32
    %and3A_754 = vector.broadcast %and3A_753 : i32 to vector<16xi32>
    %and3A_755 = arith.andi %shift_right_logical3A_752, %and3A_754 : vector<16xi32>
    %shift_left3A_756 = arith.constant 6 : i32
    %shift_left3A_757 = vector.broadcast %shift_left3A_756 : i32 to vector<16xi32>
    %shift_left3A_758 = arith.shli %and3A_755, %shift_left3A_757 : vector<16xi32>
    %swap3A_759 = arith.constant 176 : index
    %swap3A_760 = tpu.vector_load %arg15[%swap3A_759] {strides = array<i32>} : memref<512xi32, #tpu.memory_space<vmem>>, vector<16xi32>,
    tpu.vector_store %arg15[%swap3A_759], %shift_left3A_758 {strides = array<i32>} : memref<512xi32, #tpu.memory_space<vmem>>, vector<16xi32>,
    %get3A_761 = arith.constant 1 : i32
    %get3A_762 = arith.index_cast %get3A_761 : i32 to index
    %get3A_763 = arith.constant 64 : index
    %get3A_764 = tpu.vector_load %arg10[%get3A_762, %get3A_763] {strides = array<i32>} : memref<4x128xi32, #tpu.memory_space<vmem>>, vector<16xi32>,
    %get3A_765 = arith.constant 1 : i32
    %get3A_766 = arith.index_cast %get3A_765 : i32 to index
    %get3A_767 = arith.constant 64 : index
    %get3A_768 = tpu.vector_load %arg11[%get3A_766, %get3A_767] {strides = array<i32>} : memref<4x128xi32, #tpu.memory_space<vmem>>, vector<16xi32>,
    %shift_right_logical3A_769 = arith.constant 13 : i32
    %shift_right_logical3A_770 = vector.broadcast %shift_right_logical3A_769 : i32 to vector<16xi32>
    %shift_right_logical3A_771 = arith.shrui %get3A_764, %shift_right_logical3A_770 : vector<16xi32>
    %shift_left3A_772 = arith.constant 12 : i32
    %shift_left3A_773 = vector.broadcast %shift_left3A_772 : i32 to vector<16xi32>
    %shift_left3A_774 = arith.shli %shift_right_logical3A_771, %shift_left3A_773 : vector<16xi32>
    %and3A_775 = arith.constant 4095 : i32
    %and3A_776 = vector.broadcast %and3A_775 : i32 to vector<16xi32>
    %and3A_777 = arith.andi %get3A_764, %and3A_776 : vector<16xi32>
    %add3A_778 = arith.addi %shift_left3A_774, %and3A_777 : vector<16xi32>
    %swap3A_779 = arith.constant 1 : i32
    %swap3A_780 = arith.index_cast %swap3A_779 : i32 to index
    %swap3A_781 = arith.constant 64 : index
    %swap3A_782 = tpu.vector_load %arg12[%swap3A_780, %swap3A_781] {strides = array<i32>} : memref<4x128xi32, #tpu.memory_space<vmem>>, vector<16xi32>,
    tpu.vector_store %arg12[%swap3A_780, %swap3A_781], %add3A_778 {strides = array<i32>} : memref<4x128xi32, #tpu.memory_space<vmem>>, vector<16xi32>,
    %shift_right_logical3A_783 = arith.constant 13 : i32
    %shift_right_logical3A_784 = vector.broadcast %shift_right_logical3A_783 : i32 to vector<16xi32>
    %shift_right_logical3A_785 = arith.shrui %get3A_768, %shift_right_logical3A_784 : vector<16xi32>
    %shift_left3A_786 = arith.constant 12 : i32
    %shift_left3A_787 = vector.broadcast %shift_left3A_786 : i32 to vector<16xi32>
    %shift_left3A_788 = arith.shli %shift_right_logical3A_785, %shift_left3A_787 : vector<16xi32>
    %and3A_789 = arith.constant 4095 : i32
    %and3A_790 = vector.broadcast %and3A_789 : i32 to vector<16xi32>
    %and3A_791 = arith.andi %get3A_768, %and3A_790 : vector<16xi32>
    %add3A_792 = arith.addi %shift_left3A_788, %and3A_791 : vector<16xi32>
    %swap3A_793 = arith.constant 1 : i32
    %swap3A_794 = arith.index_cast %swap3A_793 : i32 to index
    %swap3A_795 = arith.constant 64 : index
    %swap3A_796 = tpu.vector_load %arg13[%swap3A_794, %swap3A_795] {strides = array<i32>} : memref<4x128xi32, #tpu.memory_space<vmem>>, vector<16xi32>,
    tpu.vector_store %arg13[%swap3A_794, %swap3A_795], %add3A_792 {strides = array<i32>} : memref<4x128xi32, #tpu.memory_space<vmem>>, vector<16xi32>,
    %shift_right_logical3A_797 = arith.constant 12 : i32
    %shift_right_logical3A_798 = vector.broadcast %shift_right_logical3A_797 : i32 to vector<16xi32>
    %shift_right_logical3A_799 = arith.shrui %get3A_764, %shift_right_logical3A_798 : vector<16xi32>
    %and3A_800 = arith.constant 1 : i32
    %and3A_801 = vector.broadcast %and3A_800 : i32 to vector<16xi32>
    %and3A_802 = arith.andi %shift_right_logical3A_799, %and3A_801 : vector<16xi32>
    %shift_left3A_803 = arith.constant 6 : i32
    %shift_left3A_804 = vector.broadcast %shift_left3A_803 : i32 to vector<16xi32>
    %shift_left3A_805 = arith.shli %and3A_802, %shift_left3A_804 : vector<16xi32>
    %swap3A_806 = arith.constant 192 : index
    %swap3A_807 = tpu.vector_load %arg14[%swap3A_806] {strides = array<i32>} : memref<512xi32, #tpu.memory_space<vmem>>, vector<16xi32>,
    tpu.vector_store %arg14[%swap3A_806], %shift_left3A_805 {strides = array<i32>} : memref<512xi32, #tpu.memory_space<vmem>>, vector<16xi32>,
    %shift_right_logical3A_808 = arith.constant 12 : i32
    %shift_right_logical3A_809 = vector.broadcast %shift_right_logical3A_808 : i32 to vector<16xi32>
    %shift_right_logical3A_810 = arith.shrui %get3A_768, %shift_right_logical3A_809 : vector<16xi32>
    %and3A_811 = arith.constant 1 : i32
    %and3A_812 = vector.broadcast %and3A_811 : i32 to vector<16xi32>
    %and3A_813 = arith.andi %shift_right_logical3A_810, %and3A_812 : vector<16xi32>
    %shift_left3A_814 = arith.constant 6 : i32
    %shift_left3A_815 = vector.broadcast %shift_left3A_814 : i32 to vector<16xi32>
    %shift_left3A_816 = arith.shli %and3A_813, %shift_left3A_815 : vector<16xi32>
    %swap3A_817 = arith.constant 192 : index
    %swap3A_818 = tpu.vector_load %arg15[%swap3A_817] {strides = array<i32>} : memref<512xi32, #tpu.memory_space<vmem>>, vector<16xi32>,
    tpu.vector_store %arg15[%swap3A_817], %shift_left3A_816 {strides = array<i32>} : memref<512xi32, #tpu.memory_space<vmem>>, vector<16xi32>,
    %get3A_819 = arith.constant 1 : i32
    %get3A_820 = arith.index_cast %get3A_819 : i32 to index
    %get3A_821 = arith.constant 80 : index
    %get3A_822 = tpu.vector_load %arg10[%get3A_820, %get3A_821] {strides = array<i32>} : memref<4x128xi32, #tpu.memory_space<vmem>>, vector<16xi32>,
    %get3A_823 = arith.constant 1 : i32
    %get3A_824 = arith.index_cast %get3A_823 : i32 to index
    %get3A_825 = arith.constant 80 : index
    %get3A_826 = tpu.vector_load %arg11[%get3A_824, %get3A_825] {strides = array<i32>} : memref<4x128xi32, #tpu.memory_space<vmem>>, vector<16xi32>,
    %shift_right_logical3A_827 = arith.constant 13 : i32
    %shift_right_logical3A_828 = vector.broadcast %shift_right_logical3A_827 : i32 to vector<16xi32>
    %shift_right_logical3A_829 = arith.shrui %get3A_822, %shift_right_logical3A_828 : vector<16xi32>
    %shift_left3A_830 = arith.constant 12 : i32
    %shift_left3A_831 = vector.broadcast %shift_left3A_830 : i32 to vector<16xi32>
    %shift_left3A_832 = arith.shli %shift_right_logical3A_829, %shift_left3A_831 : vector<16xi32>
    %and3A_833 = arith.constant 4095 : i32
    %and3A_834 = vector.broadcast %and3A_833 : i32 to vector<16xi32>
    %and3A_835 = arith.andi %get3A_822, %and3A_834 : vector<16xi32>
    %add3A_836 = arith.addi %shift_left3A_832, %and3A_835 : vector<16xi32>
    %swap3A_837 = arith.constant 1 : i32
    %swap3A_838 = arith.index_cast %swap3A_837 : i32 to index
    %swap3A_839 = arith.constant 80 : index
    %swap3A_840 = tpu.vector_load %arg12[%swap3A_838, %swap3A_839] {strides = array<i32>} : memref<4x128xi32, #tpu.memory_space<vmem>>, vector<16xi32>,
    tpu.vector_store %arg12[%swap3A_838, %swap3A_839], %add3A_836 {strides = array<i32>} : memref<4x128xi32, #tpu.memory_space<vmem>>, vector<16xi32>,
    %shift_right_logical3A_841 = arith.constant 13 : i32
    %shift_right_logical3A_842 = vector.broadcast %shift_right_logical3A_841 : i32 to vector<16xi32>
    %shift_right_logical3A_843 = arith.shrui %get3A_826, %shift_right_logical3A_842 : vector<16xi32>
    %shift_left3A_844 = arith.constant 12 : i32
    %shift_left3A_845 = vector.broadcast %shift_left3A_844 : i32 to vector<16xi32>
    %shift_left3A_846 = arith.shli %shift_right_logical3A_843, %shift_left3A_845 : vector<16xi32>
    %and3A_847 = arith.constant 4095 : i32
    %and3A_848 = vector.broadcast %and3A_847 : i32 to vector<16xi32>
    %and3A_849 = arith.andi %get3A_826, %and3A_848 : vector<16xi32>
    %add3A_850 = arith.addi %shift_left3A_846, %and3A_849 : vector<16xi32>
    %swap3A_851 = arith.constant 1 : i32
    %swap3A_852 = arith.index_cast %swap3A_851 : i32 to index
    %swap3A_853 = arith.constant 80 : index
    %swap3A_854 = tpu.vector_load %arg13[%swap3A_852, %swap3A_853] {strides = array<i32>} : memref<4x128xi32, #tpu.memory_space<vmem>>, vector<16xi32>,
    tpu.vector_store %arg13[%swap3A_852, %swap3A_853], %add3A_850 {strides = array<i32>} : memref<4x128xi32, #tpu.memory_space<vmem>>, vector<16xi32>,
    %shift_right_logical3A_855 = arith.constant 12 : i32
    %shift_right_logical3A_856 = vector.broadcast %shift_right_logical3A_855 : i32 to vector<16xi32>
    %shift_right_logical3A_857 = arith.shrui %get3A_822, %shift_right_logical3A_856 : vector<16xi32>
    %and3A_858 = arith.constant 1 : i32
    %and3A_859 = vector.broadcast %and3A_858 : i32 to vector<16xi32>
    %and3A_860 = arith.andi %shift_right_logical3A_857, %and3A_859 : vector<16xi32>
    %shift_left3A_861 = arith.constant 6 : i32
    %shift_left3A_862 = vector.broadcast %shift_left3A_861 : i32 to vector<16xi32>
    %shift_left3A_863 = arith.shli %and3A_860, %shift_left3A_862 : vector<16xi32>
    %swap3A_864 = arith.constant 208 : index
    %swap3A_865 = tpu.vector_load %arg14[%swap3A_864] {strides = array<i32>} : memref<512xi32, #tpu.memory_space<vmem>>, vector<16xi32>,
    tpu.vector_store %arg14[%swap3A_864], %shift_left3A_863 {strides = array<i32>} : memref<512xi32, #tpu.memory_space<vmem>>, vector<16xi32>,
    %shift_right_logical3A_866 = arith.constant 12 : i32
    %shift_right_logical3A_867 = vector.broadcast %shift_right_logical3A_866 : i32 to vector<16xi32>
    %shift_right_logical3A_868 = arith.shrui %get3A_826, %shift_right_logical3A_867 : vector<16xi32>
    %and3A_869 = arith.constant 1 : i32
    %and3A_870 = vector.broadcast %and3A_869 : i32 to vector<16xi32>
    %and3A_871 = arith.andi %shift_right_logical3A_868, %and3A_870 : vector<16xi32>
    %shift_left3A_872 = arith.constant 6 : i32
    %shift_left3A_873 = vector.broadcast %shift_left3A_872 : i32 to vector<16xi32>
    %shift_left3A_874 = arith.shli %and3A_871, %shift_left3A_873 : vector<16xi32>
    %swap3A_875 = arith.constant 208 : index
    %swap3A_876 = tpu.vector_load %arg15[%swap3A_875] {strides = array<i32>} : memref<512xi32, #tpu.memory_space<vmem>>, vector<16xi32>,
    tpu.vector_store %arg15[%swap3A_875], %shift_left3A_874 {strides = array<i32>} : memref<512xi32, #tpu.memory_space<vmem>>, vector<16xi32>,
    %get3A_877 = arith.constant 1 : i32
    %get3A_878 = arith.index_cast %get3A_877 : i32 to index
    %get3A_879 = arith.constant 96 : index
    %get3A_880 = tpu.vector_load %arg10[%get3A_878, %get3A_879] {strides = array<i32>} : memref<4x128xi32, #tpu.memory_space<vmem>>, vector<16xi32>,
    %get3A_881 = arith.constant 1 : i32
    %get3A_882 = arith.index_cast %get3A_881 : i32 to index
    %get3A_883 = arith.constant 96 : index
    %get3A_884 = tpu.vector_load %arg11[%get3A_882, %get3A_883] {strides = array<i32>} : memref<4x128xi32, #tpu.memory_space<vmem>>, vector<16xi32>,
    %shift_right_logical3A_885 = arith.constant 13 : i32
    %shift_right_logical3A_886 = vector.broadcast %shift_right_logical3A_885 : i32 to vector<16xi32>
    %shift_right_logical3A_887 = arith.shrui %get3A_880, %shift_right_logical3A_886 : vector<16xi32>
    %shift_left3A_888 = arith.constant 12 : i32
    %shift_left3A_889 = vector.broadcast %shift_left3A_888 : i32 to vector<16xi32>
    %shift_left3A_890 = arith.shli %shift_right_logical3A_887, %shift_left3A_889 : vector<16xi32>
    %and3A_891 = arith.constant 4095 : i32
    %and3A_892 = vector.broadcast %and3A_891 : i32 to vector<16xi32>
    %and3A_893 = arith.andi %get3A_880, %and3A_892 : vector<16xi32>
    %add3A_894 = arith.addi %shift_left3A_890, %and3A_893 : vector<16xi32>
    %swap3A_895 = arith.constant 1 : i32
    %swap3A_896 = arith.index_cast %swap3A_895 : i32 to index
    %swap3A_897 = arith.constant 96 : index
    %swap3A_898 = tpu.vector_load %arg12[%swap3A_896, %swap3A_897] {strides = array<i32>} : memref<4x128xi32, #tpu.memory_space<vmem>>, vector<16xi32>,
    tpu.vector_store %arg12[%swap3A_896, %swap3A_897], %add3A_894 {strides = array<i32>} : memref<4x128xi32, #tpu.memory_space<vmem>>, vector<16xi32>,
    %shift_right_logical3A_899 = arith.constant 13 : i32
    %shift_right_logical3A_900 = vector.broadcast %shift_right_logical3A_899 : i32 to vector<16xi32>
    %shift_right_logical3A_901 = arith.shrui %get3A_884, %shift_right_logical3A_900 : vector<16xi32>
    %shift_left3A_902 = arith.constant 12 : i32
    %shift_left3A_903 = vector.broadcast %shift_left3A_902 : i32 to vector<16xi32>
    %shift_left3A_904 = arith.shli %shift_right_logical3A_901, %shift_left3A_903 : vector<16xi32>
    %and3A_905 = arith.constant 4095 : i32
    %and3A_906 = vector.broadcast %and3A_905 : i32 to vector<16xi32>
    %and3A_907 = arith.andi %get3A_884, %and3A_906 : vector<16xi32>
    %add3A_908 = arith.addi %shift_left3A_904, %and3A_907 : vector<16xi32>
    %swap3A_909 = arith.constant 1 : i32
    %swap3A_910 = arith.index_cast %swap3A_909 : i32 to index
    %swap3A_911 = arith.constant 96 : index
    %swap3A_912 = tpu.vector_load %arg13[%swap3A_910, %swap3A_911] {strides = array<i32>} : memref<4x128xi32, #tpu.memory_space<vmem>>, vector<16xi32>,
    tpu.vector_store %arg13[%swap3A_910, %swap3A_911], %add3A_908 {strides = array<i32>} : memref<4x128xi32, #tpu.memory_space<vmem>>, vector<16xi32>,
    %shift_right_logical3A_913 = arith.constant 12 : i32
    %shift_right_logical3A_914 = vector.broadcast %shift_right_logical3A_913 : i32 to vector<16xi32>
    %shift_right_logical3A_915 = arith.shrui %get3A_880, %shift_right_logical3A_914 : vector<16xi32>
    %and3A_916 = arith.constant 1 : i32
    %and3A_917 = vector.broadcast %and3A_916 : i32 to vector<16xi32>
    %and3A_918 = arith.andi %shift_right_logical3A_915, %and3A_917 : vector<16xi32>
    %shift_left3A_919 = arith.constant 6 : i32
    %shift_left3A_920 = vector.broadcast %shift_left3A_919 : i32 to vector<16xi32>
    %shift_left3A_921 = arith.shli %and3A_918, %shift_left3A_920 : vector<16xi32>
    %swap3A_922 = arith.constant 224 : index
    %swap3A_923 = tpu.vector_load %arg14[%swap3A_922] {strides = array<i32>} : memref<512xi32, #tpu.memory_space<vmem>>, vector<16xi32>,
    tpu.vector_store %arg14[%swap3A_922], %shift_left3A_921 {strides = array<i32>} : memref<512xi32, #tpu.memory_space<vmem>>, vector<16xi32>,
    %shift_right_logical3A_924 = arith.constant 12 : i32
    %shift_right_logical3A_925 = vector.broadcast %shift_right_logical3A_924 : i32 to vector<16xi32>
    %shift_right_logical3A_926 = arith.shrui %get3A_884, %shift_right_logical3A_925 : vector<16xi32>
    %and3A_927 = arith.constant 1 : i32
    %and3A_928 = vector.broadcast %and3A_927 : i32 to vector<16xi32>
    %and3A_929 = arith.andi %shift_right_logical3A_926, %and3A_928 : vector<16xi32>
    %shift_left3A_930 = arith.constant 6 : i32
    %shift_left3A_931 = vector.broadcast %shift_left3A_930 : i32 to vector<16xi32>
    %shift_left3A_932 = arith.shli %and3A_929, %shift_left3A_931 : vector<16xi32>
    %swap3A_933 = arith.constant 224 : index
    %swap3A_934 = tpu.vector_load %arg15[%swap3A_933] {strides = array<i32>} : memref<512xi32, #tpu.memory_space<vmem>>, vector<16xi32>,
    tpu.vector_store %arg15[%swap3A_933], %shift_left3A_932 {strides = array<i32>} : memref<512xi32, #tpu.memory_space<vmem>>, vector<16xi32>,
    %get3A_935 = arith.constant 1 : i32
    %get3A_936 = arith.index_cast %get3A_935 : i32 to index
    %get3A_937 = arith.constant 112 : index
    %get3A_938 = tpu.vector_load %arg10[%get3A_936, %get3A_937] {strides = array<i32>} : memref<4x128xi32, #tpu.memory_space<vmem>>, vector<16xi32>,
    %get3A_939 = arith.constant 1 : i32
    %get3A_940 = arith.index_cast %get3A_939 : i32 to index
    %get3A_941 = arith.constant 112 : index
    %get3A_942 = tpu.vector_load %arg11[%get3A_940, %get3A_941] {strides = array<i32>} : memref<4x128xi32, #tpu.memory_space<vmem>>, vector<16xi32>,
    %shift_right_logical3A_943 = arith.constant 13 : i32
    %shift_right_logical3A_944 = vector.broadcast %shift_right_logical3A_943 : i32 to vector<16xi32>
    %shift_right_logical3A_945 = arith.shrui %get3A_938, %shift_right_logical3A_944 : vector<16xi32>
    %shift_left3A_946 = arith.constant 12 : i32
    %shift_left3A_947 = vector.broadcast %shift_left3A_946 : i32 to vector<16xi32>
    %shift_left3A_948 = arith.shli %shift_right_logical3A_945, %shift_left3A_947 : vector<16xi32>
    %and3A_949 = arith.constant 4095 : i32
    %and3A_950 = vector.broadcast %and3A_949 : i32 to vector<16xi32>
    %and3A_951 = arith.andi %get3A_938, %and3A_950 : vector<16xi32>
    %add3A_952 = arith.addi %shift_left3A_948, %and3A_951 : vector<16xi32>
    %swap3A_953 = arith.constant 1 : i32
    %swap3A_954 = arith.index_cast %swap3A_953 : i32 to index
    %swap3A_955 = arith.constant 112 : index
    %swap3A_956 = tpu.vector_load %arg12[%swap3A_954, %swap3A_955] {strides = array<i32>} : memref<4x128xi32, #tpu.memory_space<vmem>>, vector<16xi32>,
    tpu.vector_store %arg12[%swap3A_954, %swap3A_955], %add3A_952 {strides = array<i32>} : memref<4x128xi32, #tpu.memory_space<vmem>>, vector<16xi32>,
    %shift_right_logical3A_957 = arith.constant 13 : i32
    %shift_right_logical3A_958 = vector.broadcast %shift_right_logical3A_957 : i32 to vector<16xi32>
    %shift_right_logical3A_959 = arith.shrui %get3A_942, %shift_right_logical3A_958 : vector<16xi32>
    %shift_left3A_960 = arith.constant 12 : i32
    %shift_left3A_961 = vector.broadcast %shift_left3A_960 : i32 to vector<16xi32>
    %shift_left3A_962 = arith.shli %shift_right_logical3A_959, %shift_left3A_961 : vector<16xi32>
    %and3A_963 = arith.constant 4095 : i32
    %and3A_964 = vector.broadcast %and3A_963 : i32 to vector<16xi32>
    %and3A_965 = arith.andi %get3A_942, %and3A_964 : vector<16xi32>
    %add3A_966 = arith.addi %shift_left3A_962, %and3A_965 : vector<16xi32>
    %swap3A_967 = arith.constant 1 : i32
    %swap3A_968 = arith.index_cast %swap3A_967 : i32 to index
    %swap3A_969 = arith.constant 112 : index
    %swap3A_970 = tpu.vector_load %arg13[%swap3A_968, %swap3A_969] {strides = array<i32>} : memref<4x128xi32, #tpu.memory_space<vmem>>, vector<16xi32>,
    tpu.vector_store %arg13[%swap3A_968, %swap3A_969], %add3A_966 {strides = array<i32>} : memref<4x128xi32, #tpu.memory_space<vmem>>, vector<16xi32>,
    %shift_right_logical3A_971 = arith.constant 12 : i32
    %shift_right_logical3A_972 = vector.broadcast %shift_right_logical3A_971 : i32 to vector<16xi32>
    %shift_right_logical3A_973 = arith.shrui %get3A_938, %shift_right_logical3A_972 : vector<16xi32>
    %and3A_974 = arith.constant 1 : i32
    %and3A_975 = vector.broadcast %and3A_974 : i32 to vector<16xi32>
    %and3A_976 = arith.andi %shift_right_logical3A_973, %and3A_975 : vector<16xi32>
    %shift_left3A_977 = arith.constant 6 : i32
    %shift_left3A_978 = vector.broadcast %shift_left3A_977 : i32 to vector<16xi32>
    %shift_left3A_979 = arith.shli %and3A_976, %shift_left3A_978 : vector<16xi32>
    %swap3A_980 = arith.constant 240 : index
    %swap3A_981 = tpu.vector_load %arg14[%swap3A_980] {strides = array<i32>} : memref<512xi32, #tpu.memory_space<vmem>>, vector<16xi32>,
    tpu.vector_store %arg14[%swap3A_980], %shift_left3A_979 {strides = array<i32>} : memref<512xi32, #tpu.memory_space<vmem>>, vector<16xi32>,
    %shift_right_logical3A_982 = arith.constant 12 : i32
    %shift_right_logical3A_983 = vector.broadcast %shift_right_logical3A_982 : i32 to vector<16xi32>
    %shift_right_logical3A_984 = arith.shrui %get3A_942, %shift_right_logical3A_983 : vector<16xi32>
    %and3A_985 = arith.constant 1 : i32
    %and3A_986 = vector.broadcast %and3A_985 : i32 to vector<16xi32>
    %and3A_987 = arith.andi %shift_right_logical3A_984, %and3A_986 : vector<16xi32>
    %shift_left3A_988 = arith.constant 6 : i32
    %shift_left3A_989 = vector.broadcast %shift_left3A_988 : i32 to vector<16xi32>
    %shift_left3A_990 = arith.shli %and3A_987, %shift_left3A_989 : vector<16xi32>
    %swap3A_991 = arith.constant 240 : index
    %swap3A_992 = tpu.vector_load %arg15[%swap3A_991] {strides = array<i32>} : memref<512xi32, #tpu.memory_space<vmem>>, vector<16xi32>,
    tpu.vector_store %arg15[%swap3A_991], %shift_left3A_990 {strides = array<i32>} : memref<512xi32, #tpu.memory_space<vmem>>, vector<16xi32>,
    %get3A_993 = arith.constant 2 : i32
    %get3A_994 = arith.index_cast %get3A_993 : i32 to index
    %get3A_995 = arith.constant 0 : index
    %get3A_996 = tpu.vector_load %arg10[%get3A_994, %get3A_995] {strides = array<i32>} : memref<4x128xi32, #tpu.memory_space<vmem>>, vector<16xi32>,
    %get3A_997 = arith.constant 2 : i32
    %get3A_998 = arith.index_cast %get3A_997 : i32 to index
    %get3A_999 = arith.constant 0 : index
    %get3A_1000 = tpu.vector_load %arg11[%get3A_998, %get3A_999] {strides = array<i32>} : memref<4x128xi32, #tpu.memory_space<vmem>>, vector<16xi32>,
    %shift_right_logical3A_1001 = arith.constant 13 : i32
    %shift_right_logical3A_1002 = vector.broadcast %shift_right_logical3A_1001 : i32 to vector<16xi32>
    %shift_right_logical3A_1003 = arith.shrui %get3A_996, %shift_right_logical3A_1002 : vector<16xi32>
    %shift_left3A_1004 = arith.constant 12 : i32
    %shift_left3A_1005 = vector.broadcast %shift_left3A_1004 : i32 to vector<16xi32>
    %shift_left3A_1006 = arith.shli %shift_right_logical3A_1003, %shift_left3A_1005 : vector<16xi32>
    %and3A_1007 = arith.constant 4095 : i32
    %and3A_1008 = vector.broadcast %and3A_1007 : i32 to vector<16xi32>
    %and3A_1009 = arith.andi %get3A_996, %and3A_1008 : vector<16xi32>
    %add3A_1010 = arith.addi %shift_left3A_1006, %and3A_1009 : vector<16xi32>
    %swap3A_1011 = arith.constant 2 : i32
    %swap3A_1012 = arith.index_cast %swap3A_1011 : i32 to index
    %swap3A_1013 = arith.constant 0 : index
    %swap3A_1014 = tpu.vector_load %arg12[%swap3A_1012, %swap3A_1013] {strides = array<i32>} : memref<4x128xi32, #tpu.memory_space<vmem>>, vector<16xi32>,
    tpu.vector_store %arg12[%swap3A_1012, %swap3A_1013], %add3A_1010 {strides = array<i32>} : memref<4x128xi32, #tpu.memory_space<vmem>>, vector<16xi32>,
    %shift_right_logical3A_1015 = arith.constant 13 : i32
    %shift_right_logical3A_1016 = vector.broadcast %shift_right_logical3A_1015 : i32 to vector<16xi32>
    %shift_right_logical3A_1017 = arith.shrui %get3A_1000, %shift_right_logical3A_1016 : vector<16xi32>
    %shift_left3A_1018 = arith.constant 12 : i32
    %shift_left3A_1019 = vector.broadcast %shift_left3A_1018 : i32 to vector<16xi32>
    %shift_left3A_1020 = arith.shli %shift_right_logical3A_1017, %shift_left3A_1019 : vector<16xi32>
    %and3A_1021 = arith.constant 4095 : i32
    %and3A_1022 = vector.broadcast %and3A_1021 : i32 to vector<16xi32>
    %and3A_1023 = arith.andi %get3A_1000, %and3A_1022 : vector<16xi32>
    %add3A_1024 = arith.addi %shift_left3A_1020, %and3A_1023 : vector<16xi32>
    %swap3A_1025 = arith.constant 2 : i32
    %swap3A_1026 = arith.index_cast %swap3A_1025 : i32 to index
    %swap3A_1027 = arith.constant 0 : index
    %swap3A_1028 = tpu.vector_load %arg13[%swap3A_1026, %swap3A_1027] {strides = array<i32>} : memref<4x128xi32, #tpu.memory_space<vmem>>, vector<16xi32>,
    tpu.vector_store %arg13[%swap3A_1026, %swap3A_1027], %add3A_1024 {strides = array<i32>} : memref<4x128xi32, #tpu.memory_space<vmem>>, vector<16xi32>,
    %shift_right_logical3A_1029 = arith.constant 12 : i32
    %shift_right_logical3A_1030 = vector.broadcast %shift_right_logical3A_1029 : i32 to vector<16xi32>
    %shift_right_logical3A_1031 = arith.shrui %get3A_996, %shift_right_logical3A_1030 : vector<16xi32>
    %and3A_1032 = arith.constant 1 : i32
    %and3A_1033 = vector.broadcast %and3A_1032 : i32 to vector<16xi32>
    %and3A_1034 = arith.andi %shift_right_logical3A_1031, %and3A_1033 : vector<16xi32>
    %shift_left3A_1035 = arith.constant 6 : i32
    %shift_left3A_1036 = vector.broadcast %shift_left3A_1035 : i32 to vector<16xi32>
    %shift_left3A_1037 = arith.shli %and3A_1034, %shift_left3A_1036 : vector<16xi32>
    %swap3A_1038 = arith.constant 256 : index
    %swap3A_1039 = tpu.vector_load %arg14[%swap3A_1038] {strides = array<i32>} : memref<512xi32, #tpu.memory_space<vmem>>, vector<16xi32>,
    tpu.vector_store %arg14[%swap3A_1038], %shift_left3A_1037 {strides = array<i32>} : memref<512xi32, #tpu.memory_space<vmem>>, vector<16xi32>,
    %shift_right_logical3A_1040 = arith.constant 12 : i32
    %shift_right_logical3A_1041 = vector.broadcast %shift_right_logical3A_1040 : i32 to vector<16xi32>
    %shift_right_logical3A_1042 = arith.shrui %get3A_1000, %shift_right_logical3A_1041 : vector<16xi32>
    %and3A_1043 = arith.constant 1 : i32
    %and3A_1044 = vector.broadcast %and3A_1043 : i32 to vector<16xi32>
    %and3A_1045 = arith.andi %shift_right_logical3A_1042, %and3A_1044 : vector<16xi32>
    %shift_left3A_1046 = arith.constant 6 : i32
    %shift_left3A_1047 = vector.broadcast %shift_left3A_1046 : i32 to vector<16xi32>
    %shift_left3A_1048 = arith.shli %and3A_1045, %shift_left3A_1047 : vector<16xi32>
    %swap3A_1049 = arith.constant 256 : index
    %swap3A_1050 = tpu.vector_load %arg15[%swap3A_1049] {strides = array<i32>} : memref<512xi32, #tpu.memory_space<vmem>>, vector<16xi32>,
    tpu.vector_store %arg15[%swap3A_1049], %shift_left3A_1048 {strides = array<i32>} : memref<512xi32, #tpu.memory_space<vmem>>, vector<16xi32>,
    %get3A_1051 = arith.constant 2 : i32
    %get3A_1052 = arith.index_cast %get3A_1051 : i32 to index
    %get3A_1053 = arith.constant 16 : index
    %get3A_1054 = tpu.vector_load %arg10[%get3A_1052, %get3A_1053] {strides = array<i32>} : memref<4x128xi32, #tpu.memory_space<vmem>>, vector<16xi32>,
    %get3A_1055 = arith.constant 2 : i32
    %get3A_1056 = arith.index_cast %get3A_1055 : i32 to index
    %get3A_1057 = arith.constant 16 : index
    %get3A_1058 = tpu.vector_load %arg11[%get3A_1056, %get3A_1057] {strides = array<i32>} : memref<4x128xi32, #tpu.memory_space<vmem>>, vector<16xi32>,
    %shift_right_logical3A_1059 = arith.constant 13 : i32
    %shift_right_logical3A_1060 = vector.broadcast %shift_right_logical3A_1059 : i32 to vector<16xi32>
    %shift_right_logical3A_1061 = arith.shrui %get3A_1054, %shift_right_logical3A_1060 : vector<16xi32>
    %shift_left3A_1062 = arith.constant 12 : i32
    %shift_left3A_1063 = vector.broadcast %shift_left3A_1062 : i32 to vector<16xi32>
    %shift_left3A_1064 = arith.shli %shift_right_logical3A_1061, %shift_left3A_1063 : vector<16xi32>
    %and3A_1065 = arith.constant 4095 : i32
    %and3A_1066 = vector.broadcast %and3A_1065 : i32 to vector<16xi32>
    %and3A_1067 = arith.andi %get3A_1054, %and3A_1066 : vector<16xi32>
    %add3A_1068 = arith.addi %shift_left3A_1064, %and3A_1067 : vector<16xi32>
    %swap3A_1069 = arith.constant 2 : i32
    %swap3A_1070 = arith.index_cast %swap3A_1069 : i32 to index
    %swap3A_1071 = arith.constant 16 : index
    %swap3A_1072 = tpu.vector_load %arg12[%swap3A_1070, %swap3A_1071] {strides = array<i32>} : memref<4x128xi32, #tpu.memory_space<vmem>>, vector<16xi32>,
    tpu.vector_store %arg12[%swap3A_1070, %swap3A_1071], %add3A_1068 {strides = array<i32>} : memref<4x128xi32, #tpu.memory_space<vmem>>, vector<16xi32>,
    %shift_right_logical3A_1073 = arith.constant 13 : i32
    %shift_right_logical3A_1074 = vector.broadcast %shift_right_logical3A_1073 : i32 to vector<16xi32>
    %shift_right_logical3A_1075 = arith.shrui %get3A_1058, %shift_right_logical3A_1074 : vector<16xi32>
    %shift_left3A_1076 = arith.constant 12 : i32
    %shift_left3A_1077 = vector.broadcast %shift_left3A_1076 : i32 to vector<16xi32>
    %shift_left3A_1078 = arith.shli %shift_right_logical3A_1075, %shift_left3A_1077 : vector<16xi32>
    %and3A_1079 = arith.constant 4095 : i32
    %and3A_1080 = vector.broadcast %and3A_1079 : i32 to vector<16xi32>
    %and3A_1081 = arith.andi %get3A_1058, %and3A_1080 : vector<16xi32>
    %add3A_1082 = arith.addi %shift_left3A_1078, %and3A_1081 : vector<16xi32>
    %swap3A_1083 = arith.constant 2 : i32
    %swap3A_1084 = arith.index_cast %swap3A_1083 : i32 to index
    %swap3A_1085 = arith.constant 16 : index
    %swap3A_1086 = tpu.vector_load %arg13[%swap3A_1084, %swap3A_1085] {strides = array<i32>} : memref<4x128xi32, #tpu.memory_space<vmem>>, vector<16xi32>,
    tpu.vector_store %arg13[%swap3A_1084, %swap3A_1085], %add3A_1082 {strides = array<i32>} : memref<4x128xi32, #tpu.memory_space<vmem>>, vector<16xi32>,
    %shift_right_logical3A_1087 = arith.constant 12 : i32
    %shift_right_logical3A_1088 = vector.broadcast %shift_right_logical3A_1087 : i32 to vector<16xi32>
    %shift_right_logical3A_1089 = arith.shrui %get3A_1054, %shift_right_logical3A_1088 : vector<16xi32>
    %and3A_1090 = arith.constant 1 : i32
    %and3A_1091 = vector.broadcast %and3A_1090 : i32 to vector<16xi32>
    %and3A_1092 = arith.andi %shift_right_logical3A_1089, %and3A_1091 : vector<16xi32>
    %shift_left3A_1093 = arith.constant 6 : i32
    %shift_left3A_1094 = vector.broadcast %shift_left3A_1093 : i32 to vector<16xi32>
    %shift_left3A_1095 = arith.shli %and3A_1092, %shift_left3A_1094 : vector<16xi32>
    %swap3A_1096 = arith.constant 272 : index
    %swap3A_1097 = tpu.vector_load %arg14[%swap3A_1096] {strides = array<i32>} : memref<512xi32, #tpu.memory_space<vmem>>, vector<16xi32>,
    tpu.vector_store %arg14[%swap3A_1096], %shift_left3A_1095 {strides = array<i32>} : memref<512xi32, #tpu.memory_space<vmem>>, vector<16xi32>,
    %shift_right_logical3A_1098 = arith.constant 12 : i32
    %shift_right_logical3A_1099 = vector.broadcast %shift_right_logical3A_1098 : i32 to vector<16xi32>
    %shift_right_logical3A_1100 = arith.shrui %get3A_1058, %shift_right_logical3A_1099 : vector<16xi32>
    %and3A_1101 = arith.constant 1 : i32
    %and3A_1102 = vector.broadcast %and3A_1101 : i32 to vector<16xi32>
    %and3A_1103 = arith.andi %shift_right_logical3A_1100, %and3A_1102 : vector<16xi32>
    %shift_left3A_1104 = arith.constant 6 : i32
    %shift_left3A_1105 = vector.broadcast %shift_left3A_1104 : i32 to vector<16xi32>
    %shift_left3A_1106 = arith.shli %and3A_1103, %shift_left3A_1105 : vector<16xi32>
    %swap3A_1107 = arith.constant 272 : index
    %swap3A_1108 = tpu.vector_load %arg15[%swap3A_1107] {strides = array<i32>} : memref<512xi32, #tpu.memory_space<vmem>>, vector<16xi32>,
    tpu.vector_store %arg15[%swap3A_1107], %shift_left3A_1106 {strides = array<i32>} : memref<512xi32, #tpu.memory_space<vmem>>, vector<16xi32>,
    %get3A_1109 = arith.constant 2 : i32
    %get3A_1110 = arith.index_cast %get3A_1109 : i32 to index
    %get3A_1111 = arith.constant 32 : index
    %get3A_1112 = tpu.vector_load %arg10[%get3A_1110, %get3A_1111] {strides = array<i32>} : memref<4x128xi32, #tpu.memory_space<vmem>>, vector<16xi32>,
    %get3A_1113 = arith.constant 2 : i32
    %get3A_1114 = arith.index_cast %get3A_1113 : i32 to index
    %get3A_1115 = arith.constant 32 : index
    %get3A_1116 = tpu.vector_load %arg11[%get3A_1114, %get3A_1115] {strides = array<i32>} : memref<4x128xi32, #tpu.memory_space<vmem>>, vector<16xi32>,
    %shift_right_logical3A_1117 = arith.constant 13 : i32
    %shift_right_logical3A_1118 = vector.broadcast %shift_right_logical3A_1117 : i32 to vector<16xi32>
    %shift_right_logical3A_1119 = arith.shrui %get3A_1112, %shift_right_logical3A_1118 : vector<16xi32>
    %shift_left3A_1120 = arith.constant 12 : i32
    %shift_left3A_1121 = vector.broadcast %shift_left3A_1120 : i32 to vector<16xi32>
    %shift_left3A_1122 = arith.shli %shift_right_logical3A_1119, %shift_left3A_1121 : vector<16xi32>
    %and3A_1123 = arith.constant 4095 : i32
    %and3A_1124 = vector.broadcast %and3A_1123 : i32 to vector<16xi32>
    %and3A_1125 = arith.andi %get3A_1112, %and3A_1124 : vector<16xi32>
    %add3A_1126 = arith.addi %shift_left3A_1122, %and3A_1125 : vector<16xi32>
    %swap3A_1127 = arith.constant 2 : i32
    %swap3A_1128 = arith.index_cast %swap3A_1127 : i32 to index
    %swap3A_1129 = arith.constant 32 : index
    %swap3A_1130 = tpu.vector_load %arg12[%swap3A_1128, %swap3A_1129] {strides = array<i32>} : memref<4x128xi32, #tpu.memory_space<vmem>>, vector<16xi32>,
    tpu.vector_store %arg12[%swap3A_1128, %swap3A_1129], %add3A_1126 {strides = array<i32>} : memref<4x128xi32, #tpu.memory_space<vmem>>, vector<16xi32>,
    %shift_right_logical3A_1131 = arith.constant 13 : i32
    %shift_right_logical3A_1132 = vector.broadcast %shift_right_logical3A_1131 : i32 to vector<16xi32>
    %shift_right_logical3A_1133 = arith.shrui %get3A_1116, %shift_right_logical3A_1132 : vector<16xi32>
    %shift_left3A_1134 = arith.constant 12 : i32
    %shift_left3A_1135 = vector.broadcast %shift_left3A_1134 : i32 to vector<16xi32>
    %shift_left3A_1136 = arith.shli %shift_right_logical3A_1133, %shift_left3A_1135 : vector<16xi32>
    %and3A_1137 = arith.constant 4095 : i32
    %and3A_1138 = vector.broadcast %and3A_1137 : i32 to vector<16xi32>
    %and3A_1139 = arith.andi %get3A_1116, %and3A_1138 : vector<16xi32>
    %add3A_1140 = arith.addi %shift_left3A_1136, %and3A_1139 : vector<16xi32>
    %swap3A_1141 = arith.constant 2 : i32
    %swap3A_1142 = arith.index_cast %swap3A_1141 : i32 to index
    %swap3A_1143 = arith.constant 32 : index
    %swap3A_1144 = tpu.vector_load %arg13[%swap3A_1142, %swap3A_1143] {strides = array<i32>} : memref<4x128xi32, #tpu.memory_space<vmem>>, vector<16xi32>,
    tpu.vector_store %arg13[%swap3A_1142, %swap3A_1143], %add3A_1140 {strides = array<i32>} : memref<4x128xi32, #tpu.memory_space<vmem>>, vector<16xi32>,
    %shift_right_logical3A_1145 = arith.constant 12 : i32
    %shift_right_logical3A_1146 = vector.broadcast %shift_right_logical3A_1145 : i32 to vector<16xi32>
    %shift_right_logical3A_1147 = arith.shrui %get3A_1112, %shift_right_logical3A_1146 : vector<16xi32>
    %and3A_1148 = arith.constant 1 : i32
    %and3A_1149 = vector.broadcast %and3A_1148 : i32 to vector<16xi32>
    %and3A_1150 = arith.andi %shift_right_logical3A_1147, %and3A_1149 : vector<16xi32>
    %shift_left3A_1151 = arith.constant 6 : i32
    %shift_left3A_1152 = vector.broadcast %shift_left3A_1151 : i32 to vector<16xi32>
    %shift_left3A_1153 = arith.shli %and3A_1150, %shift_left3A_1152 : vector<16xi32>
    %swap3A_1154 = arith.constant 288 : index
    %swap3A_1155 = tpu.vector_load %arg14[%swap3A_1154] {strides = array<i32>} : memref<512xi32, #tpu.memory_space<vmem>>, vector<16xi32>,
    tpu.vector_store %arg14[%swap3A_1154], %shift_left3A_1153 {strides = array<i32>} : memref<512xi32, #tpu.memory_space<vmem>>, vector<16xi32>,
    %shift_right_logical3A_1156 = arith.constant 12 : i32
    %shift_right_logical3A_1157 = vector.broadcast %shift_right_logical3A_1156 : i32 to vector<16xi32>
    %shift_right_logical3A_1158 = arith.shrui %get3A_1116, %shift_right_logical3A_1157 : vector<16xi32>
    %and3A_1159 = arith.constant 1 : i32
    %and3A_1160 = vector.broadcast %and3A_1159 : i32 to vector<16xi32>
    %and3A_1161 = arith.andi %shift_right_logical3A_1158, %and3A_1160 : vector<16xi32>
    %shift_left3A_1162 = arith.constant 6 : i32
    %shift_left3A_1163 = vector.broadcast %shift_left3A_1162 : i32 to vector<16xi32>
    %shift_left3A_1164 = arith.shli %and3A_1161, %shift_left3A_1163 : vector<16xi32>
    %swap3A_1165 = arith.constant 288 : index
    %swap3A_1166 = tpu.vector_load %arg15[%swap3A_1165] {strides = array<i32>} : memref<512xi32, #tpu.memory_space<vmem>>, vector<16xi32>,
    tpu.vector_store %arg15[%swap3A_1165], %shift_left3A_1164 {strides = array<i32>} : memref<512xi32, #tpu.memory_space<vmem>>, vector<16xi32>,
    %get3A_1167 = arith.constant 2 : i32
    %get3A_1168 = arith.index_cast %get3A_1167 : i32 to index
    %get3A_1169 = arith.constant 48 : index
    %get3A_1170 = tpu.vector_load %arg10[%get3A_1168, %get3A_1169] {strides = array<i32>} : memref<4x128xi32, #tpu.memory_space<vmem>>, vector<16xi32>,
    %get3A_1171 = arith.constant 2 : i32
    %get3A_1172 = arith.index_cast %get3A_1171 : i32 to index
    %get3A_1173 = arith.constant 48 : index
    %get3A_1174 = tpu.vector_load %arg11[%get3A_1172, %get3A_1173] {strides = array<i32>} : memref<4x128xi32, #tpu.memory_space<vmem>>, vector<16xi32>,
    %shift_right_logical3A_1175 = arith.constant 13 : i32
    %shift_right_logical3A_1176 = vector.broadcast %shift_right_logical3A_1175 : i32 to vector<16xi32>
    %shift_right_logical3A_1177 = arith.shrui %get3A_1170, %shift_right_logical3A_1176 : vector<16xi32>
    %shift_left3A_1178 = arith.constant 12 : i32
    %shift_left3A_1179 = vector.broadcast %shift_left3A_1178 : i32 to vector<16xi32>
    %shift_left3A_1180 = arith.shli %shift_right_logical3A_1177, %shift_left3A_1179 : vector<16xi32>
    %and3A_1181 = arith.constant 4095 : i32
    %and3A_1182 = vector.broadcast %and3A_1181 : i32 to vector<16xi32>
    %and3A_1183 = arith.andi %get3A_1170, %and3A_1182 : vector<16xi32>
    %add3A_1184 = arith.addi %shift_left3A_1180, %and3A_1183 : vector<16xi32>
    %swap3A_1185 = arith.constant 2 : i32
    %swap3A_1186 = arith.index_cast %swap3A_1185 : i32 to index
    %swap3A_1187 = arith.constant 48 : index
    %swap3A_1188 = tpu.vector_load %arg12[%swap3A_1186, %swap3A_1187] {strides = array<i32>} : memref<4x128xi32, #tpu.memory_space<vmem>>, vector<16xi32>,
    tpu.vector_store %arg12[%swap3A_1186, %swap3A_1187], %add3A_1184 {strides = array<i32>} : memref<4x128xi32, #tpu.memory_space<vmem>>, vector<16xi32>,
    %shift_right_logical3A_1189 = arith.constant 13 : i32
    %shift_right_logical3A_1190 = vector.broadcast %shift_right_logical3A_1189 : i32 to vector<16xi32>
    %shift_right_logical3A_1191 = arith.shrui %get3A_1174, %shift_right_logical3A_1190 : vector<16xi32>
    %shift_left3A_1192 = arith.constant 12 : i32
    %shift_left3A_1193 = vector.broadcast %shift_left3A_1192 : i32 to vector<16xi32>
    %shift_left3A_1194 = arith.shli %shift_right_logical3A_1191, %shift_left3A_1193 : vector<16xi32>
    %and3A_1195 = arith.constant 4095 : i32
    %and3A_1196 = vector.broadcast %and3A_1195 : i32 to vector<16xi32>
    %and3A_1197 = arith.andi %get3A_1174, %and3A_1196 : vector<16xi32>
    %add3A_1198 = arith.addi %shift_left3A_1194, %and3A_1197 : vector<16xi32>
    %swap3A_1199 = arith.constant 2 : i32
    %swap3A_1200 = arith.index_cast %swap3A_1199 : i32 to index
    %swap3A_1201 = arith.constant 48 : index
    %swap3A_1202 = tpu.vector_load %arg13[%swap3A_1200, %swap3A_1201] {strides = array<i32>} : memref<4x128xi32, #tpu.memory_space<vmem>>, vector<16xi32>,
    tpu.vector_store %arg13[%swap3A_1200, %swap3A_1201], %add3A_1198 {strides = array<i32>} : memref<4x128xi32, #tpu.memory_space<vmem>>, vector<16xi32>,
    %shift_right_logical3A_1203 = arith.constant 12 : i32
    %shift_right_logical3A_1204 = vector.broadcast %shift_right_logical3A_1203 : i32 to vector<16xi32>
    %shift_right_logical3A_1205 = arith.shrui %get3A_1170, %shift_right_logical3A_1204 : vector<16xi32>
    %and3A_1206 = arith.constant 1 : i32
    %and3A_1207 = vector.broadcast %and3A_1206 : i32 to vector<16xi32>
    %and3A_1208 = arith.andi %shift_right_logical3A_1205, %and3A_1207 : vector<16xi32>
    %shift_left3A_1209 = arith.constant 6 : i32
    %shift_left3A_1210 = vector.broadcast %shift_left3A_1209 : i32 to vector<16xi32>
    %shift_left3A_1211 = arith.shli %and3A_1208, %shift_left3A_1210 : vector<16xi32>
    %swap3A_1212 = arith.constant 304 : index
    %swap3A_1213 = tpu.vector_load %arg14[%swap3A_1212] {strides = array<i32>} : memref<512xi32, #tpu.memory_space<vmem>>, vector<16xi32>,
    tpu.vector_store %arg14[%swap3A_1212], %shift_left3A_1211 {strides = array<i32>} : memref<512xi32, #tpu.memory_space<vmem>>, vector<16xi32>,
    %shift_right_logical3A_1214 = arith.constant 12 : i32
    %shift_right_logical3A_1215 = vector.broadcast %shift_right_logical3A_1214 : i32 to vector<16xi32>
    %shift_right_logical3A_1216 = arith.shrui %get3A_1174, %shift_right_logical3A_1215 : vector<16xi32>
    %and3A_1217 = arith.constant 1 : i32
    %and3A_1218 = vector.broadcast %and3A_1217 : i32 to vector<16xi32>
    %and3A_1219 = arith.andi %shift_right_logical3A_1216, %and3A_1218 : vector<16xi32>
    %shift_left3A_1220 = arith.constant 6 : i32
    %shift_left3A_1221 = vector.broadcast %shift_left3A_1220 : i32 to vector<16xi32>
    %shift_left3A_1222 = arith.shli %and3A_1219, %shift_left3A_1221 : vector<16xi32>
    %swap3A_1223 = arith.constant 304 : index
    %swap3A_1224 = tpu.vector_load %arg15[%swap3A_1223] {strides = array<i32>} : memref<512xi32, #tpu.memory_space<vmem>>, vector<16xi32>,
    tpu.vector_store %arg15[%swap3A_1223], %shift_left3A_1222 {strides = array<i32>} : memref<512xi32, #tpu.memory_space<vmem>>, vector<16xi32>,
    %get3A_1225 = arith.constant 2 : i32
    %get3A_1226 = arith.index_cast %get3A_1225 : i32 to index
    %get3A_1227 = arith.constant 64 : index
    %get3A_1228 = tpu.vector_load %arg10[%get3A_1226, %get3A_1227] {strides = array<i32>} : memref<4x128xi32, #tpu.memory_space<vmem>>, vector<16xi32>,
    %get3A_1229 = arith.constant 2 : i32
    %get3A_1230 = arith.index_cast %get3A_1229 : i32 to index
    %get3A_1231 = arith.constant 64 : index
    %get3A_1232 = tpu.vector_load %arg11[%get3A_1230, %get3A_1231] {strides = array<i32>} : memref<4x128xi32, #tpu.memory_space<vmem>>, vector<16xi32>,
    %shift_right_logical3A_1233 = arith.constant 13 : i32
    %shift_right_logical3A_1234 = vector.broadcast %shift_right_logical3A_1233 : i32 to vector<16xi32>
    %shift_right_logical3A_1235 = arith.shrui %get3A_1228, %shift_right_logical3A_1234 : vector<16xi32>
    %shift_left3A_1236 = arith.constant 12 : i32
    %shift_left3A_1237 = vector.broadcast %shift_left3A_1236 : i32 to vector<16xi32>
    %shift_left3A_1238 = arith.shli %shift_right_logical3A_1235, %shift_left3A_1237 : vector<16xi32>
    %and3A_1239 = arith.constant 4095 : i32
    %and3A_1240 = vector.broadcast %and3A_1239 : i32 to vector<16xi32>
    %and3A_1241 = arith.andi %get3A_1228, %and3A_1240 : vector<16xi32>
    %add3A_1242 = arith.addi %shift_left3A_1238, %and3A_1241 : vector<16xi32>
    %swap3A_1243 = arith.constant 2 : i32
    %swap3A_1244 = arith.index_cast %swap3A_1243 : i32 to index
    %swap3A_1245 = arith.constant 64 : index
    %swap3A_1246 = tpu.vector_load %arg12[%swap3A_1244, %swap3A_1245] {strides = array<i32>} : memref<4x128xi32, #tpu.memory_space<vmem>>, vector<16xi32>,
    tpu.vector_store %arg12[%swap3A_1244, %swap3A_1245], %add3A_1242 {strides = array<i32>} : memref<4x128xi32, #tpu.memory_space<vmem>>, vector<16xi32>,
    %shift_right_logical3A_1247 = arith.constant 13 : i32
    %shift_right_logical3A_1248 = vector.broadcast %shift_right_logical3A_1247 : i32 to vector<16xi32>
    %shift_right_logical3A_1249 = arith.shrui %get3A_1232, %shift_right_logical3A_1248 : vector<16xi32>
    %shift_left3A_1250 = arith.constant 12 : i32
    %shift_left3A_1251 = vector.broadcast %shift_left3A_1250 : i32 to vector<16xi32>
    %shift_left3A_1252 = arith.shli %shift_right_logical3A_1249, %shift_left3A_1251 : vector<16xi32>
    %and3A_1253 = arith.constant 4095 : i32
    %and3A_1254 = vector.broadcast %and3A_1253 : i32 to vector<16xi32>
    %and3A_1255 = arith.andi %get3A_1232, %and3A_1254 : vector<16xi32>
    %add3A_1256 = arith.addi %shift_left3A_1252, %and3A_1255 : vector<16xi32>
    %swap3A_1257 = arith.constant 2 : i32
    %swap3A_1258 = arith.index_cast %swap3A_1257 : i32 to index
    %swap3A_1259 = arith.constant 64 : index
    %swap3A_1260 = tpu.vector_load %arg13[%swap3A_1258, %swap3A_1259] {strides = array<i32>} : memref<4x128xi32, #tpu.memory_space<vmem>>, vector<16xi32>,
    tpu.vector_store %arg13[%swap3A_1258, %swap3A_1259], %add3A_1256 {strides = array<i32>} : memref<4x128xi32, #tpu.memory_space<vmem>>, vector<16xi32>,
    %shift_right_logical3A_1261 = arith.constant 12 : i32
    %shift_right_logical3A_1262 = vector.broadcast %shift_right_logical3A_1261 : i32 to vector<16xi32>
    %shift_right_logical3A_1263 = arith.shrui %get3A_1228, %shift_right_logical3A_1262 : vector<16xi32>
    %and3A_1264 = arith.constant 1 : i32
    %and3A_1265 = vector.broadcast %and3A_1264 : i32 to vector<16xi32>
    %and3A_1266 = arith.andi %shift_right_logical3A_1263, %and3A_1265 : vector<16xi32>
    %shift_left3A_1267 = arith.constant 6 : i32
    %shift_left3A_1268 = vector.broadcast %shift_left3A_1267 : i32 to vector<16xi32>
    %shift_left3A_1269 = arith.shli %and3A_1266, %shift_left3A_1268 : vector<16xi32>
    %swap3A_1270 = arith.constant 320 : index
    %swap3A_1271 = tpu.vector_load %arg14[%swap3A_1270] {strides = array<i32>} : memref<512xi32, #tpu.memory_space<vmem>>, vector<16xi32>,
    tpu.vector_store %arg14[%swap3A_1270], %shift_left3A_1269 {strides = array<i32>} : memref<512xi32, #tpu.memory_space<vmem>>, vector<16xi32>,
    %shift_right_logical3A_1272 = arith.constant 12 : i32
    %shift_right_logical3A_1273 = vector.broadcast %shift_right_logical3A_1272 : i32 to vector<16xi32>
    %shift_right_logical3A_1274 = arith.shrui %get3A_1232, %shift_right_logical3A_1273 : vector<16xi32>
    %and3A_1275 = arith.constant 1 : i32
    %and3A_1276 = vector.broadcast %and3A_1275 : i32 to vector<16xi32>
    %and3A_1277 = arith.andi %shift_right_logical3A_1274, %and3A_1276 : vector<16xi32>
    %shift_left3A_1278 = arith.constant 6 : i32
    %shift_left3A_1279 = vector.broadcast %shift_left3A_1278 : i32 to vector<16xi32>
    %shift_left3A_1280 = arith.shli %and3A_1277, %shift_left3A_1279 : vector<16xi32>
    %swap3A_1281 = arith.constant 320 : index
    %swap3A_1282 = tpu.vector_load %arg15[%swap3A_1281] {strides = array<i32>} : memref<512xi32, #tpu.memory_space<vmem>>, vector<16xi32>,
    tpu.vector_store %arg15[%swap3A_1281], %shift_left3A_1280 {strides = array<i32>} : memref<512xi32, #tpu.memory_space<vmem>>, vector<16xi32>,
    %get3A_1283 = arith.constant 2 : i32
    %get3A_1284 = arith.index_cast %get3A_1283 : i32 to index
    %get3A_1285 = arith.constant 80 : index
    %get3A_1286 = tpu.vector_load %arg10[%get3A_1284, %get3A_1285] {strides = array<i32>} : memref<4x128xi32, #tpu.memory_space<vmem>>, vector<16xi32>,
    %get3A_1287 = arith.constant 2 : i32
    %get3A_1288 = arith.index_cast %get3A_1287 : i32 to index
    %get3A_1289 = arith.constant 80 : index
    %get3A_1290 = tpu.vector_load %arg11[%get3A_1288, %get3A_1289] {strides = array<i32>} : memref<4x128xi32, #tpu.memory_space<vmem>>, vector<16xi32>,
    %shift_right_logical3A_1291 = arith.constant 13 : i32
    %shift_right_logical3A_1292 = vector.broadcast %shift_right_logical3A_1291 : i32 to vector<16xi32>
    %shift_right_logical3A_1293 = arith.shrui %get3A_1286, %shift_right_logical3A_1292 : vector<16xi32>
    %shift_left3A_1294 = arith.constant 12 : i32
    %shift_left3A_1295 = vector.broadcast %shift_left3A_1294 : i32 to vector<16xi32>
    %shift_left3A_1296 = arith.shli %shift_right_logical3A_1293, %shift_left3A_1295 : vector<16xi32>
    %and3A_1297 = arith.constant 4095 : i32
    %and3A_1298 = vector.broadcast %and3A_1297 : i32 to vector<16xi32>
    %and3A_1299 = arith.andi %get3A_1286, %and3A_1298 : vector<16xi32>
    %add3A_1300 = arith.addi %shift_left3A_1296, %and3A_1299 : vector<16xi32>
    %swap3A_1301 = arith.constant 2 : i32
    %swap3A_1302 = arith.index_cast %swap3A_1301 : i32 to index
    %swap3A_1303 = arith.constant 80 : index
    %swap3A_1304 = tpu.vector_load %arg12[%swap3A_1302, %swap3A_1303] {strides = array<i32>} : memref<4x128xi32, #tpu.memory_space<vmem>>, vector<16xi32>,
    tpu.vector_store %arg12[%swap3A_1302, %swap3A_1303], %add3A_1300 {strides = array<i32>} : memref<4x128xi32, #tpu.memory_space<vmem>>, vector<16xi32>,
    %shift_right_logical3A_1305 = arith.constant 13 : i32
    %shift_right_logical3A_1306 = vector.broadcast %shift_right_logical3A_1305 : i32 to vector<16xi32>
    %shift_right_logical3A_1307 = arith.shrui %get3A_1290, %shift_right_logical3A_1306 : vector<16xi32>
    %shift_left3A_1308 = arith.constant 12 : i32
    %shift_left3A_1309 = vector.broadcast %shift_left3A_1308 : i32 to vector<16xi32>
    %shift_left3A_1310 = arith.shli %shift_right_logical3A_1307, %shift_left3A_1309 : vector<16xi32>
    %and3A_1311 = arith.constant 4095 : i32
    %and3A_1312 = vector.broadcast %and3A_1311 : i32 to vector<16xi32>
    %and3A_1313 = arith.andi %get3A_1290, %and3A_1312 : vector<16xi32>
    %add3A_1314 = arith.addi %shift_left3A_1310, %and3A_1313 : vector<16xi32>
    %swap3A_1315 = arith.constant 2 : i32
    %swap3A_1316 = arith.index_cast %swap3A_1315 : i32 to index
    %swap3A_1317 = arith.constant 80 : index
    %swap3A_1318 = tpu.vector_load %arg13[%swap3A_1316, %swap3A_1317] {strides = array<i32>} : memref<4x128xi32, #tpu.memory_space<vmem>>, vector<16xi32>,
    tpu.vector_store %arg13[%swap3A_1316, %swap3A_1317], %add3A_1314 {strides = array<i32>} : memref<4x128xi32, #tpu.memory_space<vmem>>, vector<16xi32>,
    %shift_right_logical3A_1319 = arith.constant 12 : i32
    %shift_right_logical3A_1320 = vector.broadcast %shift_right_logical3A_1319 : i32 to vector<16xi32>
    %shift_right_logical3A_1321 = arith.shrui %get3A_1286, %shift_right_logical3A_1320 : vector<16xi32>
    %and3A_1322 = arith.constant 1 : i32
    %and3A_1323 = vector.broadcast %and3A_1322 : i32 to vector<16xi32>
    %and3A_1324 = arith.andi %shift_right_logical3A_1321, %and3A_1323 : vector<16xi32>
    %shift_left3A_1325 = arith.constant 6 : i32
    %shift_left3A_1326 = vector.broadcast %shift_left3A_1325 : i32 to vector<16xi32>
    %shift_left3A_1327 = arith.shli %and3A_1324, %shift_left3A_1326 : vector<16xi32>
    %swap3A_1328 = arith.constant 336 : index
    %swap3A_1329 = tpu.vector_load %arg14[%swap3A_1328] {strides = array<i32>} : memref<512xi32, #tpu.memory_space<vmem>>, vector<16xi32>,
    tpu.vector_store %arg14[%swap3A_1328], %shift_left3A_1327 {strides = array<i32>} : memref<512xi32, #tpu.memory_space<vmem>>, vector<16xi32>,
    %shift_right_logical3A_1330 = arith.constant 12 : i32
    %shift_right_logical3A_1331 = vector.broadcast %shift_right_logical3A_1330 : i32 to vector<16xi32>
    %shift_right_logical3A_1332 = arith.shrui %get3A_1290, %shift_right_logical3A_1331 : vector<16xi32>
    %and3A_1333 = arith.constant 1 : i32
    %and3A_1334 = vector.broadcast %and3A_1333 : i32 to vector<16xi32>
    %and3A_1335 = arith.andi %shift_right_logical3A_1332, %and3A_1334 : vector<16xi32>
    %shift_left3A_1336 = arith.constant 6 : i32
    %shift_left3A_1337 = vector.broadcast %shift_left3A_1336 : i32 to vector<16xi32>
    %shift_left3A_1338 = arith.shli %and3A_1335, %shift_left3A_1337 : vector<16xi32>
    %swap3A_1339 = arith.constant 336 : index
    %swap3A_1340 = tpu.vector_load %arg15[%swap3A_1339] {strides = array<i32>} : memref<512xi32, #tpu.memory_space<vmem>>, vector<16xi32>,
    tpu.vector_store %arg15[%swap3A_1339], %shift_left3A_1338 {strides = array<i32>} : memref<512xi32, #tpu.memory_space<vmem>>, vector<16xi32>,
    %get3A_1341 = arith.constant 2 : i32
    %get3A_1342 = arith.index_cast %get3A_1341 : i32 to index
    %get3A_1343 = arith.constant 96 : index
    %get3A_1344 = tpu.vector_load %arg10[%get3A_1342, %get3A_1343] {strides = array<i32>} : memref<4x128xi32, #tpu.memory_space<vmem>>, vector<16xi32>,
    %get3A_1345 = arith.constant 2 : i32
    %get3A_1346 = arith.index_cast %get3A_1345 : i32 to index
    %get3A_1347 = arith.constant 96 : index
    %get3A_1348 = tpu.vector_load %arg11[%get3A_1346, %get3A_1347] {strides = array<i32>} : memref<4x128xi32, #tpu.memory_space<vmem>>, vector<16xi32>,
    %shift_right_logical3A_1349 = arith.constant 13 : i32
    %shift_right_logical3A_1350 = vector.broadcast %shift_right_logical3A_1349 : i32 to vector<16xi32>
    %shift_right_logical3A_1351 = arith.shrui %get3A_1344, %shift_right_logical3A_1350 : vector<16xi32>
    %shift_left3A_1352 = arith.constant 12 : i32
    %shift_left3A_1353 = vector.broadcast %shift_left3A_1352 : i32 to vector<16xi32>
    %shift_left3A_1354 = arith.shli %shift_right_logical3A_1351, %shift_left3A_1353 : vector<16xi32>
    %and3A_1355 = arith.constant 4095 : i32
    %and3A_1356 = vector.broadcast %and3A_1355 : i32 to vector<16xi32>
    %and3A_1357 = arith.andi %get3A_1344, %and3A_1356 : vector<16xi32>
    %add3A_1358 = arith.addi %shift_left3A_1354, %and3A_1357 : vector<16xi32>
    %swap3A_1359 = arith.constant 2 : i32
    %swap3A_1360 = arith.index_cast %swap3A_1359 : i32 to index
    %swap3A_1361 = arith.constant 96 : index
    %swap3A_1362 = tpu.vector_load %arg12[%swap3A_1360, %swap3A_1361] {strides = array<i32>} : memref<4x128xi32, #tpu.memory_space<vmem>>, vector<16xi32>,
    tpu.vector_store %arg12[%swap3A_1360, %swap3A_1361], %add3A_1358 {strides = array<i32>} : memref<4x128xi32, #tpu.memory_space<vmem>>, vector<16xi32>,
    %shift_right_logical3A_1363 = arith.constant 13 : i32
    %shift_right_logical3A_1364 = vector.broadcast %shift_right_logical3A_1363 : i32 to vector<16xi32>
    %shift_right_logical3A_1365 = arith.shrui %get3A_1348, %shift_right_logical3A_1364 : vector<16xi32>
    %shift_left3A_1366 = arith.constant 12 : i32
    %shift_left3A_1367 = vector.broadcast %shift_left3A_1366 : i32 to vector<16xi32>
    %shift_left3A_1368 = arith.shli %shift_right_logical3A_1365, %shift_left3A_1367 : vector<16xi32>
    %and3A_1369 = arith.constant 4095 : i32
    %and3A_1370 = vector.broadcast %and3A_1369 : i32 to vector<16xi32>
    %and3A_1371 = arith.andi %get3A_1348, %and3A_1370 : vector<16xi32>
    %add3A_1372 = arith.addi %shift_left3A_1368, %and3A_1371 : vector<16xi32>
    %swap3A_1373 = arith.constant 2 : i32
    %swap3A_1374 = arith.index_cast %swap3A_1373 : i32 to index
    %swap3A_1375 = arith.constant 96 : index
    %swap3A_1376 = tpu.vector_load %arg13[%swap3A_1374, %swap3A_1375] {strides = array<i32>} : memref<4x128xi32, #tpu.memory_space<vmem>>, vector<16xi32>,
    tpu.vector_store %arg13[%swap3A_1374, %swap3A_1375], %add3A_1372 {strides = array<i32>} : memref<4x128xi32, #tpu.memory_space<vmem>>, vector<16xi32>,
    %shift_right_logical3A_1377 = arith.constant 12 : i32
    %shift_right_logical3A_1378 = vector.broadcast %shift_right_logical3A_1377 : i32 to vector<16xi32>
    %shift_right_logical3A_1379 = arith.shrui %get3A_1344, %shift_right_logical3A_1378 : vector<16xi32>
    %and3A_1380 = arith.constant 1 : i32
    %and3A_1381 = vector.broadcast %and3A_1380 : i32 to vector<16xi32>
    %and3A_1382 = arith.andi %shift_right_logical3A_1379, %and3A_1381 : vector<16xi32>
    %shift_left3A_1383 = arith.constant 6 : i32
    %shift_left3A_1384 = vector.broadcast %shift_left3A_1383 : i32 to vector<16xi32>
    %shift_left3A_1385 = arith.shli %and3A_1382, %shift_left3A_1384 : vector<16xi32>
    %swap3A_1386 = arith.constant 352 : index
    %swap3A_1387 = tpu.vector_load %arg14[%swap3A_1386] {strides = array<i32>} : memref<512xi32, #tpu.memory_space<vmem>>, vector<16xi32>,
    tpu.vector_store %arg14[%swap3A_1386], %shift_left3A_1385 {strides = array<i32>} : memref<512xi32, #tpu.memory_space<vmem>>, vector<16xi32>,
    %shift_right_logical3A_1388 = arith.constant 12 : i32
    %shift_right_logical3A_1389 = vector.broadcast %shift_right_logical3A_1388 : i32 to vector<16xi32>
    %shift_right_logical3A_1390 = arith.shrui %get3A_1348, %shift_right_logical3A_1389 : vector<16xi32>
    %and3A_1391 = arith.constant 1 : i32
    %and3A_1392 = vector.broadcast %and3A_1391 : i32 to vector<16xi32>
    %and3A_1393 = arith.andi %shift_right_logical3A_1390, %and3A_1392 : vector<16xi32>
    %shift_left3A_1394 = arith.constant 6 : i32
    %shift_left3A_1395 = vector.broadcast %shift_left3A_1394 : i32 to vector<16xi32>
    %shift_left3A_1396 = arith.shli %and3A_1393, %shift_left3A_1395 : vector<16xi32>
    %swap3A_1397 = arith.constant 352 : index
    %swap3A_1398 = tpu.vector_load %arg15[%swap3A_1397] {strides = array<i32>} : memref<512xi32, #tpu.memory_space<vmem>>, vector<16xi32>,
    tpu.vector_store %arg15[%swap3A_1397], %shift_left3A_1396 {strides = array<i32>} : memref<512xi32, #tpu.memory_space<vmem>>, vector<16xi32>,
    %get3A_1399 = arith.constant 2 : i32
    %get3A_1400 = arith.index_cast %get3A_1399 : i32 to index
    %get3A_1401 = arith.constant 112 : index
    %get3A_1402 = tpu.vector_load %arg10[%get3A_1400, %get3A_1401] {strides = array<i32>} : memref<4x128xi32, #tpu.memory_space<vmem>>, vector<16xi32>,
    %get3A_1403 = arith.constant 2 : i32
    %get3A_1404 = arith.index_cast %get3A_1403 : i32 to index
    %get3A_1405 = arith.constant 112 : index
    %get3A_1406 = tpu.vector_load %arg11[%get3A_1404, %get3A_1405] {strides = array<i32>} : memref<4x128xi32, #tpu.memory_space<vmem>>, vector<16xi32>,
    %shift_right_logical3A_1407 = arith.constant 13 : i32
    %shift_right_logical3A_1408 = vector.broadcast %shift_right_logical3A_1407 : i32 to vector<16xi32>
    %shift_right_logical3A_1409 = arith.shrui %get3A_1402, %shift_right_logical3A_1408 : vector<16xi32>
    %shift_left3A_1410 = arith.constant 12 : i32
    %shift_left3A_1411 = vector.broadcast %shift_left3A_1410 : i32 to vector<16xi32>
    %shift_left3A_1412 = arith.shli %shift_right_logical3A_1409, %shift_left3A_1411 : vector<16xi32>
    %and3A_1413 = arith.constant 4095 : i32
    %and3A_1414 = vector.broadcast %and3A_1413 : i32 to vector<16xi32>
    %and3A_1415 = arith.andi %get3A_1402, %and3A_1414 : vector<16xi32>
    %add3A_1416 = arith.addi %shift_left3A_1412, %and3A_1415 : vector<16xi32>
    %swap3A_1417 = arith.constant 2 : i32
    %swap3A_1418 = arith.index_cast %swap3A_1417 : i32 to index
    %swap3A_1419 = arith.constant 112 : index
    %swap3A_1420 = tpu.vector_load %arg12[%swap3A_1418, %swap3A_1419] {strides = array<i32>} : memref<4x128xi32, #tpu.memory_space<vmem>>, vector<16xi32>,
    tpu.vector_store %arg12[%swap3A_1418, %swap3A_1419], %add3A_1416 {strides = array<i32>} : memref<4x128xi32, #tpu.memory_space<vmem>>, vector<16xi32>,
    %shift_right_logical3A_1421 = arith.constant 13 : i32
    %shift_right_logical3A_1422 = vector.broadcast %shift_right_logical3A_1421 : i32 to vector<16xi32>
    %shift_right_logical3A_1423 = arith.shrui %get3A_1406, %shift_right_logical3A_1422 : vector<16xi32>
    %shift_left3A_1424 = arith.constant 12 : i32
    %shift_left3A_1425 = vector.broadcast %shift_left3A_1424 : i32 to vector<16xi32>
    %shift_left3A_1426 = arith.shli %shift_right_logical3A_1423, %shift_left3A_1425 : vector<16xi32>
    %and3A_1427 = arith.constant 4095 : i32
    %and3A_1428 = vector.broadcast %and3A_1427 : i32 to vector<16xi32>
    %and3A_1429 = arith.andi %get3A_1406, %and3A_1428 : vector<16xi32>
    %add3A_1430 = arith.addi %shift_left3A_1426, %and3A_1429 : vector<16xi32>
    %swap3A_1431 = arith.constant 2 : i32
    %swap3A_1432 = arith.index_cast %swap3A_1431 : i32 to index
    %swap3A_1433 = arith.constant 112 : index
    %swap3A_1434 = tpu.vector_load %arg13[%swap3A_1432, %swap3A_1433] {strides = array<i32>} : memref<4x128xi32, #tpu.memory_space<vmem>>, vector<16xi32>,
    tpu.vector_store %arg13[%swap3A_1432, %swap3A_1433], %add3A_1430 {strides = array<i32>} : memref<4x128xi32, #tpu.memory_space<vmem>>, vector<16xi32>,
    %shift_right_logical3A_1435 = arith.constant 12 : i32
    %shift_right_logical3A_1436 = vector.broadcast %shift_right_logical3A_1435 : i32 to vector<16xi32>
    %shift_right_logical3A_1437 = arith.shrui %get3A_1402, %shift_right_logical3A_1436 : vector<16xi32>
    %and3A_1438 = arith.constant 1 : i32
    %and3A_1439 = vector.broadcast %and3A_1438 : i32 to vector<16xi32>
    %and3A_1440 = arith.andi %shift_right_logical3A_1437, %and3A_1439 : vector<16xi32>
    %shift_left3A_1441 = arith.constant 6 : i32
    %shift_left3A_1442 = vector.broadcast %shift_left3A_1441 : i32 to vector<16xi32>
    %shift_left3A_1443 = arith.shli %and3A_1440, %shift_left3A_1442 : vector<16xi32>
    %swap3A_1444 = arith.constant 368 : index
    %swap3A_1445 = tpu.vector_load %arg14[%swap3A_1444] {strides = array<i32>} : memref<512xi32, #tpu.memory_space<vmem>>, vector<16xi32>,
    tpu.vector_store %arg14[%swap3A_1444], %shift_left3A_1443 {strides = array<i32>} : memref<512xi32, #tpu.memory_space<vmem>>, vector<16xi32>,
    %shift_right_logical3A_1446 = arith.constant 12 : i32
    %shift_right_logical3A_1447 = vector.broadcast %shift_right_logical3A_1446 : i32 to vector<16xi32>
    %shift_right_logical3A_1448 = arith.shrui %get3A_1406, %shift_right_logical3A_1447 : vector<16xi32>
    %and3A_1449 = arith.constant 1 : i32
    %and3A_1450 = vector.broadcast %and3A_1449 : i32 to vector<16xi32>
    %and3A_1451 = arith.andi %shift_right_logical3A_1448, %and3A_1450 : vector<16xi32>
    %shift_left3A_1452 = arith.constant 6 : i32
    %shift_left3A_1453 = vector.broadcast %shift_left3A_1452 : i32 to vector<16xi32>
    %shift_left3A_1454 = arith.shli %and3A_1451, %shift_left3A_1453 : vector<16xi32>
    %swap3A_1455 = arith.constant 368 : index
    %swap3A_1456 = tpu.vector_load %arg15[%swap3A_1455] {strides = array<i32>} : memref<512xi32, #tpu.memory_space<vmem>>, vector<16xi32>,
    tpu.vector_store %arg15[%swap3A_1455], %shift_left3A_1454 {strides = array<i32>} : memref<512xi32, #tpu.memory_space<vmem>>, vector<16xi32>,
    %get3A_1457 = arith.constant 3 : i32
    %get3A_1458 = arith.index_cast %get3A_1457 : i32 to index
    %get3A_1459 = arith.constant 0 : index
    %get3A_1460 = tpu.vector_load %arg10[%get3A_1458, %get3A_1459] {strides = array<i32>} : memref<4x128xi32, #tpu.memory_space<vmem>>, vector<16xi32>,
    %get3A_1461 = arith.constant 3 : i32
    %get3A_1462 = arith.index_cast %get3A_1461 : i32 to index
    %get3A_1463 = arith.constant 0 : index
    %get3A_1464 = tpu.vector_load %arg11[%get3A_1462, %get3A_1463] {strides = array<i32>} : memref<4x128xi32, #tpu.memory_space<vmem>>, vector<16xi32>,
    %shift_right_logical3A_1465 = arith.constant 13 : i32
    %shift_right_logical3A_1466 = vector.broadcast %shift_right_logical3A_1465 : i32 to vector<16xi32>
    %shift_right_logical3A_1467 = arith.shrui %get3A_1460, %shift_right_logical3A_1466 : vector<16xi32>
    %shift_left3A_1468 = arith.constant 12 : i32
    %shift_left3A_1469 = vector.broadcast %shift_left3A_1468 : i32 to vector<16xi32>
    %shift_left3A_1470 = arith.shli %shift_right_logical3A_1467, %shift_left3A_1469 : vector<16xi32>
    %and3A_1471 = arith.constant 4095 : i32
    %and3A_1472 = vector.broadcast %and3A_1471 : i32 to vector<16xi32>
    %and3A_1473 = arith.andi %get3A_1460, %and3A_1472 : vector<16xi32>
    %add3A_1474 = arith.addi %shift_left3A_1470, %and3A_1473 : vector<16xi32>
    %swap3A_1475 = arith.constant 3 : i32
    %swap3A_1476 = arith.index_cast %swap3A_1475 : i32 to index
    %swap3A_1477 = arith.constant 0 : index
    %swap3A_1478 = tpu.vector_load %arg12[%swap3A_1476, %swap3A_1477] {strides = array<i32>} : memref<4x128xi32, #tpu.memory_space<vmem>>, vector<16xi32>,
    tpu.vector_store %arg12[%swap3A_1476, %swap3A_1477], %add3A_1474 {strides = array<i32>} : memref<4x128xi32, #tpu.memory_space<vmem>>, vector<16xi32>,
    %shift_right_logical3A_1479 = arith.constant 13 : i32
    %shift_right_logical3A_1480 = vector.broadcast %shift_right_logical3A_1479 : i32 to vector<16xi32>
    %shift_right_logical3A_1481 = arith.shrui %get3A_1464, %shift_right_logical3A_1480 : vector<16xi32>
    %shift_left3A_1482 = arith.constant 12 : i32
    %shift_left3A_1483 = vector.broadcast %shift_left3A_1482 : i32 to vector<16xi32>
    %shift_left3A_1484 = arith.shli %shift_right_logical3A_1481, %shift_left3A_1483 : vector<16xi32>
    %and3A_1485 = arith.constant 4095 : i32
    %and3A_1486 = vector.broadcast %and3A_1485 : i32 to vector<16xi32>
    %and3A_1487 = arith.andi %get3A_1464, %and3A_1486 : vector<16xi32>
    %add3A_1488 = arith.addi %shift_left3A_1484, %and3A_1487 : vector<16xi32>
    %swap3A_1489 = arith.constant 3 : i32
    %swap3A_1490 = arith.index_cast %swap3A_1489 : i32 to index
    %swap3A_1491 = arith.constant 0 : index
    %swap3A_1492 = tpu.vector_load %arg13[%swap3A_1490, %swap3A_1491] {strides = array<i32>} : memref<4x128xi32, #tpu.memory_space<vmem>>, vector<16xi32>,
    tpu.vector_store %arg13[%swap3A_1490, %swap3A_1491], %add3A_1488 {strides = array<i32>} : memref<4x128xi32, #tpu.memory_space<vmem>>, vector<16xi32>,
    %shift_right_logical3A_1493 = arith.constant 12 : i32
    %shift_right_logical3A_1494 = vector.broadcast %shift_right_logical3A_1493 : i32 to vector<16xi32>
    %shift_right_logical3A_1495 = arith.shrui %get3A_1460, %shift_right_logical3A_1494 : vector<16xi32>
    %and3A_1496 = arith.constant 1 : i32
    %and3A_1497 = vector.broadcast %and3A_1496 : i32 to vector<16xi32>
    %and3A_1498 = arith.andi %shift_right_logical3A_1495, %and3A_1497 : vector<16xi32>
    %shift_left3A_1499 = arith.constant 6 : i32
    %shift_left3A_1500 = vector.broadcast %shift_left3A_1499 : i32 to vector<16xi32>
    %shift_left3A_1501 = arith.shli %and3A_1498, %shift_left3A_1500 : vector<16xi32>
    %swap3A_1502 = arith.constant 384 : index
    %swap3A_1503 = tpu.vector_load %arg14[%swap3A_1502] {strides = array<i32>} : memref<512xi32, #tpu.memory_space<vmem>>, vector<16xi32>,
    tpu.vector_store %arg14[%swap3A_1502], %shift_left3A_1501 {strides = array<i32>} : memref<512xi32, #tpu.memory_space<vmem>>, vector<16xi32>,
    %shift_right_logical3A_1504 = arith.constant 12 : i32
    %shift_right_logical3A_1505 = vector.broadcast %shift_right_logical3A_1504 : i32 to vector<16xi32>
    %shift_right_logical3A_1506 = arith.shrui %get3A_1464, %shift_right_logical3A_1505 : vector<16xi32>
    %and3A_1507 = arith.constant 1 : i32
    %and3A_1508 = vector.broadcast %and3A_1507 : i32 to vector<16xi32>
    %and3A_1509 = arith.andi %shift_right_logical3A_1506, %and3A_1508 : vector<16xi32>
    %shift_left3A_1510 = arith.constant 6 : i32
    %shift_left3A_1511 = vector.broadcast %shift_left3A_1510 : i32 to vector<16xi32>
    %shift_left3A_1512 = arith.shli %and3A_1509, %shift_left3A_1511 : vector<16xi32>
    %swap3A_1513 = arith.constant 384 : index
    %swap3A_1514 = tpu.vector_load %arg15[%swap3A_1513] {strides = array<i32>} : memref<512xi32, #tpu.memory_space<vmem>>, vector<16xi32>,
    tpu.vector_store %arg15[%swap3A_1513], %shift_left3A_1512 {strides = array<i32>} : memref<512xi32, #tpu.memory_space<vmem>>, vector<16xi32>,
    %get3A_1515 = arith.constant 3 : i32
    %get3A_1516 = arith.index_cast %get3A_1515 : i32 to index
    %get3A_1517 = arith.constant 16 : index
    %get3A_1518 = tpu.vector_load %arg10[%get3A_1516, %get3A_1517] {strides = array<i32>} : memref<4x128xi32, #tpu.memory_space<vmem>>, vector<16xi32>,
    %get3A_1519 = arith.constant 3 : i32
    %get3A_1520 = arith.index_cast %get3A_1519 : i32 to index
    %get3A_1521 = arith.constant 16 : index
    %get3A_1522 = tpu.vector_load %arg11[%get3A_1520, %get3A_1521] {strides = array<i32>} : memref<4x128xi32, #tpu.memory_space<vmem>>, vector<16xi32>,
    %shift_right_logical3A_1523 = arith.constant 13 : i32
    %shift_right_logical3A_1524 = vector.broadcast %shift_right_logical3A_1523 : i32 to vector<16xi32>
    %shift_right_logical3A_1525 = arith.shrui %get3A_1518, %shift_right_logical3A_1524 : vector<16xi32>
    %shift_left3A_1526 = arith.constant 12 : i32
    %shift_left3A_1527 = vector.broadcast %shift_left3A_1526 : i32 to vector<16xi32>
    %shift_left3A_1528 = arith.shli %shift_right_logical3A_1525, %shift_left3A_1527 : vector<16xi32>
    %and3A_1529 = arith.constant 4095 : i32
    %and3A_1530 = vector.broadcast %and3A_1529 : i32 to vector<16xi32>
    %and3A_1531 = arith.andi %get3A_1518, %and3A_1530 : vector<16xi32>
    %add3A_1532 = arith.addi %shift_left3A_1528, %and3A_1531 : vector<16xi32>
    %swap3A_1533 = arith.constant 3 : i32
    %swap3A_1534 = arith.index_cast %swap3A_1533 : i32 to index
    %swap3A_1535 = arith.constant 16 : index
    %swap3A_1536 = tpu.vector_load %arg12[%swap3A_1534, %swap3A_1535] {strides = array<i32>} : memref<4x128xi32, #tpu.memory_space<vmem>>, vector<16xi32>,
    tpu.vector_store %arg12[%swap3A_1534, %swap3A_1535], %add3A_1532 {strides = array<i32>} : memref<4x128xi32, #tpu.memory_space<vmem>>, vector<16xi32>,
    %shift_right_logical3A_1537 = arith.constant 13 : i32
    %shift_right_logical3A_1538 = vector.broadcast %shift_right_logical3A_1537 : i32 to vector<16xi32>
    %shift_right_logical3A_1539 = arith.shrui %get3A_1522, %shift_right_logical3A_1538 : vector<16xi32>
    %shift_left3A_1540 = arith.constant 12 : i32
    %shift_left3A_1541 = vector.broadcast %shift_left3A_1540 : i32 to vector<16xi32>
    %shift_left3A_1542 = arith.shli %shift_right_logical3A_1539, %shift_left3A_1541 : vector<16xi32>
    %and3A_1543 = arith.constant 4095 : i32
    %and3A_1544 = vector.broadcast %and3A_1543 : i32 to vector<16xi32>
    %and3A_1545 = arith.andi %get3A_1522, %and3A_1544 : vector<16xi32>
    %add3A_1546 = arith.addi %shift_left3A_1542, %and3A_1545 : vector<16xi32>
    %swap3A_1547 = arith.constant 3 : i32
    %swap3A_1548 = arith.index_cast %swap3A_1547 : i32 to index
    %swap3A_1549 = arith.constant 16 : index
    %swap3A_1550 = tpu.vector_load %arg13[%swap3A_1548, %swap3A_1549] {strides = array<i32>} : memref<4x128xi32, #tpu.memory_space<vmem>>, vector<16xi32>,
    tpu.vector_store %arg13[%swap3A_1548, %swap3A_1549], %add3A_1546 {strides = array<i32>} : memref<4x128xi32, #tpu.memory_space<vmem>>, vector<16xi32>,
    %shift_right_logical3A_1551 = arith.constant 12 : i32
    %shift_right_logical3A_1552 = vector.broadcast %shift_right_logical3A_1551 : i32 to vector<16xi32>
    %shift_right_logical3A_1553 = arith.shrui %get3A_1518, %shift_right_logical3A_1552 : vector<16xi32>
    %and3A_1554 = arith.constant 1 : i32
    %and3A_1555 = vector.broadcast %and3A_1554 : i32 to vector<16xi32>
    %and3A_1556 = arith.andi %shift_right_logical3A_1553, %and3A_1555 : vector<16xi32>
    %shift_left3A_1557 = arith.constant 6 : i32
    %shift_left3A_1558 = vector.broadcast %shift_left3A_1557 : i32 to vector<16xi32>
    %shift_left3A_1559 = arith.shli %and3A_1556, %shift_left3A_1558 : vector<16xi32>
    %swap3A_1560 = arith.constant 400 : index
    %swap3A_1561 = tpu.vector_load %arg14[%swap3A_1560] {strides = array<i32>} : memref<512xi32, #tpu.memory_space<vmem>>, vector<16xi32>,
    tpu.vector_store %arg14[%swap3A_1560], %shift_left3A_1559 {strides = array<i32>} : memref<512xi32, #tpu.memory_space<vmem>>, vector<16xi32>,
    %shift_right_logical3A_1562 = arith.constant 12 : i32
    %shift_right_logical3A_1563 = vector.broadcast %shift_right_logical3A_1562 : i32 to vector<16xi32>
    %shift_right_logical3A_1564 = arith.shrui %get3A_1522, %shift_right_logical3A_1563 : vector<16xi32>
    %and3A_1565 = arith.constant 1 : i32
    %and3A_1566 = vector.broadcast %and3A_1565 : i32 to vector<16xi32>
    %and3A_1567 = arith.andi %shift_right_logical3A_1564, %and3A_1566 : vector<16xi32>
    %shift_left3A_1568 = arith.constant 6 : i32
    %shift_left3A_1569 = vector.broadcast %shift_left3A_1568 : i32 to vector<16xi32>
    %shift_left3A_1570 = arith.shli %and3A_1567, %shift_left3A_1569 : vector<16xi32>
    %swap3A_1571 = arith.constant 400 : index
    %swap3A_1572 = tpu.vector_load %arg15[%swap3A_1571] {strides = array<i32>} : memref<512xi32, #tpu.memory_space<vmem>>, vector<16xi32>,
    tpu.vector_store %arg15[%swap3A_1571], %shift_left3A_1570 {strides = array<i32>} : memref<512xi32, #tpu.memory_space<vmem>>, vector<16xi32>,
    %get3A_1573 = arith.constant 3 : i32
    %get3A_1574 = arith.index_cast %get3A_1573 : i32 to index
    %get3A_1575 = arith.constant 32 : index
    %get3A_1576 = tpu.vector_load %arg10[%get3A_1574, %get3A_1575] {strides = array<i32>} : memref<4x128xi32, #tpu.memory_space<vmem>>, vector<16xi32>,
    %get3A_1577 = arith.constant 3 : i32
    %get3A_1578 = arith.index_cast %get3A_1577 : i32 to index
    %get3A_1579 = arith.constant 32 : index
    %get3A_1580 = tpu.vector_load %arg11[%get3A_1578, %get3A_1579] {strides = array<i32>} : memref<4x128xi32, #tpu.memory_space<vmem>>, vector<16xi32>,
    %shift_right_logical3A_1581 = arith.constant 13 : i32
    %shift_right_logical3A_1582 = vector.broadcast %shift_right_logical3A_1581 : i32 to vector<16xi32>
    %shift_right_logical3A_1583 = arith.shrui %get3A_1576, %shift_right_logical3A_1582 : vector<16xi32>
    %shift_left3A_1584 = arith.constant 12 : i32
    %shift_left3A_1585 = vector.broadcast %shift_left3A_1584 : i32 to vector<16xi32>
    %shift_left3A_1586 = arith.shli %shift_right_logical3A_1583, %shift_left3A_1585 : vector<16xi32>
    %and3A_1587 = arith.constant 4095 : i32
    %and3A_1588 = vector.broadcast %and3A_1587 : i32 to vector<16xi32>
    %and3A_1589 = arith.andi %get3A_1576, %and3A_1588 : vector<16xi32>
    %add3A_1590 = arith.addi %shift_left3A_1586, %and3A_1589 : vector<16xi32>
    %swap3A_1591 = arith.constant 3 : i32
    %swap3A_1592 = arith.index_cast %swap3A_1591 : i32 to index
    %swap3A_1593 = arith.constant 32 : index
    %swap3A_1594 = tpu.vector_load %arg12[%swap3A_1592, %swap3A_1593] {strides = array<i32>} : memref<4x128xi32, #tpu.memory_space<vmem>>, vector<16xi32>,
    tpu.vector_store %arg12[%swap3A_1592, %swap3A_1593], %add3A_1590 {strides = array<i32>} : memref<4x128xi32, #tpu.memory_space<vmem>>, vector<16xi32>,
    %shift_right_logical3A_1595 = arith.constant 13 : i32
    %shift_right_logical3A_1596 = vector.broadcast %shift_right_logical3A_1595 : i32 to vector<16xi32>
    %shift_right_logical3A_1597 = arith.shrui %get3A_1580, %shift_right_logical3A_1596 : vector<16xi32>
    %shift_left3A_1598 = arith.constant 12 : i32
    %shift_left3A_1599 = vector.broadcast %shift_left3A_1598 : i32 to vector<16xi32>
    %shift_left3A_1600 = arith.shli %shift_right_logical3A_1597, %shift_left3A_1599 : vector<16xi32>
    %and3A_1601 = arith.constant 4095 : i32
    %and3A_1602 = vector.broadcast %and3A_1601 : i32 to vector<16xi32>
    %and3A_1603 = arith.andi %get3A_1580, %and3A_1602 : vector<16xi32>
    %add3A_1604 = arith.addi %shift_left3A_1600, %and3A_1603 : vector<16xi32>
    %swap3A_1605 = arith.constant 3 : i32
    %swap3A_1606 = arith.index_cast %swap3A_1605 : i32 to index
    %swap3A_1607 = arith.constant 32 : index
    %swap3A_1608 = tpu.vector_load %arg13[%swap3A_1606, %swap3A_1607] {strides = array<i32>} : memref<4x128xi32, #tpu.memory_space<vmem>>, vector<16xi32>,
    tpu.vector_store %arg13[%swap3A_1606, %swap3A_1607], %add3A_1604 {strides = array<i32>} : memref<4x128xi32, #tpu.memory_space<vmem>>, vector<16xi32>,
    %shift_right_logical3A_1609 = arith.constant 12 : i32
    %shift_right_logical3A_1610 = vector.broadcast %shift_right_logical3A_1609 : i32 to vector<16xi32>
    %shift_right_logical3A_1611 = arith.shrui %get3A_1576, %shift_right_logical3A_1610 : vector<16xi32>
    %and3A_1612 = arith.constant 1 : i32
    %and3A_1613 = vector.broadcast %and3A_1612 : i32 to vector<16xi32>
    %and3A_1614 = arith.andi %shift_right_logical3A_1611, %and3A_1613 : vector<16xi32>
    %shift_left3A_1615 = arith.constant 6 : i32
    %shift_left3A_1616 = vector.broadcast %shift_left3A_1615 : i32 to vector<16xi32>
    %shift_left3A_1617 = arith.shli %and3A_1614, %shift_left3A_1616 : vector<16xi32>
    %swap3A_1618 = arith.constant 416 : index
    %swap3A_1619 = tpu.vector_load %arg14[%swap3A_1618] {strides = array<i32>} : memref<512xi32, #tpu.memory_space<vmem>>, vector<16xi32>,
    tpu.vector_store %arg14[%swap3A_1618], %shift_left3A_1617 {strides = array<i32>} : memref<512xi32, #tpu.memory_space<vmem>>, vector<16xi32>,
    %shift_right_logical3A_1620 = arith.constant 12 : i32
    %shift_right_logical3A_1621 = vector.broadcast %shift_right_logical3A_1620 : i32 to vector<16xi32>
    %shift_right_logical3A_1622 = arith.shrui %get3A_1580, %shift_right_logical3A_1621 : vector<16xi32>
    %and3A_1623 = arith.constant 1 : i32
    %and3A_1624 = vector.broadcast %and3A_1623 : i32 to vector<16xi32>
    %and3A_1625 = arith.andi %shift_right_logical3A_1622, %and3A_1624 : vector<16xi32>
    %shift_left3A_1626 = arith.constant 6 : i32
    %shift_left3A_1627 = vector.broadcast %shift_left3A_1626 : i32 to vector<16xi32>
    %shift_left3A_1628 = arith.shli %and3A_1625, %shift_left3A_1627 : vector<16xi32>
    %swap3A_1629 = arith.constant 416 : index
    %swap3A_1630 = tpu.vector_load %arg15[%swap3A_1629] {strides = array<i32>} : memref<512xi32, #tpu.memory_space<vmem>>, vector<16xi32>,
    tpu.vector_store %arg15[%swap3A_1629], %shift_left3A_1628 {strides = array<i32>} : memref<512xi32, #tpu.memory_space<vmem>>, vector<16xi32>,
    %get3A_1631 = arith.constant 3 : i32
    %get3A_1632 = arith.index_cast %get3A_1631 : i32 to index
    %get3A_1633 = arith.constant 48 : index
    %get3A_1634 = tpu.vector_load %arg10[%get3A_1632, %get3A_1633] {strides = array<i32>} : memref<4x128xi32, #tpu.memory_space<vmem>>, vector<16xi32>,
    %get3A_1635 = arith.constant 3 : i32
    %get3A_1636 = arith.index_cast %get3A_1635 : i32 to index
    %get3A_1637 = arith.constant 48 : index
    %get3A_1638 = tpu.vector_load %arg11[%get3A_1636, %get3A_1637] {strides = array<i32>} : memref<4x128xi32, #tpu.memory_space<vmem>>, vector<16xi32>,
    %shift_right_logical3A_1639 = arith.constant 13 : i32
    %shift_right_logical3A_1640 = vector.broadcast %shift_right_logical3A_1639 : i32 to vector<16xi32>
    %shift_right_logical3A_1641 = arith.shrui %get3A_1634, %shift_right_logical3A_1640 : vector<16xi32>
    %shift_left3A_1642 = arith.constant 12 : i32
    %shift_left3A_1643 = vector.broadcast %shift_left3A_1642 : i32 to vector<16xi32>
    %shift_left3A_1644 = arith.shli %shift_right_logical3A_1641, %shift_left3A_1643 : vector<16xi32>
    %and3A_1645 = arith.constant 4095 : i32
    %and3A_1646 = vector.broadcast %and3A_1645 : i32 to vector<16xi32>
    %and3A_1647 = arith.andi %get3A_1634, %and3A_1646 : vector<16xi32>
    %add3A_1648 = arith.addi %shift_left3A_1644, %and3A_1647 : vector<16xi32>
    %swap3A_1649 = arith.constant 3 : i32
    %swap3A_1650 = arith.index_cast %swap3A_1649 : i32 to index
    %swap3A_1651 = arith.constant 48 : index
    %swap3A_1652 = tpu.vector_load %arg12[%swap3A_1650, %swap3A_1651] {strides = array<i32>} : memref<4x128xi32, #tpu.memory_space<vmem>>, vector<16xi32>,
    tpu.vector_store %arg12[%swap3A_1650, %swap3A_1651], %add3A_1648 {strides = array<i32>} : memref<4x128xi32, #tpu.memory_space<vmem>>, vector<16xi32>,
    %shift_right_logical3A_1653 = arith.constant 13 : i32
    %shift_right_logical3A_1654 = vector.broadcast %shift_right_logical3A_1653 : i32 to vector<16xi32>
    %shift_right_logical3A_1655 = arith.shrui %get3A_1638, %shift_right_logical3A_1654 : vector<16xi32>
    %shift_left3A_1656 = arith.constant 12 : i32
    %shift_left3A_1657 = vector.broadcast %shift_left3A_1656 : i32 to vector<16xi32>
    %shift_left3A_1658 = arith.shli %shift_right_logical3A_1655, %shift_left3A_1657 : vector<16xi32>
    %and3A_1659 = arith.constant 4095 : i32
    %and3A_1660 = vector.broadcast %and3A_1659 : i32 to vector<16xi32>
    %and3A_1661 = arith.andi %get3A_1638, %and3A_1660 : vector<16xi32>
    %add3A_1662 = arith.addi %shift_left3A_1658, %and3A_1661 : vector<16xi32>
    %swap3A_1663 = arith.constant 3 : i32
    %swap3A_1664 = arith.index_cast %swap3A_1663 : i32 to index
    %swap3A_1665 = arith.constant 48 : index
    %swap3A_1666 = tpu.vector_load %arg13[%swap3A_1664, %swap3A_1665] {strides = array<i32>} : memref<4x128xi32, #tpu.memory_space<vmem>>, vector<16xi32>,
    tpu.vector_store %arg13[%swap3A_1664, %swap3A_1665], %add3A_1662 {strides = array<i32>} : memref<4x128xi32, #tpu.memory_space<vmem>>, vector<16xi32>,
    %shift_right_logical3A_1667 = arith.constant 12 : i32
    %shift_right_logical3A_1668 = vector.broadcast %shift_right_logical3A_1667 : i32 to vector<16xi32>
    %shift_right_logical3A_1669 = arith.shrui %get3A_1634, %shift_right_logical3A_1668 : vector<16xi32>
    %and3A_1670 = arith.constant 1 : i32
    %and3A_1671 = vector.broadcast %and3A_1670 : i32 to vector<16xi32>
    %and3A_1672 = arith.andi %shift_right_logical3A_1669, %and3A_1671 : vector<16xi32>
    %shift_left3A_1673 = arith.constant 6 : i32
    %shift_left3A_1674 = vector.broadcast %shift_left3A_1673 : i32 to vector<16xi32>
    %shift_left3A_1675 = arith.shli %and3A_1672, %shift_left3A_1674 : vector<16xi32>
    %swap3A_1676 = arith.constant 432 : index
    %swap3A_1677 = tpu.vector_load %arg14[%swap3A_1676] {strides = array<i32>} : memref<512xi32, #tpu.memory_space<vmem>>, vector<16xi32>,
    tpu.vector_store %arg14[%swap3A_1676], %shift_left3A_1675 {strides = array<i32>} : memref<512xi32, #tpu.memory_space<vmem>>, vector<16xi32>,
    %shift_right_logical3A_1678 = arith.constant 12 : i32
    %shift_right_logical3A_1679 = vector.broadcast %shift_right_logical3A_1678 : i32 to vector<16xi32>
    %shift_right_logical3A_1680 = arith.shrui %get3A_1638, %shift_right_logical3A_1679 : vector<16xi32>
    %and3A_1681 = arith.constant 1 : i32
    %and3A_1682 = vector.broadcast %and3A_1681 : i32 to vector<16xi32>
    %and3A_1683 = arith.andi %shift_right_logical3A_1680, %and3A_1682 : vector<16xi32>
    %shift_left3A_1684 = arith.constant 6 : i32
    %shift_left3A_1685 = vector.broadcast %shift_left3A_1684 : i32 to vector<16xi32>
    %shift_left3A_1686 = arith.shli %and3A_1683, %shift_left3A_1685 : vector<16xi32>
    %swap3A_1687 = arith.constant 432 : index
    %swap3A_1688 = tpu.vector_load %arg15[%swap3A_1687] {strides = array<i32>} : memref<512xi32, #tpu.memory_space<vmem>>, vector<16xi32>,
    tpu.vector_store %arg15[%swap3A_1687], %shift_left3A_1686 {strides = array<i32>} : memref<512xi32, #tpu.memory_space<vmem>>, vector<16xi32>,
    %get3A_1689 = arith.constant 3 : i32
    %get3A_1690 = arith.index_cast %get3A_1689 : i32 to index
    %get3A_1691 = arith.constant 64 : index
    %get3A_1692 = tpu.vector_load %arg10[%get3A_1690, %get3A_1691] {strides = array<i32>} : memref<4x128xi32, #tpu.memory_space<vmem>>, vector<16xi32>,
    %get3A_1693 = arith.constant 3 : i32
    %get3A_1694 = arith.index_cast %get3A_1693 : i32 to index
    %get3A_1695 = arith.constant 64 : index
    %get3A_1696 = tpu.vector_load %arg11[%get3A_1694, %get3A_1695] {strides = array<i32>} : memref<4x128xi32, #tpu.memory_space<vmem>>, vector<16xi32>,
    %shift_right_logical3A_1697 = arith.constant 13 : i32
    %shift_right_logical3A_1698 = vector.broadcast %shift_right_logical3A_1697 : i32 to vector<16xi32>
    %shift_right_logical3A_1699 = arith.shrui %get3A_1692, %shift_right_logical3A_1698 : vector<16xi32>
    %shift_left3A_1700 = arith.constant 12 : i32
    %shift_left3A_1701 = vector.broadcast %shift_left3A_1700 : i32 to vector<16xi32>
    %shift_left3A_1702 = arith.shli %shift_right_logical3A_1699, %shift_left3A_1701 : vector<16xi32>
    %and3A_1703 = arith.constant 4095 : i32
    %and3A_1704 = vector.broadcast %and3A_1703 : i32 to vector<16xi32>
    %and3A_1705 = arith.andi %get3A_1692, %and3A_1704 : vector<16xi32>
    %add3A_1706 = arith.addi %shift_left3A_1702, %and3A_1705 : vector<16xi32>
    %swap3A_1707 = arith.constant 3 : i32
    %swap3A_1708 = arith.index_cast %swap3A_1707 : i32 to index
    %swap3A_1709 = arith.constant 64 : index
    %swap3A_1710 = tpu.vector_load %arg12[%swap3A_1708, %swap3A_1709] {strides = array<i32>} : memref<4x128xi32, #tpu.memory_space<vmem>>, vector<16xi32>,
    tpu.vector_store %arg12[%swap3A_1708, %swap3A_1709], %add3A_1706 {strides = array<i32>} : memref<4x128xi32, #tpu.memory_space<vmem>>, vector<16xi32>,
    %shift_right_logical3A_1711 = arith.constant 13 : i32
    %shift_right_logical3A_1712 = vector.broadcast %shift_right_logical3A_1711 : i32 to vector<16xi32>
    %shift_right_logical3A_1713 = arith.shrui %get3A_1696, %shift_right_logical3A_1712 : vector<16xi32>
    %shift_left3A_1714 = arith.constant 12 : i32
    %shift_left3A_1715 = vector.broadcast %shift_left3A_1714 : i32 to vector<16xi32>
    %shift_left3A_1716 = arith.shli %shift_right_logical3A_1713, %shift_left3A_1715 : vector<16xi32>
    %and3A_1717 = arith.constant 4095 : i32
    %and3A_1718 = vector.broadcast %and3A_1717 : i32 to vector<16xi32>
    %and3A_1719 = arith.andi %get3A_1696, %and3A_1718 : vector<16xi32>
    %add3A_1720 = arith.addi %shift_left3A_1716, %and3A_1719 : vector<16xi32>
    %swap3A_1721 = arith.constant 3 : i32
    %swap3A_1722 = arith.index_cast %swap3A_1721 : i32 to index
    %swap3A_1723 = arith.constant 64 : index
    %swap3A_1724 = tpu.vector_load %arg13[%swap3A_1722, %swap3A_1723] {strides = array<i32>} : memref<4x128xi32, #tpu.memory_space<vmem>>, vector<16xi32>,
    tpu.vector_store %arg13[%swap3A_1722, %swap3A_1723], %add3A_1720 {strides = array<i32>} : memref<4x128xi32, #tpu.memory_space<vmem>>, vector<16xi32>,
    %shift_right_logical3A_1725 = arith.constant 12 : i32
    %shift_right_logical3A_1726 = vector.broadcast %shift_right_logical3A_1725 : i32 to vector<16xi32>
    %shift_right_logical3A_1727 = arith.shrui %get3A_1692, %shift_right_logical3A_1726 : vector<16xi32>
    %and3A_1728 = arith.constant 1 : i32
    %and3A_1729 = vector.broadcast %and3A_1728 : i32 to vector<16xi32>
    %and3A_1730 = arith.andi %shift_right_logical3A_1727, %and3A_1729 : vector<16xi32>
    %shift_left3A_1731 = arith.constant 6 : i32
    %shift_left3A_1732 = vector.broadcast %shift_left3A_1731 : i32 to vector<16xi32>
    %shift_left3A_1733 = arith.shli %and3A_1730, %shift_left3A_1732 : vector<16xi32>
    %swap3A_1734 = arith.constant 448 : index
    %swap3A_1735 = tpu.vector_load %arg14[%swap3A_1734] {strides = array<i32>} : memref<512xi32, #tpu.memory_space<vmem>>, vector<16xi32>,
    tpu.vector_store %arg14[%swap3A_1734], %shift_left3A_1733 {strides = array<i32>} : memref<512xi32, #tpu.memory_space<vmem>>, vector<16xi32>,
    %shift_right_logical3A_1736 = arith.constant 12 : i32
    %shift_right_logical3A_1737 = vector.broadcast %shift_right_logical3A_1736 : i32 to vector<16xi32>
    %shift_right_logical3A_1738 = arith.shrui %get3A_1696, %shift_right_logical3A_1737 : vector<16xi32>
    %and3A_1739 = arith.constant 1 : i32
    %and3A_1740 = vector.broadcast %and3A_1739 : i32 to vector<16xi32>
    %and3A_1741 = arith.andi %shift_right_logical3A_1738, %and3A_1740 : vector<16xi32>
    %shift_left3A_1742 = arith.constant 6 : i32
    %shift_left3A_1743 = vector.broadcast %shift_left3A_1742 : i32 to vector<16xi32>
    %shift_left3A_1744 = arith.shli %and3A_1741, %shift_left3A_1743 : vector<16xi32>
    %swap3A_1745 = arith.constant 448 : index
    %swap3A_1746 = tpu.vector_load %arg15[%swap3A_1745] {strides = array<i32>} : memref<512xi32, #tpu.memory_space<vmem>>, vector<16xi32>,
    tpu.vector_store %arg15[%swap3A_1745], %shift_left3A_1744 {strides = array<i32>} : memref<512xi32, #tpu.memory_space<vmem>>, vector<16xi32>,
    %get3A_1747 = arith.constant 3 : i32
    %get3A_1748 = arith.index_cast %get3A_1747 : i32 to index
    %get3A_1749 = arith.constant 80 : index
    %get3A_1750 = tpu.vector_load %arg10[%get3A_1748, %get3A_1749] {strides = array<i32>} : memref<4x128xi32, #tpu.memory_space<vmem>>, vector<16xi32>,
    %get3A_1751 = arith.constant 3 : i32
    %get3A_1752 = arith.index_cast %get3A_1751 : i32 to index
    %get3A_1753 = arith.constant 80 : index
    %get3A_1754 = tpu.vector_load %arg11[%get3A_1752, %get3A_1753] {strides = array<i32>} : memref<4x128xi32, #tpu.memory_space<vmem>>, vector<16xi32>,
    %shift_right_logical3A_1755 = arith.constant 13 : i32
    %shift_right_logical3A_1756 = vector.broadcast %shift_right_logical3A_1755 : i32 to vector<16xi32>
    %shift_right_logical3A_1757 = arith.shrui %get3A_1750, %shift_right_logical3A_1756 : vector<16xi32>
    %shift_left3A_1758 = arith.constant 12 : i32
    %shift_left3A_1759 = vector.broadcast %shift_left3A_1758 : i32 to vector<16xi32>
    %shift_left3A_1760 = arith.shli %shift_right_logical3A_1757, %shift_left3A_1759 : vector<16xi32>
    %and3A_1761 = arith.constant 4095 : i32
    %and3A_1762 = vector.broadcast %and3A_1761 : i32 to vector<16xi32>
    %and3A_1763 = arith.andi %get3A_1750, %and3A_1762 : vector<16xi32>
    %add3A_1764 = arith.addi %shift_left3A_1760, %and3A_1763 : vector<16xi32>
    %swap3A_1765 = arith.constant 3 : i32
    %swap3A_1766 = arith.index_cast %swap3A_1765 : i32 to index
    %swap3A_1767 = arith.constant 80 : index
    %swap3A_1768 = tpu.vector_load %arg12[%swap3A_1766, %swap3A_1767] {strides = array<i32>} : memref<4x128xi32, #tpu.memory_space<vmem>>, vector<16xi32>,
    tpu.vector_store %arg12[%swap3A_1766, %swap3A_1767], %add3A_1764 {strides = array<i32>} : memref<4x128xi32, #tpu.memory_space<vmem>>, vector<16xi32>,
    %shift_right_logical3A_1769 = arith.constant 13 : i32
    %shift_right_logical3A_1770 = vector.broadcast %shift_right_logical3A_1769 : i32 to vector<16xi32>
    %shift_right_logical3A_1771 = arith.shrui %get3A_1754, %shift_right_logical3A_1770 : vector<16xi32>
    %shift_left3A_1772 = arith.constant 12 : i32
    %shift_left3A_1773 = vector.broadcast %shift_left3A_1772 : i32 to vector<16xi32>
    %shift_left3A_1774 = arith.shli %shift_right_logical3A_1771, %shift_left3A_1773 : vector<16xi32>
    %and3A_1775 = arith.constant 4095 : i32
    %and3A_1776 = vector.broadcast %and3A_1775 : i32 to vector<16xi32>
    %and3A_1777 = arith.andi %get3A_1754, %and3A_1776 : vector<16xi32>
    %add3A_1778 = arith.addi %shift_left3A_1774, %and3A_1777 : vector<16xi32>
    %swap3A_1779 = arith.constant 3 : i32
    %swap3A_1780 = arith.index_cast %swap3A_1779 : i32 to index
    %swap3A_1781 = arith.constant 80 : index
    %swap3A_1782 = tpu.vector_load %arg13[%swap3A_1780, %swap3A_1781] {strides = array<i32>} : memref<4x128xi32, #tpu.memory_space<vmem>>, vector<16xi32>,
    tpu.vector_store %arg13[%swap3A_1780, %swap3A_1781], %add3A_1778 {strides = array<i32>} : memref<4x128xi32, #tpu.memory_space<vmem>>, vector<16xi32>,
    %shift_right_logical3A_1783 = arith.constant 12 : i32
    %shift_right_logical3A_1784 = vector.broadcast %shift_right_logical3A_1783 : i32 to vector<16xi32>
    %shift_right_logical3A_1785 = arith.shrui %get3A_1750, %shift_right_logical3A_1784 : vector<16xi32>
    %and3A_1786 = arith.constant 1 : i32
    %and3A_1787 = vector.broadcast %and3A_1786 : i32 to vector<16xi32>
    %and3A_1788 = arith.andi %shift_right_logical3A_1785, %and3A_1787 : vector<16xi32>
    %shift_left3A_1789 = arith.constant 6 : i32
    %shift_left3A_1790 = vector.broadcast %shift_left3A_1789 : i32 to vector<16xi32>
    %shift_left3A_1791 = arith.shli %and3A_1788, %shift_left3A_1790 : vector<16xi32>
    %swap3A_1792 = arith.constant 464 : index
    %swap3A_1793 = tpu.vector_load %arg14[%swap3A_1792] {strides = array<i32>} : memref<512xi32, #tpu.memory_space<vmem>>, vector<16xi32>,
    tpu.vector_store %arg14[%swap3A_1792], %shift_left3A_1791 {strides = array<i32>} : memref<512xi32, #tpu.memory_space<vmem>>, vector<16xi32>,
    %shift_right_logical3A_1794 = arith.constant 12 : i32
    %shift_right_logical3A_1795 = vector.broadcast %shift_right_logical3A_1794 : i32 to vector<16xi32>
    %shift_right_logical3A_1796 = arith.shrui %get3A_1754, %shift_right_logical3A_1795 : vector<16xi32>
    %and3A_1797 = arith.constant 1 : i32
    %and3A_1798 = vector.broadcast %and3A_1797 : i32 to vector<16xi32>
    %and3A_1799 = arith.andi %shift_right_logical3A_1796, %and3A_1798 : vector<16xi32>
    %shift_left3A_1800 = arith.constant 6 : i32
    %shift_left3A_1801 = vector.broadcast %shift_left3A_1800 : i32 to vector<16xi32>
    %shift_left3A_1802 = arith.shli %and3A_1799, %shift_left3A_1801 : vector<16xi32>
    %swap3A_1803 = arith.constant 464 : index
    %swap3A_1804 = tpu.vector_load %arg15[%swap3A_1803] {strides = array<i32>} : memref<512xi32, #tpu.memory_space<vmem>>, vector<16xi32>,
    tpu.vector_store %arg15[%swap3A_1803], %shift_left3A_1802 {strides = array<i32>} : memref<512xi32, #tpu.memory_space<vmem>>, vector<16xi32>,
    %get3A_1805 = arith.constant 3 : i32
    %get3A_1806 = arith.index_cast %get3A_1805 : i32 to index
    %get3A_1807 = arith.constant 96 : index
    %get3A_1808 = tpu.vector_load %arg10[%get3A_1806, %get3A_1807] {strides = array<i32>} : memref<4x128xi32, #tpu.memory_space<vmem>>, vector<16xi32>,
    %get3A_1809 = arith.constant 3 : i32
    %get3A_1810 = arith.index_cast %get3A_1809 : i32 to index
    %get3A_1811 = arith.constant 96 : index
    %get3A_1812 = tpu.vector_load %arg11[%get3A_1810, %get3A_1811] {strides = array<i32>} : memref<4x128xi32, #tpu.memory_space<vmem>>, vector<16xi32>,
    %shift_right_logical3A_1813 = arith.constant 13 : i32
    %shift_right_logical3A_1814 = vector.broadcast %shift_right_logical3A_1813 : i32 to vector<16xi32>
    %shift_right_logical3A_1815 = arith.shrui %get3A_1808, %shift_right_logical3A_1814 : vector<16xi32>
    %shift_left3A_1816 = arith.constant 12 : i32
    %shift_left3A_1817 = vector.broadcast %shift_left3A_1816 : i32 to vector<16xi32>
    %shift_left3A_1818 = arith.shli %shift_right_logical3A_1815, %shift_left3A_1817 : vector<16xi32>
    %and3A_1819 = arith.constant 4095 : i32
    %and3A_1820 = vector.broadcast %and3A_1819 : i32 to vector<16xi32>
    %and3A_1821 = arith.andi %get3A_1808, %and3A_1820 : vector<16xi32>
    %add3A_1822 = arith.addi %shift_left3A_1818, %and3A_1821 : vector<16xi32>
    %swap3A_1823 = arith.constant 3 : i32
    %swap3A_1824 = arith.index_cast %swap3A_1823 : i32 to index
    %swap3A_1825 = arith.constant 96 : index
    %swap3A_1826 = tpu.vector_load %arg12[%swap3A_1824, %swap3A_1825] {strides = array<i32>} : memref<4x128xi32, #tpu.memory_space<vmem>>, vector<16xi32>,
    tpu.vector_store %arg12[%swap3A_1824, %swap3A_1825], %add3A_1822 {strides = array<i32>} : memref<4x128xi32, #tpu.memory_space<vmem>>, vector<16xi32>,
    %shift_right_logical3A_1827 = arith.constant 13 : i32
    %shift_right_logical3A_1828 = vector.broadcast %shift_right_logical3A_1827 : i32 to vector<16xi32>
    %shift_right_logical3A_1829 = arith.shrui %get3A_1812, %shift_right_logical3A_1828 : vector<16xi32>
    %shift_left3A_1830 = arith.constant 12 : i32
    %shift_left3A_1831 = vector.broadcast %shift_left3A_1830 : i32 to vector<16xi32>
    %shift_left3A_1832 = arith.shli %shift_right_logical3A_1829, %shift_left3A_1831 : vector<16xi32>
    %and3A_1833 = arith.constant 4095 : i32
    %and3A_1834 = vector.broadcast %and3A_1833 : i32 to vector<16xi32>
    %and3A_1835 = arith.andi %get3A_1812, %and3A_1834 : vector<16xi32>
    %add3A_1836 = arith.addi %shift_left3A_1832, %and3A_1835 : vector<16xi32>
    %swap3A_1837 = arith.constant 3 : i32
    %swap3A_1838 = arith.index_cast %swap3A_1837 : i32 to index
    %swap3A_1839 = arith.constant 96 : index
    %swap3A_1840 = tpu.vector_load %arg13[%swap3A_1838, %swap3A_1839] {strides = array<i32>} : memref<4x128xi32, #tpu.memory_space<vmem>>, vector<16xi32>,
    tpu.vector_store %arg13[%swap3A_1838, %swap3A_1839], %add3A_1836 {strides = array<i32>} : memref<4x128xi32, #tpu.memory_space<vmem>>, vector<16xi32>,
    %shift_right_logical3A_1841 = arith.constant 12 : i32
    %shift_right_logical3A_1842 = vector.broadcast %shift_right_logical3A_1841 : i32 to vector<16xi32>
    %shift_right_logical3A_1843 = arith.shrui %get3A_1808, %shift_right_logical3A_1842 : vector<16xi32>
    %and3A_1844 = arith.constant 1 : i32
    %and3A_1845 = vector.broadcast %and3A_1844 : i32 to vector<16xi32>
    %and3A_1846 = arith.andi %shift_right_logical3A_1843, %and3A_1845 : vector<16xi32>
    %shift_left3A_1847 = arith.constant 6 : i32
    %shift_left3A_1848 = vector.broadcast %shift_left3A_1847 : i32 to vector<16xi32>
    %shift_left3A_1849 = arith.shli %and3A_1846, %shift_left3A_1848 : vector<16xi32>
    %swap3A_1850 = arith.constant 480 : index
    %swap3A_1851 = tpu.vector_load %arg14[%swap3A_1850] {strides = array<i32>} : memref<512xi32, #tpu.memory_space<vmem>>, vector<16xi32>,
    tpu.vector_store %arg14[%swap3A_1850], %shift_left3A_1849 {strides = array<i32>} : memref<512xi32, #tpu.memory_space<vmem>>, vector<16xi32>,
    %shift_right_logical3A_1852 = arith.constant 12 : i32
    %shift_right_logical3A_1853 = vector.broadcast %shift_right_logical3A_1852 : i32 to vector<16xi32>
    %shift_right_logical3A_1854 = arith.shrui %get3A_1812, %shift_right_logical3A_1853 : vector<16xi32>
    %and3A_1855 = arith.constant 1 : i32
    %and3A_1856 = vector.broadcast %and3A_1855 : i32 to vector<16xi32>
    %and3A_1857 = arith.andi %shift_right_logical3A_1854, %and3A_1856 : vector<16xi32>
    %shift_left3A_1858 = arith.constant 6 : i32
    %shift_left3A_1859 = vector.broadcast %shift_left3A_1858 : i32 to vector<16xi32>
    %shift_left3A_1860 = arith.shli %and3A_1857, %shift_left3A_1859 : vector<16xi32>
    %swap3A_1861 = arith.constant 480 : index
    %swap3A_1862 = tpu.vector_load %arg15[%swap3A_1861] {strides = array<i32>} : memref<512xi32, #tpu.memory_space<vmem>>, vector<16xi32>,
    tpu.vector_store %arg15[%swap3A_1861], %shift_left3A_1860 {strides = array<i32>} : memref<512xi32, #tpu.memory_space<vmem>>, vector<16xi32>,
    %get3A_1863 = arith.constant 3 : i32
    %get3A_1864 = arith.index_cast %get3A_1863 : i32 to index
    %get3A_1865 = arith.constant 112 : index
    %get3A_1866 = tpu.vector_load %arg10[%get3A_1864, %get3A_1865] {strides = array<i32>} : memref<4x128xi32, #tpu.memory_space<vmem>>, vector<16xi32>,
    %get3A_1867 = arith.constant 3 : i32
    %get3A_1868 = arith.index_cast %get3A_1867 : i32 to index
    %get3A_1869 = arith.constant 112 : index
    %get3A_1870 = tpu.vector_load %arg11[%get3A_1868, %get3A_1869] {strides = array<i32>} : memref<4x128xi32, #tpu.memory_space<vmem>>, vector<16xi32>,
    %shift_right_logical3A_1871 = arith.constant 13 : i32
    %shift_right_logical3A_1872 = vector.broadcast %shift_right_logical3A_1871 : i32 to vector<16xi32>
    %shift_right_logical3A_1873 = arith.shrui %get3A_1866, %shift_right_logical3A_1872 : vector<16xi32>
    %shift_left3A_1874 = arith.constant 12 : i32
    %shift_left3A_1875 = vector.broadcast %shift_left3A_1874 : i32 to vector<16xi32>
    %shift_left3A_1876 = arith.shli %shift_right_logical3A_1873, %shift_left3A_1875 : vector<16xi32>
    %and3A_1877 = arith.constant 4095 : i32
    %and3A_1878 = vector.broadcast %and3A_1877 : i32 to vector<16xi32>
    %and3A_1879 = arith.andi %get3A_1866, %and3A_1878 : vector<16xi32>
    %add3A_1880 = arith.addi %shift_left3A_1876, %and3A_1879 : vector<16xi32>
    %swap3A_1881 = arith.constant 3 : i32
    %swap3A_1882 = arith.index_cast %swap3A_1881 : i32 to index
    %swap3A_1883 = arith.constant 112 : index
    %swap3A_1884 = tpu.vector_load %arg12[%swap3A_1882, %swap3A_1883] {strides = array<i32>} : memref<4x128xi32, #tpu.memory_space<vmem>>, vector<16xi32>,
    tpu.vector_store %arg12[%swap3A_1882, %swap3A_1883], %add3A_1880 {strides = array<i32>} : memref<4x128xi32, #tpu.memory_space<vmem>>, vector<16xi32>,
    %shift_right_logical3A_1885 = arith.constant 13 : i32
    %shift_right_logical3A_1886 = vector.broadcast %shift_right_logical3A_1885 : i32 to vector<16xi32>
    %shift_right_logical3A_1887 = arith.shrui %get3A_1870, %shift_right_logical3A_1886 : vector<16xi32>
    %shift_left3A_1888 = arith.constant 12 : i32
    %shift_left3A_1889 = vector.broadcast %shift_left3A_1888 : i32 to vector<16xi32>
    %shift_left3A_1890 = arith.shli %shift_right_logical3A_1887, %shift_left3A_1889 : vector<16xi32>
    %and3A_1891 = arith.constant 4095 : i32
    %and3A_1892 = vector.broadcast %and3A_1891 : i32 to vector<16xi32>
    %and3A_1893 = arith.andi %get3A_1870, %and3A_1892 : vector<16xi32>
    %add3A_1894 = arith.addi %shift_left3A_1890, %and3A_1893 : vector<16xi32>
    %swap3A_1895 = arith.constant 3 : i32
    %swap3A_1896 = arith.index_cast %swap3A_1895 : i32 to index
    %swap3A_1897 = arith.constant 112 : index
    %swap3A_1898 = tpu.vector_load %arg13[%swap3A_1896, %swap3A_1897] {strides = array<i32>} : memref<4x128xi32, #tpu.memory_space<vmem>>, vector<16xi32>,
    tpu.vector_store %arg13[%swap3A_1896, %swap3A_1897], %add3A_1894 {strides = array<i32>} : memref<4x128xi32, #tpu.memory_space<vmem>>, vector<16xi32>,
    %shift_right_logical3A_1899 = arith.constant 12 : i32
    %shift_right_logical3A_1900 = vector.broadcast %shift_right_logical3A_1899 : i32 to vector<16xi32>
    %shift_right_logical3A_1901 = arith.shrui %get3A_1866, %shift_right_logical3A_1900 : vector<16xi32>
    %and3A_1902 = arith.constant 1 : i32
    %and3A_1903 = vector.broadcast %and3A_1902 : i32 to vector<16xi32>
    %and3A_1904 = arith.andi %shift_right_logical3A_1901, %and3A_1903 : vector<16xi32>
    %shift_left3A_1905 = arith.constant 6 : i32
    %shift_left3A_1906 = vector.broadcast %shift_left3A_1905 : i32 to vector<16xi32>
    %shift_left3A_1907 = arith.shli %and3A_1904, %shift_left3A_1906 : vector<16xi32>
    %swap3A_1908 = arith.constant 496 : index
    %swap3A_1909 = tpu.vector_load %arg14[%swap3A_1908] {strides = array<i32>} : memref<512xi32, #tpu.memory_space<vmem>>, vector<16xi32>,
    tpu.vector_store %arg14[%swap3A_1908], %shift_left3A_1907 {strides = array<i32>} : memref<512xi32, #tpu.memory_space<vmem>>, vector<16xi32>,
    %shift_right_logical3A_1910 = arith.constant 12 : i32
    %shift_right_logical3A_1911 = vector.broadcast %shift_right_logical3A_1910 : i32 to vector<16xi32>
    %shift_right_logical3A_1912 = arith.shrui %get3A_1870, %shift_right_logical3A_1911 : vector<16xi32>
    %and3A_1913 = arith.constant 1 : i32
    %and3A_1914 = vector.broadcast %and3A_1913 : i32 to vector<16xi32>
    %and3A_1915 = arith.andi %shift_right_logical3A_1912, %and3A_1914 : vector<16xi32>
    %shift_left3A_1916 = arith.constant 6 : i32
    %shift_left3A_1917 = vector.broadcast %shift_left3A_1916 : i32 to vector<16xi32>
    %shift_left3A_1918 = arith.shli %and3A_1915, %shift_left3A_1917 : vector<16xi32>
    %swap3A_1919 = arith.constant 496 : index
    %swap3A_1920 = tpu.vector_load %arg15[%swap3A_1919] {strides = array<i32>} : memref<512xi32, #tpu.memory_space<vmem>>, vector<16xi32>,
    tpu.vector_store %arg15[%swap3A_1919], %shift_left3A_1918 {strides = array<i32>} : memref<512xi32, #tpu.memory_space<vmem>>, vector<16xi32>,
    %iota3A = tpu.iota {dimensions = array<i32: 0>} : vector<16xi32>
    %broadcast_in_dim3A = arith.constant 1 : i32
    %broadcast_in_dim3A_1921 = vector.broadcast %broadcast_in_dim3A : i32 to vector<16xi32>
    %get3A_1922 = arith.constant 0 : index
    %get3A_1923 = tpu.vector_load %arg20[%get3A_1922] {strides = array<i32>} : memref<16xf32, #tpu.memory_space<vmem>>, vector<16xf32>,
    %dma_start3A_1924 = arith.constant 0 : i32
    %dma_start3A_1925 = arith.constant 0 : i32
    %dma_start3A_1926 = arith.constant 0 : i32
    %dma_start3A_1927 = tpu.memref_slice %arg16[%dma_start3A_1925, %dma_start3A_1926] : memref<256x128xf32, #tpu.memory_space<vmem>> -> memref<128x128xf32, #tpu.memory_space<vmem>>
    %dma_start3A_1928 = arith.constant 0 : i32
    %dma_start3A_1929 = tpu.memref_slice %arg12[%dma_start3A_1924, %dma_start3A_1928] : memref<4x128xi32, #tpu.memory_space<vmem>> -> memref<1x128xi32, #tpu.memory_space<vmem>>
    %dma_start3A_1930 = tpu.memref_squeeze %dma_start3A_1929 : memref<1x128xi32, #tpu.memory_space<vmem>> -> memref<128xi32, #tpu.memory_space<vmem>>
    %dma_start3A_1931 = arith.constant 0 : i32
    %dma_start3A_1932 = arith.constant 0 : i32
    %dma_start3A_1933 = tpu.memref_slice %arg4[%dma_start3A_1931, %dma_start3A_1932] : memref<53248x128xf32, #tpu.memory_space<hbm>> -> memref<53248x128xf32, #tpu.memory_space<hbm>>
    tpu.enqueue_indirect_dma source(%dma_start3A_1933 : memref<53248x128xf32, #tpu.memory_space<hbm>>) target(%dma_start3A_1927 : memref<128x128xf32, #tpu.memory_space<vmem>>) offsets(%dma_start3A_1930 : memref<128xi32, #tpu.memory_space<vmem>>) semaphore(%arg22 : memref<!tpu.dma_semaphore, #tpu.memory_space<semaphore_mem>>)
    %dma_start3A_1934 = arith.constant 0 : i32
    %dma_start3A_1935 = arith.constant 0 : i32
    %dma_start3A_1936 = arith.constant 0 : i32
    %dma_start3A_1937 = tpu.memref_slice %arg17[%dma_start3A_1935, %dma_start3A_1936] : memref<256x128xf32, #tpu.memory_space<vmem>> -> memref<128x128xf32, #tpu.memory_space<vmem>>
    %dma_start3A_1938 = arith.constant 0 : i32
    %dma_start3A_1939 = tpu.memref_slice %arg13[%dma_start3A_1934, %dma_start3A_1938] : memref<4x128xi32, #tpu.memory_space<vmem>> -> memref<1x128xi32, #tpu.memory_space<vmem>>
    %dma_start3A_1940 = tpu.memref_squeeze %dma_start3A_1939 : memref<1x128xi32, #tpu.memory_space<vmem>> -> memref<128xi32, #tpu.memory_space<vmem>>
    %dma_start3A_1941 = arith.constant 0 : i32
    %dma_start3A_1942 = arith.constant 0 : i32
    %dma_start3A_1943 = tpu.memref_slice %arg5[%dma_start3A_1941, %dma_start3A_1942] : memref<53248x128xf32, #tpu.memory_space<hbm>> -> memref<53248x128xf32, #tpu.memory_space<hbm>>
    tpu.enqueue_indirect_dma source(%dma_start3A_1943 : memref<53248x128xf32, #tpu.memory_space<hbm>>) target(%dma_start3A_1937 : memref<128x128xf32, #tpu.memory_space<vmem>>) offsets(%dma_start3A_1940 : memref<128xi32, #tpu.memory_space<vmem>>) semaphore(%arg22 : memref<!tpu.dma_semaphore, #tpu.memory_space<semaphore_mem>>)
    %dma_start3A_1944 = arith.constant 1 : i32
    %dma_start3A_1945 = arith.constant 128 : i32
    %dma_start3A_1946 = arith.constant 0 : i32
    %dma_start3A_1947 = tpu.memref_slice %arg16[%dma_start3A_1945, %dma_start3A_1946] : memref<256x128xf32, #tpu.memory_space<vmem>> -> memref<128x128xf32, #tpu.memory_space<vmem>>
    %dma_start3A_1948 = arith.constant 0 : i32
    %dma_start3A_1949 = tpu.memref_slice %arg12[%dma_start3A_1944, %dma_start3A_1948] : memref<4x128xi32, #tpu.memory_space<vmem>> -> memref<1x128xi32, #tpu.memory_space<vmem>>
    %dma_start3A_1950 = tpu.memref_squeeze %dma_start3A_1949 : memref<1x128xi32, #tpu.memory_space<vmem>> -> memref<128xi32, #tpu.memory_space<vmem>>
    %dma_start3A_1951 = arith.constant 0 : i32
    %dma_start3A_1952 = arith.constant 0 : i32
    %dma_start3A_1953 = tpu.memref_slice %arg4[%dma_start3A_1951, %dma_start3A_1952] : memref<53248x128xf32, #tpu.memory_space<hbm>> -> memref<53248x128xf32, #tpu.memory_space<hbm>>
    tpu.enqueue_indirect_dma source(%dma_start3A_1953 : memref<53248x128xf32, #tpu.memory_space<hbm>>) target(%dma_start3A_1947 : memref<128x128xf32, #tpu.memory_space<vmem>>) offsets(%dma_start3A_1950 : memref<128xi32, #tpu.memory_space<vmem>>) semaphore(%arg22 : memref<!tpu.dma_semaphore, #tpu.memory_space<semaphore_mem>>)
    %dma_start3A_1954 = arith.constant 1 : i32
    %dma_start3A_1955 = arith.constant 128 : i32
    %dma_start3A_1956 = arith.constant 0 : i32
    %dma_start3A_1957 = tpu.memref_slice %arg17[%dma_start3A_1955, %dma_start3A_1956] : memref<256x128xf32, #tpu.memory_space<vmem>> -> memref<128x128xf32, #tpu.memory_space<vmem>>
    %dma_start3A_1958 = arith.constant 0 : i32
    %dma_start3A_1959 = tpu.memref_slice %arg13[%dma_start3A_1954, %dma_start3A_1958] : memref<4x128xi32, #tpu.memory_space<vmem>> -> memref<1x128xi32, #tpu.memory_space<vmem>>
    %dma_start3A_1960 = tpu.memref_squeeze %dma_start3A_1959 : memref<1x128xi32, #tpu.memory_space<vmem>> -> memref<128xi32, #tpu.memory_space<vmem>>
    %dma_start3A_1961 = arith.constant 0 : i32
    %dma_start3A_1962 = arith.constant 0 : i32
    %dma_start3A_1963 = tpu.memref_slice %arg5[%dma_start3A_1961, %dma_start3A_1962] : memref<53248x128xf32, #tpu.memory_space<hbm>> -> memref<53248x128xf32, #tpu.memory_space<hbm>>
    tpu.enqueue_indirect_dma source(%dma_start3A_1963 : memref<53248x128xf32, #tpu.memory_space<hbm>>) target(%dma_start3A_1957 : memref<128x128xf32, #tpu.memory_space<vmem>>) offsets(%dma_start3A_1960 : memref<128xi32, #tpu.memory_space<vmem>>) semaphore(%arg22 : memref<!tpu.dma_semaphore, #tpu.memory_space<semaphore_mem>>)
    %dma_wait3A = arith.constant 0 : i32
    %dma_wait3A_1964 = arith.constant 0 : i32
    %dma_wait3A_1965 = arith.constant 0 : i32
    %dma_wait3A_1966 = tpu.memref_slice %arg16[%dma_wait3A_1964, %dma_wait3A_1965] : memref<256x128xf32, #tpu.memory_space<vmem>> -> memref<128x128xf32, #tpu.memory_space<vmem>>
    %dma_wait3A_1967 = arith.constant 0 : i32
    %dma_wait3A_1968 = tpu.memref_slice %arg12[%dma_wait3A, %dma_wait3A_1967] : memref<4x128xi32, #tpu.memory_space<vmem>> -> memref<1x128xi32, #tpu.memory_space<vmem>>
    %dma_wait3A_1969 = tpu.memref_squeeze %dma_wait3A_1968 : memref<1x128xi32, #tpu.memory_space<vmem>> -> memref<128xi32, #tpu.memory_space<vmem>>
    %dma_wait3A_1970 = arith.constant 0 : i32
    %dma_wait3A_1971 = arith.constant 0 : i32
    %dma_wait3A_1972 = tpu.memref_slice %arg4[%dma_wait3A_1970, %dma_wait3A_1971] : memref<53248x128xf32, #tpu.memory_space<hbm>> -> memref<53248x128xf32, #tpu.memory_space<hbm>>
    tpu.wait_indirect_dma semaphore(%arg22 : memref<!tpu.dma_semaphore, #tpu.memory_space<semaphore_mem>>) src(%dma_wait3A_1972 : memref<53248x128xf32, #tpu.memory_space<hbm>>) dst(%dma_wait3A_1966 : memref<128x128xf32, #tpu.memory_space<vmem>>)
    %dma_wait3A_1973 = arith.constant 0 : i32
    %dma_wait3A_1974 = arith.constant 0 : i32
    %dma_wait3A_1975 = arith.constant 0 : i32
    %dma_wait3A_1976 = tpu.memref_slice %arg17[%dma_wait3A_1974, %dma_wait3A_1975] : memref<256x128xf32, #tpu.memory_space<vmem>> -> memref<128x128xf32, #tpu.memory_space<vmem>>
    %dma_wait3A_1977 = arith.constant 0 : i32
    %dma_wait3A_1978 = tpu.memref_slice %arg13[%dma_wait3A_1973, %dma_wait3A_1977] : memref<4x128xi32, #tpu.memory_space<vmem>> -> memref<1x128xi32, #tpu.memory_space<vmem>>
    %dma_wait3A_1979 = tpu.memref_squeeze %dma_wait3A_1978 : memref<1x128xi32, #tpu.memory_space<vmem>> -> memref<128xi32, #tpu.memory_space<vmem>>
    %dma_wait3A_1980 = arith.constant 0 : i32
    %dma_wait3A_1981 = arith.constant 0 : i32
    %dma_wait3A_1982 = tpu.memref_slice %arg5[%dma_wait3A_1980, %dma_wait3A_1981] : memref<53248x128xf32, #tpu.memory_space<hbm>> -> memref<53248x128xf32, #tpu.memory_space<hbm>>
    tpu.wait_indirect_dma semaphore(%arg22 : memref<!tpu.dma_semaphore, #tpu.memory_space<semaphore_mem>>) src(%dma_wait3A_1982 : memref<53248x128xf32, #tpu.memory_space<hbm>>) dst(%dma_wait3A_1976 : memref<128x128xf32, #tpu.memory_space<vmem>>)
    %dma_wait3A_1983 = arith.constant 0 : i32
    %dma_wait3A_1984 = arith.constant 0 : i32
    %dma_wait3A_1985 = tpu.memref_slice %arg18[%dma_wait3A_1984] : memref<512xf32, #tpu.memory_space<vmem>> -> memref<128xf32, #tpu.memory_space<vmem>>
    %dma_wait3A_1986 = arith.constant 0 : i32
    %dma_wait3A_1987 = tpu.memref_slice %arg10[%dma_wait3A_1983, %dma_wait3A_1986] : memref<4x128xi32, #tpu.memory_space<vmem>> -> memref<1x128xi32, #tpu.memory_space<vmem>>
    %dma_wait3A_1988 = tpu.memref_squeeze %dma_wait3A_1987 : memref<1x128xi32, #tpu.memory_space<vmem>> -> memref<128xi32, #tpu.memory_space<vmem>>
    %dma_wait3A_1989 = arith.constant 0 : i32
    %dma_wait3A_1990 = tpu.memref_slice %arg6[%dma_wait3A_1989] : memref<100000xf32, #tpu.memory_space<hbm>> -> memref<100000xf32, #tpu.memory_space<hbm>>
    tpu.wait_indirect_dma semaphore(%arg23 : memref<!tpu.dma_semaphore, #tpu.memory_space<semaphore_mem>>) src(%dma_wait3A_1990 : memref<100000xf32, #tpu.memory_space<hbm>>) dst(%dma_wait3A_1985 : memref<128xf32, #tpu.memory_space<vmem>>)
    %dma_wait3A_1991 = arith.constant 0 : i32
    %dma_wait3A_1992 = arith.constant 0 : i32
    %dma_wait3A_1993 = tpu.memref_slice %arg19[%dma_wait3A_1992] : memref<512xf32, #tpu.memory_space<vmem>> -> memref<128xf32, #tpu.memory_space<vmem>>
    %dma_wait3A_1994 = arith.constant 0 : i32
    %dma_wait3A_1995 = tpu.memref_slice %arg11[%dma_wait3A_1991, %dma_wait3A_1994] : memref<4x128xi32, #tpu.memory_space<vmem>> -> memref<1x128xi32, #tpu.memory_space<vmem>>
    %dma_wait3A_1996 = tpu.memref_squeeze %dma_wait3A_1995 : memref<1x128xi32, #tpu.memory_space<vmem>> -> memref<128xi32, #tpu.memory_space<vmem>>
    %dma_wait3A_1997 = arith.constant 0 : i32
    %dma_wait3A_1998 = tpu.memref_slice %arg7[%dma_wait3A_1997] : memref<100000xf32, #tpu.memory_space<hbm>> -> memref<100000xf32, #tpu.memory_space<hbm>>
    tpu.wait_indirect_dma semaphore(%arg23 : memref<!tpu.dma_semaphore, #tpu.memory_space<semaphore_mem>>) src(%dma_wait3A_1998 : memref<100000xf32, #tpu.memory_space<hbm>>) dst(%dma_wait3A_1993 : memref<128xf32, #tpu.memory_space<vmem>>)
    %dma_wait3A_1999 = arith.constant 1 : i32
    %dma_wait3A_2000 = arith.constant 128 : i32
    %dma_wait3A_2001 = tpu.memref_slice %arg18[%dma_wait3A_2000] : memref<512xf32, #tpu.memory_space<vmem>> -> memref<128xf32, #tpu.memory_space<vmem>>
    %dma_wait3A_2002 = arith.constant 0 : i32
    %dma_wait3A_2003 = tpu.memref_slice %arg10[%dma_wait3A_1999, %dma_wait3A_2002] : memref<4x128xi32, #tpu.memory_space<vmem>> -> memref<1x128xi32, #tpu.memory_space<vmem>>
    %dma_wait3A_2004 = tpu.memref_squeeze %dma_wait3A_2003 : memref<1x128xi32, #tpu.memory_space<vmem>> -> memref<128xi32, #tpu.memory_space<vmem>>
    %dma_wait3A_2005 = arith.constant 0 : i32
    %dma_wait3A_2006 = tpu.memref_slice %arg6[%dma_wait3A_2005] : memref<100000xf32, #tpu.memory_space<hbm>> -> memref<100000xf32, #tpu.memory_space<hbm>>
    tpu.wait_indirect_dma semaphore(%arg23 : memref<!tpu.dma_semaphore, #tpu.memory_space<semaphore_mem>>) src(%dma_wait3A_2006 : memref<100000xf32, #tpu.memory_space<hbm>>) dst(%dma_wait3A_2001 : memref<128xf32, #tpu.memory_space<vmem>>)
    %dma_wait3A_2007 = arith.constant 1 : i32
    %dma_wait3A_2008 = arith.constant 128 : i32
    %dma_wait3A_2009 = tpu.memref_slice %arg19[%dma_wait3A_2008] : memref<512xf32, #tpu.memory_space<vmem>> -> memref<128xf32, #tpu.memory_space<vmem>>
    %dma_wait3A_2010 = arith.constant 0 : i32
    %dma_wait3A_2011 = tpu.memref_slice %arg11[%dma_wait3A_2007, %dma_wait3A_2010] : memref<4x128xi32, #tpu.memory_space<vmem>> -> memref<1x128xi32, #tpu.memory_space<vmem>>
    %dma_wait3A_2012 = tpu.memref_squeeze %dma_wait3A_2011 : memref<1x128xi32, #tpu.memory_space<vmem>> -> memref<128xi32, #tpu.memory_space<vmem>>
    %dma_wait3A_2013 = arith.constant 0 : i32
    %dma_wait3A_2014 = tpu.memref_slice %arg7[%dma_wait3A_2013] : memref<100000xf32, #tpu.memory_space<hbm>> -> memref<100000xf32, #tpu.memory_space<hbm>>
    tpu.wait_indirect_dma semaphore(%arg23 : memref<!tpu.dma_semaphore, #tpu.memory_space<semaphore_mem>>) src(%dma_wait3A_2014 : memref<100000xf32, #tpu.memory_space<hbm>>) dst(%dma_wait3A_2009 : memref<128xf32, #tpu.memory_space<vmem>>)
    %dma_wait3A_2015 = arith.constant 2 : i32
    %dma_wait3A_2016 = arith.constant 256 : i32
    %dma_wait3A_2017 = tpu.memref_slice %arg18[%dma_wait3A_2016] : memref<512xf32, #tpu.memory_space<vmem>> -> memref<128xf32, #tpu.memory_space<vmem>>
    %dma_wait3A_2018 = arith.constant 0 : i32
    %dma_wait3A_2019 = tpu.memref_slice %arg10[%dma_wait3A_2015, %dma_wait3A_2018] : memref<4x128xi32, #tpu.memory_space<vmem>> -> memref<1x128xi32, #tpu.memory_space<vmem>>
    %dma_wait3A_2020 = tpu.memref_squeeze %dma_wait3A_2019 : memref<1x128xi32, #tpu.memory_space<vmem>> -> memref<128xi32, #tpu.memory_space<vmem>>
    %dma_wait3A_2021 = arith.constant 0 : i32
    %dma_wait3A_2022 = tpu.memref_slice %arg6[%dma_wait3A_2021] : memref<100000xf32, #tpu.memory_space<hbm>> -> memref<100000xf32, #tpu.memory_space<hbm>>
    tpu.wait_indirect_dma semaphore(%arg23 : memref<!tpu.dma_semaphore, #tpu.memory_space<semaphore_mem>>) src(%dma_wait3A_2022 : memref<100000xf32, #tpu.memory_space<hbm>>) dst(%dma_wait3A_2017 : memref<128xf32, #tpu.memory_space<vmem>>)
    %dma_wait3A_2023 = arith.constant 2 : i32
    %dma_wait3A_2024 = arith.constant 256 : i32
    %dma_wait3A_2025 = tpu.memref_slice %arg19[%dma_wait3A_2024] : memref<512xf32, #tpu.memory_space<vmem>> -> memref<128xf32, #tpu.memory_space<vmem>>
    %dma_wait3A_2026 = arith.constant 0 : i32
    %dma_wait3A_2027 = tpu.memref_slice %arg11[%dma_wait3A_2023, %dma_wait3A_2026] : memref<4x128xi32, #tpu.memory_space<vmem>> -> memref<1x128xi32, #tpu.memory_space<vmem>>
    %dma_wait3A_2028 = tpu.memref_squeeze %dma_wait3A_2027 : memref<1x128xi32, #tpu.memory_space<vmem>> -> memref<128xi32, #tpu.memory_space<vmem>>
    %dma_wait3A_2029 = arith.constant 0 : i32
    %dma_wait3A_2030 = tpu.memref_slice %arg7[%dma_wait3A_2029] : memref<100000xf32, #tpu.memory_space<hbm>> -> memref<100000xf32, #tpu.memory_space<hbm>>
    tpu.wait_indirect_dma semaphore(%arg23 : memref<!tpu.dma_semaphore, #tpu.memory_space<semaphore_mem>>) src(%dma_wait3A_2030 : memref<100000xf32, #tpu.memory_space<hbm>>) dst(%dma_wait3A_2025 : memref<128xf32, #tpu.memory_space<vmem>>)
    %dma_wait3A_2031 = arith.constant 3 : i32
    %dma_wait3A_2032 = arith.constant 384 : i32
    %dma_wait3A_2033 = tpu.memref_slice %arg18[%dma_wait3A_2032] : memref<512xf32, #tpu.memory_space<vmem>> -> memref<128xf32, #tpu.memory_space<vmem>>
    %dma_wait3A_2034 = arith.constant 0 : i32
    %dma_wait3A_2035 = tpu.memref_slice %arg10[%dma_wait3A_2031, %dma_wait3A_2034] : memref<4x128xi32, #tpu.memory_space<vmem>> -> memref<1x128xi32, #tpu.memory_space<vmem>>
    %dma_wait3A_2036 = tpu.memref_squeeze %dma_wait3A_2035 : memref<1x128xi32, #tpu.memory_space<vmem>> -> memref<128xi32, #tpu.memory_space<vmem>>
    %dma_wait3A_2037 = arith.constant 0 : i32
    %dma_wait3A_2038 = tpu.memref_slice %arg6[%dma_wait3A_2037] : memref<100000xf32, #tpu.memory_space<hbm>> -> memref<100000xf32, #tpu.memory_space<hbm>>
    tpu.wait_indirect_dma semaphore(%arg23 : memref<!tpu.dma_semaphore, #tpu.memory_space<semaphore_mem>>) src(%dma_wait3A_2038 : memref<100000xf32, #tpu.memory_space<hbm>>) dst(%dma_wait3A_2033 : memref<128xf32, #tpu.memory_space<vmem>>)
    %dma_wait3A_2039 = arith.constant 3 : i32
    %dma_wait3A_2040 = arith.constant 384 : i32
    %dma_wait3A_2041 = tpu.memref_slice %arg19[%dma_wait3A_2040] : memref<512xf32, #tpu.memory_space<vmem>> -> memref<128xf32, #tpu.memory_space<vmem>>
    %dma_wait3A_2042 = arith.constant 0 : i32
    %dma_wait3A_2043 = tpu.memref_slice %arg11[%dma_wait3A_2039, %dma_wait3A_2042] : memref<4x128xi32, #tpu.memory_space<vmem>> -> memref<1x128xi32, #tpu.memory_space<vmem>>
    %dma_wait3A_2044 = tpu.memref_squeeze %dma_wait3A_2043 : memref<1x128xi32, #tpu.memory_space<vmem>> -> memref<128xi32, #tpu.memory_space<vmem>>
    %dma_wait3A_2045 = arith.constant 0 : i32
    %dma_wait3A_2046 = tpu.memref_slice %arg7[%dma_wait3A_2045] : memref<100000xf32, #tpu.memory_space<hbm>> -> memref<100000xf32, #tpu.memory_space<hbm>>
    tpu.wait_indirect_dma semaphore(%arg23 : memref<!tpu.dma_semaphore, #tpu.memory_space<semaphore_mem>>) src(%dma_wait3A_2046 : memref<100000xf32, #tpu.memory_space<hbm>>) dst(%dma_wait3A_2041 : memref<128xf32, #tpu.memory_space<vmem>>)
    %scan3A = arith.constant 0 : i32
    %scan3A_2047 = arith.constant 0 : i32
    %scan3A_2048 = arith.constant 8 : i32
    %scan3A_2049 = arith.addi %scan3A_2047, %scan3A_2048 : i32
    %scan3A_2050 = arith.constant 1 : i32
    scf.for %scan3A_2170 = %scan3A_2047 to %scan3A_2049 step %scan3A_2050  : i32 {
      %sub3A = arith.constant 0 : i32
      %sub3A_2171 = arith.subi %scan3A_2170, %sub3A : i32
      %mul3A_2172 = arith.constant 16 : i32
      %mul3A_2173 = arith.muli %sub3A_2171, %mul3A_2172 : i32
      %add3A_2174 = arith.constant 0 : i32
      %add3A_2175 = arith.addi %add3A_2174, %mul3A_2173 : i32
      %add3A_2176 = vector.broadcast %add3A_2175 : i32 to vector<16xi32>
      %add3A_2177 = arith.addi %add3A_2176, %iota3A : vector<16xi32>
      %mul3A_2178 = arith.constant 16 : i32
      %mul3A_2179 = arith.muli %scan3A_2170, %mul3A_2178 : i32
      %get3A_2180 = arith.index_cast %mul3A_2179 : i32 to index
      %get3A_2181 = tpu.vector_load %arg14[%get3A_2180] {strides = array<i32>} : memref<512xi32, #tpu.memory_space<vmem>>, vector<16xi32>,
      %mul3A_2182 = arith.constant 16 : i32
      %mul3A_2183 = arith.muli %scan3A_2170, %mul3A_2182 : i32
      %get3A_2184 = arith.index_cast %mul3A_2183 : i32 to index
      %get3A_2185 = tpu.vector_load %arg15[%get3A_2184] {strides = array<i32>} : memref<512xi32, #tpu.memory_space<vmem>>, vector<16xi32>,
      %broadcast_in_dim3A_2186 = arith.constant 0.000000e+00 : f32
      %broadcast_in_dim3A_2187 = vector.broadcast %broadcast_in_dim3A_2186 : f32 to vector<16xf32>
      %scan3A_2188 = arith.constant 0 : i32
      %scan3A_2189 = arith.constant 8 : i32
      %scan3A_2190 = arith.addi %scan3A_2188, %scan3A_2189 : i32
      %scan3A_2191 = arith.constant 1 : i32
      %scan3A_2192:5 = scf.for %scan3A_2208 = %scan3A_2188 to %scan3A_2190 step %scan3A_2191 iter_args(%scan3A_2209 = %broadcast_in_dim3A_2187, %scan3A_2210 = %broadcast_in_dim3A_2187, %scan3A_2211 = %broadcast_in_dim3A_2187, %scan3A_2212 = %broadcast_in_dim3A_2187, %scan3A_2213 = %iota3A) -> (vector<16xf32>, vector<16xf32>, vector<16xf32>, vector<16xf32>, vector<16xi32>)  : i32 {
        %and3A_2214 = arith.constant 63 : i32
        %and3A_2215 = vector.broadcast %and3A_2214 : i32 to vector<16xi32>
        %and3A_2216 = arith.andi %scan3A_2213, %and3A_2215 : vector<16xi32>
        %add3A_2217 = arith.addi %get3A_2181, %and3A_2216 : vector<16xi32>
        %gather3A = tpu.vector_load_idx %arg16[%add3A_2177, %add3A_2217] : memref<256x128xf32, #tpu.memory_space<vmem>>[vector<16xi32>, vector<16xi32>], vector<16xf32>,
        %add3A_2218 = arith.addi %get3A_2185, %and3A_2216 : vector<16xi32>
        %gather3A_2219 = tpu.vector_load_idx %arg17[%add3A_2177, %add3A_2218] : memref<256x128xf32, #tpu.memory_space<vmem>>[vector<16xi32>, vector<16xi32>], vector<16xf32>,
        %mul3A_2220 = arith.mulf %gather3A, %gather3A_2219 : vector<16xf32>
        %add3A_2221 = arith.addf %scan3A_2209, %mul3A_2220 : vector<16xf32>
        %add3A_2222 = arith.constant 1 : i32
        %add3A_2223 = vector.broadcast %add3A_2222 : i32 to vector<16xi32>
        %add3A_2224 = arith.addi %scan3A_2213, %add3A_2223 : vector<16xi32>
        %and3A_2225 = arith.constant 63 : i32
        %and3A_2226 = vector.broadcast %and3A_2225 : i32 to vector<16xi32>
        %and3A_2227 = arith.andi %add3A_2224, %and3A_2226 : vector<16xi32>
        %add3A_2228 = arith.addi %get3A_2181, %and3A_2227 : vector<16xi32>
        %gather3A_2229 = tpu.vector_load_idx %arg16[%add3A_2177, %add3A_2228] : memref<256x128xf32, #tpu.memory_space<vmem>>[vector<16xi32>, vector<16xi32>], vector<16xf32>,
        %add3A_2230 = arith.addi %get3A_2185, %and3A_2227 : vector<16xi32>
        %gather3A_2231 = tpu.vector_load_idx %arg17[%add3A_2177, %add3A_2230] : memref<256x128xf32, #tpu.memory_space<vmem>>[vector<16xi32>, vector<16xi32>], vector<16xf32>,
        %mul3A_2232 = arith.mulf %gather3A_2229, %gather3A_2231 : vector<16xf32>
        %add3A_2233 = arith.addf %scan3A_2210, %mul3A_2232 : vector<16xf32>
        %add3A_2234 = arith.constant 2 : i32
        %add3A_2235 = vector.broadcast %add3A_2234 : i32 to vector<16xi32>
        %add3A_2236 = arith.addi %scan3A_2213, %add3A_2235 : vector<16xi32>
        %and3A_2237 = arith.constant 63 : i32
        %and3A_2238 = vector.broadcast %and3A_2237 : i32 to vector<16xi32>
        %and3A_2239 = arith.andi %add3A_2236, %and3A_2238 : vector<16xi32>
        %add3A_2240 = arith.addi %get3A_2181, %and3A_2239 : vector<16xi32>
        %gather3A_2241 = tpu.vector_load_idx %arg16[%add3A_2177, %add3A_2240] : memref<256x128xf32, #tpu.memory_space<vmem>>[vector<16xi32>, vector<16xi32>], vector<16xf32>,
        %add3A_2242 = arith.addi %get3A_2185, %and3A_2239 : vector<16xi32>
        %gather3A_2243 = tpu.vector_load_idx %arg17[%add3A_2177, %add3A_2242] : memref<256x128xf32, #tpu.memory_space<vmem>>[vector<16xi32>, vector<16xi32>], vector<16xf32>,
        %mul3A_2244 = arith.mulf %gather3A_2241, %gather3A_2243 : vector<16xf32>
        %add3A_2245 = arith.addf %scan3A_2211, %mul3A_2244 : vector<16xf32>
        %add3A_2246 = arith.constant 3 : i32
        %add3A_2247 = vector.broadcast %add3A_2246 : i32 to vector<16xi32>
        %add3A_2248 = arith.addi %scan3A_2213, %add3A_2247 : vector<16xi32>
        %and3A_2249 = arith.constant 63 : i32
        %and3A_2250 = vector.broadcast %and3A_2249 : i32 to vector<16xi32>
        %and3A_2251 = arith.andi %add3A_2248, %and3A_2250 : vector<16xi32>
        %add3A_2252 = arith.addi %get3A_2181, %and3A_2251 : vector<16xi32>
        %gather3A_2253 = tpu.vector_load_idx %arg16[%add3A_2177, %add3A_2252] : memref<256x128xf32, #tpu.memory_space<vmem>>[vector<16xi32>, vector<16xi32>], vector<16xf32>,
        %add3A_2254 = arith.addi %get3A_2185, %and3A_2251 : vector<16xi32>
        %gather3A_2255 = tpu.vector_load_idx %arg17[%add3A_2177, %add3A_2254] : memref<256x128xf32, #tpu.memory_space<vmem>>[vector<16xi32>, vector<16xi32>], vector<16xf32>,
        %mul3A_2256 = arith.mulf %gather3A_2253, %gather3A_2255 : vector<16xf32>
        %add3A_2257 = arith.addf %scan3A_2212, %mul3A_2256 : vector<16xf32>
        %add3A_2258 = arith.constant 4 : i32
        %add3A_2259 = vector.broadcast %add3A_2258 : i32 to vector<16xi32>
        %add3A_2260 = arith.addi %scan3A_2213, %add3A_2259 : vector<16xi32>
        %and3A_2261 = arith.constant 63 : i32
        %and3A_2262 = vector.broadcast %and3A_2261 : i32 to vector<16xi32>
        %and3A_2263 = arith.andi %add3A_2260, %and3A_2262 : vector<16xi32>
        %add3A_2264 = arith.addi %get3A_2181, %and3A_2263 : vector<16xi32>
        %gather3A_2265 = tpu.vector_load_idx %arg16[%add3A_2177, %add3A_2264] : memref<256x128xf32, #tpu.memory_space<vmem>>[vector<16xi32>, vector<16xi32>], vector<16xf32>,
        %add3A_2266 = arith.addi %get3A_2185, %and3A_2263 : vector<16xi32>
        %gather3A_2267 = tpu.vector_load_idx %arg17[%add3A_2177, %add3A_2266] : memref<256x128xf32, #tpu.memory_space<vmem>>[vector<16xi32>, vector<16xi32>], vector<16xf32>,
        %mul3A_2268 = arith.mulf %gather3A_2265, %gather3A_2267 : vector<16xf32>
        %add3A_2269 = arith.addf %add3A_2221, %mul3A_2268 : vector<16xf32>
        %add3A_2270 = arith.constant 5 : i32
        %add3A_2271 = vector.broadcast %add3A_2270 : i32 to vector<16xi32>
        %add3A_2272 = arith.addi %scan3A_2213, %add3A_2271 : vector<16xi32>
        %and3A_2273 = arith.constant 63 : i32
        %and3A_2274 = vector.broadcast %and3A_2273 : i32 to vector<16xi32>
        %and3A_2275 = arith.andi %add3A_2272, %and3A_2274 : vector<16xi32>
        %add3A_2276 = arith.addi %get3A_2181, %and3A_2275 : vector<16xi32>
        %gather3A_2277 = tpu.vector_load_idx %arg16[%add3A_2177, %add3A_2276] : memref<256x128xf32, #tpu.memory_space<vmem>>[vector<16xi32>, vector<16xi32>], vector<16xf32>,
        %add3A_2278 = arith.addi %get3A_2185, %and3A_2275 : vector<16xi32>
        %gather3A_2279 = tpu.vector_load_idx %arg17[%add3A_2177, %add3A_2278] : memref<256x128xf32, #tpu.memory_space<vmem>>[vector<16xi32>, vector<16xi32>], vector<16xf32>,
        %mul3A_2280 = arith.mulf %gather3A_2277, %gather3A_2279 : vector<16xf32>
        %add3A_2281 = arith.addf %add3A_2233, %mul3A_2280 : vector<16xf32>
        %add3A_2282 = arith.constant 6 : i32
        %add3A_2283 = vector.broadcast %add3A_2282 : i32 to vector<16xi32>
        %add3A_2284 = arith.addi %scan3A_2213, %add3A_2283 : vector<16xi32>
        %and3A_2285 = arith.constant 63 : i32
        %and3A_2286 = vector.broadcast %and3A_2285 : i32 to vector<16xi32>
        %and3A_2287 = arith.andi %add3A_2284, %and3A_2286 : vector<16xi32>
        %add3A_2288 = arith.addi %get3A_2181, %and3A_2287 : vector<16xi32>
        %gather3A_2289 = tpu.vector_load_idx %arg16[%add3A_2177, %add3A_2288] : memref<256x128xf32, #tpu.memory_space<vmem>>[vector<16xi32>, vector<16xi32>], vector<16xf32>,
        %add3A_2290 = arith.addi %get3A_2185, %and3A_2287 : vector<16xi32>
        %gather3A_2291 = tpu.vector_load_idx %arg17[%add3A_2177, %add3A_2290] : memref<256x128xf32, #tpu.memory_space<vmem>>[vector<16xi32>, vector<16xi32>], vector<16xf32>,
        %mul3A_2292 = arith.mulf %gather3A_2289, %gather3A_2291 : vector<16xf32>
        %add3A_2293 = arith.addf %add3A_2245, %mul3A_2292 : vector<16xf32>
        %add3A_2294 = arith.constant 7 : i32
        %add3A_2295 = vector.broadcast %add3A_2294 : i32 to vector<16xi32>
        %add3A_2296 = arith.addi %scan3A_2213, %add3A_2295 : vector<16xi32>
        %and3A_2297 = arith.constant 63 : i32
        %and3A_2298 = vector.broadcast %and3A_2297 : i32 to vector<16xi32>
        %and3A_2299 = arith.andi %add3A_2296, %and3A_2298 : vector<16xi32>
        %add3A_2300 = arith.addi %get3A_2181, %and3A_2299 : vector<16xi32>
        %gather3A_2301 = tpu.vector_load_idx %arg16[%add3A_2177, %add3A_2300] : memref<256x128xf32, #tpu.memory_space<vmem>>[vector<16xi32>, vector<16xi32>], vector<16xf32>,
        %add3A_2302 = arith.addi %get3A_2185, %and3A_2299 : vector<16xi32>
        %gather3A_2303 = tpu.vector_load_idx %arg17[%add3A_2177, %add3A_2302] : memref<256x128xf32, #tpu.memory_space<vmem>>[vector<16xi32>, vector<16xi32>], vector<16xf32>,
        %mul3A_2304 = arith.mulf %gather3A_2301, %gather3A_2303 : vector<16xf32>
        %add3A_2305 = arith.addf %add3A_2257, %mul3A_2304 : vector<16xf32>
        %add3A_2306 = arith.constant 8 : i32
        %add3A_2307 = vector.broadcast %add3A_2306 : i32 to vector<16xi32>
        %add3A_2308 = arith.addi %scan3A_2213, %add3A_2307 : vector<16xi32>
        scf.yield %add3A_2269, %add3A_2281, %add3A_2293, %add3A_2305, %add3A_2308 : vector<16xf32>, vector<16xf32>, vector<16xf32>, vector<16xf32>, vector<16xi32>
      }
      %scan3A_2193 = arith.constant 8 : i32
      %mul3A_2194 = arith.constant 16 : i32
      %mul3A_2195 = arith.muli %scan3A_2170, %mul3A_2194 : i32
      %add3A_2196 = arith.addf %scan3A_2192#0, %scan3A_2192#1 : vector<16xf32>
      %add3A_2197 = arith.addf %scan3A_2192#2, %scan3A_2192#3 : vector<16xf32>
      %add3A_2198 = arith.addf %add3A_2196, %add3A_2197 : vector<16xf32>
      %get3A_2199 = arith.index_cast %mul3A_2195 : i32 to index
      %get3A_2200 = tpu.vector_load %arg18[%get3A_2199] {strides = array<i32>} : memref<512xf32, #tpu.memory_space<vmem>>, vector<16xf32>,
      %add3A_2201 = arith.addf %add3A_2198, %get3A_2200 : vector<16xf32>
      %get3A_2202 = arith.index_cast %mul3A_2195 : i32 to index
      %get3A_2203 = tpu.vector_load %arg19[%get3A_2202] {strides = array<i32>} : memref<512xf32, #tpu.memory_space<vmem>>, vector<16xf32>,
      %add3A_2204 = arith.addf %add3A_2201, %get3A_2203 : vector<16xf32>
      %add3A_2205 = arith.addf %add3A_2204, %get3A_1923 : vector<16xf32>
      %swap3A_2206 = arith.index_cast %mul3A_2195 : i32 to index
      %swap3A_2207 = tpu.vector_load %arg21[%swap3A_2206] {strides = array<i32>} : memref<512xf32, #tpu.memory_space<vmem>>, vector<16xf32>,
      tpu.vector_store %arg21[%swap3A_2206], %add3A_2205 {strides = array<i32>} : memref<512xf32, #tpu.memory_space<vmem>>, vector<16xf32>,
    }
    %scan3A_2051 = arith.constant 8 : i32
    %dma_start3A_2052 = arith.constant 2 : i32
    %dma_start3A_2053 = arith.constant 0 : i32
    %dma_start3A_2054 = arith.constant 0 : i32
    %dma_start3A_2055 = tpu.memref_slice %arg16[%dma_start3A_2053, %dma_start3A_2054] : memref<256x128xf32, #tpu.memory_space<vmem>> -> memref<128x128xf32, #tpu.memory_space<vmem>>
    %dma_start3A_2056 = arith.constant 0 : i32
    %dma_start3A_2057 = tpu.memref_slice %arg12[%dma_start3A_2052, %dma_start3A_2056] : memref<4x128xi32, #tpu.memory_space<vmem>> -> memref<1x128xi32, #tpu.memory_space<vmem>>
    %dma_start3A_2058 = tpu.memref_squeeze %dma_start3A_2057 : memref<1x128xi32, #tpu.memory_space<vmem>> -> memref<128xi32, #tpu.memory_space<vmem>>
    %dma_start3A_2059 = arith.constant 0 : i32
    %dma_start3A_2060 = arith.constant 0 : i32
    %dma_start3A_2061 = tpu.memref_slice %arg4[%dma_start3A_2059, %dma_start3A_2060] : memref<53248x128xf32, #tpu.memory_space<hbm>> -> memref<53248x128xf32, #tpu.memory_space<hbm>>
    tpu.enqueue_indirect_dma source(%dma_start3A_2061 : memref<53248x128xf32, #tpu.memory_space<hbm>>) target(%dma_start3A_2055 : memref<128x128xf32, #tpu.memory_space<vmem>>) offsets(%dma_start3A_2058 : memref<128xi32, #tpu.memory_space<vmem>>) semaphore(%arg22 : memref<!tpu.dma_semaphore, #tpu.memory_space<semaphore_mem>>)
    %dma_start3A_2062 = arith.constant 2 : i32
    %dma_start3A_2063 = arith.constant 0 : i32
    %dma_start3A_2064 = arith.constant 0 : i32
    %dma_start3A_2065 = tpu.memref_slice %arg17[%dma_start3A_2063, %dma_start3A_2064] : memref<256x128xf32, #tpu.memory_space<vmem>> -> memref<128x128xf32, #tpu.memory_space<vmem>>
    %dma_start3A_2066 = arith.constant 0 : i32
    %dma_start3A_2067 = tpu.memref_slice %arg13[%dma_start3A_2062, %dma_start3A_2066] : memref<4x128xi32, #tpu.memory_space<vmem>> -> memref<1x128xi32, #tpu.memory_space<vmem>>
    %dma_start3A_2068 = tpu.memref_squeeze %dma_start3A_2067 : memref<1x128xi32, #tpu.memory_space<vmem>> -> memref<128xi32, #tpu.memory_space<vmem>>
    %dma_start3A_2069 = arith.constant 0 : i32
    %dma_start3A_2070 = arith.constant 0 : i32
    %dma_start3A_2071 = tpu.memref_slice %arg5[%dma_start3A_2069, %dma_start3A_2070] : memref<53248x128xf32, #tpu.memory_space<hbm>> -> memref<53248x128xf32, #tpu.memory_space<hbm>>
    tpu.enqueue_indirect_dma source(%dma_start3A_2071 : memref<53248x128xf32, #tpu.memory_space<hbm>>) target(%dma_start3A_2065 : memref<128x128xf32, #tpu.memory_space<vmem>>) offsets(%dma_start3A_2068 : memref<128xi32, #tpu.memory_space<vmem>>) semaphore(%arg22 : memref<!tpu.dma_semaphore, #tpu.memory_space<semaphore_mem>>)
    %dma_wait3A_2072 = arith.constant 1 : i32
    %dma_wait3A_2073 = arith.constant 128 : i32
    %dma_wait3A_2074 = arith.constant 0 : i32
    %dma_wait3A_2075 = tpu.memref_slice %arg16[%dma_wait3A_2073, %dma_wait3A_2074] : memref<256x128xf32, #tpu.memory_space<vmem>> -> memref<128x128xf32, #tpu.memory_space<vmem>>
    %dma_wait3A_2076 = arith.constant 0 : i32
    %dma_wait3A_2077 = tpu.memref_slice %arg12[%dma_wait3A_2072, %dma_wait3A_2076] : memref<4x128xi32, #tpu.memory_space<vmem>> -> memref<1x128xi32, #tpu.memory_space<vmem>>
    %dma_wait3A_2078 = tpu.memref_squeeze %dma_wait3A_2077 : memref<1x128xi32, #tpu.memory_space<vmem>> -> memref<128xi32, #tpu.memory_space<vmem>>
    %dma_wait3A_2079 = arith.constant 0 : i32
    %dma_wait3A_2080 = arith.constant 0 : i32
    %dma_wait3A_2081 = tpu.memref_slice %arg4[%dma_wait3A_2079, %dma_wait3A_2080] : memref<53248x128xf32, #tpu.memory_space<hbm>> -> memref<53248x128xf32, #tpu.memory_space<hbm>>
    tpu.wait_indirect_dma semaphore(%arg22 : memref<!tpu.dma_semaphore, #tpu.memory_space<semaphore_mem>>) src(%dma_wait3A_2081 : memref<53248x128xf32, #tpu.memory_space<hbm>>) dst(%dma_wait3A_2075 : memref<128x128xf32, #tpu.memory_space<vmem>>)
    %dma_wait3A_2082 = arith.constant 1 : i32
    %dma_wait3A_2083 = arith.constant 128 : i32
    %dma_wait3A_2084 = arith.constant 0 : i32
    %dma_wait3A_2085 = tpu.memref_slice %arg17[%dma_wait3A_2083, %dma_wait3A_2084] : memref<256x128xf32, #tpu.memory_space<vmem>> -> memref<128x128xf32, #tpu.memory_space<vmem>>
    %dma_wait3A_2086 = arith.constant 0 : i32
    %dma_wait3A_2087 = tpu.memref_slice %arg13[%dma_wait3A_2082, %dma_wait3A_2086] : memref<4x128xi32, #tpu.memory_space<vmem>> -> memref<1x128xi32, #tpu.memory_space<vmem>>
    %dma_wait3A_2088 = tpu.memref_squeeze %dma_wait3A_2087 : memref<1x128xi32, #tpu.memory_space<vmem>> -> memref<128xi32, #tpu.memory_space<vmem>>
    %dma_wait3A_2089 = arith.constant 0 : i32
    %dma_wait3A_2090 = arith.constant 0 : i32
    %dma_wait3A_2091 = tpu.memref_slice %arg5[%dma_wait3A_2089, %dma_wait3A_2090] : memref<53248x128xf32, #tpu.memory_space<hbm>> -> memref<53248x128xf32, #tpu.memory_space<hbm>>
    tpu.wait_indirect_dma semaphore(%arg22 : memref<!tpu.dma_semaphore, #tpu.memory_space<semaphore_mem>>) src(%dma_wait3A_2091 : memref<53248x128xf32, #tpu.memory_space<hbm>>) dst(%dma_wait3A_2085 : memref<128x128xf32, #tpu.memory_space<vmem>>)
    %scan3A_2092 = arith.constant 0 : i32
    %scan3A_2093 = arith.constant 8 : i32
    %scan3A_2094 = arith.constant 8 : i32
    %scan3A_2095 = arith.addi %scan3A_2093, %scan3A_2094 : i32
    %scan3A_2096 = arith.constant 1 : i32
    scf.for %scan3A_2170 = %scan3A_2093 to %scan3A_2095 step %scan3A_2096  : i32 {
      %sub3A = arith.constant 8 : i32
      %sub3A_2171 = arith.subi %scan3A_2170, %sub3A : i32
      %mul3A_2172 = arith.constant 16 : i32
      %mul3A_2173 = arith.muli %sub3A_2171, %mul3A_2172 : i32
      %add3A_2174 = arith.constant 128 : i32
      %add3A_2175 = arith.addi %add3A_2174, %mul3A_2173 : i32
      %add3A_2176 = vector.broadcast %add3A_2175 : i32 to vector<16xi32>
      %add3A_2177 = arith.addi %add3A_2176, %iota3A : vector<16xi32>
      %mul3A_2178 = arith.constant 16 : i32
      %mul3A_2179 = arith.muli %scan3A_2170, %mul3A_2178 : i32
      %get3A_2180 = arith.index_cast %mul3A_2179 : i32 to index
      %get3A_2181 = tpu.vector_load %arg14[%get3A_2180] {strides = array<i32>} : memref<512xi32, #tpu.memory_space<vmem>>, vector<16xi32>,
      %mul3A_2182 = arith.constant 16 : i32
      %mul3A_2183 = arith.muli %scan3A_2170, %mul3A_2182 : i32
      %get3A_2184 = arith.index_cast %mul3A_2183 : i32 to index
      %get3A_2185 = tpu.vector_load %arg15[%get3A_2184] {strides = array<i32>} : memref<512xi32, #tpu.memory_space<vmem>>, vector<16xi32>,
      %broadcast_in_dim3A_2186 = arith.constant 0.000000e+00 : f32
      %broadcast_in_dim3A_2187 = vector.broadcast %broadcast_in_dim3A_2186 : f32 to vector<16xf32>
      %scan3A_2188 = arith.constant 0 : i32
      %scan3A_2189 = arith.constant 8 : i32
      %scan3A_2190 = arith.addi %scan3A_2188, %scan3A_2189 : i32
      %scan3A_2191 = arith.constant 1 : i32
      %scan3A_2192:5 = scf.for %scan3A_2208 = %scan3A_2188 to %scan3A_2190 step %scan3A_2191 iter_args(%scan3A_2209 = %broadcast_in_dim3A_2187, %scan3A_2210 = %broadcast_in_dim3A_2187, %scan3A_2211 = %broadcast_in_dim3A_2187, %scan3A_2212 = %broadcast_in_dim3A_2187, %scan3A_2213 = %iota3A) -> (vector<16xf32>, vector<16xf32>, vector<16xf32>, vector<16xf32>, vector<16xi32>)  : i32 {
        %and3A_2214 = arith.constant 63 : i32
        %and3A_2215 = vector.broadcast %and3A_2214 : i32 to vector<16xi32>
        %and3A_2216 = arith.andi %scan3A_2213, %and3A_2215 : vector<16xi32>
        %add3A_2217 = arith.addi %get3A_2181, %and3A_2216 : vector<16xi32>
        %gather3A = tpu.vector_load_idx %arg16[%add3A_2177, %add3A_2217] : memref<256x128xf32, #tpu.memory_space<vmem>>[vector<16xi32>, vector<16xi32>], vector<16xf32>,
        %add3A_2218 = arith.addi %get3A_2185, %and3A_2216 : vector<16xi32>
        %gather3A_2219 = tpu.vector_load_idx %arg17[%add3A_2177, %add3A_2218] : memref<256x128xf32, #tpu.memory_space<vmem>>[vector<16xi32>, vector<16xi32>], vector<16xf32>,
        %mul3A_2220 = arith.mulf %gather3A, %gather3A_2219 : vector<16xf32>
        %add3A_2221 = arith.addf %scan3A_2209, %mul3A_2220 : vector<16xf32>
        %add3A_2222 = arith.constant 1 : i32
        %add3A_2223 = vector.broadcast %add3A_2222 : i32 to vector<16xi32>
        %add3A_2224 = arith.addi %scan3A_2213, %add3A_2223 : vector<16xi32>
        %and3A_2225 = arith.constant 63 : i32
        %and3A_2226 = vector.broadcast %and3A_2225 : i32 to vector<16xi32>
        %and3A_2227 = arith.andi %add3A_2224, %and3A_2226 : vector<16xi32>
        %add3A_2228 = arith.addi %get3A_2181, %and3A_2227 : vector<16xi32>
        %gather3A_2229 = tpu.vector_load_idx %arg16[%add3A_2177, %add3A_2228] : memref<256x128xf32, #tpu.memory_space<vmem>>[vector<16xi32>, vector<16xi32>], vector<16xf32>,
        %add3A_2230 = arith.addi %get3A_2185, %and3A_2227 : vector<16xi32>
        %gather3A_2231 = tpu.vector_load_idx %arg17[%add3A_2177, %add3A_2230] : memref<256x128xf32, #tpu.memory_space<vmem>>[vector<16xi32>, vector<16xi32>], vector<16xf32>,
        %mul3A_2232 = arith.mulf %gather3A_2229, %gather3A_2231 : vector<16xf32>
        %add3A_2233 = arith.addf %scan3A_2210, %mul3A_2232 : vector<16xf32>
        %add3A_2234 = arith.constant 2 : i32
        %add3A_2235 = vector.broadcast %add3A_2234 : i32 to vector<16xi32>
        %add3A_2236 = arith.addi %scan3A_2213, %add3A_2235 : vector<16xi32>
        %and3A_2237 = arith.constant 63 : i32
        %and3A_2238 = vector.broadcast %and3A_2237 : i32 to vector<16xi32>
        %and3A_2239 = arith.andi %add3A_2236, %and3A_2238 : vector<16xi32>
        %add3A_2240 = arith.addi %get3A_2181, %and3A_2239 : vector<16xi32>
        %gather3A_2241 = tpu.vector_load_idx %arg16[%add3A_2177, %add3A_2240] : memref<256x128xf32, #tpu.memory_space<vmem>>[vector<16xi32>, vector<16xi32>], vector<16xf32>,
        %add3A_2242 = arith.addi %get3A_2185, %and3A_2239 : vector<16xi32>
        %gather3A_2243 = tpu.vector_load_idx %arg17[%add3A_2177, %add3A_2242] : memref<256x128xf32, #tpu.memory_space<vmem>>[vector<16xi32>, vector<16xi32>], vector<16xf32>,
        %mul3A_2244 = arith.mulf %gather3A_2241, %gather3A_2243 : vector<16xf32>
        %add3A_2245 = arith.addf %scan3A_2211, %mul3A_2244 : vector<16xf32>
        %add3A_2246 = arith.constant 3 : i32
        %add3A_2247 = vector.broadcast %add3A_2246 : i32 to vector<16xi32>
        %add3A_2248 = arith.addi %scan3A_2213, %add3A_2247 : vector<16xi32>
        %and3A_2249 = arith.constant 63 : i32
        %and3A_2250 = vector.broadcast %and3A_2249 : i32 to vector<16xi32>
        %and3A_2251 = arith.andi %add3A_2248, %and3A_2250 : vector<16xi32>
        %add3A_2252 = arith.addi %get3A_2181, %and3A_2251 : vector<16xi32>
        %gather3A_2253 = tpu.vector_load_idx %arg16[%add3A_2177, %add3A_2252] : memref<256x128xf32, #tpu.memory_space<vmem>>[vector<16xi32>, vector<16xi32>], vector<16xf32>,
        %add3A_2254 = arith.addi %get3A_2185, %and3A_2251 : vector<16xi32>
        %gather3A_2255 = tpu.vector_load_idx %arg17[%add3A_2177, %add3A_2254] : memref<256x128xf32, #tpu.memory_space<vmem>>[vector<16xi32>, vector<16xi32>], vector<16xf32>,
        %mul3A_2256 = arith.mulf %gather3A_2253, %gather3A_2255 : vector<16xf32>
        %add3A_2257 = arith.addf %scan3A_2212, %mul3A_2256 : vector<16xf32>
        %add3A_2258 = arith.constant 4 : i32
        %add3A_2259 = vector.broadcast %add3A_2258 : i32 to vector<16xi32>
        %add3A_2260 = arith.addi %scan3A_2213, %add3A_2259 : vector<16xi32>
        %and3A_2261 = arith.constant 63 : i32
        %and3A_2262 = vector.broadcast %and3A_2261 : i32 to vector<16xi32>
        %and3A_2263 = arith.andi %add3A_2260, %and3A_2262 : vector<16xi32>
        %add3A_2264 = arith.addi %get3A_2181, %and3A_2263 : vector<16xi32>
        %gather3A_2265 = tpu.vector_load_idx %arg16[%add3A_2177, %add3A_2264] : memref<256x128xf32, #tpu.memory_space<vmem>>[vector<16xi32>, vector<16xi32>], vector<16xf32>,
        %add3A_2266 = arith.addi %get3A_2185, %and3A_2263 : vector<16xi32>
        %gather3A_2267 = tpu.vector_load_idx %arg17[%add3A_2177, %add3A_2266] : memref<256x128xf32, #tpu.memory_space<vmem>>[vector<16xi32>, vector<16xi32>], vector<16xf32>,
        %mul3A_2268 = arith.mulf %gather3A_2265, %gather3A_2267 : vector<16xf32>
        %add3A_2269 = arith.addf %add3A_2221, %mul3A_2268 : vector<16xf32>
        %add3A_2270 = arith.constant 5 : i32
        %add3A_2271 = vector.broadcast %add3A_2270 : i32 to vector<16xi32>
        %add3A_2272 = arith.addi %scan3A_2213, %add3A_2271 : vector<16xi32>
        %and3A_2273 = arith.constant 63 : i32
        %and3A_2274 = vector.broadcast %and3A_2273 : i32 to vector<16xi32>
        %and3A_2275 = arith.andi %add3A_2272, %and3A_2274 : vector<16xi32>
        %add3A_2276 = arith.addi %get3A_2181, %and3A_2275 : vector<16xi32>
        %gather3A_2277 = tpu.vector_load_idx %arg16[%add3A_2177, %add3A_2276] : memref<256x128xf32, #tpu.memory_space<vmem>>[vector<16xi32>, vector<16xi32>], vector<16xf32>,
        %add3A_2278 = arith.addi %get3A_2185, %and3A_2275 : vector<16xi32>
        %gather3A_2279 = tpu.vector_load_idx %arg17[%add3A_2177, %add3A_2278] : memref<256x128xf32, #tpu.memory_space<vmem>>[vector<16xi32>, vector<16xi32>], vector<16xf32>,
        %mul3A_2280 = arith.mulf %gather3A_2277, %gather3A_2279 : vector<16xf32>
        %add3A_2281 = arith.addf %add3A_2233, %mul3A_2280 : vector<16xf32>
        %add3A_2282 = arith.constant 6 : i32
        %add3A_2283 = vector.broadcast %add3A_2282 : i32 to vector<16xi32>
        %add3A_2284 = arith.addi %scan3A_2213, %add3A_2283 : vector<16xi32>
        %and3A_2285 = arith.constant 63 : i32
        %and3A_2286 = vector.broadcast %and3A_2285 : i32 to vector<16xi32>
        %and3A_2287 = arith.andi %add3A_2284, %and3A_2286 : vector<16xi32>
        %add3A_2288 = arith.addi %get3A_2181, %and3A_2287 : vector<16xi32>
        %gather3A_2289 = tpu.vector_load_idx %arg16[%add3A_2177, %add3A_2288] : memref<256x128xf32, #tpu.memory_space<vmem>>[vector<16xi32>, vector<16xi32>], vector<16xf32>,
        %add3A_2290 = arith.addi %get3A_2185, %and3A_2287 : vector<16xi32>
        %gather3A_2291 = tpu.vector_load_idx %arg17[%add3A_2177, %add3A_2290] : memref<256x128xf32, #tpu.memory_space<vmem>>[vector<16xi32>, vector<16xi32>], vector<16xf32>,
        %mul3A_2292 = arith.mulf %gather3A_2289, %gather3A_2291 : vector<16xf32>
        %add3A_2293 = arith.addf %add3A_2245, %mul3A_2292 : vector<16xf32>
        %add3A_2294 = arith.constant 7 : i32
        %add3A_2295 = vector.broadcast %add3A_2294 : i32 to vector<16xi32>
        %add3A_2296 = arith.addi %scan3A_2213, %add3A_2295 : vector<16xi32>
        %and3A_2297 = arith.constant 63 : i32
        %and3A_2298 = vector.broadcast %and3A_2297 : i32 to vector<16xi32>
        %and3A_2299 = arith.andi %add3A_2296, %and3A_2298 : vector<16xi32>
        %add3A_2300 = arith.addi %get3A_2181, %and3A_2299 : vector<16xi32>
        %gather3A_2301 = tpu.vector_load_idx %arg16[%add3A_2177, %add3A_2300] : memref<256x128xf32, #tpu.memory_space<vmem>>[vector<16xi32>, vector<16xi32>], vector<16xf32>,
        %add3A_2302 = arith.addi %get3A_2185, %and3A_2299 : vector<16xi32>
        %gather3A_2303 = tpu.vector_load_idx %arg17[%add3A_2177, %add3A_2302] : memref<256x128xf32, #tpu.memory_space<vmem>>[vector<16xi32>, vector<16xi32>], vector<16xf32>,
        %mul3A_2304 = arith.mulf %gather3A_2301, %gather3A_2303 : vector<16xf32>
        %add3A_2305 = arith.addf %add3A_2257, %mul3A_2304 : vector<16xf32>
        %add3A_2306 = arith.constant 8 : i32
        %add3A_2307 = vector.broadcast %add3A_2306 : i32 to vector<16xi32>
        %add3A_2308 = arith.addi %scan3A_2213, %add3A_2307 : vector<16xi32>
        scf.yield %add3A_2269, %add3A_2281, %add3A_2293, %add3A_2305, %add3A_2308 : vector<16xf32>, vector<16xf32>, vector<16xf32>, vector<16xf32>, vector<16xi32>
      }
      %scan3A_2193 = arith.constant 8 : i32
      %mul3A_2194 = arith.constant 16 : i32
      %mul3A_2195 = arith.muli %scan3A_2170, %mul3A_2194 : i32
      %add3A_2196 = arith.addf %scan3A_2192#0, %scan3A_2192#1 : vector<16xf32>
      %add3A_2197 = arith.addf %scan3A_2192#2, %scan3A_2192#3 : vector<16xf32>
      %add3A_2198 = arith.addf %add3A_2196, %add3A_2197 : vector<16xf32>
      %get3A_2199 = arith.index_cast %mul3A_2195 : i32 to index
      %get3A_2200 = tpu.vector_load %arg18[%get3A_2199] {strides = array<i32>} : memref<512xf32, #tpu.memory_space<vmem>>, vector<16xf32>,
      %add3A_2201 = arith.addf %add3A_2198, %get3A_2200 : vector<16xf32>
      %get3A_2202 = arith.index_cast %mul3A_2195 : i32 to index
      %get3A_2203 = tpu.vector_load %arg19[%get3A_2202] {strides = array<i32>} : memref<512xf32, #tpu.memory_space<vmem>>, vector<16xf32>,
      %add3A_2204 = arith.addf %add3A_2201, %get3A_2203 : vector<16xf32>
      %add3A_2205 = arith.addf %add3A_2204, %get3A_1923 : vector<16xf32>
      %swap3A_2206 = arith.index_cast %mul3A_2195 : i32 to index
      %swap3A_2207 = tpu.vector_load %arg21[%swap3A_2206] {strides = array<i32>} : memref<512xf32, #tpu.memory_space<vmem>>, vector<16xf32>,
      tpu.vector_store %arg21[%swap3A_2206], %add3A_2205 {strides = array<i32>} : memref<512xf32, #tpu.memory_space<vmem>>, vector<16xf32>,
    }
    %scan3A_2097 = arith.constant 8 : i32
    %dma_start3A_2098 = arith.constant 3 : i32
    %dma_start3A_2099 = arith.constant 128 : i32
    %dma_start3A_2100 = arith.constant 0 : i32
    %dma_start3A_2101 = tpu.memref_slice %arg16[%dma_start3A_2099, %dma_start3A_2100] : memref<256x128xf32, #tpu.memory_space<vmem>> -> memref<128x128xf32, #tpu.memory_space<vmem>>
    %dma_start3A_2102 = arith.constant 0 : i32
    %dma_start3A_2103 = tpu.memref_slice %arg12[%dma_start3A_2098, %dma_start3A_2102] : memref<4x128xi32, #tpu.memory_space<vmem>> -> memref<1x128xi32, #tpu.memory_space<vmem>>
    %dma_start3A_2104 = tpu.memref_squeeze %dma_start3A_2103 : memref<1x128xi32, #tpu.memory_space<vmem>> -> memref<128xi32, #tpu.memory_space<vmem>>
    %dma_start3A_2105 = arith.constant 0 : i32
    %dma_start3A_2106 = arith.constant 0 : i32
    %dma_start3A_2107 = tpu.memref_slice %arg4[%dma_start3A_2105, %dma_start3A_2106] : memref<53248x128xf32, #tpu.memory_space<hbm>> -> memref<53248x128xf32, #tpu.memory_space<hbm>>
    tpu.enqueue_indirect_dma source(%dma_start3A_2107 : memref<53248x128xf32, #tpu.memory_space<hbm>>) target(%dma_start3A_2101 : memref<128x128xf32, #tpu.memory_space<vmem>>) offsets(%dma_start3A_2104 : memref<128xi32, #tpu.memory_space<vmem>>) semaphore(%arg22 : memref<!tpu.dma_semaphore, #tpu.memory_space<semaphore_mem>>)
    %dma_start3A_2108 = arith.constant 3 : i32
    %dma_start3A_2109 = arith.constant 128 : i32
    %dma_start3A_2110 = arith.constant 0 : i32
    %dma_start3A_2111 = tpu.memref_slice %arg17[%dma_start3A_2109, %dma_start3A_2110] : memref<256x128xf32, #tpu.memory_space<vmem>> -> memref<128x128xf32, #tpu.memory_space<vmem>>
    %dma_start3A_2112 = arith.constant 0 : i32
    %dma_start3A_2113 = tpu.memref_slice %arg13[%dma_start3A_2108, %dma_start3A_2112] : memref<4x128xi32, #tpu.memory_space<vmem>> -> memref<1x128xi32, #tpu.memory_space<vmem>>
    %dma_start3A_2114 = tpu.memref_squeeze %dma_start3A_2113 : memref<1x128xi32, #tpu.memory_space<vmem>> -> memref<128xi32, #tpu.memory_space<vmem>>
    %dma_start3A_2115 = arith.constant 0 : i32
    %dma_start3A_2116 = arith.constant 0 : i32
    %dma_start3A_2117 = tpu.memref_slice %arg5[%dma_start3A_2115, %dma_start3A_2116] : memref<53248x128xf32, #tpu.memory_space<hbm>> -> memref<53248x128xf32, #tpu.memory_space<hbm>>
    tpu.enqueue_indirect_dma source(%dma_start3A_2117 : memref<53248x128xf32, #tpu.memory_space<hbm>>) target(%dma_start3A_2111 : memref<128x128xf32, #tpu.memory_space<vmem>>) offsets(%dma_start3A_2114 : memref<128xi32, #tpu.memory_space<vmem>>) semaphore(%arg22 : memref<!tpu.dma_semaphore, #tpu.memory_space<semaphore_mem>>)
    %dma_wait3A_2118 = arith.constant 2 : i32
    %dma_wait3A_2119 = arith.constant 0 : i32
    %dma_wait3A_2120 = arith.constant 0 : i32
    %dma_wait3A_2121 = tpu.memref_slice %arg16[%dma_wait3A_2119, %dma_wait3A_2120] : memref<256x128xf32, #tpu.memory_space<vmem>> -> memref<128x128xf32, #tpu.memory_space<vmem>>
    %dma_wait3A_2122 = arith.constant 0 : i32
    %dma_wait3A_2123 = tpu.memref_slice %arg12[%dma_wait3A_2118, %dma_wait3A_2122] : memref<4x128xi32, #tpu.memory_space<vmem>> -> memref<1x128xi32, #tpu.memory_space<vmem>>
    %dma_wait3A_2124 = tpu.memref_squeeze %dma_wait3A_2123 : memref<1x128xi32, #tpu.memory_space<vmem>> -> memref<128xi32, #tpu.memory_space<vmem>>
    %dma_wait3A_2125 = arith.constant 0 : i32
    %dma_wait3A_2126 = arith.constant 0 : i32
    %dma_wait3A_2127 = tpu.memref_slice %arg4[%dma_wait3A_2125, %dma_wait3A_2126] : memref<53248x128xf32, #tpu.memory_space<hbm>> -> memref<53248x128xf32, #tpu.memory_space<hbm>>
    tpu.wait_indirect_dma semaphore(%arg22 : memref<!tpu.dma_semaphore, #tpu.memory_space<semaphore_mem>>) src(%dma_wait3A_2127 : memref<53248x128xf32, #tpu.memory_space<hbm>>) dst(%dma_wait3A_2121 : memref<128x128xf32, #tpu.memory_space<vmem>>)
    %dma_wait3A_2128 = arith.constant 2 : i32
    %dma_wait3A_2129 = arith.constant 0 : i32
    %dma_wait3A_2130 = arith.constant 0 : i32
    %dma_wait3A_2131 = tpu.memref_slice %arg17[%dma_wait3A_2129, %dma_wait3A_2130] : memref<256x128xf32, #tpu.memory_space<vmem>> -> memref<128x128xf32, #tpu.memory_space<vmem>>
    %dma_wait3A_2132 = arith.constant 0 : i32
    %dma_wait3A_2133 = tpu.memref_slice %arg13[%dma_wait3A_2128, %dma_wait3A_2132] : memref<4x128xi32, #tpu.memory_space<vmem>> -> memref<1x128xi32, #tpu.memory_space<vmem>>
    %dma_wait3A_2134 = tpu.memref_squeeze %dma_wait3A_2133 : memref<1x128xi32, #tpu.memory_space<vmem>> -> memref<128xi32, #tpu.memory_space<vmem>>
    %dma_wait3A_2135 = arith.constant 0 : i32
    %dma_wait3A_2136 = arith.constant 0 : i32
    %dma_wait3A_2137 = tpu.memref_slice %arg5[%dma_wait3A_2135, %dma_wait3A_2136] : memref<53248x128xf32, #tpu.memory_space<hbm>> -> memref<53248x128xf32, #tpu.memory_space<hbm>>
    tpu.wait_indirect_dma semaphore(%arg22 : memref<!tpu.dma_semaphore, #tpu.memory_space<semaphore_mem>>) src(%dma_wait3A_2137 : memref<53248x128xf32, #tpu.memory_space<hbm>>) dst(%dma_wait3A_2131 : memref<128x128xf32, #tpu.memory_space<vmem>>)
    %scan3A_2138 = arith.constant 0 : i32
    %scan3A_2139 = arith.constant 16 : i32
    %scan3A_2140 = arith.constant 8 : i32
    %scan3A_2141 = arith.addi %scan3A_2139, %scan3A_2140 : i32
    %scan3A_2142 = arith.constant 1 : i32
    scf.for %scan3A_2170 = %scan3A_2139 to %scan3A_2141 step %scan3A_2142  : i32 {
      %sub3A = arith.constant 16 : i32
      %sub3A_2171 = arith.subi %scan3A_2170, %sub3A : i32
      %mul3A_2172 = arith.constant 16 : i32
      %mul3A_2173 = arith.muli %sub3A_2171, %mul3A_2172 : i32
      %add3A_2174 = arith.constant 0 : i32
      %add3A_2175 = arith.addi %add3A_2174, %mul3A_2173 : i32
      %add3A_2176 = vector.broadcast %add3A_2175 : i32 to vector<16xi32>
      %add3A_2177 = arith.addi %add3A_2176, %iota3A : vector<16xi32>
      %mul3A_2178 = arith.constant 16 : i32
      %mul3A_2179 = arith.muli %scan3A_2170, %mul3A_2178 : i32
      %get3A_2180 = arith.index_cast %mul3A_2179 : i32 to index
      %get3A_2181 = tpu.vector_load %arg14[%get3A_2180] {strides = array<i32>} : memref<512xi32, #tpu.memory_space<vmem>>, vector<16xi32>,
      %mul3A_2182 = arith.constant 16 : i32
      %mul3A_2183 = arith.muli %scan3A_2170, %mul3A_2182 : i32
      %get3A_2184 = arith.index_cast %mul3A_2183 : i32 to index
      %get3A_2185 = tpu.vector_load %arg15[%get3A_2184] {strides = array<i32>} : memref<512xi32, #tpu.memory_space<vmem>>, vector<16xi32>,
      %broadcast_in_dim3A_2186 = arith.constant 0.000000e+00 : f32
      %broadcast_in_dim3A_2187 = vector.broadcast %broadcast_in_dim3A_2186 : f32 to vector<16xf32>
      %scan3A_2188 = arith.constant 0 : i32
      %scan3A_2189 = arith.constant 8 : i32
      %scan3A_2190 = arith.addi %scan3A_2188, %scan3A_2189 : i32
      %scan3A_2191 = arith.constant 1 : i32
      %scan3A_2192:5 = scf.for %scan3A_2208 = %scan3A_2188 to %scan3A_2190 step %scan3A_2191 iter_args(%scan3A_2209 = %broadcast_in_dim3A_2187, %scan3A_2210 = %broadcast_in_dim3A_2187, %scan3A_2211 = %broadcast_in_dim3A_2187, %scan3A_2212 = %broadcast_in_dim3A_2187, %scan3A_2213 = %iota3A) -> (vector<16xf32>, vector<16xf32>, vector<16xf32>, vector<16xf32>, vector<16xi32>)  : i32 {
        %and3A_2214 = arith.constant 63 : i32
        %and3A_2215 = vector.broadcast %and3A_2214 : i32 to vector<16xi32>
        %and3A_2216 = arith.andi %scan3A_2213, %and3A_2215 : vector<16xi32>
        %add3A_2217 = arith.addi %get3A_2181, %and3A_2216 : vector<16xi32>
        %gather3A = tpu.vector_load_idx %arg16[%add3A_2177, %add3A_2217] : memref<256x128xf32, #tpu.memory_space<vmem>>[vector<16xi32>, vector<16xi32>], vector<16xf32>,
        %add3A_2218 = arith.addi %get3A_2185, %and3A_2216 : vector<16xi32>
        %gather3A_2219 = tpu.vector_load_idx %arg17[%add3A_2177, %add3A_2218] : memref<256x128xf32, #tpu.memory_space<vmem>>[vector<16xi32>, vector<16xi32>], vector<16xf32>,
        %mul3A_2220 = arith.mulf %gather3A, %gather3A_2219 : vector<16xf32>
        %add3A_2221 = arith.addf %scan3A_2209, %mul3A_2220 : vector<16xf32>
        %add3A_2222 = arith.constant 1 : i32
        %add3A_2223 = vector.broadcast %add3A_2222 : i32 to vector<16xi32>
        %add3A_2224 = arith.addi %scan3A_2213, %add3A_2223 : vector<16xi32>
        %and3A_2225 = arith.constant 63 : i32
        %and3A_2226 = vector.broadcast %and3A_2225 : i32 to vector<16xi32>
        %and3A_2227 = arith.andi %add3A_2224, %and3A_2226 : vector<16xi32>
        %add3A_2228 = arith.addi %get3A_2181, %and3A_2227 : vector<16xi32>
        %gather3A_2229 = tpu.vector_load_idx %arg16[%add3A_2177, %add3A_2228] : memref<256x128xf32, #tpu.memory_space<vmem>>[vector<16xi32>, vector<16xi32>], vector<16xf32>,
        %add3A_2230 = arith.addi %get3A_2185, %and3A_2227 : vector<16xi32>
        %gather3A_2231 = tpu.vector_load_idx %arg17[%add3A_2177, %add3A_2230] : memref<256x128xf32, #tpu.memory_space<vmem>>[vector<16xi32>, vector<16xi32>], vector<16xf32>,
        %mul3A_2232 = arith.mulf %gather3A_2229, %gather3A_2231 : vector<16xf32>
        %add3A_2233 = arith.addf %scan3A_2210, %mul3A_2232 : vector<16xf32>
        %add3A_2234 = arith.constant 2 : i32
        %add3A_2235 = vector.broadcast %add3A_2234 : i32 to vector<16xi32>
        %add3A_2236 = arith.addi %scan3A_2213, %add3A_2235 : vector<16xi32>
        %and3A_2237 = arith.constant 63 : i32
        %and3A_2238 = vector.broadcast %and3A_2237 : i32 to vector<16xi32>
        %and3A_2239 = arith.andi %add3A_2236, %and3A_2238 : vector<16xi32>
        %add3A_2240 = arith.addi %get3A_2181, %and3A_2239 : vector<16xi32>
        %gather3A_2241 = tpu.vector_load_idx %arg16[%add3A_2177, %add3A_2240] : memref<256x128xf32, #tpu.memory_space<vmem>>[vector<16xi32>, vector<16xi32>], vector<16xf32>,
        %add3A_2242 = arith.addi %get3A_2185, %and3A_2239 : vector<16xi32>
        %gather3A_2243 = tpu.vector_load_idx %arg17[%add3A_2177, %add3A_2242] : memref<256x128xf32, #tpu.memory_space<vmem>>[vector<16xi32>, vector<16xi32>], vector<16xf32>,
        %mul3A_2244 = arith.mulf %gather3A_2241, %gather3A_2243 : vector<16xf32>
        %add3A_2245 = arith.addf %scan3A_2211, %mul3A_2244 : vector<16xf32>
        %add3A_2246 = arith.constant 3 : i32
        %add3A_2247 = vector.broadcast %add3A_2246 : i32 to vector<16xi32>
        %add3A_2248 = arith.addi %scan3A_2213, %add3A_2247 : vector<16xi32>
        %and3A_2249 = arith.constant 63 : i32
        %and3A_2250 = vector.broadcast %and3A_2249 : i32 to vector<16xi32>
        %and3A_2251 = arith.andi %add3A_2248, %and3A_2250 : vector<16xi32>
        %add3A_2252 = arith.addi %get3A_2181, %and3A_2251 : vector<16xi32>
        %gather3A_2253 = tpu.vector_load_idx %arg16[%add3A_2177, %add3A_2252] : memref<256x128xf32, #tpu.memory_space<vmem>>[vector<16xi32>, vector<16xi32>], vector<16xf32>,
        %add3A_2254 = arith.addi %get3A_2185, %and3A_2251 : vector<16xi32>
        %gather3A_2255 = tpu.vector_load_idx %arg17[%add3A_2177, %add3A_2254] : memref<256x128xf32, #tpu.memory_space<vmem>>[vector<16xi32>, vector<16xi32>], vector<16xf32>,
        %mul3A_2256 = arith.mulf %gather3A_2253, %gather3A_2255 : vector<16xf32>
        %add3A_2257 = arith.addf %scan3A_2212, %mul3A_2256 : vector<16xf32>
        %add3A_2258 = arith.constant 4 : i32
        %add3A_2259 = vector.broadcast %add3A_2258 : i32 to vector<16xi32>
        %add3A_2260 = arith.addi %scan3A_2213, %add3A_2259 : vector<16xi32>
        %and3A_2261 = arith.constant 63 : i32
        %and3A_2262 = vector.broadcast %and3A_2261 : i32 to vector<16xi32>
        %and3A_2263 = arith.andi %add3A_2260, %and3A_2262 : vector<16xi32>
        %add3A_2264 = arith.addi %get3A_2181, %and3A_2263 : vector<16xi32>
        %gather3A_2265 = tpu.vector_load_idx %arg16[%add3A_2177, %add3A_2264] : memref<256x128xf32, #tpu.memory_space<vmem>>[vector<16xi32>, vector<16xi32>], vector<16xf32>,
        %add3A_2266 = arith.addi %get3A_2185, %and3A_2263 : vector<16xi32>
        %gather3A_2267 = tpu.vector_load_idx %arg17[%add3A_2177, %add3A_2266] : memref<256x128xf32, #tpu.memory_space<vmem>>[vector<16xi32>, vector<16xi32>], vector<16xf32>,
        %mul3A_2268 = arith.mulf %gather3A_2265, %gather3A_2267 : vector<16xf32>
        %add3A_2269 = arith.addf %add3A_2221, %mul3A_2268 : vector<16xf32>
        %add3A_2270 = arith.constant 5 : i32
        %add3A_2271 = vector.broadcast %add3A_2270 : i32 to vector<16xi32>
        %add3A_2272 = arith.addi %scan3A_2213, %add3A_2271 : vector<16xi32>
        %and3A_2273 = arith.constant 63 : i32
        %and3A_2274 = vector.broadcast %and3A_2273 : i32 to vector<16xi32>
        %and3A_2275 = arith.andi %add3A_2272, %and3A_2274 : vector<16xi32>
        %add3A_2276 = arith.addi %get3A_2181, %and3A_2275 : vector<16xi32>
        %gather3A_2277 = tpu.vector_load_idx %arg16[%add3A_2177, %add3A_2276] : memref<256x128xf32, #tpu.memory_space<vmem>>[vector<16xi32>, vector<16xi32>], vector<16xf32>,
        %add3A_2278 = arith.addi %get3A_2185, %and3A_2275 : vector<16xi32>
        %gather3A_2279 = tpu.vector_load_idx %arg17[%add3A_2177, %add3A_2278] : memref<256x128xf32, #tpu.memory_space<vmem>>[vector<16xi32>, vector<16xi32>], vector<16xf32>,
        %mul3A_2280 = arith.mulf %gather3A_2277, %gather3A_2279 : vector<16xf32>
        %add3A_2281 = arith.addf %add3A_2233, %mul3A_2280 : vector<16xf32>
        %add3A_2282 = arith.constant 6 : i32
        %add3A_2283 = vector.broadcast %add3A_2282 : i32 to vector<16xi32>
        %add3A_2284 = arith.addi %scan3A_2213, %add3A_2283 : vector<16xi32>
        %and3A_2285 = arith.constant 63 : i32
        %and3A_2286 = vector.broadcast %and3A_2285 : i32 to vector<16xi32>
        %and3A_2287 = arith.andi %add3A_2284, %and3A_2286 : vector<16xi32>
        %add3A_2288 = arith.addi %get3A_2181, %and3A_2287 : vector<16xi32>
        %gather3A_2289 = tpu.vector_load_idx %arg16[%add3A_2177, %add3A_2288] : memref<256x128xf32, #tpu.memory_space<vmem>>[vector<16xi32>, vector<16xi32>], vector<16xf32>,
        %add3A_2290 = arith.addi %get3A_2185, %and3A_2287 : vector<16xi32>
        %gather3A_2291 = tpu.vector_load_idx %arg17[%add3A_2177, %add3A_2290] : memref<256x128xf32, #tpu.memory_space<vmem>>[vector<16xi32>, vector<16xi32>], vector<16xf32>,
        %mul3A_2292 = arith.mulf %gather3A_2289, %gather3A_2291 : vector<16xf32>
        %add3A_2293 = arith.addf %add3A_2245, %mul3A_2292 : vector<16xf32>
        %add3A_2294 = arith.constant 7 : i32
        %add3A_2295 = vector.broadcast %add3A_2294 : i32 to vector<16xi32>
        %add3A_2296 = arith.addi %scan3A_2213, %add3A_2295 : vector<16xi32>
        %and3A_2297 = arith.constant 63 : i32
        %and3A_2298 = vector.broadcast %and3A_2297 : i32 to vector<16xi32>
        %and3A_2299 = arith.andi %add3A_2296, %and3A_2298 : vector<16xi32>
        %add3A_2300 = arith.addi %get3A_2181, %and3A_2299 : vector<16xi32>
        %gather3A_2301 = tpu.vector_load_idx %arg16[%add3A_2177, %add3A_2300] : memref<256x128xf32, #tpu.memory_space<vmem>>[vector<16xi32>, vector<16xi32>], vector<16xf32>,
        %add3A_2302 = arith.addi %get3A_2185, %and3A_2299 : vector<16xi32>
        %gather3A_2303 = tpu.vector_load_idx %arg17[%add3A_2177, %add3A_2302] : memref<256x128xf32, #tpu.memory_space<vmem>>[vector<16xi32>, vector<16xi32>], vector<16xf32>,
        %mul3A_2304 = arith.mulf %gather3A_2301, %gather3A_2303 : vector<16xf32>
        %add3A_2305 = arith.addf %add3A_2257, %mul3A_2304 : vector<16xf32>
        %add3A_2306 = arith.constant 8 : i32
        %add3A_2307 = vector.broadcast %add3A_2306 : i32 to vector<16xi32>
        %add3A_2308 = arith.addi %scan3A_2213, %add3A_2307 : vector<16xi32>
        scf.yield %add3A_2269, %add3A_2281, %add3A_2293, %add3A_2305, %add3A_2308 : vector<16xf32>, vector<16xf32>, vector<16xf32>, vector<16xf32>, vector<16xi32>
      }
      %scan3A_2193 = arith.constant 8 : i32
      %mul3A_2194 = arith.constant 16 : i32
      %mul3A_2195 = arith.muli %scan3A_2170, %mul3A_2194 : i32
      %add3A_2196 = arith.addf %scan3A_2192#0, %scan3A_2192#1 : vector<16xf32>
      %add3A_2197 = arith.addf %scan3A_2192#2, %scan3A_2192#3 : vector<16xf32>
      %add3A_2198 = arith.addf %add3A_2196, %add3A_2197 : vector<16xf32>
      %get3A_2199 = arith.index_cast %mul3A_2195 : i32 to index
      %get3A_2200 = tpu.vector_load %arg18[%get3A_2199] {strides = array<i32>} : memref<512xf32, #tpu.memory_space<vmem>>, vector<16xf32>,
      %add3A_2201 = arith.addf %add3A_2198, %get3A_2200 : vector<16xf32>
      %get3A_2202 = arith.index_cast %mul3A_2195 : i32 to index
      %get3A_2203 = tpu.vector_load %arg19[%get3A_2202] {strides = array<i32>} : memref<512xf32, #tpu.memory_space<vmem>>, vector<16xf32>,
      %add3A_2204 = arith.addf %add3A_2201, %get3A_2203 : vector<16xf32>
      %add3A_2205 = arith.addf %add3A_2204, %get3A_1923 : vector<16xf32>
      %swap3A_2206 = arith.index_cast %mul3A_2195 : i32 to index
      %swap3A_2207 = tpu.vector_load %arg21[%swap3A_2206] {strides = array<i32>} : memref<512xf32, #tpu.memory_space<vmem>>, vector<16xf32>,
      tpu.vector_store %arg21[%swap3A_2206], %add3A_2205 {strides = array<i32>} : memref<512xf32, #tpu.memory_space<vmem>>, vector<16xf32>,
    }
    %scan3A_2143 = arith.constant 8 : i32
    %dma_wait3A_2144 = arith.constant 3 : i32
    %dma_wait3A_2145 = arith.constant 128 : i32
    %dma_wait3A_2146 = arith.constant 0 : i32
    %dma_wait3A_2147 = tpu.memref_slice %arg16[%dma_wait3A_2145, %dma_wait3A_2146] : memref<256x128xf32, #tpu.memory_space<vmem>> -> memref<128x128xf32, #tpu.memory_space<vmem>>
    %dma_wait3A_2148 = arith.constant 0 : i32
    %dma_wait3A_2149 = tpu.memref_slice %arg12[%dma_wait3A_2144, %dma_wait3A_2148] : memref<4x128xi32, #tpu.memory_space<vmem>> -> memref<1x128xi32, #tpu.memory_space<vmem>>
    %dma_wait3A_2150 = tpu.memref_squeeze %dma_wait3A_2149 : memref<1x128xi32, #tpu.memory_space<vmem>> -> memref<128xi32, #tpu.memory_space<vmem>>
    %dma_wait3A_2151 = arith.constant 0 : i32
    %dma_wait3A_2152 = arith.constant 0 : i32
    %dma_wait3A_2153 = tpu.memref_slice %arg4[%dma_wait3A_2151, %dma_wait3A_2152] : memref<53248x128xf32, #tpu.memory_space<hbm>> -> memref<53248x128xf32, #tpu.memory_space<hbm>>
    tpu.wait_indirect_dma semaphore(%arg22 : memref<!tpu.dma_semaphore, #tpu.memory_space<semaphore_mem>>) src(%dma_wait3A_2153 : memref<53248x128xf32, #tpu.memory_space<hbm>>) dst(%dma_wait3A_2147 : memref<128x128xf32, #tpu.memory_space<vmem>>)
    %dma_wait3A_2154 = arith.constant 3 : i32
    %dma_wait3A_2155 = arith.constant 128 : i32
    %dma_wait3A_2156 = arith.constant 0 : i32
    %dma_wait3A_2157 = tpu.memref_slice %arg17[%dma_wait3A_2155, %dma_wait3A_2156] : memref<256x128xf32, #tpu.memory_space<vmem>> -> memref<128x128xf32, #tpu.memory_space<vmem>>
    %dma_wait3A_2158 = arith.constant 0 : i32
    %dma_wait3A_2159 = tpu.memref_slice %arg13[%dma_wait3A_2154, %dma_wait3A_2158] : memref<4x128xi32, #tpu.memory_space<vmem>> -> memref<1x128xi32, #tpu.memory_space<vmem>>
    %dma_wait3A_2160 = tpu.memref_squeeze %dma_wait3A_2159 : memref<1x128xi32, #tpu.memory_space<vmem>> -> memref<128xi32, #tpu.memory_space<vmem>>
    %dma_wait3A_2161 = arith.constant 0 : i32
    %dma_wait3A_2162 = arith.constant 0 : i32
    %dma_wait3A_2163 = tpu.memref_slice %arg5[%dma_wait3A_2161, %dma_wait3A_2162] : memref<53248x128xf32, #tpu.memory_space<hbm>> -> memref<53248x128xf32, #tpu.memory_space<hbm>>
    tpu.wait_indirect_dma semaphore(%arg22 : memref<!tpu.dma_semaphore, #tpu.memory_space<semaphore_mem>>) src(%dma_wait3A_2163 : memref<53248x128xf32, #tpu.memory_space<hbm>>) dst(%dma_wait3A_2157 : memref<128x128xf32, #tpu.memory_space<vmem>>)
    %scan3A_2164 = arith.constant 0 : i32
    %scan3A_2165 = arith.constant 24 : i32
    %scan3A_2166 = arith.constant 8 : i32
    %scan3A_2167 = arith.addi %scan3A_2165, %scan3A_2166 : i32
    %scan3A_2168 = arith.constant 1 : i32
    scf.for %scan3A_2170 = %scan3A_2165 to %scan3A_2167 step %scan3A_2168  : i32 {
      %sub3A = arith.constant 24 : i32
      %sub3A_2171 = arith.subi %scan3A_2170, %sub3A : i32
      %mul3A_2172 = arith.constant 16 : i32
      %mul3A_2173 = arith.muli %sub3A_2171, %mul3A_2172 : i32
      %add3A_2174 = arith.constant 128 : i32
      %add3A_2175 = arith.addi %add3A_2174, %mul3A_2173 : i32
      %add3A_2176 = vector.broadcast %add3A_2175 : i32 to vector<16xi32>
      %add3A_2177 = arith.addi %add3A_2176, %iota3A : vector<16xi32>
      %mul3A_2178 = arith.constant 16 : i32
      %mul3A_2179 = arith.muli %scan3A_2170, %mul3A_2178 : i32
      %get3A_2180 = arith.index_cast %mul3A_2179 : i32 to index
      %get3A_2181 = tpu.vector_load %arg14[%get3A_2180] {strides = array<i32>} : memref<512xi32, #tpu.memory_space<vmem>>, vector<16xi32>,
      %mul3A_2182 = arith.constant 16 : i32
      %mul3A_2183 = arith.muli %scan3A_2170, %mul3A_2182 : i32
      %get3A_2184 = arith.index_cast %mul3A_2183 : i32 to index
      %get3A_2185 = tpu.vector_load %arg15[%get3A_2184] {strides = array<i32>} : memref<512xi32, #tpu.memory_space<vmem>>, vector<16xi32>,
      %broadcast_in_dim3A_2186 = arith.constant 0.000000e+00 : f32
      %broadcast_in_dim3A_2187 = vector.broadcast %broadcast_in_dim3A_2186 : f32 to vector<16xf32>
      %scan3A_2188 = arith.constant 0 : i32
      %scan3A_2189 = arith.constant 8 : i32
      %scan3A_2190 = arith.addi %scan3A_2188, %scan3A_2189 : i32
      %scan3A_2191 = arith.constant 1 : i32
      %scan3A_2192:5 = scf.for %scan3A_2208 = %scan3A_2188 to %scan3A_2190 step %scan3A_2191 iter_args(%scan3A_2209 = %broadcast_in_dim3A_2187, %scan3A_2210 = %broadcast_in_dim3A_2187, %scan3A_2211 = %broadcast_in_dim3A_2187, %scan3A_2212 = %broadcast_in_dim3A_2187, %scan3A_2213 = %iota3A) -> (vector<16xf32>, vector<16xf32>, vector<16xf32>, vector<16xf32>, vector<16xi32>)  : i32 {
        %and3A_2214 = arith.constant 63 : i32
        %and3A_2215 = vector.broadcast %and3A_2214 : i32 to vector<16xi32>
        %and3A_2216 = arith.andi %scan3A_2213, %and3A_2215 : vector<16xi32>
        %add3A_2217 = arith.addi %get3A_2181, %and3A_2216 : vector<16xi32>
        %gather3A = tpu.vector_load_idx %arg16[%add3A_2177, %add3A_2217] : memref<256x128xf32, #tpu.memory_space<vmem>>[vector<16xi32>, vector<16xi32>], vector<16xf32>,
        %add3A_2218 = arith.addi %get3A_2185, %and3A_2216 : vector<16xi32>
        %gather3A_2219 = tpu.vector_load_idx %arg17[%add3A_2177, %add3A_2218] : memref<256x128xf32, #tpu.memory_space<vmem>>[vector<16xi32>, vector<16xi32>], vector<16xf32>,
        %mul3A_2220 = arith.mulf %gather3A, %gather3A_2219 : vector<16xf32>
        %add3A_2221 = arith.addf %scan3A_2209, %mul3A_2220 : vector<16xf32>
        %add3A_2222 = arith.constant 1 : i32
        %add3A_2223 = vector.broadcast %add3A_2222 : i32 to vector<16xi32>
        %add3A_2224 = arith.addi %scan3A_2213, %add3A_2223 : vector<16xi32>
        %and3A_2225 = arith.constant 63 : i32
        %and3A_2226 = vector.broadcast %and3A_2225 : i32 to vector<16xi32>
        %and3A_2227 = arith.andi %add3A_2224, %and3A_2226 : vector<16xi32>
        %add3A_2228 = arith.addi %get3A_2181, %and3A_2227 : vector<16xi32>
        %gather3A_2229 = tpu.vector_load_idx %arg16[%add3A_2177, %add3A_2228] : memref<256x128xf32, #tpu.memory_space<vmem>>[vector<16xi32>, vector<16xi32>], vector<16xf32>,
        %add3A_2230 = arith.addi %get3A_2185, %and3A_2227 : vector<16xi32>
        %gather3A_2231 = tpu.vector_load_idx %arg17[%add3A_2177, %add3A_2230] : memref<256x128xf32, #tpu.memory_space<vmem>>[vector<16xi32>, vector<16xi32>], vector<16xf32>,
        %mul3A_2232 = arith.mulf %gather3A_2229, %gather3A_2231 : vector<16xf32>
        %add3A_2233 = arith.addf %scan3A_2210, %mul3A_2232 : vector<16xf32>
        %add3A_2234 = arith.constant 2 : i32
        %add3A_2235 = vector.broadcast %add3A_2234 : i32 to vector<16xi32>
        %add3A_2236 = arith.addi %scan3A_2213, %add3A_2235 : vector<16xi32>
        %and3A_2237 = arith.constant 63 : i32
        %and3A_2238 = vector.broadcast %and3A_2237 : i32 to vector<16xi32>
        %and3A_2239 = arith.andi %add3A_2236, %and3A_2238 : vector<16xi32>
        %add3A_2240 = arith.addi %get3A_2181, %and3A_2239 : vector<16xi32>
        %gather3A_2241 = tpu.vector_load_idx %arg16[%add3A_2177, %add3A_2240] : memref<256x128xf32, #tpu.memory_space<vmem>>[vector<16xi32>, vector<16xi32>], vector<16xf32>,
        %add3A_2242 = arith.addi %get3A_2185, %and3A_2239 : vector<16xi32>
        %gather3A_2243 = tpu.vector_load_idx %arg17[%add3A_2177, %add3A_2242] : memref<256x128xf32, #tpu.memory_space<vmem>>[vector<16xi32>, vector<16xi32>], vector<16xf32>,
        %mul3A_2244 = arith.mulf %gather3A_2241, %gather3A_2243 : vector<16xf32>
        %add3A_2245 = arith.addf %scan3A_2211, %mul3A_2244 : vector<16xf32>
        %add3A_2246 = arith.constant 3 : i32
        %add3A_2247 = vector.broadcast %add3A_2246 : i32 to vector<16xi32>
        %add3A_2248 = arith.addi %scan3A_2213, %add3A_2247 : vector<16xi32>
        %and3A_2249 = arith.constant 63 : i32
        %and3A_2250 = vector.broadcast %and3A_2249 : i32 to vector<16xi32>
        %and3A_2251 = arith.andi %add3A_2248, %and3A_2250 : vector<16xi32>
        %add3A_2252 = arith.addi %get3A_2181, %and3A_2251 : vector<16xi32>
        %gather3A_2253 = tpu.vector_load_idx %arg16[%add3A_2177, %add3A_2252] : memref<256x128xf32, #tpu.memory_space<vmem>>[vector<16xi32>, vector<16xi32>], vector<16xf32>,
        %add3A_2254 = arith.addi %get3A_2185, %and3A_2251 : vector<16xi32>
        %gather3A_2255 = tpu.vector_load_idx %arg17[%add3A_2177, %add3A_2254] : memref<256x128xf32, #tpu.memory_space<vmem>>[vector<16xi32>, vector<16xi32>], vector<16xf32>,
        %mul3A_2256 = arith.mulf %gather3A_2253, %gather3A_2255 : vector<16xf32>
        %add3A_2257 = arith.addf %scan3A_2212, %mul3A_2256 : vector<16xf32>
        %add3A_2258 = arith.constant 4 : i32
        %add3A_2259 = vector.broadcast %add3A_2258 : i32 to vector<16xi32>
        %add3A_2260 = arith.addi %scan3A_2213, %add3A_2259 : vector<16xi32>
        %and3A_2261 = arith.constant 63 : i32
        %and3A_2262 = vector.broadcast %and3A_2261 : i32 to vector<16xi32>
        %and3A_2263 = arith.andi %add3A_2260, %and3A_2262 : vector<16xi32>
        %add3A_2264 = arith.addi %get3A_2181, %and3A_2263 : vector<16xi32>
        %gather3A_2265 = tpu.vector_load_idx %arg16[%add3A_2177, %add3A_2264] : memref<256x128xf32, #tpu.memory_space<vmem>>[vector<16xi32>, vector<16xi32>], vector<16xf32>,
        %add3A_2266 = arith.addi %get3A_2185, %and3A_2263 : vector<16xi32>
        %gather3A_2267 = tpu.vector_load_idx %arg17[%add3A_2177, %add3A_2266] : memref<256x128xf32, #tpu.memory_space<vmem>>[vector<16xi32>, vector<16xi32>], vector<16xf32>,
        %mul3A_2268 = arith.mulf %gather3A_2265, %gather3A_2267 : vector<16xf32>
        %add3A_2269 = arith.addf %add3A_2221, %mul3A_2268 : vector<16xf32>
        %add3A_2270 = arith.constant 5 : i32
        %add3A_2271 = vector.broadcast %add3A_2270 : i32 to vector<16xi32>
        %add3A_2272 = arith.addi %scan3A_2213, %add3A_2271 : vector<16xi32>
        %and3A_2273 = arith.constant 63 : i32
        %and3A_2274 = vector.broadcast %and3A_2273 : i32 to vector<16xi32>
        %and3A_2275 = arith.andi %add3A_2272, %and3A_2274 : vector<16xi32>
        %add3A_2276 = arith.addi %get3A_2181, %and3A_2275 : vector<16xi32>
        %gather3A_2277 = tpu.vector_load_idx %arg16[%add3A_2177, %add3A_2276] : memref<256x128xf32, #tpu.memory_space<vmem>>[vector<16xi32>, vector<16xi32>], vector<16xf32>,
        %add3A_2278 = arith.addi %get3A_2185, %and3A_2275 : vector<16xi32>
        %gather3A_2279 = tpu.vector_load_idx %arg17[%add3A_2177, %add3A_2278] : memref<256x128xf32, #tpu.memory_space<vmem>>[vector<16xi32>, vector<16xi32>], vector<16xf32>,
        %mul3A_2280 = arith.mulf %gather3A_2277, %gather3A_2279 : vector<16xf32>
        %add3A_2281 = arith.addf %add3A_2233, %mul3A_2280 : vector<16xf32>
        %add3A_2282 = arith.constant 6 : i32
        %add3A_2283 = vector.broadcast %add3A_2282 : i32 to vector<16xi32>
        %add3A_2284 = arith.addi %scan3A_2213, %add3A_2283 : vector<16xi32>
        %and3A_2285 = arith.constant 63 : i32
        %and3A_2286 = vector.broadcast %and3A_2285 : i32 to vector<16xi32>
        %and3A_2287 = arith.andi %add3A_2284, %and3A_2286 : vector<16xi32>
        %add3A_2288 = arith.addi %get3A_2181, %and3A_2287 : vector<16xi32>
        %gather3A_2289 = tpu.vector_load_idx %arg16[%add3A_2177, %add3A_2288] : memref<256x128xf32, #tpu.memory_space<vmem>>[vector<16xi32>, vector<16xi32>], vector<16xf32>,
        %add3A_2290 = arith.addi %get3A_2185, %and3A_2287 : vector<16xi32>
        %gather3A_2291 = tpu.vector_load_idx %arg17[%add3A_2177, %add3A_2290] : memref<256x128xf32, #tpu.memory_space<vmem>>[vector<16xi32>, vector<16xi32>], vector<16xf32>,
        %mul3A_2292 = arith.mulf %gather3A_2289, %gather3A_2291 : vector<16xf32>
        %add3A_2293 = arith.addf %add3A_2245, %mul3A_2292 : vector<16xf32>
        %add3A_2294 = arith.constant 7 : i32
        %add3A_2295 = vector.broadcast %add3A_2294 : i32 to vector<16xi32>
        %add3A_2296 = arith.addi %scan3A_2213, %add3A_2295 : vector<16xi32>
        %and3A_2297 = arith.constant 63 : i32
        %and3A_2298 = vector.broadcast %and3A_2297 : i32 to vector<16xi32>
        %and3A_2299 = arith.andi %add3A_2296, %and3A_2298 : vector<16xi32>
        %add3A_2300 = arith.addi %get3A_2181, %and3A_2299 : vector<16xi32>
        %gather3A_2301 = tpu.vector_load_idx %arg16[%add3A_2177, %add3A_2300] : memref<256x128xf32, #tpu.memory_space<vmem>>[vector<16xi32>, vector<16xi32>], vector<16xf32>,
        %add3A_2302 = arith.addi %get3A_2185, %and3A_2299 : vector<16xi32>
        %gather3A_2303 = tpu.vector_load_idx %arg17[%add3A_2177, %add3A_2302] : memref<256x128xf32, #tpu.memory_space<vmem>>[vector<16xi32>, vector<16xi32>], vector<16xf32>,
        %mul3A_2304 = arith.mulf %gather3A_2301, %gather3A_2303 : vector<16xf32>
        %add3A_2305 = arith.addf %add3A_2257, %mul3A_2304 : vector<16xf32>
        %add3A_2306 = arith.constant 8 : i32
        %add3A_2307 = vector.broadcast %add3A_2306 : i32 to vector<16xi32>
        %add3A_2308 = arith.addi %scan3A_2213, %add3A_2307 : vector<16xi32>
        scf.yield %add3A_2269, %add3A_2281, %add3A_2293, %add3A_2305, %add3A_2308 : vector<16xf32>, vector<16xf32>, vector<16xf32>, vector<16xf32>, vector<16xi32>
      }
      %scan3A_2193 = arith.constant 8 : i32
      %mul3A_2194 = arith.constant 16 : i32
      %mul3A_2195 = arith.muli %scan3A_2170, %mul3A_2194 : i32
      %add3A_2196 = arith.addf %scan3A_2192#0, %scan3A_2192#1 : vector<16xf32>
      %add3A_2197 = arith.addf %scan3A_2192#2, %scan3A_2192#3 : vector<16xf32>
      %add3A_2198 = arith.addf %add3A_2196, %add3A_2197 : vector<16xf32>
      %get3A_2199 = arith.index_cast %mul3A_2195 : i32 to index
      %get3A_2200 = tpu.vector_load %arg18[%get3A_2199] {strides = array<i32>} : memref<512xf32, #tpu.memory_space<vmem>>, vector<16xf32>,
      %add3A_2201 = arith.addf %add3A_2198, %get3A_2200 : vector<16xf32>
      %get3A_2202 = arith.index_cast %mul3A_2195 : i32 to index
      %get3A_2203 = tpu.vector_load %arg19[%get3A_2202] {strides = array<i32>} : memref<512xf32, #tpu.memory_space<vmem>>, vector<16xf32>,
      %add3A_2204 = arith.addf %add3A_2201, %get3A_2203 : vector<16xf32>
      %add3A_2205 = arith.addf %add3A_2204, %get3A_1923 : vector<16xf32>
      %swap3A_2206 = arith.index_cast %mul3A_2195 : i32 to index
      %swap3A_2207 = tpu.vector_load %arg21[%swap3A_2206] {strides = array<i32>} : memref<512xf32, #tpu.memory_space<vmem>>, vector<16xf32>,
      tpu.vector_store %arg21[%swap3A_2206], %add3A_2205 {strides = array<i32>} : memref<512xf32, #tpu.memory_space<vmem>>, vector<16xf32>,
    }
    %scan3A_2169 = arith.constant 8 : i32
    "tpu.region"() ({
      %run_scoped3A = tpu.sem_alloc : memref<!tpu.dma_semaphore, #tpu.memory_space<semaphore_mem>>
      %dma_start3A_2170 = tpu.memref_slice %arg9[%mul3A_2] : memref<16384xf32, #tpu.memory_space<hbm>> -> memref<512xf32, #tpu.memory_space<hbm>>
      %dma_start3A_2171 = tpu.memref_slice %arg9[%mul3A_2] : memref<16384xf32, #tpu.memory_space<hbm>> -> memref<512xf32, #tpu.memory_space<hbm>>
      tpu.enqueue_dma source(%arg21 : memref<512xf32, #tpu.memory_space<vmem>>) target(%dma_start3A_2171 : memref<512xf32, #tpu.memory_space<hbm>>) target_semaphore(%run_scoped3A : memref<!tpu.dma_semaphore, #tpu.memory_space<semaphore_mem>>)
      %dma_wait3A_2172 = tpu.memref_slice %arg9[%mul3A_2] : memref<16384xf32, #tpu.memory_space<hbm>> -> memref<512xf32, #tpu.memory_space<hbm>>
      %dma_wait3A_2173 = tpu.memref_slice %arg9[%mul3A_2] : memref<16384xf32, #tpu.memory_space<hbm>> -> memref<512xf32, #tpu.memory_space<hbm>>
      tpu.wait_dma2 semaphore(%run_scoped3A : memref<!tpu.dma_semaphore, #tpu.memory_space<semaphore_mem>>) src(%arg21 : memref<512xf32, #tpu.memory_space<vmem>>) dst(%dma_wait3A_2173 : memref<512xf32, #tpu.memory_space<hbm>>)
      tpu.yield
    }) : () -> ()
    return
  }
}

module attributes {stable_mosaic.version = 14 : i64} {
  func.func @_tstage_body(%arg0: i32, %arg1: memref<64x8192xf32, #tpu.memory_space<vmem>>, %arg2: memref<64x8192xf32, #tpu.memory_space<vmem>>, %arg3: memref<4096x128xf32, #tpu.memory_space<vmem>>, %arg4: memref<4096x128xf32, #tpu.memory_space<vmem>>) attributes {dimension_semantics = [#tpu.dimension_semantics<arbitrary>], iteration_bounds = array<i64: 13>, scalar_prefetch = 0 : i64, scratch_operands = 0 : i64, tpu.core_type = #tpu.core_type<tc>, window_params = [{transform_indices = @transform_0, window_bounds = array<i64: 64, 8192>}, {transform_indices = @transform_1, window_bounds = array<i64: 64, 8192>}, {transform_indices = @transform_2, window_bounds = array<i64: 4096, 128>}, {transform_indices = @transform_3, window_bounds = array<i64: 4096, 128>}]} {
    %get3A = arith.constant 0 : index
    %get3A_0 = arith.constant 0 : index
    %get3A_1 = vector.load %arg1[%get3A, %get3A_0] : memref<64x8192xf32, #tpu.memory_space<vmem>>, vector<64x8192xf32>
    %slice3A = vector.extract_strided_slice %get3A_1 {offsets = [0, 0], sizes = [64, 4096], strides = [1, 1]} : vector<64x8192xf32> to vector<64x4096xf32>
    %transpose3A = tpu.transpose %slice3A, [1, 0] : vector<64x4096xf32> -> vector<4096x64xf32>
    %swap3A = arith.constant 0 : index
    %swap3A_2 = arith.constant 0 : index
    %swap3A_3 = vector.load %arg3[%swap3A, %swap3A_2] : memref<4096x128xf32, #tpu.memory_space<vmem>>, vector<4096x64xf32>
    tpu.vector_store %arg3[%swap3A, %swap3A_2], %transpose3A {strides = array<i32>} : memref<4096x128xf32, #tpu.memory_space<vmem>>, vector<4096x64xf32>,
    %slice3A_4 = vector.extract_strided_slice %get3A_1 {offsets = [0, 4096], sizes = [64, 4096], strides = [1, 1]} : vector<64x8192xf32> to vector<64x4096xf32>
    %transpose3A_5 = tpu.transpose %slice3A_4, [1, 0] : vector<64x4096xf32> -> vector<4096x64xf32>
    %swap3A_6 = arith.constant 0 : index
    %swap3A_7 = arith.constant 64 : index
    %swap3A_8 = vector.load %arg3[%swap3A_6, %swap3A_7] : memref<4096x128xf32, #tpu.memory_space<vmem>>, vector<4096x64xf32>
    tpu.vector_store %arg3[%swap3A_6, %swap3A_7], %transpose3A_5 {strides = array<i32>} : memref<4096x128xf32, #tpu.memory_space<vmem>>, vector<4096x64xf32>,
    %get3A_9 = arith.constant 0 : index
    %get3A_10 = arith.constant 0 : index
    %get3A_11 = vector.load %arg2[%get3A_9, %get3A_10] : memref<64x8192xf32, #tpu.memory_space<vmem>>, vector<64x8192xf32>
    %slice3A_12 = vector.extract_strided_slice %get3A_11 {offsets = [0, 0], sizes = [64, 4096], strides = [1, 1]} : vector<64x8192xf32> to vector<64x4096xf32>
    %transpose3A_13 = tpu.transpose %slice3A_12, [1, 0] : vector<64x4096xf32> -> vector<4096x64xf32>
    %swap3A_14 = arith.constant 0 : index
    %swap3A_15 = arith.constant 0 : index
    %swap3A_16 = vector.load %arg4[%swap3A_14, %swap3A_15] : memref<4096x128xf32, #tpu.memory_space<vmem>>, vector<4096x64xf32>
    tpu.vector_store %arg4[%swap3A_14, %swap3A_15], %transpose3A_13 {strides = array<i32>} : memref<4096x128xf32, #tpu.memory_space<vmem>>, vector<4096x64xf32>,
    %slice3A_17 = vector.extract_strided_slice %get3A_11 {offsets = [0, 4096], sizes = [64, 4096], strides = [1, 1]} : vector<64x8192xf32> to vector<64x4096xf32>
    %transpose3A_18 = tpu.transpose %slice3A_17, [1, 0] : vector<64x4096xf32> -> vector<4096x64xf32>
    %swap3A_19 = arith.constant 0 : index
    %swap3A_20 = arith.constant 64 : index
    %swap3A_21 = vector.load %arg4[%swap3A_19, %swap3A_20] : memref<4096x128xf32, #tpu.memory_space<vmem>>, vector<4096x64xf32>
    tpu.vector_store %arg4[%swap3A_19, %swap3A_20], %transpose3A_18 {strides = array<i32>} : memref<4096x128xf32, #tpu.memory_space<vmem>>, vector<4096x64xf32>,
    return
  }
  func.func @transform_0(%arg0: i32) -> (i32, i32) {
    %c0_i32 = arith.constant 0 : i32
    %c0_i32_0 = arith.constant 0 : i32
    return %c0_i32, %arg0 : i32, i32
  }
  func.func @transform_1(%arg0: i32) -> (i32, i32) {
    %c0_i32 = arith.constant 0 : i32
    %c0_i32_0 = arith.constant 0 : i32
    return %c0_i32, %arg0 : i32, i32
  }
  func.func @transform_2(%arg0: i32) -> (i32, i32) {
    %c0_i32 = arith.constant 0 : i32
    %c0_i32_0 = arith.constant 0 : i32
    return %arg0, %c0_i32 : i32, i32
  }
  func.func @transform_3(%arg0: i32) -> (i32, i32) {
    %c0_i32 = arith.constant 0 : i32
    %c0_i32_0 = arith.constant 0 : i32
    return %arg0, %c0_i32 : i32, i32
  }
}

</mosaic_0001>

<sc_bundles>
// kernel: kernel.4.cloned.1.call-start
scs
__scs_entry_jumppad:
0x0: {  	(pc) =	sbr.rel $0x88, $3  }
0x1: {  	(tag) =	ssettag $0x0;
	lr =	simm.s32 $0x1  }
0x2: {  	[smem:$0x3F9A] =	sst lr;
	_ =	strace $0xD0000000  }
0x3: {  	_ = 	snop  }
0x4: {  	_ = 	snop  }
0x5: {  	_ = 	snop  }
0x6: {  	_ = 	snop  }
0x7: {  	_ = 	snop  }
__scs_overlays_trampoline_lowered:
0x8: {  	[smem:$0x3FA9] =	sst s0  }
0x9: {  	[smem:$0x3FAA] =	sst s1  }
0xa: {  	[smem:$0x3FAB] =	sst s2  }
0xb: {  	[smem:$0x3FAC] =	sst s3  }
0xc: {  	[smem:$0x3FAD] =	sst s4  }
0xd: {  	[smem:$0x3FAE] =	sst s5  }
0xe: {  	[smem:$0x3FAF] =	sst s6  }
0xf: {  	[smem:$0x3FB0] =	sst s7  }
0x10: {  	[smem:$0x3FB1] =	sst s8  }
0x11: {  	[smem:$0x3FB2] =	sst s9;
	s0 =	simm.s32 @!p0 $0x0  }
0x12: {  	s1 =	sld [smem:$0x3F98];
	s0 =	simm.s32 @p0 $0x1  }
0x13: {  	[smem:$0x3FB3] =	sst s0;
	s0 =	simm.s32 @!p1 $0x0  }
0x14: {  	s2 =	sld [smem:$0x3F97];
	s0 =	simm.s32 @p1 $0x1  }
0x15: {  	[smem:$0x3FB4] =	sst s0;
	s0 =	simm.s32 @!p2 $0x0  }
0x16: {  	s3 =	sld [smem:$0x3FDB];
	s0 =	simm.s32 @p2 $0x1  }
0x17: {  	s4 =	simm.s32 $0x1BF5;
	[smem:$0x3FB6] =	sst s0  }
0x18: {  	s0 =	sld [smem:$0x3F99];
	_ =	swait.ge [sflag:s4], $0x0  }
0x19: {  	s7 =	sld [smem:$0x3F9A]  }
0x1a: {  	s8 =	sadd.s32 $0xFFFFE003, lr  }
0x1b: {  	s9 =	sadd.s32 $0xFFFFFEF7, lr;
	s5 =	simm.s32 $0xFFFFFFFF;
	p2 =	slt.u32 s8, $0xFFFFF086  }
0x1c: {  	p1 =	slt.u32 s9, $0xF7A;
	s5 =	simm.s32 @!p2 $0x0  }
0x1d: {  	s5 =	simm.s32 @p1 $0x1;
	p0 =	seq.s32 s7, s2  }
0x1e: {  	s7 =	smul.u32 @!p0 $0xF7A, s2;
	p2 =	seq.s32 @!p0 s5, $0x0  }
0x1f: {  	s9 =	smul.u32 $0xF7A, s1;
	s8 =	simm.s32 @!p0 $0x1BF5;
	p2 =	por !p2, p0  }
0x20: {  	[sflag:s8] =	ssyncset.s32 @!p0 $0xFFFFF086;
	s6 =	sadd.s32 @!p0 s3, s7;
	s7 =	simm.s32 @!p0 $0x108  }
0x21: {  	s3 =	sadd.s32 s3, s9;
	s6 =	sadd.s32 @!p0 $0x88, s6;
	s7 =	simm.s32 @p2 $0x1082  }
0x22: {  	[simem:s7], [sflag:s8] =	dma.local @!p0 [hbm:s6], $0xF7A  }
0x23: {  	s9 =	sor.u32 $0xD0000000, s2;
	s6 =	simm.s32 $0x108;
	_ =	swait.ge @!p0 [sflag:s8], $0x0  }
0x24: {  	s3 =	sadd.s32 $0x88, s3;
	s6 =	simm.s32 @!p1 $0x1082;
	[sflag:s4] =	ssyncset.s32 $0xFFFFF086  }
0x25: {  	[simem:s6], [sflag:s4] =	dma.local [hbm:s3], $0xF7A  }
0x26: {  	[smem:$0x3F9A] =	sst s1;
	(tag) =	ssettag s2;
	_ =	strace s9  }
0x27: {  	s1 =	sld [smem:$0x3FAA]  }
0x28: {  	s2 =	sld [smem:$0x3FAB]  }
0x29: {  	s4 =	sld [smem:$0x3FAD]  }
0x2a: {  	p0 =	seq.s32 s5, $0x0;
	s5 =	sld [smem:$0x3FAE]  }
0x2b: {  	s6 =	sld [smem:$0x3FAF]  }
0x2c: {  	s7 =	sld [smem:$0x3FB0]  }
0x2d: {  	s3 =	simm.s32 $0x108;
	s8 =	sld [smem:$0x3FB1]  }
0x2e: {  	s3 =	simm.s32 @!p0 $0x1082;
	s9 =	sld [smem:$0x3FB2]  }
0x2f: {  	lr =	sadd.s32 s0, s3;
	s0 =	sld [smem:$0x3FA9]  }
0x30: {  	s3 =	sld [smem:$0x3FAC]  }
0x31: {  	[smem:$0x3FB5] =	sst s10  }
0x32: {  	s10 =	sld [smem:$0x3FB3];
	_ =	sdelay $0x3  }
0x33: {  	p0 =	seq.s32 s10, $0x1;
	s10 =	sld [smem:$0x3FB5];
	_ =	sdelay $0x3  }
0x34: {  	[smem:$0x3FB5] =	sst s10  }
0x35: {  	s10 =	sld [smem:$0x3FB4];
	_ =	sdelay $0x3  }
0x36: {  	p1 =	seq.s32 s10, $0x1;
	s10 =	sld [smem:$0x3FB5];
	_ =	sdelay $0x3  }
0x37: {  	[smem:$0x3FB5] =	sst s10  }
0x38: {  	s10 =	sld [smem:$0x3FB6]  }
0x39: {  	_ = 	snop;
	(pc) =	sbr.ind lr, $3  }
0x3a: {  	_ = 	snop  }
0x3b: {  	_ = 	snop  }
0x3c: {  	p2 =	seq.s32 s10, $0x1;
	s10 =	sld [smem:$0x3FB5]  }
0x3d: {  	_ =	shalt  }
0x3e: {  	_ =	shalt  }
0x3f: {  	_ =	shalt  }
0x40: {  	_ =	shalt  }
0x41: {  	_ =	shalt  }
0x42: {  	_ =	shalt  }
0x43: {  	_ =	shalt  }
0x44: {  	_ =	shalt  }
0x45: {  	_ =	shalt  }
0x46: {  	_ =	shalt  }
0x47: {  	_ =	shalt  }
0x48: {  	_ =	shalt  }
0x49: {  	_ =	shalt  }
0x4a: {  	_ =	shalt  }
0x4b: {  	_ =	shalt  }
0x4c: {  	_ =	shalt  }
0x4d: {  	_ =	shalt  }
0x4e: {  	_ =	shalt  }
0x4f: {  	_ =	shalt  }
0x50: {  	_ =	shalt  }
0x51: {  	_ =	shalt  }
0x52: {  	_ =	shalt  }
0x53: {  	_ =	shalt  }
0x54: {  	_ =	shalt  }
0x55: {  	_ =	shalt  }
0x56: {  	_ =	shalt  }
0x57: {  	_ =	shalt  }
0x58: {  	_ =	shalt  }
0x59: {  	_ =	shalt  }
0x5a: {  	_ =	shalt  }
0x5b: {  	_ =	shalt  }
0x5c: {  	_ =	shalt  }
0x5d: {  	_ =	shalt  }
0x5e: {  	_ =	shalt  }
0x5f: {  	_ =	shalt  }
0x60: {  	_ =	shalt  }
0x61: {  	_ =	shalt  }
0x62: {  	_ =	shalt  }
0x63: {  	_ =	shalt  }
0x64: {  	_ =	shalt  }
0x65: {  	_ =	shalt  }
0x66: {  	_ =	shalt  }
0x67: {  	_ =	shalt  }
0x68: {  	_ =	shalt  }
0x69: {  	_ =	shalt  }
0x6a: {  	_ =	shalt  }
0x6b: {  	_ =	shalt  }
0x6c: {  	_ =	shalt  }
0x6d: {  	_ =	shalt  }
0x6e: {  	_ =	shalt  }
0x6f: {  	_ =	shalt  }
0x70: {  	_ =	shalt  }
0x71: {  	_ =	shalt  }
0x72: {  	_ =	shalt  }
0x73: {  	_ =	shalt  }
0x74: {  	_ =	shalt  }
0x75: {  	_ =	shalt  }
0x76: {  	_ =	shalt  }
0x77: {  	_ =	shalt  }
0x78: {  	_ =	shalt  }
0x79: {  	_ =	shalt  }
0x7a: {  	_ =	shalt  }
0x7b: {  	_ =	shalt  }
0x7c: {  	_ =	shalt  }
0x7d: {  	_ =	shalt  }
0x7e: {  	_ =	shalt  }
0x7f: {  	_ =	shalt  }
0x80: {  	_ =	shalt  }
0x81: {  	_ =	shalt  }
0x82: {  	_ =	shalt  }
0x83: {  	_ =	shalt  }
0x84: {  	_ =	shalt  }
0x85: {  	_ =	shalt  }
0x86: {  	_ =	shalt  }
0x87: {  	_ =	shalt  }
.Lfunc_end0:
.L_simem_size_0:
called_computation_lowered:
.L_overlay_start_0:
0x88: {  	s2 =	sld [smem:$0x3FD9]  }
0x89: {  	s3 =	sld [smem:$0x3FFE];
	_ =	sdelay $0x1  }
0x8a: {  	s1 =	srdreg.scid  }
0x8b: {  	s0 =	sand.u32 $0x1, s1  }
0x8c: {  	s17 =	sshll.u32 s0, $0xA;
	s2 =	sadd.s32 s3, s2  }
0x8d: {  	s2 =	sadd.s32 s2, s17  }
0x8e: {  	[smem:$0x3FC1] =	sst s2  }
0x8f: {  	_ = 	snop  }
0x90: {  	s2 =	sld [smem:$0x3FC9]  }
0x91: {  	s18 =	sld [smem:$0x3FC8]  }
0x92: {  	s4 =	sld [smem:$0x3FD0];
	(tm) =	ssettm $0x1  }
0x93: {  	s5 =	sld [smem:$0x3FFB];
	_ =	sdelay $0x3  }
0x94: {  	_ =	strace s5  }
0x95: {  	s5 =	sld [smem:$0x3FFC];
	_ =	sdelay $0x3  }
0x96: {  	_ =	strace s5  }
0x97: {  	s5 =	sld [smem:$0x3FFD];
	_ =	sdelay $0x3  }
0x98: {  	_ =	strace s5  }
0x99: {  	_ =	strace $0x8FFFFFFF  }
0x9a: {  	s19 =	sld [smem:$0x3FDB];
	_ =	sdelay $0x1  }
0x9b: {  	s6 =	simm.s32 $_scs_section_size  }
0x9c: {  	s7 =	simm.s32 $_size__tile_overlayer_lowered;
	s8 =	simm.s32 $_tile_overlayer_lowered  }
0x9d: {  	s22 =	simm.s32 $0x1BFF;
	s21 =	sshll.u32 s8, $0x1;
	s5 =	sadd.s32 s6, s19  }
0x9e: {  	s9 =	simm.s32 $0x0;
	s20 =	sshll.u32 s7, $0x1;
	s7 =	sadd.s32 s21, s5  }
0x9f: {  	[timem:s9], [sflag:s22] =	dma.local [hbm:s7], s20  }
0xa0: {  	_ =	swait.ge [sflag:s22], s20  }
0xa1: {  	s6 =	ssub.s32 $0x0, s20;
	[sflag:s22] =	ssyncset.done $0x0  }
0xa2: {  	[sflag:s22] =	ssyncadd.s32 s6;
	_ =	sdelay $0x1  }
0xa3: {  	s23 =	simm.s32 $0x1B8B  }
0xa4: {  	_ =	swait.ge [sflag:s23], $0x1  }
0xa5: {  	[sflag:s23] =	ssyncset.done $0x0  }
0xa6: {  	s25 =	simm.s32 $0x1B8E;
	s24 =	sld [smem:$0x3FFE];
	[sflag:s23] =	ssyncadd.s32 $0xFFFFFFFF  }
0xa7: {  	s26 =	simm.s32 $execute0_lowered;
	[smem:$0x3FD2] =	sst s25  }
0xa8: {  	s7 =	sshll.u32 s26, $0x1;
	_ =	strace $0x80000046;
	[dreg:$0x1] =	wrdreg $0xFFFFFFFF  }
0xa9: {  	s28 =	simm.s32 $_size_execute0_lowered;
	s5 =	sadd.s32 s5, s7;
	[dreg:$0x0] =	wrdreg $0x0  }
0xaa: {  	s7 =	sshll.u32 s28, $0x1;
	[dreg:$0x2] =	wrdreg s5  }
0xab: {  	[dreg:$0x3] =	wrdreg s7  }
0xac: {  	[dreg:$0x4] =	wrdreg $0xC0  }
0xad: {  	_ =	task [dreg:s9], $0x5FFFF  }
0xae: {  	[dreg:$0x1] =	wrdreg $0xFFFFFFFF  }
0xaf: {  	[dreg:$0x0] =	wrdreg $0x60  }
0xb0: {  	[dreg:$0x2] =	wrdreg s2  }
0xb1: {  	[dreg:$0x3] =	wrdreg s18  }
0xb2: {  	[dreg:$0x4] =	wrdreg s24  }
0xb3: {  	[dreg:$0x5] =	wrdreg s4  }
0xb4: {  	[dreg:$0x6] =	wrdreg $0x9  }
0xb5: {  	_ =	task.clear_ibuf [dreg:s9], $0x7FFFF;
	_ =	strace $0x90000046  }
0xb6: {  	s29 =	simm.s32 $0x9;
	_ =	strace $0x80000048  }
0xb7: {  	_ =	swait.ge [sflag:s29], $0x1  }
0xb8: {  	[sflag:s29] =	ssyncadd.s32 $0xFFFFFFFF  }
0xb9: {  	_ =	strace $0x90000048  }
0xba: {  	_ =	sfence  }
0xbb: {  	s30 =	sld [smem:$0x0];
	_ =	sdelay $0x2  }
0xbc: {  	s31 =	sshll.u32 s1, $0xD;
	s1 =	sshrl.u32 s1, $0x2  }
0xbd: {  	s3 =	sand.u32 $0x4000, s31;
	s1 =	sadd.s32 s1, s30  }
0xbe: {  	s0 =	sor.u32 s3, s0;
	s1 =	sshll.u32 s1, $0x11  }
0xbf: {  	s0 =	sor.u32 s1, s0  }
0xc0: {  	s0 =	sadd.s32 $0x8F2B, s0  }
0xc1: {  	[sflag:s0] =	ssyncadd.remote.s32 $0x1  }
0xc2: {  	_ =	sfence.sel $0xFFFF  }
0xc3: {  	[dreg:$0x0] =	wrdreg $0xFFFFFFFF;
	(pc) =	sbr.abs _section_cstart, $3  }
0xc4: {  	[dreg:$0x1] =	wrdreg $0xFFFFFFFF  }
0xc5: {  	_ =	task.clear_ibuf [dreg:s9], $0x2FFFF;
	_ =	strace $0x9FFFFFFF  }
0xc6: {  	(tm) =	ssettm $0x7FFFFFFF  }
0xc7: {  	_ =	shalt  }
tec
execute0_lowered:
.L_overlay_start_1:
0x0: {  	(tag) =	ssettag $0x1  }
0x1: {  	s0 =	rddreg [dreg:$0x0]  }
0x2: {  	s3 =	rddreg [dreg:$0x1]  }
0x3: {  	s1 =	rddreg [dreg:$0x2]  }
0x4: {  	s9 =	rddreg [dreg:$0x3]  }
0x5: {  	s2 =	simm.s32 $0x0;
	s7 =	srdreg.scid;
	s10 =	stileid.u32  }
0x6: {  	s15 =	simm.s32 $0x80;
	s31 =	simm.s32 $0xC00;
	s14 =	simm.s32 $0x480  }
0x7: {  	s16 =	simm.s32 $0x4C00;
	s17 =	simm.s32 $0x680;
	s18 =	simm.s32 $0xCC00  }
0x8: {  	s19 =	simm.s32 $0x1;
	s20 =	simm.s32 $0x2;
	s21 =	simm.s32 $0x500  }
0x9: {  	s22 =	simm.s32 $0x700;
	s23 =	simm.s32 $0x580;
	s24 =	simm.s32 $0x780  }
0xa: {  	s25 =	simm.s32 $0x11080;
	s26 =	simm.s32 $0x0;
	[smem:$0x7FF] =	sst s2  }
0xb: {  	s4 =	sadd.s32 $0x6400, s1;
	s5 =	sadd.s32 $0xD6400, s1;
	s6 =	sadd.s32 $0x3200, s1  }
0xc: {  	s7 =	sand.u32 $0x1, s7;
	s10 =	sshll.u32 s10, $0x7;
	_ =	strace $0x80000047  }
0xd: {  	s8 =	ssub.s32 $0x2, s7;
	s11 =	sshll.u32 s7, $0x6;
	s7 =	sadd.s32 $0x1A6400, s1  }
0xe: {  	s12 =	sshrl.u32 s8, $0x1;
	s13 =	sor.u32 s11, s10;
	s30 =	sadd.s32 s9, s11  }
0xf: {  	s12 =	ssub.s32 s8, s12;
	s8 =	sadd.s32 s0, s13;
	s9 =	sadd.s32 s3, s13  }
0x10: {  	s10 =	sadd.s32 s10, s30;
	s13 =	simm.s32 $0x200;
	s0 =	simm.s32 $0x600  }
0x11: {  	s3 =	simm.s32 $0x8C00;
	s11 =	smax.u32 s12, $0x1;
	s12 =	simm.s32 $0x3  }
.LBB2_1:
0x12: {  	[tilespmem:s2], [sflag:$0x3] =	stream.linear.gather [hbm4b:s8+s2], $0x200, $0x38;
	[tilespmem:$0x11280] =	vst v63  }
0x13: {  	_ =	swait.ge [sflag:s12], $0x200  }
0x14: {  	[sflag:s12] =	ssyncset.done $0x0  }
0x15: {  	[sflag:s12] =	ssyncadd.s32 $0xFFFFFE00  }
0x16: {  	[tilespmem:s13], [sflag:$0x3] =	stream.linear.gather [hbm4b:s9+s2], $0x200, $0x38;
	[tilespmem:$0x11280] =	vst v63  }
0x17: {  	_ =	swait.ge [sflag:s12], $0x200  }
0x18: {  	[sflag:s12] =	ssyncset.done $0x0  }
0x19: {  	s28 =	simm.s32 $0x11000;
	[sflag:s12] =	ssyncadd.s32 $0xFFFFFE00  }
0x1a: {  	[tilespmem:s28], [sflag:$0x3] =	stream.linear.gather [hbm4b:s7+s2], $0x80, $0x38;
	[tilespmem:$0x11280] =	vst v63  }
0x1b: {  	_ =	swait.ge [sflag:s12], $0x80  }
0x1c: {  	[sflag:s12] =	ssyncset.done $0x0  }
0x1d: {  	s28 =	simm.s32 $0x10C00;
	[sflag:s12] =	ssyncadd.s32 $0xFFFFFF80  }
0x1e: {  	[tilespmem:s28], [sflag:$0x2] =	stream.indirect.gather [hbm4b:s1+s15], $0x1, s2, s15, $0xb8;
	[tilespmem:$0x11280] =	vst v63  }
0x1f: {  	s28 =	simm.s32 $0x10E00  }
0x20: {  	[tilespmem:s28], [sflag:$0x2] =	stream.indirect.gather [hbm4b:s6+s15], $0x1, s13, s15, $0xb8;
	[tilespmem:$0x11280] =	vst v63  }
0x21: {  	s28 =	simm.s32 $0x10C80  }
0x22: {  	[tilespmem:s28], [sflag:$0x2] =	stream.indirect.gather [hbm4b:s1+s15], $0x1, s15, s15, $0xb8;
	[tilespmem:$0x11280] =	vst v63  }
0x23: {  	s29 =	simm.s32 $0x10E80;
	s28 =	simm.s32 $0x280  }
0x24: {  	[tilespmem:s29], [sflag:$0x2] =	stream.indirect.gather [hbm4b:s6+s15], $0x1, s28, s15, $0xb8;
	[tilespmem:$0x11280] =	vst v63  }
0x25: {  	s30 =	simm.s32 $0x10D00;
	s28 =	simm.s32 $0x100  }
0x26: {  	[tilespmem:s30], [sflag:$0x2] =	stream.indirect.gather [hbm4b:s1+s15], $0x1, s28, s15, $0xb8;
	[tilespmem:$0x11280] =	vst v63  }
0x27: {  	s28 =	simm.s32 $0x300;
	s30 =	simm.s32 $0x10F00  }
0x28: {  	[tilespmem:s30], [sflag:$0x2] =	stream.indirect.gather [hbm4b:s6+s15], $0x1, s28, s15, $0xb8;
	[tilespmem:$0x11280] =	vst v63  }
0x29: {  	s28 =	simm.s32 $0x180;
	s30 =	simm.s32 $0x10D80  }
0x2a: {  	[tilespmem:s30], [sflag:$0x2] =	stream.indirect.gather [hbm4b:s1+s15], $0x1, s28, s15, $0xb8;
	[tilespmem:$0x11280] =	vst v63  }
0x2b: {  	s28 =	simm.s32 $0x380;
	s30 =	simm.s32 $0x10F80  }
0x2c: {  	[tilespmem:s30], [sflag:$0x2] =	stream.indirect.gather [hbm4b:s6+s15], $0x1, s28, s15, $0xb8;
	[tilespmem:$0x11280] =	vst v63  }
0x2d: {  	v0 =	vld [tilespmem:$0x0]  }
0x2e: {  	v1 =	vld [tilespmem:$0x200];
	_ =	sdelay $0x1  }
0x2f: {  	v2 =	vld [tilespmem:$0x10]  }
0x30: {  	v4 =	vld [tilespmem:$0x210]  }
0x31: {  	v3 =	vshrl.u32 v0, $0x1  }
0x32: {  	v5 =	vand.u32 $0xFFF, v0;
	v6 =	vshrl.u32 v1, $0x1;
	v3 =	vand.u32 $0x7FFFF000, v3  }
0x33: {  	v43 =	vand.u32 $0xFFF, v1;
	v42 =	vand.u32 $0x7FFFF000, v6;
	v3 =	vor.u32 v5, v3  }
0x34: {  	v44 =	vld [tilespmem:$0x20];
	v0 =	vshrl.u32 v0, $0x6;
	v1 =	vshrl.u32 v1, $0x6;
	[tilespmem:$0x400] =	vst v3;
	v3 =	vor.u32 v43, v42  }
0x35: {  	v45 =	vld [tilespmem:$0x220];
	v7 =	vshrl.u32 v4, $0x1;
	v0 =	vand.u32 $0x40, v0;
	[tilespmem:$0x600] =	vst v3;
	v3 =	vshrl.u32 v2, $0x1  }
0x36: {  	v1 =	vand.u32 $0x40, v1;
	[tilespmem:$0x800] =	vst v0;
	v0 =	vand.u32 $0x7FFFF000, v3;
	v3 =	vand.u32 $0xFFF, v2  }
0x37: {  	[tilespmem:$0xA00] =	vst v1;
	v1 =	vand.u32 $0x7FFFF000, v7;
	v0 =	vor.u32 v3, v0;
	v3 =	vand.u32 $0xFFF, v4  }
0x38: {  	[tilespmem:$0x410] =	vst v0;
	v0 =	vor.u32 v3, v1;
	v1 =	vshrl.u32 v2, $0x6;
	v2 =	vshrl.u32 v4, $0x6;
	v3 =	vld [tilespmem:$0x30]  }
0x39: {  	v46 =	vld [tilespmem:$0x230];
	[tilespmem:$0x610] =	vst v0;
	v0 =	vand.u32 $0x40, v1;
	v1 =	vand.u32 $0x40, v2;
	v2 =	vshrl.u32 v44, $0x1  }
0x3a: {  	v47 =	vshrl.u32 v45, $0x1;
	[tilespmem:$0x810] =	vst v0;
	v0 =	vand.u32 $0x7FFFF000, v2;
	v2 =	vand.u32 $0xFFF, v44  }
0x3b: {  	[tilespmem:$0xA10] =	vst v1;
	v1 =	vand.u32 $0x7FFFF000, v47;
	v0 =	vor.u32 v2, v0;
	v2 =	vand.u32 $0xFFF, v45  }
0x3c: {  	v48 =	vld [tilespmem:$0x40];
	[tilespmem:$0x420] =	vst v0;
	v0 =	vor.u32 v2, v1;
	v1 =	vshrl.u32 v44, $0x6;
	v2 =	vshrl.u32 v45, $0x6  }
0x3d: {  	v49 =	vld [tilespmem:$0x240];
	[tilespmem:$0x620] =	vst v0;
	v0 =	vand.u32 $0x40, v1;
	v1 =	vand.u32 $0x40, v2;
	v2 =	vshrl.u32 v3, $0x1  }
0x3e: {  	v50 =	vshrl.u32 v46, $0x1;
	[tilespmem:$0x820] =	vst v0;
	v0 =	vand.u32 $0x7FFFF000, v2;
	v2 =	vand.u32 $0xFFF, v3  }
0x3f: {  	[tilespmem:$0xA20] =	vst v1;
	v1 =	vand.u32 $0x7FFFF000, v50;
	v0 =	vor.u32 v2, v0;
	v2 =	vand.u32 $0xFFF, v46  }
0x40: {  	[tilespmem:$0x430] =	vst v0;
	v0 =	vor.u32 v2, v1;
	v1 =	vshrl.u32 v3, $0x6;
	v2 =	vshrl.u32 v46, $0x6;
	v3 =	vld [tilespmem:$0x50]  }
0x41: {  	v51 =	vld [tilespmem:$0x250];
	[tilespmem:$0x630] =	vst v0;
	v0 =	vand.u32 $0x40, v1;
	v1 =	vand.u32 $0x40, v2;
	v2 =	vshrl.u32 v48, $0x1  }
0x42: {  	v52 =	vshrl.u32 v49, $0x1;
	[tilespmem:$0x830] =	vst v0;
	v0 =	vand.u32 $0x7FFFF000, v2;
	v2 =	vand.u32 $0xFFF, v48  }
0x43: {  	[tilespmem:$0xA30] =	vst v1;
	v1 =	vand.u32 $0x7FFFF000, v52;
	v0 =	vor.u32 v2, v0;
	v2 =	vand.u32 $0xFFF, v49  }
0x44: {  	v53 =	vld [tilespmem:$0x60];
	[tilespmem:$0x440] =	vst v0;
	v0 =	vor.u32 v2, v1;
	v1 =	vshrl.u32 v48, $0x6;
	v2 =	vshrl.u32 v49, $0x6  }
0x45: {  	v54 =	vld [tilespmem:$0x260];
	[tilespmem:$0x640] =	vst v0;
	v0 =	vand.u32 $0x40, v1;
	v1 =	vand.u32 $0x40, v2;
	v2 =	vshrl.u32 v3, $0x1  }
0x46: {  	v55 =	vshrl.u32 v51, $0x1;
	[tilespmem:$0x840] =	vst v0;
	v0 =	vand.u32 $0x7FFFF000, v2;
	v2 =	vand.u32 $0xFFF, v3  }
0x47: {  	[tilespmem:$0xA40] =	vst v1;
	v1 =	vand.u32 $0x7FFFF000, v55;
	v0 =	vor.u32 v2, v0;
	v2 =	vand.u32 $0xFFF, v51  }
0x48: {  	[tilespmem:$0x450] =	vst v0;
	v0 =	vor.u32 v2, v1;
	v1 =	vshrl.u32 v3, $0x6;
	v2 =	vshrl.u32 v51, $0x6;
	v3 =	vld [tilespmem:$0x70]  }
0x49: {  	v56 =	vld [tilespmem:$0x270];
	[tilespmem:$0x650] =	vst v0;
	v0 =	vand.u32 $0x40, v1;
	v1 =	vand.u32 $0x40, v2;
	v2 =	vshrl.u32 v53, $0x1  }
0x4a: {  	v57 =	vshrl.u32 v54, $0x1;
	[tilespmem:$0x850] =	vst v0;
	v0 =	vand.u32 $0x7FFFF000, v2;
	v2 =	vand.u32 $0xFFF, v53  }
0x4b: {  	[tilespmem:$0xA50] =	vst v1;
	v1 =	vand.u32 $0x7FFFF000, v57;
	v0 =	vor.u32 v2, v0;
	v2 =	vand.u32 $0xFFF, v54  }
0x4c: {  	v58 =	vld [tilespmem:$0x80];
	[tilespmem:$0x460] =	vst v0;
	v0 =	vor.u32 v2, v1;
	v1 =	vshrl.u32 v53, $0x6;
	v2 =	vshrl.u32 v54, $0x6  }
0x4d: {  	v59 =	vld [tilespmem:$0x280];
	[tilespmem:$0x660] =	vst v0;
	v0 =	vand.u32 $0x40, v1;
	v1 =	vand.u32 $0x40, v2;
	v2 =	vshrl.u32 v3, $0x1  }
0x4e: {  	v60 =	vshrl.u32 v56, $0x1;
	[tilespmem:$0x860] =	vst v0;
	v0 =	vand.u32 $0x7FFFF000, v2;
	v2 =	vand.u32 $0xFFF, v3  }
0x4f: {  	[tilespmem:$0xA60] =	vst v1;
	v1 =	vand.u32 $0x7FFFF000, v60;
	v0 =	vor.u32 v2, v0;
	v2 =	vand.u32 $0xFFF, v56  }
0x50: {  	[tilespmem:$0x470] =	vst v0;
	v0 =	vor.u32 v2, v1;
	v1 =	vshrl.u32 v3, $0x6;
	v2 =	vshrl.u32 v56, $0x6;
	v3 =	vld [tilespmem:$0x90]  }
0x51: {  	v61 =	vld [tilespmem:$0x290];
	[tilespmem:$0x670] =	vst v0;
	v0 =	vand.u32 $0x40, v1;
	v1 =	vand.u32 $0x40, v2;
	v2 =	vshrl.u32 v58, $0x1  }
0x52: {  	v62 =	vshrl.u32 v59, $0x1;
	[tilespmem:$0x870] =	vst v0;
	v0 =	vand.u32 $0x7FFFF000, v2;
	v2 =	vand.u32 $0xFFF, v58  }
0x53: {  	[tilespmem:$0xA70] =	vst v1;
	v1 =	vand.u32 $0x7FFFF000, v62;
	v0 =	vor.u32 v2, v0;
	v2 =	vand.u32 $0xFFF, v59  }
0x54: {  	v63 =	vld [tilespmem:$0xA0];
	[tilespmem:$0x480] =	vst v0;
	v0 =	vor.u32 v2, v1;
	v1 =	vshrl.u32 v58, $0x6;
	v2 =	vshrl.u32 v59, $0x6  }
0x55: {  	v9 =	vld [tilespmem:$0x2A0];
	[tilespmem:$0x680] =	vst v0;
	v0 =	vand.u32 $0x40, v1;
	v1 =	vand.u32 $0x40, v2;
	v2 =	vshrl.u32 v3, $0x1  }
0x56: {  	v10 =	vshrl.u32 v61, $0x1;
	[tilespmem:$0x880] =	vst v0;
	v0 =	vand.u32 $0x7FFFF000, v2;
	v2 =	vand.u32 $0xFFF, v3  }
0x57: {  	[tilespmem:$0xA80] =	vst v1;
	v1 =	vand.u32 $0x7FFFF000, v10;
	v0 =	vor.u32 v2, v0;
	v2 =	vand.u32 $0xFFF, v61  }
0x58: {  	[tilespmem:$0x490] =	vst v0;
	v0 =	vor.u32 v2, v1;
	v1 =	vshrl.u32 v3, $0x6;
	v2 =	vshrl.u32 v61, $0x6;
	v3 =	vld [tilespmem:$0xB0]  }
0x59: {  	v11 =	vld [tilespmem:$0x2B0];
	[tilespmem:$0x690] =	vst v0;
	v0 =	vand.u32 $0x40, v1;
	v1 =	vand.u32 $0x40, v2;
	v2 =	vshrl.u32 v63, $0x1  }
0x5a: {  	v12 =	vshrl.u32 v9, $0x1;
	[tilespmem:$0x890] =	vst v0;
	v0 =	vand.u32 $0x7FFFF000, v2;
	v2 =	vand.u32 $0xFFF, v63  }
0x5b: {  	[tilespmem:$0xA90] =	vst v1;
	v1 =	vand.u32 $0x7FFFF000, v12;
	v0 =	vor.u32 v2, v0;
	v2 =	vand.u32 $0xFFF, v9  }
0x5c: {  	v13 =	vld [tilespmem:$0xC0];
	[tilespmem:$0x4A0] =	vst v0;
	v0 =	vor.u32 v2, v1;
	v1 =	vshrl.u32 v63, $0x6;
	v2 =	vshrl.u32 v9, $0x6  }
0x5d: {  	v14 =	vld [tilespmem:$0x2C0];
	[tilespmem:$0x6A0] =	vst v0;
	v0 =	vand.u32 $0x40, v1;
	v1 =	vand.u32 $0x40, v2;
	v2 =	vshrl.u32 v3, $0x1  }
0x5e: {  	v15 =	vshrl.u32 v11, $0x1;
	[tilespmem:$0x8A0] =	vst v0;
	v0 =	vand.u32 $0x7FFFF000, v2;
	v2 =	vand.u32 $0xFFF, v3  }
0x5f: {  	[tilespmem:$0xAA0] =	vst v1;
	v1 =	vand.u32 $0x7FFFF000, v15;
	v0 =	vor.u32 v2, v0;
	v2 =	vand.u32 $0xFFF, v11  }
0x60: {  	[tilespmem:$0x4B0] =	vst v0;
	v0 =	vor.u32 v2, v1;
	v1 =	vshrl.u32 v3, $0x6;
	v2 =	vshrl.u32 v11, $0x6;
	v3 =	vld [tilespmem:$0xD0]  }
0x61: {  	v16 =	vld [tilespmem:$0x2D0];
	[tilespmem:$0x6B0] =	vst v0;
	v0 =	vand.u32 $0x40, v1;
	v1 =	vand.u32 $0x40, v2;
	v2 =	vshrl.u32 v13, $0x1  }
0x62: {  	v17 =	vshrl.u32 v14, $0x1;
	[tilespmem:$0x8B0] =	vst v0;
	v0 =	vand.u32 $0x7FFFF000, v2;
	v2 =	vand.u32 $0xFFF, v13  }
0x63: {  	[tilespmem:$0xAB0] =	vst v1;
	v1 =	vand.u32 $0x7FFFF000, v17;
	v0 =	vor.u32 v2, v0;
	v2 =	vand.u32 $0xFFF, v14  }
0x64: {  	v18 =	vld [tilespmem:$0xE0];
	[tilespmem:$0x4C0] =	vst v0;
	v0 =	vor.u32 v2, v1;
	v1 =	vshrl.u32 v13, $0x6;
	v2 =	vshrl.u32 v14, $0x6  }
0x65: {  	v19 =	vld [tilespmem:$0x2E0];
	[tilespmem:$0x6C0] =	vst v0;
	v0 =	vand.u32 $0x40, v1;
	v1 =	vand.u32 $0x40, v2;
	v2 =	vshrl.u32 v3, $0x1  }
0x66: {  	v20 =	vshrl.u32 v16, $0x1;
	[tilespmem:$0x8C0] =	vst v0;
	v0 =	vand.u32 $0x7FFFF000, v2;
	v2 =	vand.u32 $0xFFF, v3  }
0x67: {  	[tilespmem:$0xAC0] =	vst v1;
	v1 =	vand.u32 $0x7FFFF000, v20;
	v0 =	vor.u32 v2, v0;
	v2 =	vand.u32 $0xFFF, v16  }
0x68: {  	[tilespmem:$0x4D0] =	vst v0;
	v0 =	vor.u32 v2, v1;
	v1 =	vshrl.u32 v3, $0x6;
	v2 =	vshrl.u32 v16, $0x6;
	v3 =	vld [tilespmem:$0xF0]  }
0x69: {  	v21 =	vld [tilespmem:$0x2F0];
	[tilespmem:$0x6D0] =	vst v0;
	v0 =	vand.u32 $0x40, v1;
	v1 =	vand.u32 $0x40, v2;
	v2 =	vshrl.u32 v18, $0x1  }
0x6a: {  	v22 =	vshrl.u32 v19, $0x1;
	[tilespmem:$0x8D0] =	vst v0;
	v0 =	vand.u32 $0x7FFFF000, v2;
	v2 =	vand.u32 $0xFFF, v18  }
0x6b: {  	[tilespmem:$0xAD0] =	vst v1;
	v1 =	vand.u32 $0x7FFFF000, v22;
	v0 =	vor.u32 v2, v0;
	v2 =	vand.u32 $0xFFF, v19  }
0x6c: {  	v23 =	vld [tilespmem:$0x100];
	[tilespmem:$0x4E0] =	vst v0;
	v0 =	vor.u32 v2, v1;
	v1 =	vshrl.u32 v18, $0x6;
	v2 =	vshrl.u32 v19, $0x6  }
0x6d: {  	v24 =	vld [tilespmem:$0x300];
	[tilespmem:$0x6E0] =	vst v0;
	v0 =	vand.u32 $0x40, v1;
	v1 =	vand.u32 $0x40, v2;
	v2 =	vshrl.u32 v3, $0x1  }
0x6e: {  	v25 =	vshrl.u32 v21, $0x1;
	[tilespmem:$0x8E0] =	vst v0;
	v0 =	vand.u32 $0x7FFFF000, v2;
	v2 =	vand.u32 $0xFFF, v3  }
0x6f: {  	[tilespmem:$0xAE0] =	vst v1;
	v1 =	vand.u32 $0x7FFFF000, v25;
	v0 =	vor.u32 v2, v0;
	v2 =	vand.u32 $0xFFF, v21  }
0x70: {  	[tilespmem:$0x4F0] =	vst v0;
	v0 =	vor.u32 v2, v1;
	v1 =	vshrl.u32 v3, $0x6;
	v2 =	vshrl.u32 v21, $0x6;
	v3 =	vld [tilespmem:$0x110]  }
0x71: {  	v26 =	vld [tilespmem:$0x310];
	[tilespmem:$0x6F0] =	vst v0;
	v0 =	vand.u32 $0x40, v1;
	v1 =	vand.u32 $0x40, v2;
	v2 =	vshrl.u32 v23, $0x1  }
0x72: {  	v27 =	vshrl.u32 v24, $0x1;
	[tilespmem:$0x8F0] =	vst v0;
	v0 =	vand.u32 $0x7FFFF000, v2;
	v2 =	vand.u32 $0xFFF, v23  }
0x73: {  	[tilespmem:$0xAF0] =	vst v1;
	v1 =	vand.u32 $0x7FFFF000, v27;
	v0 =	vor.u32 v2, v0;
	v2 =	vand.u32 $0xFFF, v24  }
0x74: {  	v28 =	vld [tilespmem:$0x120];
	[tilespmem:$0x500] =	vst v0;
	v0 =	vor.u32 v2, v1;
	v1 =	vshrl.u32 v23, $0x6;
	v2 =	vshrl.u32 v24, $0x6  }
0x75: {  	v29 =	vld [tilespmem:$0x320];
	[tilespmem:$0x700] =	vst v0;
	v0 =	vand.u32 $0x40, v1;
	v1 =	vand.u32 $0x40, v2;
	v2 =	vshrl.u32 v3, $0x1  }
0x76: {  	v30 =	vshrl.u32 v26, $0x1;
	[tilespmem:$0x900] =	vst v0;
	v0 =	vand.u32 $0x7FFFF000, v2;
	v2 =	vand.u32 $0xFFF, v3  }
0x77: {  	[tilespmem:$0xB00] =	vst v1;
	v1 =	vand.u32 $0x7FFFF000, v30;
	v0 =	vor.u32 v2, v0;
	v2 =	vand.u32 $0xFFF, v26  }
0x78: {  	[tilespmem:$0x510] =	vst v0;
	v0 =	vor.u32 v2, v1;
	v1 =	vshrl.u32 v3, $0x6;
	v2 =	vshrl.u32 v26, $0x6;
	v3 =	vld [tilespmem:$0x130]  }
0x79: {  	v31 =	vld [tilespmem:$0x330];
	[tilespmem:$0x710] =	vst v0;
	v0 =	vand.u32 $0x40, v1;
	v1 =	vand.u32 $0x40, v2;
	v2 =	vshrl.u32 v28, $0x1  }
0x7a: {  	v32 =	vshrl.u32 v29, $0x1;
	[tilespmem:$0x910] =	vst v0;
	v0 =	vand.u32 $0x7FFFF000, v2;
	v2 =	vand.u32 $0xFFF, v28  }
0x7b: {  	[tilespmem:$0xB10] =	vst v1;
	v1 =	vand.u32 $0x7FFFF000, v32;
	v0 =	vor.u32 v2, v0;
	v2 =	vand.u32 $0xFFF, v29  }
0x7c: {  	v33 =	vld [tilespmem:$0x140];
	[tilespmem:$0x520] =	vst v0;
	v0 =	vor.u32 v2, v1;
	v1 =	vshrl.u32 v28, $0x6;
	v2 =	vshrl.u32 v29, $0x6  }
0x7d: {  	v34 =	vld [tilespmem:$0x340];
	[tilespmem:$0x720] =	vst v0;
	v0 =	vand.u32 $0x40, v1;
	v1 =	vand.u32 $0x40, v2;
	v2 =	vshrl.u32 v3, $0x1  }
0x7e: {  	v35 =	vshrl.u32 v31, $0x1;
	[tilespmem:$0x920] =	vst v0;
	v0 =	vand.u32 $0x7FFFF000, v2;
	v2 =	vand.u32 $0xFFF, v3  }
0x7f: {  	[tilespmem:$0xB20] =	vst v1;
	v1 =	vand.u32 $0x7FFFF000, v35;
	v0 =	vor.u32 v2, v0;
	v2 =	vand.u32 $0xFFF, v31  }
0x80: {  	[tilespmem:$0x530] =	vst v0;
	v0 =	vor.u32 v2, v1;
	v1 =	vshrl.u32 v3, $0x6;
	v2 =	vshrl.u32 v31, $0x6;
	v3 =	vld [tilespmem:$0x150]  }
0x81: {  	v36 =	vld [tilespmem:$0x350];
	[tilespmem:$0x730] =	vst v0;
	v0 =	vand.u32 $0x40, v1;
	v1 =	vand.u32 $0x40, v2;
	v2 =	vshrl.u32 v33, $0x1  }
0x82: {  	v37 =	vshrl.u32 v34, $0x1;
	[tilespmem:$0x930] =	vst v0;
	v0 =	vand.u32 $0x7FFFF000, v2;
	v2 =	vand.u32 $0xFFF, v33  }
0x83: {  	[tilespmem:$0xB30] =	vst v1;
	v1 =	vand.u32 $0x7FFFF000, v37;
	v0 =	vor.u32 v2, v0;
	v2 =	vand.u32 $0xFFF, v34  }
0x84: {  	v38 =	vld [tilespmem:$0x160];
	[tilespmem:$0x540] =	vst v0;
	v0 =	vor.u32 v2, v1;
	v1 =	vshrl.u32 v33, $0x6;
	v2 =	vshrl.u32 v34, $0x6  }
0x85: {  	v39 =	vld [tilespmem:$0x360];
	[tilespmem:$0x740] =	vst v0;
	v0 =	vand.u32 $0x40, v1;
	v1 =	vand.u32 $0x40, v2;
	v2 =	vshrl.u32 v3, $0x1  }
0x86: {  	v40 =	vshrl.u32 v36, $0x1;
	[tilespmem:$0x940] =	vst v0;
	v0 =	vand.u32 $0x7FFFF000, v2;
	v2 =	vand.u32 $0xFFF, v3  }
0x87: {  	[tilespmem:$0xB40] =	vst v1;
	v1 =	vand.u32 $0x7FFFF000, v40;
	v0 =	vor.u32 v2, v0;
	v2 =	vand.u32 $0xFFF, v36  }
0x88: {  	[tilespmem:$0x550] =	vst v0;
	v0 =	vor.u32 v2, v1;
	v1 =	vshrl.u32 v3, $0x6;
	v2 =	vshrl.u32 v36, $0x6;
	v3 =	vld [tilespmem:$0x170]  }
0x89: {  	v41 =	vld [tilespmem:$0x370];
	[tilespmem:$0x750] =	vst v0;
	v0 =	vand.u32 $0x40, v1;
	v1 =	vand.u32 $0x40, v2;
	v2 =	vshrl.u32 v38, $0x1  }
0x8a: {  	v42 =	vshrl.u32 v39, $0x1;
	[tilespmem:$0x950] =	vst v0;
	v0 =	vand.u32 $0x7FFFF000, v2;
	v2 =	vand.u32 $0xFFF, v38  }
0x8b: {  	[tilespmem:$0xB50] =	vst v1;
	v1 =	vand.u32 $0x7FFFF000, v42;
	v0 =	vor.u32 v2, v0;
	v2 =	vand.u32 $0xFFF, v39  }
0x8c: {  	v43 =	vld [tilespmem:$0x180];
	[tilespmem:$0x560] =	vst v0;
	v0 =	vor.u32 v2, v1;
	v1 =	vshrl.u32 v38, $0x6;
	v2 =	vshrl.u32 v39, $0x6  }
0x8d: {  	v44 =	vld [tilespmem:$0x380];
	[tilespmem:$0x760] =	vst v0;
	v0 =	vand.u32 $0x40, v1;
	v1 =	vand.u32 $0x40, v2;
	v2 =	vshrl.u32 v3, $0x1  }
0x8e: {  	v45 =	vshrl.u32 v41, $0x1;
	[tilespmem:$0x960] =	vst v0;
	v0 =	vand.u32 $0x7FFFF000, v2;
	v2 =	vand.u32 $0xFFF, v3  }
0x8f: {  	[tilespmem:$0xB60] =	vst v1;
	v1 =	vand.u32 $0x7FFFF000, v45;
	v0 =	vor.u32 v2, v0;
	v2 =	vand.u32 $0xFFF, v41  }
0x90: {  	[tilespmem:$0x570] =	vst v0;
	v0 =	vor.u32 v2, v1;
	v1 =	vshrl.u32 v3, $0x6;
	v2 =	vshrl.u32 v41, $0x6;
	v3 =	vld [tilespmem:$0x190]  }
0x91: {  	v46 =	vld [tilespmem:$0x390];
	[tilespmem:$0x770] =	vst v0;
	v0 =	vand.u32 $0x40, v1;
	v1 =	vand.u32 $0x40, v2;
	v2 =	vshrl.u32 v43, $0x1  }
0x92: {  	v47 =	vshrl.u32 v44, $0x1;
	[tilespmem:$0x970] =	vst v0;
	v0 =	vand.u32 $0x7FFFF000, v2;
	v2 =	vand.u32 $0xFFF, v43  }
0x93: {  	[tilespmem:$0xB70] =	vst v1;
	v1 =	vand.u32 $0x7FFFF000, v47;
	v0 =	vor.u32 v2, v0;
	v2 =	vand.u32 $0xFFF, v44  }
0x94: {  	v48 =	vld [tilespmem:$0x1A0];
	[tilespmem:$0x580] =	vst v0;
	v0 =	vor.u32 v2, v1;
	v1 =	vshrl.u32 v43, $0x6;
	v2 =	vshrl.u32 v44, $0x6  }
0x95: {  	v49 =	vld [tilespmem:$0x3A0];
	[tilespmem:$0x780] =	vst v0;
	v0 =	vand.u32 $0x40, v1;
	v1 =	vand.u32 $0x40, v2;
	v2 =	vshrl.u32 v3, $0x1  }
0x96: {  	v50 =	vshrl.u32 v46, $0x1;
	[tilespmem:$0x980] =	vst v0;
	v0 =	vand.u32 $0x7FFFF000, v2;
	v2 =	vand.u32 $0xFFF, v3  }
0x97: {  	[tilespmem:$0xB80] =	vst v1;
	v1 =	vand.u32 $0x7FFFF000, v50;
	v0 =	vor.u32 v2, v0;
	v2 =	vand.u32 $0xFFF, v46  }
0x98: {  	[tilespmem:$0x590] =	vst v0;
	v0 =	vor.u32 v2, v1;
	v1 =	vshrl.u32 v3, $0x6;
	v2 =	vshrl.u32 v46, $0x6;
	v3 =	vld [tilespmem:$0x1B0]  }
0x99: {  	v51 =	vld [tilespmem:$0x3B0];
	[tilespmem:$0x790] =	vst v0;
	v0 =	vand.u32 $0x40, v1;
	v1 =	vand.u32 $0x40, v2;
	v2 =	vshrl.u32 v48, $0x1  }
0x9a: {  	v52 =	vshrl.u32 v49, $0x1;
	[tilespmem:$0x990] =	vst v0;
	v0 =	vand.u32 $0x7FFFF000, v2;
	v2 =	vand.u32 $0xFFF, v48  }
0x9b: {  	[tilespmem:$0xB90] =	vst v1;
	v1 =	vand.u32 $0x7FFFF000, v52;
	v0 =	vor.u32 v2, v0;
	v2 =	vand.u32 $0xFFF, v49  }
0x9c: {  	v53 =	vld [tilespmem:$0x1C0];
	[tilespmem:$0x5A0] =	vst v0;
	v0 =	vor.u32 v2, v1;
	v1 =	vshrl.u32 v48, $0x6;
	v2 =	vshrl.u32 v49, $0x6  }
0x9d: {  	v54 =	vld [tilespmem:$0x3C0];
	[tilespmem:$0x7A0] =	vst v0;
	v0 =	vand.u32 $0x40, v1;
	v1 =	vand.u32 $0x40, v2;
	v2 =	vshrl.u32 v3, $0x1  }
0x9e: {  	v55 =	vshrl.u32 v51, $0x1;
	[tilespmem:$0x9A0] =	vst v0;
	v0 =	vand.u32 $0x7FFFF000, v2;
	v2 =	vand.u32 $0xFFF, v3  }
0x9f: {  	[tilespmem:$0xBA0] =	vst v1;
	v1 =	vand.u32 $0x7FFFF000, v55;
	v0 =	vor.u32 v2, v0;
	v2 =	vand.u32 $0xFFF, v51  }
0xa0: {  	[tilespmem:$0x5B0] =	vst v0;
	v0 =	vor.u32 v2, v1;
	v1 =	vshrl.u32 v3, $0x6;
	v2 =	vshrl.u32 v51, $0x6;
	v3 =	vld [tilespmem:$0x1D0]  }
0xa1: {  	v56 =	vld [tilespmem:$0x3D0];
	[tilespmem:$0x7B0] =	vst v0;
	v0 =	vand.u32 $0x40, v1;
	v1 =	vand.u32 $0x40, v2;
	v2 =	vshrl.u32 v53, $0x1  }
0xa2: {  	v57 =	vshrl.u32 v54, $0x1;
	[tilespmem:$0x9B0] =	vst v0;
	v0 =	vand.u32 $0x7FFFF000, v2;
	v2 =	vand.u32 $0xFFF, v53  }
0xa3: {  	[tilespmem:$0xBB0] =	vst v1;
	v1 =	vand.u32 $0x7FFFF000, v57;
	v0 =	vor.u32 v2, v0;
	v2 =	vand.u32 $0xFFF, v54  }
0xa4: {  	v58 =	vld [tilespmem:$0x1E0];
	[tilespmem:$0x5C0] =	vst v0;
	v0 =	vor.u32 v2, v1;
	v1 =	vshrl.u32 v53, $0x6;
	v2 =	vshrl.u32 v54, $0x6  }
0xa5: {  	v59 =	vld [tilespmem:$0x3E0];
	[tilespmem:$0x7C0] =	vst v0;
	v0 =	vand.u32 $0x40, v1;
	v1 =	vand.u32 $0x40, v2;
	v2 =	vshrl.u32 v3, $0x1  }
0xa6: {  	v60 =	vshrl.u32 v56, $0x1;
	[tilespmem:$0x9C0] =	vst v0;
	v0 =	vand.u32 $0x7FFFF000, v2;
	v2 =	vand.u32 $0xFFF, v3  }
0xa7: {  	[tilespmem:$0xBC0] =	vst v1;
	v1 =	vand.u32 $0x7FFFF000, v60;
	v0 =	vor.u32 v2, v0;
	v2 =	vand.u32 $0xFFF, v56  }
0xa8: {  	[tilespmem:$0x5D0] =	vst v0;
	v0 =	vor.u32 v2, v1;
	v1 =	vshrl.u32 v3, $0x6;
	v2 =	vshrl.u32 v56, $0x6;
	v3 =	vld [tilespmem:$0x1F0]  }
0xa9: {  	v61 =	vld [tilespmem:$0x3F0];
	[tilespmem:$0x7D0] =	vst v0;
	v0 =	vand.u32 $0x40, v1;
	v1 =	vand.u32 $0x40, v2;
	v2 =	vshrl.u32 v58, $0x1  }
0xaa: {  	v62 =	vshrl.u32 v59, $0x1;
	[tilespmem:$0x9D0] =	vst v0;
	v0 =	vand.u32 $0x7FFFF000, v2;
	v2 =	vand.u32 $0xFFF, v58  }
0xab: {  	[tilespmem:$0xBD0] =	vst v1;
	v1 =	vand.u32 $0x7FFFF000, v62;
	v0 =	vor.u32 v2, v0;
	v2 =	vand.u32 $0xFFF, v59  }
0xac: {  	[tilespmem:$0x5E0] =	vst v0;
	v0 =	vor.u32 v2, v1;
	v1 =	vshrl.u32 v58, $0x6;
	v2 =	vshrl.u32 v59, $0x6  }
0xad: {  	[tilespmem:$0x7E0] =	vst v0;
	v0 =	vand.u32 $0x40, v1;
	v1 =	vand.u32 $0x40, v2;
	v2 =	vshrl.u32 v3, $0x1  }
0xae: {  	v63 =	vshrl.u32 v61, $0x1;
	[tilespmem:$0x9E0] =	vst v0;
	v0 =	vand.u32 $0x7FFFF000, v2;
	v2 =	vand.u32 $0xFFF, v3  }
0xaf: {  	[tilespmem:$0xBE0] =	vst v1;
	v1 =	vand.u32 $0x7FFFF000, v63;
	v0 =	vor.u32 v2, v0;
	v2 =	vand.u32 $0xFFF, v61  }
0xb0: {  	[tilespmem:$0x5F0] =	vst v0;
	v0 =	vor.u32 v2, v1;
	v1 =	vshrl.u32 v3, $0x6  }
0xb1: {  	[tilespmem:$0x7F0] =	vst v0;
	v0 =	vand.u32 $0x40, v1;
	v1 =	vshrl.u32 v61, $0x6  }
0xb2: {  	[tilespmem:$0x9F0] =	vst v0;
	v0 =	vand.u32 $0x40, v1  }
0xb3: {  	s28 =	simm.s32 $0x400;
	[tilespmem:$0xBF0] =	vst v0  }
0xb4: {  	v0 =	vld [tilespmem:$0x11000];
	[tilespmem:s31], [sflag:$0x1] =	stream.indirect.gather [hbm4b:s4+s15], $0x80, s28, s15, $0xb8  }
0xb5: {  	_ = 	snop  }
0xb6: {  	[tilespmem:s3], [sflag:$0x1] =	stream.indirect.gather [hbm4b:s5+s15], $0x80, s0, s15, $0xb8;
	[tilespmem:$0x11280] =	vst v63  }
0xb7: {  	_ = 	snop  }
0xb8: {  	[tilespmem:s16], [sflag:$0x1] =	stream.indirect.gather [hbm4b:s4+s15], $0x80, s14, s15, $0xb8;
	[tilespmem:$0x11280] =	vst v63  }
0xb9: {  	_ = 	snop  }
0xba: {  	[tilespmem:s18], [sflag:$0x1] =	stream.indirect.gather [hbm4b:s5+s15], $0x80, s17, s15, $0xb8;
	[tilespmem:$0x11280] =	vst v63  }
0xbb: {  	_ =	swait.ge [sflag:s19], $0x4000  }
0xbc: {  	[sflag:s19] =	ssyncset.done $0x0  }
0xbd: {  	[sflag:s19] =	ssyncadd.s32 $0xFFFFC000  }
0xbe: {  	_ =	swait.ge [sflag:s19], $0x4000  }
0xbf: {  	[sflag:s19] =	ssyncset.done $0x0  }
0xc0: {  	[sflag:s19] =	ssyncadd.s32 $0xFFFFC000  }
0xc1: {  	_ =	swait.ge [sflag:s20], $0x80  }
0xc2: {  	[sflag:s20] =	ssyncset.done $0x0  }
0xc3: {  	[sflag:s20] =	ssyncadd.s32 $0xFFFFFF80  }
0xc4: {  	_ =	swait.ge [sflag:s20], $0x80  }
0xc5: {  	[sflag:s20] =	ssyncset.done $0x0  }
0xc6: {  	[sflag:s20] =	ssyncadd.s32 $0xFFFFFF80  }
0xc7: {  	_ =	swait.ge [sflag:s20], $0x80  }
0xc8: {  	[sflag:s20] =	ssyncset.done $0x0  }
0xc9: {  	[sflag:s20] =	ssyncadd.s32 $0xFFFFFF80  }
0xca: {  	_ =	swait.ge [sflag:s20], $0x80  }
0xcb: {  	[sflag:s20] =	ssyncset.done $0x0  }
0xcc: {  	[sflag:s20] =	ssyncadd.s32 $0xFFFFFF80  }
0xcd: {  	_ =	swait.ge [sflag:s20], $0x80  }
0xce: {  	[sflag:s20] =	ssyncset.done $0x0  }
0xcf: {  	[sflag:s20] =	ssyncadd.s32 $0xFFFFFF80  }
0xd0: {  	_ =	swait.ge [sflag:s20], $0x80  }
0xd1: {  	[sflag:s20] =	ssyncset.done $0x0  }
0xd2: {  	[sflag:s20] =	ssyncadd.s32 $0xFFFFFF80  }
0xd3: {  	_ =	swait.ge [sflag:s20], $0x80  }
0xd4: {  	[sflag:s20] =	ssyncset.done $0x0  }
0xd5: {  	[sflag:s20] =	ssyncadd.s32 $0xFFFFFF80  }
0xd6: {  	_ =	swait.ge [sflag:s20], $0x80  }
0xd7: {  	[sflag:s20] =	ssyncset.done $0x0  }
0xd8: {  	s28 =	simm.s32 $0x0;
	[sflag:s20] =	ssyncadd.s32 $0xFFFFFF80  }
.LBB2_2:
0xd9: {  	s29 =	sshll.u32 s28, $0x4;
	v3 =	vlaneseq.u32  }
0xda: {  	v1 =	vmov s29;
	v2 =	vmul.u32 $0x80, v3;
	v6 =	vadd.s32 $0x4, v3  }
0xdb: {  	v4 =	vld [tilespmem:s29+$0x800];
	v7 =	vadd.s32 $0x5, v3;
	v8 =	vand.u32 $0x3F, v3;
	v9 =	vadd.s32 $0x6, v3  }
0xdc: {  	v5 =	vld [tilespmem:s29+$0xA00];
	v10 =	vadd.s32 $0x7, v3;
	v11 =	vadd.s32 $0x1, v3;
	v12 =	vadd.s32 $0x2, v3  }
0xdd: {  	v13 =	vadd.s32 $0x3, v3;
	v1 =	vshll.u32 v1, $0x7;
	v6 =	vand.u32 $0x3F, v6  }
0xde: {  	v7 =	vand.u32 $0x3F, v7;
	v9 =	vand.u32 $0x3F, v9;
	v10 =	vand.u32 $0x3F, v10  }
0xdf: {  	v11 =	vand.u32 $0x3F, v11;
	v12 =	vand.u32 $0x3F, v12;
	v16 =	vand.u32 $0x3F, v13  }
0xe0: {  	v2 =	vor.u32 v2, v1;
	v1 =	vimm.f32 $0.0e+00;
	v14 =	vadd.s32 v4, v8  }
0xe1: {  	v8 =	vadd.s32 v5, v8;
	v19 =	vadd.s32 v4, v6;
	v6 =	vadd.s32 v5, v6  }
0xe2: {  	v20 =	vadd.s32 v4, v7;
	v7 =	vadd.s32 v5, v7;
	v21 =	vadd.s32 v4, v9  }
0xe3: {  	v22 =	vadd.s32 v5, v9;
	v23 =	vadd.s32 v4, v10;
	v9 =	vadd.s32 v5, v10  }
0xe4: {  	v24 =	vadd.s32 v4, v11;
	v26 =	vadd.s32 v5, v11;
	v29 =	vadd.s32 v4, v12  }
0xe5: {  	v15 =	vadd.s32 v5, v12;
	v13 =	vadd.s32 v4, v16;
	v10 =	vadd.s32 v5, v16  }
0xe6: {  	v17 =	vand.u32 $0x7F, v14;
	v18 =	vand.u32 $0x7F, v8;
	v14 =	vand.u32 $0xFFFFFF80, v14  }
0xe7: {  	v8 =	vand.u32 $0xFFFFFF80, v8;
	v12 =	vand.u32 $0x7F, v19;
	v16 =	vand.u32 $0x7F, v6  }
0xe8: {  	v25 =	vand.u32 $0x7F, v20;
	v27 =	vand.u32 $0x7F, v7;
	v28 =	vand.u32 $0x7F, v21  }
0xe9: {  	v19 =	vand.u32 $0xFFFFFF80, v19;
	v30 =	vand.u32 $0x7F, v22;
	v11 =	vand.u32 $0x7F, v23  }
0xea: {  	v6 =	vand.u32 $0xFFFFFF80, v6;
	v20 =	vand.u32 $0xFFFFFF80, v20;
	v7 =	vand.u32 $0xFFFFFF80, v7  }
0xeb: {  	v31 =	vand.u32 $0xFFFFFF80, v21;
	v32 =	vand.u32 $0xFFFFFF80, v22;
	v22 =	vand.u32 $0x7F, v26  }
0xec: {  	v21 =	vand.u32 $0x7F, v29;
	v29 =	vand.u32 $0xFFFFFF80, v29;
	v14 =	vadd.s32 v2, v14  }
0xed: {  	v8 =	vadd.s32 v2, v8;
	v19 =	vadd.s32 v2, v19;
	v14 =	vor.u32 v17, v14  }
0xee: {  	v6 =	vadd.s32 v2, v6;
	v7 =	vadd.s32 v2, v7;
	v8 =	vor.u32 v18, v8  }
0xef: {  	v17 =	vand.u32 $0xFFFFFF80, v23;
	v18 =	vand.u32 $0x7F, v24;
	v33 =	vor.u32 v12, v19  }
0xf0: {  	v6 =	vor.u32 v16, v6;
	v12 =	vadd.s32 v2, v20;
	v20 =	vand.u32 $0x7F, v15  }
0xf1: {  	v23 =	vor.u32 v27, v7;
	v7 =	vadd.s32 v2, v31;
	v25 =	vor.u32 v25, v12  }
0xf2: {  	v16 =	vand.u32 $0xFFFFFF80, v24;
	v24 =	vor.u32 v28, v7;
	v7 =	vadd.s32 v2, v32;
	v12 =	vld.idx.msk [tilespmem:v14+s31+$0x0], $0xffff  }
0xf3: {  	v19 =	vand.u32 $0x7F, v13;
	v28 =	vand.u32 $0xFFFFFF80, v26;
	v26 =	vor.u32 v30, v7;
	v14 =	vld.idx.msk [tilespmem:v8+s3+$0x0], $0xffff  }
0xf4: {  	v28 =	vadd.s32 v2, v28;
	v7 =	vimm.f32 $0.0e+00;
	v8 =	vadd.s32 v2, v16;
	v16 =	vld.idx.msk [tilespmem:v33+s31+$0x0], $0xffff  }
0xf5: {  	s30 =	simm.s32 $0x7;
	v27 =	vor.u32 v18, v8;
	v18 =	vld.idx.msk [tilespmem:v6+s3+$0x0], $0xffff;
	v8 =	vimm.f32 $0.0e+00;
	v6 =	vimm.f32 $0.0e+00  }
.LBB2_3:
0xf6: {  	p0 =	sne.s32 s30, $0x1;
	v22 =	vor.u32 v22, v28;
	v28 =	vadd.s32 v2, v29;
	v15 =	vand.u32 $0xFFFFFF80, v15;
	v25 =	vld.idx.msk [tilespmem:v25+s31+$0x0], $0xffff  }
0xf7: {  	v13 =	vand.u32 $0xFFFFFF80, v13;
	v21 =	vor.u32 v21, v28;
	v15 =	vadd.s32 v2, v15;
	v23 =	vld.idx.msk [tilespmem:v23+s3+$0x0], $0xffff  }
0xf8: {  	v13 =	vadd.s32 v2, v13;
	v15 =	vor.u32 v20, v15;
	v20 =	vand.u32 $0xFFFFFF80, v10;
	v24 =	vld.idx.msk [tilespmem:v24+s31+$0x0], $0xffff  }
0xf9: {  	v13 =	vor.u32 v19, v13;
	v10 =	vand.u32 $0x7F, v10;
	v19 =	vadd.s32 v2, v20;
	v20 =	vld.idx.msk [tilespmem:v26+s3+$0x0], $0xffff  }
0xfa: {  	v17 =	vadd.s32 v2, v17;
	v26 =	vld.idx.msk [tilespmem:v27+s31+$0x0], $0xffff;
	v10 =	vor.u32 v10, v19;
	v19 =	vand.u32 $0xFFFFFF80, v9  }
0xfb: {  	v11 =	vor.u32 v11, v17;
	v9 =	vand.u32 $0x7F, v9;
	v22 =	vld.idx.msk [tilespmem:v22+s3+$0x0], $0xffff;
	v17 =	vadd.s32 v2, v19  }
0xfc: {  	v3 =	vadd.s32 $0x8, v3;
	v19 =	vld.idx.msk [tilespmem:v21+s31+$0x0], $0xffff;
	v9 =	vor.u32 v9, v17  }
0xfd: {  	v17 =	vadd.s32 $0x4, v3;
	v21 =	vadd.s32 $0x5, v3;
	v15 =	vld.idx.msk [tilespmem:v15+s3+$0x0], $0xffff  }
0xfe: {  	v28 =	vadd.s32 $0x6, v3;
	v29 =	vadd.s32 $0x7, v3;
	v27 =	vand.u32 $0x3F, v3;
	v13 =	vld.idx.msk [tilespmem:v13+s31+$0x0], $0xffff  }
0xff: {  	v30 =	vadd.s32 $0x1, v3;
	v31 =	vadd.s32 $0x2, v3;
	v32 =	vadd.s32 $0x3, v3;
	v10 =	vld.idx.msk [tilespmem:v10+s3+$0x0], $0xffff  }
0x100: {  	v28 =	vand.u32 $0x3F, v28;
	v17 =	vand.u32 $0x3F, v17;
	v21 =	vand.u32 $0x3F, v21;
	v11 =	vld.idx.msk [tilespmem:v11+s31+$0x0], $0xffff  }
0x101: {  	v29 =	vand.u32 $0x3F, v29;
	v33 =	vadd.s32 v4, v27;
	v27 =	vadd.s32 v5, v27;
	v9 =	vld.idx.msk [tilespmem:v9+s3+$0x0], $0xffff  }
0x102: {  	v30 =	vand.u32 $0x3F, v30;
	v31 =	vand.u32 $0x3F, v31;
	v32 =	vand.u32 $0x3F, v32  }
0x103: {  	v12 =	vmul.f32 v14, v12;
	v14 =	vmul.f32 v18, v16;
	v34 =	vand.u32 $0x7F, v33  }
0x104: {  	v16 =	vand.u32 $0x7F, v27;
	v18 =	vmul.f32 v22, v26;
	v22 =	vmul.f32 v23, v25  }
0x105: {  	v23 =	vadd.s32 v4, v17;
	v15 =	vmul.f32 v15, v19;
	v10 =	vmul.f32 v10, v13  }
0x106: {  	v1 =	vadd.f32 v12, v1;
	v12 =	vmul.f32 v20, v24;
	v8 =	vadd.f32 v18, v8  }
0x107: {  	v6 =	vadd.f32 v15, v6;
	v7 =	vadd.f32 v10, v7;
	v9 =	vmul.f32 v9, v11  }
0x108: {  	v1 =	vadd.f32 v14, v1;
	v17 =	vadd.s32 v5, v17;
	v8 =	vadd.f32 v22, v8  }
0x109: {  	v14 =	vadd.s32 v4, v21;
	v6 =	vadd.f32 v12, v6;
	v7 =	vadd.f32 v9, v7  }
0x10a: {  	v18 =	vadd.s32 v4, v28;
	v19 =	vadd.s32 v5, v28;
	v12 =	vadd.s32 v5, v21  }
0x10b: {  	v20 =	vand.u32 $0xFFFFFF80, v33;
	v21 =	vadd.s32 v4, v29;
	v9 =	vadd.s32 v5, v29  }
0x10c: {  	v24 =	vadd.s32 v4, v30;
	v26 =	vadd.s32 v5, v30;
	v22 =	vand.u32 $0xFFFFFF80, v27  }
0x10d: {  	v15 =	vadd.s32 v5, v31;
	v13 =	vadd.s32 v4, v32;
	v29 =	vadd.s32 v4, v31  }
0x10e: {  	v25 =	vand.u32 $0x7F, v23;
	v27 =	vand.u32 $0x7F, v17;
	v10 =	vadd.s32 v5, v32  }
0x10f: {  	v28 =	vand.u32 $0x7F, v14;
	v30 =	vand.u32 $0x7F, v12;
	v31 =	vand.u32 $0x7F, v18  }
0x110: {  	v23 =	vand.u32 $0xFFFFFF80, v23;
	v32 =	vand.u32 $0x7F, v19;
	v11 =	vand.u32 $0x7F, v21  }
0x111: {  	v33 =	vand.u32 $0xFFFFFF80, v17;
	v14 =	vand.u32 $0xFFFFFF80, v14;
	v12 =	vand.u32 $0xFFFFFF80, v12  }
0x112: {  	v35 =	vand.u32 $0xFFFFFF80, v19;
	v17 =	vadd.s32 v2, v20;
	v18 =	vand.u32 $0xFFFFFF80, v18  }
0x113: {  	v20 =	vadd.s32 v2, v22;
	v19 =	vor.u32 v34, v17;
	v17 =	vand.u32 $0xFFFFFF80, v21  }
0x114: {  	v16 =	vor.u32 v16, v20;
	v34 =	vand.u32 $0x7F, v24;
	v20 =	vadd.s32 v2, v23  }
0x115: {  	v22 =	vand.u32 $0x7F, v26;
	v36 =	vor.u32 v25, v20;
	v20 =	vadd.s32 v2, v33  }
0x116: {  	v14 =	vadd.s32 v2, v14;
	v33 =	vor.u32 v27, v20;
	v21 =	vand.u32 $0x7F, v29  }
.Ltmp0:
0x117: {  	v25 =	vor.u32 v28, v14;
	v20 =	vand.u32 $0x7F, v15;
	v14 =	vadd.s32 v2, v12;
	(pc) =	sbr.rel @p0 .LBB2_3-.Ltmp0, $4  }
0x118: {  	v23 =	vor.u32 v30, v14;
	v18 =	vadd.s32 v2, v18;
	v12 =	vld.idx.msk [tilespmem:v19+s31+$0x0], $0xffff;
	v19 =	vand.u32 $0x7F, v13  }
0x119: {  	v14 =	vld.idx.msk [tilespmem:v16+s3+$0x0], $0xffff;
	v16 =	vand.u32 $0xFFFFFF80, v24;
	v24 =	vor.u32 v31, v18;
	v18 =	vadd.s32 v2, v35  }
0x11a: {  	v28 =	vand.u32 $0xFFFFFF80, v26;
	v27 =	vadd.s32 v2, v16;
	v16 =	vld.idx.msk [tilespmem:v36+s31+$0x0], $0xffff;
	v26 =	vor.u32 v32, v18  }
0x11b: {  	s30 =	sadd.s32 $0xFFFFFFFF, s30;
	v28 =	vadd.s32 v2, v28;
	v29 =	vand.u32 $0xFFFFFF80, v29;
	v27 =	vor.u32 v34, v27;
	v18 =	vld.idx.msk [tilespmem:v33+s3+$0x0], $0xffff  }
0x11c: {  	_ =	sdelay $0x3  }
0x11d: {  	v3 =	vor.u32 v22, v28;
	v4 =	vadd.s32 v2, v29;
	v5 =	vand.u32 $0xFFFFFF80, v15;
	v48 =	vld.idx.msk [tilespmem:v25+s31+$0x0], $0xffff  }
0x11e: {  	v13 =	vand.u32 $0xFFFFFF80, v13;
	v49 =	vld.idx.msk [tilespmem:v23+s3+$0x0], $0xffff;
	v4 =	vor.u32 v21, v4;
	v5 =	vadd.s32 v2, v5  }
0x11f: {  	v50 =	vand.u32 $0xFFFFFF80, v10;
	v51 =	vld.idx.msk [tilespmem:v24+s31+$0x0], $0xffff;
	v13 =	vadd.s32 v2, v13;
	v5 =	vor.u32 v20, v5  }
0x120: {  	v52 =	vand.u32 $0x7F, v10;
	v54 =	vld.idx.msk [tilespmem:v26+s3+$0x0], $0xffff;
	v53 =	vadd.s32 v2, v50;
	v13 =	vor.u32 v19, v13  }
0x121: {  	v55 =	vld.idx.msk [tilespmem:v27+s31+$0x0], $0xffff;
	v17 =	vadd.s32 v2, v17;
	v56 =	vand.u32 $0xFFFFFF80, v9;
	v10 =	vor.u32 v52, v53  }
0x122: {  	v57 =	vand.u32 $0x7F, v9;
	v11 =	vor.u32 v11, v17;
	v2 =	vadd.s32 v2, v56;
	v3 =	vld.idx.msk [tilespmem:v3+s3+$0x0], $0xffff  }
0x123: {  	v2 =	vor.u32 v57, v2;
	v4 =	vld.idx.msk [tilespmem:v4+s31+$0x0], $0xffff  }
0x124: {  	v5 =	vld.idx.msk [tilespmem:v5+s3+$0x0], $0xffff  }
0x125: {  	v58 =	vld.idx.msk [tilespmem:v13+s31+$0x0], $0xffff  }
0x126: {  	v10 =	vld.idx.msk [tilespmem:v10+s3+$0x0], $0xffff  }
0x127: {  	v11 =	vld.idx.msk [tilespmem:v11+s31+$0x0], $0xffff  }
0x128: {  	v2 =	vld.idx.msk [tilespmem:v2+s3+$0x0], $0xffff  }
0x129: {  	v12 =	vmul.f32 v14, v12  }
0x12a: {  	v59 =	vmul.f32 v18, v16;
	v3 =	vmul.f32 v3, v55  }
0x12b: {  	v1 =	vadd.f32 v12, v1;
	v4 =	vmul.f32 v5, v4;
	v61 =	vmul.f32 v10, v58  }
0x12c: {  	v60 =	vmul.f32 v49, v48;
	v62 =	vmul.f32 v54, v51;
	v3 =	vadd.f32 v3, v8  }
0x12d: {  	v2 =	vmul.f32 v2, v11;
	v4 =	vadd.f32 v4, v6;
	v5 =	vadd.f32 v61, v7  }
0x12e: {  	v1 =	vadd.f32 v59, v1;
	v3 =	vadd.f32 v60, v3  }
0x12f: {  	v4 =	vadd.f32 v62, v4;
	v2 =	vadd.f32 v2, v5  }
0x130: {  	v63 =	vld [tilespmem:s29+$0x10C00]  }
0x131: {  	v1 =	vadd.f32 v3, v1;
	v2 =	vadd.f32 v2, v4  }
0x132: {  	v3 =	vld [tilespmem:s29+$0x10E00]  }
0x133: {  	v1 =	vadd.f32 v2, v1;
	_ =	sdelay $0x1  }
0x134: {  	s28 =	sadd.s32 $0x1, s28;
	v1 =	vadd.f32 v63, v1  }
0x135: {  	p0 =	sne.s32 s28, $0x8  }
.Ltmp1:
0x136: {  	v1 =	vadd.f32 v3, v1;
	(pc) =	sbr.rel @p0 .LBB2_2-.Ltmp1, $3  }
0x137: {  	_ = 	snop  }
0x138: {  	v1 =	vadd.f32 v1, v0;
	_ =	sdelay $0x1  }
0x139: {  	[tilespmem:s29+$0x11080] =	vst v1  }
0x13a: {  	[tilespmem:s31], [sflag:$0x1] =	stream.indirect.gather [hbm4b:s4+s15], $0x80, s21, s15, $0xb8;
	[tilespmem:$0x11280] =	vst v63  }
0x13b: {  	_ = 	snop  }
0x13c: {  	[tilespmem:s3], [sflag:$0x1] =	stream.indirect.gather [hbm4b:s5+s15], $0x80, s22, s15, $0xb8;
	[tilespmem:$0x11280] =	vst v63  }
0x13d: {  	_ =	swait.ge [sflag:s19], $0x4000  }
0x13e: {  	[sflag:s19] =	ssyncset.done $0x0  }
0x13f: {  	[sflag:s19] =	ssyncadd.s32 $0xFFFFC000  }
0x140: {  	_ =	swait.ge [sflag:s19], $0x4000  }
0x141: {  	[sflag:s19] =	ssyncset.done $0x0  }
0x142: {  	s28 =	simm.s32 $0x8;
	[sflag:s19] =	ssyncadd.s32 $0xFFFFC000  }
.LBB2_6:
0x143: {  	s29 =	sshll.u32 s28, $0x4;
	v3 =	vlaneseq.u32  }
0x144: {  	v1 =	vmov s29;
	v2 =	vmul.u32 $0x80, v3;
	v6 =	vadd.s32 $0x4, v3  }
0x145: {  	v4 =	vld [tilespmem:s29+$0x800];
	v7 =	vadd.s32 $0x5, v3;
	v8 =	vand.u32 $0x3F, v3;
	v9 =	vadd.s32 $0x6, v3  }
0x146: {  	v5 =	vld [tilespmem:s29+$0xA00];
	v10 =	vadd.s32 $0x7, v3;
	v11 =	vadd.s32 $0x1, v3;
	v12 =	vadd.s32 $0x2, v3  }
0x147: {  	v13 =	vadd.s32 $0x3, v3;
	v1 =	vshll.u32 v1, $0x7;
	v6 =	vand.u32 $0x3F, v6  }
0x148: {  	v7 =	vand.u32 $0x3F, v7;
	v9 =	vand.u32 $0x3F, v9;
	v10 =	vand.u32 $0x3F, v10  }
0x149: {  	v11 =	vand.u32 $0x3F, v11;
	v12 =	vand.u32 $0x3F, v12;
	v16 =	vand.u32 $0x3F, v13  }
0x14a: {  	v2 =	vor.u32 v2, v1;
	v1 =	vimm.f32 $0.0e+00;
	v14 =	vadd.s32 v4, v8  }
0x14b: {  	v8 =	vadd.s32 v5, v8;
	v19 =	vadd.s32 v4, v6;
	v6 =	vadd.s32 v5, v6  }
0x14c: {  	v20 =	vadd.s32 v4, v7;
	v7 =	vadd.s32 v5, v7;
	v21 =	vadd.s32 v4, v9  }
0x14d: {  	v22 =	vadd.s32 v5, v9;
	v23 =	vadd.s32 v4, v10;
	v9 =	vadd.s32 v5, v10  }
0x14e: {  	v24 =	vadd.s32 v4, v11;
	v26 =	vadd.s32 v5, v11;
	v29 =	vadd.s32 v4, v12  }
0x14f: {  	v15 =	vadd.s32 v5, v12;
	v13 =	vadd.s32 v4, v16;
	v10 =	vadd.s32 v5, v16  }
0x150: {  	v17 =	vand.u32 $0x7F, v14;
	v18 =	vand.u32 $0x7F, v8;
	v14 =	vand.u32 $0xFFFFFF80, v14  }
0x151: {  	v8 =	vand.u32 $0xFFFFFF80, v8;
	v12 =	vand.u32 $0x7F, v19;
	v16 =	vand.u32 $0x7F, v6  }
0x152: {  	v25 =	vand.u32 $0x7F, v20;
	v27 =	vand.u32 $0x7F, v7;
	v28 =	vand.u32 $0x7F, v21  }
0x153: {  	v19 =	vand.u32 $0xFFFFFF80, v19;
	v30 =	vand.u32 $0x7F, v22;
	v11 =	vand.u32 $0x7F, v23  }
0x154: {  	v6 =	vand.u32 $0xFFFFFF80, v6;
	v20 =	vand.u32 $0xFFFFFF80, v20;
	v7 =	vand.u32 $0xFFFFFF80, v7  }
0x155: {  	v31 =	vand.u32 $0xFFFFFF80, v21;
	v32 =	vand.u32 $0xFFFFFF80, v22;
	v22 =	vand.u32 $0x7F, v26  }
0x156: {  	v21 =	vand.u32 $0x7F, v29;
	v29 =	vand.u32 $0xFFFFFF80, v29;
	v14 =	vadd.s32 v2, v14  }
0x157: {  	v8 =	vadd.s32 v2, v8;
	v19 =	vadd.s32 v2, v19;
	v14 =	vor.u32 v17, v14  }
0x158: {  	v6 =	vadd.s32 v2, v6;
	v7 =	vadd.s32 v2, v7;
	v8 =	vor.u32 v18, v8  }
0x159: {  	v17 =	vand.u32 $0xFFFFFF80, v23;
	v18 =	vand.u32 $0x7F, v24;
	v33 =	vor.u32 v12, v19  }
0x15a: {  	v6 =	vor.u32 v16, v6;
	v12 =	vadd.s32 v2, v20;
	v20 =	vand.u32 $0x7F, v15  }
0x15b: {  	v23 =	vor.u32 v27, v7;
	v7 =	vadd.s32 v2, v31;
	v25 =	vor.u32 v25, v12  }
0x15c: {  	v16 =	vand.u32 $0xFFFFFF80, v24;
	v24 =	vor.u32 v28, v7;
	v7 =	vadd.s32 v2, v32;
	v12 =	vld.idx.msk [tilespmem:v14+s31+$0x0], $0xffff  }
0x15d: {  	v19 =	vand.u32 $0x7F, v13;
	v28 =	vand.u32 $0xFFFFFF80, v26;
	v26 =	vor.u32 v30, v7;
	v14 =	vld.idx.msk [tilespmem:v8+s3+$0x0], $0xffff  }
0x15e: {  	v28 =	vadd.s32 v2, v28;
	v7 =	vimm.f32 $0.0e+00;
	v8 =	vadd.s32 v2, v16;
	v16 =	vld.idx.msk [tilespmem:v33+s31+$0x0], $0xffff  }
0x15f: {  	s30 =	simm.s32 $0x7;
	v27 =	vor.u32 v18, v8;
	v18 =	vld.idx.msk [tilespmem:v6+s3+$0x0], $0xffff;
	v8 =	vimm.f32 $0.0e+00;
	v6 =	vimm.f32 $0.0e+00  }
.LBB2_7:
0x160: {  	p0 =	sne.s32 s30, $0x1;
	v22 =	vor.u32 v22, v28;
	v28 =	vadd.s32 v2, v29;
	v15 =	vand.u32 $0xFFFFFF80, v15;
	v25 =	vld.idx.msk [tilespmem:v25+s31+$0x0], $0xffff  }
0x161: {  	v13 =	vand.u32 $0xFFFFFF80, v13;
	v21 =	vor.u32 v21, v28;
	v15 =	vadd.s32 v2, v15;
	v23 =	vld.idx.msk [tilespmem:v23+s3+$0x0], $0xffff  }
0x162: {  	v13 =	vadd.s32 v2, v13;
	v15 =	vor.u32 v20, v15;
	v20 =	vand.u32 $0xFFFFFF80, v10;
	v24 =	vld.idx.msk [tilespmem:v24+s31+$0x0], $0xffff  }
0x163: {  	v13 =	vor.u32 v19, v13;
	v10 =	vand.u32 $0x7F, v10;
	v19 =	vadd.s32 v2, v20;
	v20 =	vld.idx.msk [tilespmem:v26+s3+$0x0], $0xffff  }
0x164: {  	v17 =	vadd.s32 v2, v17;
	v26 =	vld.idx.msk [tilespmem:v27+s31+$0x0], $0xffff;
	v10 =	vor.u32 v10, v19;
	v19 =	vand.u32 $0xFFFFFF80, v9  }
0x165: {  	v11 =	vor.u32 v11, v17;
	v9 =	vand.u32 $0x7F, v9;
	v22 =	vld.idx.msk [tilespmem:v22+s3+$0x0], $0xffff;
	v17 =	vadd.s32 v2, v19  }
0x166: {  	v3 =	vadd.s32 $0x8, v3;
	v19 =	vld.idx.msk [tilespmem:v21+s31+$0x0], $0xffff;
	v9 =	vor.u32 v9, v17  }
0x167: {  	v17 =	vadd.s32 $0x4, v3;
	v21 =	vadd.s32 $0x5, v3;
	v15 =	vld.idx.msk [tilespmem:v15+s3+$0x0], $0xffff  }
0x168: {  	v28 =	vadd.s32 $0x6, v3;
	v29 =	vadd.s32 $0x7, v3;
	v27 =	vand.u32 $0x3F, v3;
	v13 =	vld.idx.msk [tilespmem:v13+s31+$0x0], $0xffff  }
0x169: {  	v30 =	vadd.s32 $0x1, v3;
	v31 =	vadd.s32 $0x2, v3;
	v32 =	vadd.s32 $0x3, v3;
	v10 =	vld.idx.msk [tilespmem:v10+s3+$0x0], $0xffff  }
0x16a: {  	v28 =	vand.u32 $0x3F, v28;
	v17 =	vand.u32 $0x3F, v17;
	v21 =	vand.u32 $0x3F, v21;
	v11 =	vld.idx.msk [tilespmem:v11+s31+$0x0], $0xffff  }
0x16b: {  	v29 =	vand.u32 $0x3F, v29;
	v33 =	vadd.s32 v4, v27;
	v27 =	vadd.s32 v5, v27;
	v9 =	vld.idx.msk [tilespmem:v9+s3+$0x0], $0xffff  }
0x16c: {  	v30 =	vand.u32 $0x3F, v30;
	v31 =	vand.u32 $0x3F, v31;
	v32 =	vand.u32 $0x3F, v32  }
0x16d: {  	v12 =	vmul.f32 v14, v12;
	v14 =	vmul.f32 v18, v16;
	v34 =	vand.u32 $0x7F, v33  }
0x16e: {  	v16 =	vand.u32 $0x7F, v27;
	v18 =	vmul.f32 v22, v26;
	v22 =	vmul.f32 v23, v25  }
0x16f: {  	v23 =	vadd.s32 v4, v17;
	v15 =	vmul.f32 v15, v19;
	v10 =	vmul.f32 v10, v13  }
0x170: {  	v1 =	vadd.f32 v12, v1;
	v12 =	vmul.f32 v20, v24;
	v8 =	vadd.f32 v18, v8  }
0x171: {  	v6 =	vadd.f32 v15, v6;
	v7 =	vadd.f32 v10, v7;
	v9 =	vmul.f32 v9, v11  }
0x172: {  	v1 =	vadd.f32 v14, v1;
	v17 =	vadd.s32 v5, v17;
	v8 =	vadd.f32 v22, v8  }
0x173: {  	v14 =	vadd.s32 v4, v21;
	v6 =	vadd.f32 v12, v6;
	v7 =	vadd.f32 v9, v7  }
0x174: {  	v18 =	vadd.s32 v4, v28;
	v19 =	vadd.s32 v5, v28;
	v12 =	vadd.s32 v5, v21  }
0x175: {  	v20 =	vand.u32 $0xFFFFFF80, v33;
	v21 =	vadd.s32 v4, v29;
	v9 =	vadd.s32 v5, v29  }
0x176: {  	v24 =	vadd.s32 v4, v30;
	v26 =	vadd.s32 v5, v30;
	v22 =	vand.u32 $0xFFFFFF80, v27  }
0x177: {  	v15 =	vadd.s32 v5, v31;
	v13 =	vadd.s32 v4, v32;
	v29 =	vadd.s32 v4, v31  }
0x178: {  	v25 =	vand.u32 $0x7F, v23;
	v27 =	vand.u32 $0x7F, v17;
	v10 =	vadd.s32 v5, v32  }
0x179: {  	v28 =	vand.u32 $0x7F, v14;
	v30 =	vand.u32 $0x7F, v12;
	v31 =	vand.u32 $0x7F, v18  }
0x17a: {  	v23 =	vand.u32 $0xFFFFFF80, v23;
	v32 =	vand.u32 $0x7F, v19;
	v11 =	vand.u32 $0x7F, v21  }
0x17b: {  	v33 =	vand.u32 $0xFFFFFF80, v17;
	v14 =	vand.u32 $0xFFFFFF80, v14;
	v12 =	vand.u32 $0xFFFFFF80, v12  }
0x17c: {  	v35 =	vand.u32 $0xFFFFFF80, v19;
	v17 =	vadd.s32 v2, v20;
	v18 =	vand.u32 $0xFFFFFF80, v18  }
0x17d: {  	v20 =	vadd.s32 v2, v22;
	v19 =	vor.u32 v34, v17;
	v17 =	vand.u32 $0xFFFFFF80, v21  }
0x17e: {  	v16 =	vor.u32 v16, v20;
	v34 =	vand.u32 $0x7F, v24;
	v20 =	vadd.s32 v2, v23  }
0x17f: {  	v22 =	vand.u32 $0x7F, v26;
	v36 =	vor.u32 v25, v20;
	v20 =	vadd.s32 v2, v33  }
0x180: {  	v14 =	vadd.s32 v2, v14;
	v33 =	vor.u32 v27, v20;
	v21 =	vand.u32 $0x7F, v29  }
.Ltmp2:
0x181: {  	v25 =	vor.u32 v28, v14;
	v20 =	vand.u32 $0x7F, v15;
	v14 =	vadd.s32 v2, v12;
	(pc) =	sbr.rel @p0 .LBB2_7-.Ltmp2, $4  }
0x182: {  	v23 =	vor.u32 v30, v14;
	v18 =	vadd.s32 v2, v18;
	v12 =	vld.idx.msk [tilespmem:v19+s31+$0x0], $0xffff;
	v19 =	vand.u32 $0x7F, v13  }
0x183: {  	v14 =	vld.idx.msk [tilespmem:v16+s3+$0x0], $0xffff;
	v16 =	vand.u32 $0xFFFFFF80, v24;
	v24 =	vor.u32 v31, v18;
	v18 =	vadd.s32 v2, v35  }
0x184: {  	v28 =	vand.u32 $0xFFFFFF80, v26;
	v27 =	vadd.s32 v2, v16;
	v16 =	vld.idx.msk [tilespmem:v36+s31+$0x0], $0xffff;
	v26 =	vor.u32 v32, v18  }
0x185: {  	s30 =	sadd.s32 $0xFFFFFFFF, s30;
	v28 =	vadd.s32 v2, v28;
	v29 =	vand.u32 $0xFFFFFF80, v29;
	v27 =	vor.u32 v34, v27;
	v18 =	vld.idx.msk [tilespmem:v33+s3+$0x0], $0xffff  }
0x186: {  	_ =	sdelay $0x3  }
0x187: {  	v3 =	vor.u32 v22, v28;
	v4 =	vadd.s32 v2, v29;
	v5 =	vand.u32 $0xFFFFFF80, v15;
	v48 =	vld.idx.msk [tilespmem:v25+s31+$0x0], $0xffff  }
0x188: {  	v13 =	vand.u32 $0xFFFFFF80, v13;
	v49 =	vld.idx.msk [tilespmem:v23+s3+$0x0], $0xffff;
	v4 =	vor.u32 v21, v4;
	v5 =	vadd.s32 v2, v5  }
0x189: {  	v50 =	vand.u32 $0xFFFFFF80, v10;
	v51 =	vld.idx.msk [tilespmem:v24+s31+$0x0], $0xffff;
	v13 =	vadd.s32 v2, v13;
	v5 =	vor.u32 v20, v5  }
0x18a: {  	v52 =	vand.u32 $0x7F, v10;
	v54 =	vld.idx.msk [tilespmem:v26+s3+$0x0], $0xffff;
	v53 =	vadd.s32 v2, v50;
	v13 =	vor.u32 v19, v13  }
0x18b: {  	v55 =	vld.idx.msk [tilespmem:v27+s31+$0x0], $0xffff;
	v17 =	vadd.s32 v2, v17;
	v56 =	vand.u32 $0xFFFFFF80, v9;
	v10 =	vor.u32 v52, v53  }
0x18c: {  	v57 =	vand.u32 $0x7F, v9;
	v11 =	vor.u32 v11, v17;
	v2 =	vadd.s32 v2, v56;
	v3 =	vld.idx.msk [tilespmem:v3+s3+$0x0], $0xffff  }
0x18d: {  	v2 =	vor.u32 v57, v2;
	v4 =	vld.idx.msk [tilespmem:v4+s31+$0x0], $0xffff  }
0x18e: {  	v5 =	vld.idx.msk [tilespmem:v5+s3+$0x0], $0xffff  }
0x18f: {  	v58 =	vld.idx.msk [tilespmem:v13+s31+$0x0], $0xffff  }
0x190: {  	v10 =	vld.idx.msk [tilespmem:v10+s3+$0x0], $0xffff  }
0x191: {  	v11 =	vld.idx.msk [tilespmem:v11+s31+$0x0], $0xffff  }
0x192: {  	v2 =	vld.idx.msk [tilespmem:v2+s3+$0x0], $0xffff  }
0x193: {  	v12 =	vmul.f32 v14, v12  }
0x194: {  	v59 =	vmul.f32 v18, v16;
	v3 =	vmul.f32 v3, v55  }
0x195: {  	v1 =	vadd.f32 v12, v1;
	v4 =	vmul.f32 v5, v4;
	v61 =	vmul.f32 v10, v58  }
0x196: {  	v60 =	vmul.f32 v49, v48;
	v62 =	vmul.f32 v54, v51;
	v3 =	vadd.f32 v3, v8  }
0x197: {  	v2 =	vmul.f32 v2, v11;
	v4 =	vadd.f32 v4, v6;
	v5 =	vadd.f32 v61, v7  }
0x198: {  	v1 =	vadd.f32 v59, v1;
	v3 =	vadd.f32 v60, v3  }
0x199: {  	v4 =	vadd.f32 v62, v4;
	v2 =	vadd.f32 v2, v5  }
0x19a: {  	v63 =	vld [tilespmem:s29+$0x10C00]  }
0x19b: {  	v1 =	vadd.f32 v3, v1;
	v2 =	vadd.f32 v2, v4  }
0x19c: {  	v3 =	vld [tilespmem:s29+$0x10E00]  }
0x19d: {  	v1 =	vadd.f32 v2, v1;
	_ =	sdelay $0x1  }
0x19e: {  	s28 =	sadd.s32 $0x1, s28;
	v1 =	vadd.f32 v63, v1  }
0x19f: {  	p0 =	sne.s32 s28, $0x10  }
.Ltmp3:
0x1a0: {  	v1 =	vadd.f32 v3, v1;
	(pc) =	sbr.rel @p0 .LBB2_6-.Ltmp3, $3  }
0x1a1: {  	_ = 	snop  }
0x1a2: {  	v1 =	vadd.f32 v1, v0;
	_ =	sdelay $0x1  }
0x1a3: {  	[tilespmem:s29+$0x11080] =	vst v1  }
0x1a4: {  	[tilespmem:s16], [sflag:$0x1] =	stream.indirect.gather [hbm4b:s4+s15], $0x80, s23, s15, $0xb8;
	[tilespmem:$0x11280] =	vst v63  }
0x1a5: {  	_ = 	snop  }
0x1a6: {  	[tilespmem:s18], [sflag:$0x1] =	stream.indirect.gather [hbm4b:s5+s15], $0x80, s24, s15, $0xb8;
	[tilespmem:$0x11280] =	vst v63  }
0x1a7: {  	_ =	swait.ge [sflag:s19], $0x4000  }
0x1a8: {  	[sflag:s19] =	ssyncset.done $0x0  }
0x1a9: {  	[sflag:s19] =	ssyncadd.s32 $0xFFFFC000  }
0x1aa: {  	_ =	swait.ge [sflag:s19], $0x4000  }
0x1ab: {  	[sflag:s19] =	ssyncset.done $0x0  }
0x1ac: {  	s28 =	simm.s32 $0x10;
	[sflag:s19] =	ssyncadd.s32 $0xFFFFC000  }
.LBB2_10:
0x1ad: {  	v3 =	vlaneseq.u32  }
0x1ae: {  	s29 =	sshll.u32 s28, $0x4;
	v2 =	vmul.u32 $0x80, v3;
	v6 =	vadd.s32 $0x4, v3;
	v7 =	vadd.s32 $0x5, v3  }
0x1af: {  	v4 =	vld [tilespmem:s29+$0x800];
	v8 =	vand.u32 $0x3F, v3;
	v9 =	vadd.s32 $0x6, v3;
	v10 =	vadd.s32 $0x7, v3  }
0x1b0: {  	s30 =	sadd.s32 $0xFFFFFF00, s29;
	v5 =	vld [tilespmem:s29+$0xA00];
	v11 =	vadd.s32 $0x1, v3;
	v12 =	vadd.s32 $0x2, v3;
	v13 =	vadd.s32 $0x3, v3  }
0x1b1: {  	v1 =	vmov s30;
	v6 =	vand.u32 $0x3F, v6;
	v7 =	vand.u32 $0x3F, v7  }
0x1b2: {  	v9 =	vand.u32 $0x3F, v9;
	v10 =	vand.u32 $0x3F, v10;
	v11 =	vand.u32 $0x3F, v11  }
0x1b3: {  	v12 =	vand.u32 $0x3F, v12;
	v16 =	vand.u32 $0x3F, v13;
	v1 =	vshll.u32 v1, $0x7  }
0x1b4: {  	v2 =	vor.u32 v2, v1;
	v1 =	vimm.f32 $0.0e+00;
	v14 =	vadd.s32 v4, v8  }
0x1b5: {  	v8 =	vadd.s32 v5, v8;
	v19 =	vadd.s32 v4, v6;
	v6 =	vadd.s32 v5, v6  }
0x1b6: {  	v20 =	vadd.s32 v4, v7;
	v7 =	vadd.s32 v5, v7;
	v21 =	vadd.s32 v4, v9  }
0x1b7: {  	v22 =	vadd.s32 v5, v9;
	v23 =	vadd.s32 v4, v10;
	v9 =	vadd.s32 v5, v10  }
0x1b8: {  	v24 =	vadd.s32 v4, v11;
	v26 =	vadd.s32 v5, v11;
	v29 =	vadd.s32 v4, v12  }
0x1b9: {  	v15 =	vadd.s32 v5, v12;
	v13 =	vadd.s32 v4, v16;
	v10 =	vadd.s32 v5, v16  }
0x1ba: {  	v17 =	vand.u32 $0x7F, v14;
	v18 =	vand.u32 $0x7F, v8;
	v14 =	vand.u32 $0xFFFFFF80, v14  }
0x1bb: {  	v8 =	vand.u32 $0xFFFFFF80, v8;
	v12 =	vand.u32 $0x7F, v19;
	v16 =	vand.u32 $0x7F, v6  }
0x1bc: {  	v25 =	vand.u32 $0x7F, v20;
	v27 =	vand.u32 $0x7F, v7;
	v28 =	vand.u32 $0x7F, v21  }
0x1bd: {  	v19 =	vand.u32 $0xFFFFFF80, v19;
	v30 =	vand.u32 $0x7F, v22;
	v11 =	vand.u32 $0x7F, v23  }
0x1be: {  	v6 =	vand.u32 $0xFFFFFF80, v6;
	v20 =	vand.u32 $0xFFFFFF80, v20;
	v7 =	vand.u32 $0xFFFFFF80, v7  }
0x1bf: {  	v31 =	vand.u32 $0xFFFFFF80, v21;
	v32 =	vand.u32 $0xFFFFFF80, v22;
	v22 =	vand.u32 $0x7F, v26  }
0x1c0: {  	v21 =	vand.u32 $0x7F, v29;
	v29 =	vand.u32 $0xFFFFFF80, v29;
	v14 =	vadd.s32 v2, v14  }
0x1c1: {  	v8 =	vadd.s32 v2, v8;
	v19 =	vadd.s32 v2, v19;
	v14 =	vor.u32 v17, v14  }
0x1c2: {  	v6 =	vadd.s32 v2, v6;
	v7 =	vadd.s32 v2, v7;
	v8 =	vor.u32 v18, v8  }
0x1c3: {  	v17 =	vand.u32 $0xFFFFFF80, v23;
	v18 =	vand.u32 $0x7F, v24;
	v33 =	vor.u32 v12, v19  }
0x1c4: {  	v6 =	vor.u32 v16, v6;
	v12 =	vadd.s32 v2, v20;
	v20 =	vand.u32 $0x7F, v15  }
0x1c5: {  	v23 =	vor.u32 v27, v7;
	v7 =	vadd.s32 v2, v31;
	v25 =	vor.u32 v25, v12  }
0x1c6: {  	v16 =	vand.u32 $0xFFFFFF80, v24;
	v24 =	vor.u32 v28, v7;
	v7 =	vadd.s32 v2, v32;
	v12 =	vld.idx.msk [tilespmem:v14+s31+$0x0], $0xffff  }
0x1c7: {  	v19 =	vand.u32 $0x7F, v13;
	v28 =	vand.u32 $0xFFFFFF80, v26;
	v26 =	vor.u32 v30, v7;
	v14 =	vld.idx.msk [tilespmem:v8+s3+$0x0], $0xffff  }
0x1c8: {  	v28 =	vadd.s32 v2, v28;
	v7 =	vimm.f32 $0.0e+00;
	v8 =	vadd.s32 v2, v16;
	v16 =	vld.idx.msk [tilespmem:v33+s31+$0x0], $0xffff  }
0x1c9: {  	s30 =	simm.s32 $0x7;
	v27 =	vor.u32 v18, v8;
	v18 =	vld.idx.msk [tilespmem:v6+s3+$0x0], $0xffff;
	v8 =	vimm.f32 $0.0e+00;
	v6 =	vimm.f32 $0.0e+00  }
.LBB2_11:
0x1ca: {  	p0 =	sne.s32 s30, $0x1;
	v22 =	vor.u32 v22, v28;
	v28 =	vadd.s32 v2, v29;
	v15 =	vand.u32 $0xFFFFFF80, v15;
	v25 =	vld.idx.msk [tilespmem:v25+s31+$0x0], $0xffff  }
0x1cb: {  	v13 =	vand.u32 $0xFFFFFF80, v13;
	v21 =	vor.u32 v21, v28;
	v15 =	vadd.s32 v2, v15;
	v23 =	vld.idx.msk [tilespmem:v23+s3+$0x0], $0xffff  }
0x1cc: {  	v13 =	vadd.s32 v2, v13;
	v15 =	vor.u32 v20, v15;
	v20 =	vand.u32 $0xFFFFFF80, v10;
	v24 =	vld.idx.msk [tilespmem:v24+s31+$0x0], $0xffff  }
0x1cd: {  	v13 =	vor.u32 v19, v13;
	v10 =	vand.u32 $0x7F, v10;
	v19 =	vadd.s32 v2, v20;
	v20 =	vld.idx.msk [tilespmem:v26+s3+$0x0], $0xffff  }
0x1ce: {  	v17 =	vadd.s32 v2, v17;
	v26 =	vld.idx.msk [tilespmem:v27+s31+$0x0], $0xffff;
	v10 =	vor.u32 v10, v19;
	v19 =	vand.u32 $0xFFFFFF80, v9  }
0x1cf: {  	v11 =	vor.u32 v11, v17;
	v9 =	vand.u32 $0x7F, v9;
	v22 =	vld.idx.msk [tilespmem:v22+s3+$0x0], $0xffff;
	v17 =	vadd.s32 v2, v19  }
0x1d0: {  	v3 =	vadd.s32 $0x8, v3;
	v19 =	vld.idx.msk [tilespmem:v21+s31+$0x0], $0xffff;
	v9 =	vor.u32 v9, v17  }
0x1d1: {  	v17 =	vadd.s32 $0x4, v3;
	v21 =	vadd.s32 $0x5, v3;
	v15 =	vld.idx.msk [tilespmem:v15+s3+$0x0], $0xffff  }
0x1d2: {  	v28 =	vadd.s32 $0x6, v3;
	v29 =	vadd.s32 $0x7, v3;
	v27 =	vand.u32 $0x3F, v3;
	v13 =	vld.idx.msk [tilespmem:v13+s31+$0x0], $0xffff  }
0x1d3: {  	v30 =	vadd.s32 $0x1, v3;
	v31 =	vadd.s32 $0x2, v3;
	v32 =	vadd.s32 $0x3, v3;
	v10 =	vld.idx.msk [tilespmem:v10+s3+$0x0], $0xffff  }
0x1d4: {  	v28 =	vand.u32 $0x3F, v28;
	v17 =	vand.u32 $0x3F, v17;
	v21 =	vand.u32 $0x3F, v21;
	v11 =	vld.idx.msk [tilespmem:v11+s31+$0x0], $0xffff  }
0x1d5: {  	v29 =	vand.u32 $0x3F, v29;
	v33 =	vadd.s32 v4, v27;
	v27 =	vadd.s32 v5, v27;
	v9 =	vld.idx.msk [tilespmem:v9+s3+$0x0], $0xffff  }
0x1d6: {  	v30 =	vand.u32 $0x3F, v30;
	v31 =	vand.u32 $0x3F, v31;
	v32 =	vand.u32 $0x3F, v32  }
0x1d7: {  	v12 =	vmul.f32 v14, v12;
	v14 =	vmul.f32 v18, v16;
	v34 =	vand.u32 $0x7F, v33  }
0x1d8: {  	v16 =	vand.u32 $0x7F, v27;
	v18 =	vmul.f32 v22, v26;
	v22 =	vmul.f32 v23, v25  }
0x1d9: {  	v23 =	vadd.s32 v4, v17;
	v15 =	vmul.f32 v15, v19;
	v10 =	vmul.f32 v10, v13  }
0x1da: {  	v1 =	vadd.f32 v12, v1;
	v12 =	vmul.f32 v20, v24;
	v8 =	vadd.f32 v18, v8  }
0x1db: {  	v6 =	vadd.f32 v15, v6;
	v7 =	vadd.f32 v10, v7;
	v9 =	vmul.f32 v9, v11  }
0x1dc: {  	v1 =	vadd.f32 v14, v1;
	v17 =	vadd.s32 v5, v17;
	v8 =	vadd.f32 v22, v8  }
0x1dd: {  	v14 =	vadd.s32 v4, v21;
	v6 =	vadd.f32 v12, v6;
	v7 =	vadd.f32 v9, v7  }
0x1de: {  	v18 =	vadd.s32 v4, v28;
	v19 =	vadd.s32 v5, v28;
	v12 =	vadd.s32 v5, v21  }
0x1df: {  	v20 =	vand.u32 $0xFFFFFF80, v33;
	v21 =	vadd.s32 v4, v29;
	v9 =	vadd.s32 v5, v29  }
0x1e0: {  	v24 =	vadd.s32 v4, v30;
	v26 =	vadd.s32 v5, v30;
	v22 =	vand.u32 $0xFFFFFF80, v27  }
0x1e1: {  	v15 =	vadd.s32 v5, v31;
	v13 =	vadd.s32 v4, v32;
	v29 =	vadd.s32 v4, v31  }
0x1e2: {  	v25 =	vand.u32 $0x7F, v23;
	v27 =	vand.u32 $0x7F, v17;
	v10 =	vadd.s32 v5, v32  }
0x1e3: {  	v28 =	vand.u32 $0x7F, v14;
	v30 =	vand.u32 $0x7F, v12;
	v31 =	vand.u32 $0x7F, v18  }
0x1e4: {  	v23 =	vand.u32 $0xFFFFFF80, v23;
	v32 =	vand.u32 $0x7F, v19;
	v11 =	vand.u32 $0x7F, v21  }
0x1e5: {  	v33 =	vand.u32 $0xFFFFFF80, v17;
	v14 =	vand.u32 $0xFFFFFF80, v14;
	v12 =	vand.u32 $0xFFFFFF80, v12  }
0x1e6: {  	v35 =	vand.u32 $0xFFFFFF80, v19;
	v17 =	vadd.s32 v2, v20;
	v18 =	vand.u32 $0xFFFFFF80, v18  }
0x1e7: {  	v20 =	vadd.s32 v2, v22;
	v19 =	vor.u32 v34, v17;
	v17 =	vand.u32 $0xFFFFFF80, v21  }
0x1e8: {  	v16 =	vor.u32 v16, v20;
	v34 =	vand.u32 $0x7F, v24;
	v20 =	vadd.s32 v2, v23  }
0x1e9: {  	v22 =	vand.u32 $0x7F, v26;
	v36 =	vor.u32 v25, v20;
	v20 =	vadd.s32 v2, v33  }
0x1ea: {  	v14 =	vadd.s32 v2, v14;
	v33 =	vor.u32 v27, v20;
	v21 =	vand.u32 $0x7F, v29  }
.Ltmp4:
0x1eb: {  	v25 =	vor.u32 v28, v14;
	v20 =	vand.u32 $0x7F, v15;
	v14 =	vadd.s32 v2, v12;
	(pc) =	sbr.rel @p0 .LBB2_11-.Ltmp4, $4  }
0x1ec: {  	v23 =	vor.u32 v30, v14;
	v18 =	vadd.s32 v2, v18;
	v12 =	vld.idx.msk [tilespmem:v19+s31+$0x0], $0xffff;
	v19 =	vand.u32 $0x7F, v13  }
0x1ed: {  	v14 =	vld.idx.msk [tilespmem:v16+s3+$0x0], $0xffff;
	v16 =	vand.u32 $0xFFFFFF80, v24;
	v24 =	vor.u32 v31, v18;
	v18 =	vadd.s32 v2, v35  }
0x1ee: {  	v28 =	vand.u32 $0xFFFFFF80, v26;
	v27 =	vadd.s32 v2, v16;
	v16 =	vld.idx.msk [tilespmem:v36+s31+$0x0], $0xffff;
	v26 =	vor.u32 v32, v18  }
0x1ef: {  	s30 =	sadd.s32 $0xFFFFFFFF, s30;
	v28 =	vadd.s32 v2, v28;
	v29 =	vand.u32 $0xFFFFFF80, v29;
	v27 =	vor.u32 v34, v27;
	v18 =	vld.idx.msk [tilespmem:v33+s3+$0x0], $0xffff  }
0x1f0: {  	_ =	sdelay $0x3  }
0x1f1: {  	v3 =	vor.u32 v22, v28;
	v4 =	vadd.s32 v2, v29;
	v5 =	vand.u32 $0xFFFFFF80, v15;
	v48 =	vld.idx.msk [tilespmem:v25+s31+$0x0], $0xffff  }
0x1f2: {  	v13 =	vand.u32 $0xFFFFFF80, v13;
	v49 =	vld.idx.msk [tilespmem:v23+s3+$0x0], $0xffff;
	v4 =	vor.u32 v21, v4;
	v5 =	vadd.s32 v2, v5  }
0x1f3: {  	v50 =	vand.u32 $0xFFFFFF80, v10;
	v51 =	vld.idx.msk [tilespmem:v24+s31+$0x0], $0xffff;
	v13 =	vadd.s32 v2, v13;
	v5 =	vor.u32 v20, v5  }
0x1f4: {  	v52 =	vand.u32 $0x7F, v10;
	v54 =	vld.idx.msk [tilespmem:v26+s3+$0x0], $0xffff;
	v53 =	vadd.s32 v2, v50;
	v13 =	vor.u32 v19, v13  }
0x1f5: {  	v55 =	vld.idx.msk [tilespmem:v27+s31+$0x0], $0xffff;
	v17 =	vadd.s32 v2, v17;
	v56 =	vand.u32 $0xFFFFFF80, v9;
	v10 =	vor.u32 v52, v53  }
0x1f6: {  	v57 =	vand.u32 $0x7F, v9;
	v11 =	vor.u32 v11, v17;
	v2 =	vadd.s32 v2, v56;
	v3 =	vld.idx.msk [tilespmem:v3+s3+$0x0], $0xffff  }
0x1f7: {  	v2 =	vor.u32 v57, v2;
	v4 =	vld.idx.msk [tilespmem:v4+s31+$0x0], $0xffff  }
0x1f8: {  	v5 =	vld.idx.msk [tilespmem:v5+s3+$0x0], $0xffff  }
0x1f9: {  	v58 =	vld.idx.msk [tilespmem:v13+s31+$0x0], $0xffff  }
0x1fa: {  	v10 =	vld.idx.msk [tilespmem:v10+s3+$0x0], $0xffff  }
0x1fb: {  	v11 =	vld.idx.msk [tilespmem:v11+s31+$0x0], $0xffff  }
0x1fc: {  	v2 =	vld.idx.msk [tilespmem:v2+s3+$0x0], $0xffff  }
0x1fd: {  	v12 =	vmul.f32 v14, v12  }
0x1fe: {  	v59 =	vmul.f32 v18, v16;
	v3 =	vmul.f32 v3, v55  }
0x1ff: {  	v1 =	vadd.f32 v12, v1;
	v4 =	vmul.f32 v5, v4;
	v61 =	vmul.f32 v10, v58  }
0x200: {  	v60 =	vmul.f32 v49, v48;
	v62 =	vmul.f32 v54, v51;
	v3 =	vadd.f32 v3, v8  }
0x201: {  	v2 =	vmul.f32 v2, v11;
	v4 =	vadd.f32 v4, v6;
	v5 =	vadd.f32 v61, v7  }
0x202: {  	v1 =	vadd.f32 v59, v1;
	v3 =	vadd.f32 v60, v3  }
0x203: {  	v4 =	vadd.f32 v62, v4;
	v2 =	vadd.f32 v2, v5  }
0x204: {  	v63 =	vld [tilespmem:s29+$0x10C00]  }
0x205: {  	v1 =	vadd.f32 v3, v1;
	v2 =	vadd.f32 v2, v4  }
0x206: {  	v3 =	vld [tilespmem:s29+$0x10E00]  }
0x207: {  	v1 =	vadd.f32 v2, v1;
	_ =	sdelay $0x1  }
0x208: {  	s28 =	sadd.s32 $0x1, s28;
	v1 =	vadd.f32 v63, v1  }
0x209: {  	p0 =	sne.s32 s28, $0x18  }
.Ltmp5:
0x20a: {  	v1 =	vadd.f32 v3, v1;
	(pc) =	sbr.rel @p0 .LBB2_10-.Ltmp5, $3  }
0x20b: {  	_ = 	snop  }
0x20c: {  	v1 =	vadd.f32 v1, v0;
	_ =	sdelay $0x1  }
0x20d: {  	[tilespmem:s29+$0x11080] =	vst v1  }
0x20e: {  	_ =	swait.ge [sflag:s19], $0x4000  }
0x20f: {  	[sflag:s19] =	ssyncset.done $0x0  }
0x210: {  	[sflag:s19] =	ssyncadd.s32 $0xFFFFC000  }
0x211: {  	_ =	swait.ge [sflag:s19], $0x4000  }
0x212: {  	[sflag:s19] =	ssyncset.done $0x0  }
0x213: {  	s28 =	simm.s32 $0x18;
	[sflag:s19] =	ssyncadd.s32 $0xFFFFC000  }
.LBB2_14:
0x214: {  	v3 =	vlaneseq.u32  }
0x215: {  	s29 =	sshll.u32 s28, $0x4;
	v2 =	vmul.u32 $0x80, v3;
	v6 =	vadd.s32 $0x4, v3;
	v7 =	vadd.s32 $0x5, v3  }
0x216: {  	v4 =	vld [tilespmem:s29+$0x800];
	v8 =	vand.u32 $0x3F, v3;
	v9 =	vadd.s32 $0x6, v3;
	v10 =	vadd.s32 $0x7, v3  }
0x217: {  	s30 =	sadd.s32 $0xFFFFFF00, s29;
	v5 =	vld [tilespmem:s29+$0xA00];
	v11 =	vadd.s32 $0x1, v3;
	v12 =	vadd.s32 $0x2, v3;
	v13 =	vadd.s32 $0x3, v3  }
0x218: {  	v1 =	vmov s30;
	v6 =	vand.u32 $0x3F, v6;
	v7 =	vand.u32 $0x3F, v7  }
0x219: {  	v9 =	vand.u32 $0x3F, v9;
	v10 =	vand.u32 $0x3F, v10;
	v11 =	vand.u32 $0x3F, v11  }
0x21a: {  	v12 =	vand.u32 $0x3F, v12;
	v16 =	vand.u32 $0x3F, v13;
	v1 =	vshll.u32 v1, $0x7  }
0x21b: {  	v2 =	vor.u32 v2, v1;
	v1 =	vimm.f32 $0.0e+00;
	v14 =	vadd.s32 v4, v8  }
0x21c: {  	v8 =	vadd.s32 v5, v8;
	v19 =	vadd.s32 v4, v6;
	v6 =	vadd.s32 v5, v6  }
0x21d: {  	v20 =	vadd.s32 v4, v7;
	v7 =	vadd.s32 v5, v7;
	v21 =	vadd.s32 v4, v9  }
0x21e: {  	v22 =	vadd.s32 v5, v9;
	v23 =	vadd.s32 v4, v10;
	v9 =	vadd.s32 v5, v10  }
0x21f: {  	v24 =	vadd.s32 v4, v11;
	v26 =	vadd.s32 v5, v11;
	v29 =	vadd.s32 v4, v12  }
0x220: {  	v15 =	vadd.s32 v5, v12;
	v13 =	vadd.s32 v4, v16;
	v10 =	vadd.s32 v5, v16  }
0x221: {  	v17 =	vand.u32 $0x7F, v14;
	v18 =	vand.u32 $0x7F, v8;
	v14 =	vand.u32 $0xFFFFFF80, v14  }
0x222: {  	v8 =	vand.u32 $0xFFFFFF80, v8;
	v12 =	vand.u32 $0x7F, v19;
	v16 =	vand.u32 $0x7F, v6  }
0x223: {  	v25 =	vand.u32 $0x7F, v20;
	v27 =	vand.u32 $0x7F, v7;
	v28 =	vand.u32 $0x7F, v21  }
0x224: {  	v19 =	vand.u32 $0xFFFFFF80, v19;
	v30 =	vand.u32 $0x7F, v22;
	v11 =	vand.u32 $0x7F, v23  }
0x225: {  	v6 =	vand.u32 $0xFFFFFF80, v6;
	v20 =	vand.u32 $0xFFFFFF80, v20;
	v7 =	vand.u32 $0xFFFFFF80, v7  }
0x226: {  	v31 =	vand.u32 $0xFFFFFF80, v21;
	v32 =	vand.u32 $0xFFFFFF80, v22;
	v22 =	vand.u32 $0x7F, v26  }
0x227: {  	v21 =	vand.u32 $0x7F, v29;
	v29 =	vand.u32 $0xFFFFFF80, v29;
	v14 =	vadd.s32 v2, v14  }
0x228: {  	v8 =	vadd.s32 v2, v8;
	v19 =	vadd.s32 v2, v19;
	v14 =	vor.u32 v17, v14  }
0x229: {  	v6 =	vadd.s32 v2, v6;
	v7 =	vadd.s32 v2, v7;
	v8 =	vor.u32 v18, v8  }
0x22a: {  	v17 =	vand.u32 $0xFFFFFF80, v23;
	v18 =	vand.u32 $0x7F, v24;
	v33 =	vor.u32 v12, v19  }
0x22b: {  	v6 =	vor.u32 v16, v6;
	v12 =	vadd.s32 v2, v20;
	v20 =	vand.u32 $0x7F, v15  }
0x22c: {  	v23 =	vor.u32 v27, v7;
	v7 =	vadd.s32 v2, v31;
	v25 =	vor.u32 v25, v12  }
0x22d: {  	v16 =	vand.u32 $0xFFFFFF80, v24;
	v24 =	vor.u32 v28, v7;
	v7 =	vadd.s32 v2, v32;
	v12 =	vld.idx.msk [tilespmem:v14+s31+$0x0], $0xffff  }
0x22e: {  	v19 =	vand.u32 $0x7F, v13;
	v28 =	vand.u32 $0xFFFFFF80, v26;
	v26 =	vor.u32 v30, v7;
	v14 =	vld.idx.msk [tilespmem:v8+s3+$0x0], $0xffff  }
0x22f: {  	v28 =	vadd.s32 v2, v28;
	v7 =	vimm.f32 $0.0e+00;
	v8 =	vadd.s32 v2, v16;
	v16 =	vld.idx.msk [tilespmem:v33+s31+$0x0], $0xffff  }
0x230: {  	s30 =	simm.s32 $0x7;
	v27 =	vor.u32 v18, v8;
	v18 =	vld.idx.msk [tilespmem:v6+s3+$0x0], $0xffff;
	v8 =	vimm.f32 $0.0e+00;
	v6 =	vimm.f32 $0.0e+00  }
.LBB2_15:
0x231: {  	p0 =	sne.s32 s30, $0x1;
	v22 =	vor.u32 v22, v28;
	v28 =	vadd.s32 v2, v29;
	v15 =	vand.u32 $0xFFFFFF80, v15;
	v25 =	vld.idx.msk [tilespmem:v25+s31+$0x0], $0xffff  }
0x232: {  	v13 =	vand.u32 $0xFFFFFF80, v13;
	v21 =	vor.u32 v21, v28;
	v15 =	vadd.s32 v2, v15;
	v23 =	vld.idx.msk [tilespmem:v23+s3+$0x0], $0xffff  }
0x233: {  	v13 =	vadd.s32 v2, v13;
	v15 =	vor.u32 v20, v15;
	v20 =	vand.u32 $0xFFFFFF80, v10;
	v24 =	vld.idx.msk [tilespmem:v24+s31+$0x0], $0xffff  }
0x234: {  	v13 =	vor.u32 v19, v13;
	v10 =	vand.u32 $0x7F, v10;
	v19 =	vadd.s32 v2, v20;
	v20 =	vld.idx.msk [tilespmem:v26+s3+$0x0], $0xffff  }
0x235: {  	v17 =	vadd.s32 v2, v17;
	v26 =	vld.idx.msk [tilespmem:v27+s31+$0x0], $0xffff;
	v10 =	vor.u32 v10, v19;
	v19 =	vand.u32 $0xFFFFFF80, v9  }
0x236: {  	v11 =	vor.u32 v11, v17;
	v9 =	vand.u32 $0x7F, v9;
	v22 =	vld.idx.msk [tilespmem:v22+s3+$0x0], $0xffff;
	v17 =	vadd.s32 v2, v19  }
0x237: {  	v3 =	vadd.s32 $0x8, v3;
	v19 =	vld.idx.msk [tilespmem:v21+s31+$0x0], $0xffff;
	v9 =	vor.u32 v9, v17  }
0x238: {  	v17 =	vadd.s32 $0x4, v3;
	v21 =	vadd.s32 $0x5, v3;
	v15 =	vld.idx.msk [tilespmem:v15+s3+$0x0], $0xffff  }
0x239: {  	v28 =	vadd.s32 $0x6, v3;
	v29 =	vadd.s32 $0x7, v3;
	v27 =	vand.u32 $0x3F, v3;
	v13 =	vld.idx.msk [tilespmem:v13+s31+$0x0], $0xffff  }
0x23a: {  	v30 =	vadd.s32 $0x1, v3;
	v31 =	vadd.s32 $0x2, v3;
	v32 =	vadd.s32 $0x3, v3;
	v10 =	vld.idx.msk [tilespmem:v10+s3+$0x0], $0xffff  }
0x23b: {  	v28 =	vand.u32 $0x3F, v28;
	v17 =	vand.u32 $0x3F, v17;
	v21 =	vand.u32 $0x3F, v21;
	v11 =	vld.idx.msk [tilespmem:v11+s31+$0x0], $0xffff  }
0x23c: {  	v29 =	vand.u32 $0x3F, v29;
	v33 =	vadd.s32 v4, v27;
	v27 =	vadd.s32 v5, v27;
	v9 =	vld.idx.msk [tilespmem:v9+s3+$0x0], $0xffff  }
0x23d: {  	v30 =	vand.u32 $0x3F, v30;
	v31 =	vand.u32 $0x3F, v31;
	v32 =	vand.u32 $0x3F, v32  }
0x23e: {  	v12 =	vmul.f32 v14, v12;
	v14 =	vmul.f32 v18, v16;
	v34 =	vand.u32 $0x7F, v33  }
0x23f: {  	v16 =	vand.u32 $0x7F, v27;
	v18 =	vmul.f32 v22, v26;
	v22 =	vmul.f32 v23, v25  }
0x240: {  	v23 =	vadd.s32 v4, v17;
	v15 =	vmul.f32 v15, v19;
	v10 =	vmul.f32 v10, v13  }
0x241: {  	v1 =	vadd.f32 v12, v1;
	v12 =	vmul.f32 v20, v24;
	v8 =	vadd.f32 v18, v8  }
0x242: {  	v6 =	vadd.f32 v15, v6;
	v7 =	vadd.f32 v10, v7;
	v9 =	vmul.f32 v9, v11  }
0x243: {  	v1 =	vadd.f32 v14, v1;
	v17 =	vadd.s32 v5, v17;
	v8 =	vadd.f32 v22, v8  }
0x244: {  	v14 =	vadd.s32 v4, v21;
	v6 =	vadd.f32 v12, v6;
	v7 =	vadd.f32 v9, v7  }
0x245: {  	v18 =	vadd.s32 v4, v28;
	v19 =	vadd.s32 v5, v28;
	v12 =	vadd.s32 v5, v21  }
0x246: {  	v20 =	vand.u32 $0xFFFFFF80, v33;
	v21 =	vadd.s32 v4, v29;
	v9 =	vadd.s32 v5, v29  }
0x247: {  	v24 =	vadd.s32 v4, v30;
	v26 =	vadd.s32 v5, v30;
	v22 =	vand.u32 $0xFFFFFF80, v27  }
0x248: {  	v15 =	vadd.s32 v5, v31;
	v13 =	vadd.s32 v4, v32;
	v29 =	vadd.s32 v4, v31  }
0x249: {  	v25 =	vand.u32 $0x7F, v23;
	v27 =	vand.u32 $0x7F, v17;
	v10 =	vadd.s32 v5, v32  }
0x24a: {  	v28 =	vand.u32 $0x7F, v14;
	v30 =	vand.u32 $0x7F, v12;
	v31 =	vand.u32 $0x7F, v18  }
0x24b: {  	v23 =	vand.u32 $0xFFFFFF80, v23;
	v32 =	vand.u32 $0x7F, v19;
	v11 =	vand.u32 $0x7F, v21  }
0x24c: {  	v33 =	vand.u32 $0xFFFFFF80, v17;
	v14 =	vand.u32 $0xFFFFFF80, v14;
	v12 =	vand.u32 $0xFFFFFF80, v12  }
0x24d: {  	v35 =	vand.u32 $0xFFFFFF80, v19;
	v17 =	vadd.s32 v2, v20;
	v18 =	vand.u32 $0xFFFFFF80, v18  }
0x24e: {  	v20 =	vadd.s32 v2, v22;
	v19 =	vor.u32 v34, v17;
	v17 =	vand.u32 $0xFFFFFF80, v21  }
0x24f: {  	v16 =	vor.u32 v16, v20;
	v34 =	vand.u32 $0x7F, v24;
	v20 =	vadd.s32 v2, v23  }
0x250: {  	v22 =	vand.u32 $0x7F, v26;
	v36 =	vor.u32 v25, v20;
	v20 =	vadd.s32 v2, v33  }
0x251: {  	v14 =	vadd.s32 v2, v14;
	v33 =	vor.u32 v27, v20;
	v21 =	vand.u32 $0x7F, v29  }
.Ltmp6:
0x252: {  	v25 =	vor.u32 v28, v14;
	v20 =	vand.u32 $0x7F, v15;
	v14 =	vadd.s32 v2, v12;
	(pc) =	sbr.rel @p0 .LBB2_15-.Ltmp6, $4  }
0x253: {  	v23 =	vor.u32 v30, v14;
	v18 =	vadd.s32 v2, v18;
	v12 =	vld.idx.msk [tilespmem:v19+s31+$0x0], $0xffff;
	v19 =	vand.u32 $0x7F, v13  }
0x254: {  	v14 =	vld.idx.msk [tilespmem:v16+s3+$0x0], $0xffff;
	v16 =	vand.u32 $0xFFFFFF80, v24;
	v24 =	vor.u32 v31, v18;
	v18 =	vadd.s32 v2, v35  }
0x255: {  	v28 =	vand.u32 $0xFFFFFF80, v26;
	v27 =	vadd.s32 v2, v16;
	v16 =	vld.idx.msk [tilespmem:v36+s31+$0x0], $0xffff;
	v26 =	vor.u32 v32, v18  }
0x256: {  	s30 =	sadd.s32 $0xFFFFFFFF, s30;
	v28 =	vadd.s32 v2, v28;
	v29 =	vand.u32 $0xFFFFFF80, v29;
	v27 =	vor.u32 v34, v27;
	v18 =	vld.idx.msk [tilespmem:v33+s3+$0x0], $0xffff  }
0x257: {  	_ =	sdelay $0x3  }
0x258: {  	v3 =	vor.u32 v22, v28;
	v4 =	vadd.s32 v2, v29;
	v5 =	vand.u32 $0xFFFFFF80, v15;
	v48 =	vld.idx.msk [tilespmem:v25+s31+$0x0], $0xffff  }
0x259: {  	v13 =	vand.u32 $0xFFFFFF80, v13;
	v49 =	vld.idx.msk [tilespmem:v23+s3+$0x0], $0xffff;
	v4 =	vor.u32 v21, v4;
	v5 =	vadd.s32 v2, v5  }
0x25a: {  	v50 =	vand.u32 $0xFFFFFF80, v10;
	v51 =	vld.idx.msk [tilespmem:v24+s31+$0x0], $0xffff;
	v13 =	vadd.s32 v2, v13;
	v5 =	vor.u32 v20, v5  }
0x25b: {  	v52 =	vand.u32 $0x7F, v10;
	v54 =	vld.idx.msk [tilespmem:v26+s3+$0x0], $0xffff;
	v53 =	vadd.s32 v2, v50;
	v13 =	vor.u32 v19, v13  }
0x25c: {  	v55 =	vld.idx.msk [tilespmem:v27+s31+$0x0], $0xffff;
	v17 =	vadd.s32 v2, v17;
	v56 =	vand.u32 $0xFFFFFF80, v9;
	v10 =	vor.u32 v52, v53  }
0x25d: {  	v57 =	vand.u32 $0x7F, v9;
	v11 =	vor.u32 v11, v17;
	v2 =	vadd.s32 v2, v56;
	v3 =	vld.idx.msk [tilespmem:v3+s3+$0x0], $0xffff  }
0x25e: {  	v2 =	vor.u32 v57, v2;
	v4 =	vld.idx.msk [tilespmem:v4+s31+$0x0], $0xffff  }
0x25f: {  	v5 =	vld.idx.msk [tilespmem:v5+s3+$0x0], $0xffff  }
0x260: {  	v58 =	vld.idx.msk [tilespmem:v13+s31+$0x0], $0xffff  }
0x261: {  	v10 =	vld.idx.msk [tilespmem:v10+s3+$0x0], $0xffff  }
0x262: {  	v11 =	vld.idx.msk [tilespmem:v11+s31+$0x0], $0xffff  }
0x263: {  	v2 =	vld.idx.msk [tilespmem:v2+s3+$0x0], $0xffff  }
0x264: {  	v12 =	vmul.f32 v14, v12  }
0x265: {  	v59 =	vmul.f32 v18, v16;
	v3 =	vmul.f32 v3, v55  }
0x266: {  	v1 =	vadd.f32 v12, v1;
	v4 =	vmul.f32 v5, v4;
	v61 =	vmul.f32 v10, v58  }
0x267: {  	v60 =	vmul.f32 v49, v48;
	v62 =	vmul.f32 v54, v51;
	v3 =	vadd.f32 v3, v8  }
0x268: {  	v2 =	vmul.f32 v2, v11;
	v4 =	vadd.f32 v4, v6;
	v5 =	vadd.f32 v61, v7  }
0x269: {  	v1 =	vadd.f32 v59, v1;
	v3 =	vadd.f32 v60, v3  }
0x26a: {  	v4 =	vadd.f32 v62, v4;
	v2 =	vadd.f32 v2, v5  }
0x26b: {  	v63 =	vld [tilespmem:s29+$0x10C00]  }
0x26c: {  	v1 =	vadd.f32 v3, v1;
	v2 =	vadd.f32 v2, v4  }
0x26d: {  	v3 =	vld [tilespmem:s29+$0x10E00]  }
0x26e: {  	v1 =	vadd.f32 v2, v1;
	_ =	sdelay $0x1  }
0x26f: {  	s28 =	sadd.s32 $0x1, s28;
	v1 =	vadd.f32 v63, v1  }
0x270: {  	p0 =	sne.s32 s28, $0x20  }
.Ltmp7:
0x271: {  	v1 =	vadd.f32 v3, v1;
	(pc) =	sbr.rel @p0 .LBB2_14-.Ltmp7, $3  }
0x272: {  	_ = 	snop  }
0x273: {  	v1 =	vadd.f32 v1, v0;
	_ =	sdelay $0x1  }
0x274: {  	[tilespmem:s29+$0x11080] =	vst v1  }
0x275: {  	s26 =	sadd.s32 $0x1, s26  }
0x276: {  	p0 =	sne.s32 s26, s11  }
.Ltmp8:
0x277: {  	_ = 	snop;
	(pc) =	sbr.rel @p0 .LBB2_1-.Ltmp8, $4  }
0x278: {  	[hbm4b:s10+s2] =	stream.linear.scatter [tilespmem:s25], [sflag:$0x3], $0x200, $0x38;
	[tilespmem:$0x11280] =	vst v63  }
0x279: {  	_ =	swait.ge [sflag:s12], $0x200  }
0x27a: {  	[sflag:s12] =	ssyncset.done $0x0  }
0x27b: {  	[sflag:s12] =	ssyncadd.s32 $0xFFFFFE00  }
0x27c: {  	_ =	sfence.sel $0x180000  }
0x27d: {  	[bflag:$0x0] =	sbarrier.arrive $0xFFFF  }
0x27e: {  	_ =	strace $0x90000047  }
0x27f: {  	s0 =	stileid.u32;
	[bflag:$0x2] =	sbarrier.arrive $0xFFFF  }
0x280: {  	p0 =	sne.s32 s0, $0x0;
	s0 =	rddreg [dreg:$0x4]  }
0x281: {  	s0 =	sadd.s32 @!p0 $0x100000, s0  }
0x282: {  	[sflag:s0] =	ssyncadd.tile.s32 @!p0 $0x1;
	_ =	shalt  }
.Lfunc_end2:
_tile_overlayer_lowered:
.L_overlay_start_2:
0x283: {  	(tag) =	ssettag $0x2  }
0x284: {  	s0 =	rddreg [dreg:$0x0];
	s2 =	stileid.u32  }
0x285: {  	s1 =	rddreg [dreg:$0x1];
	p0 =	sne.s32 s2, $0x0  }
0x286: {  	s3 =	rddreg [dreg:$0x2];
	[bflag:$0x3] =	sbarrier.arrive $0xFFFF;
	s2 =	simm.s32 @!p0 $0x1C03  }
0x287: {  	[timem:s3], [sflag:s2] =	dma.local @!p0 [hbm:s0], s1  }
0x288: {  	s0 =	simm.s32 @!p0 $0x3  }
0x289: {  	_ =	swait.ge @!p0 [sflag:s0], s1  }
0x28a: {  	s1 =	ssub.s32 @!p0 $0x0, s1;
	[sflag:s0] =	ssyncset.done @!p0 $0x0  }
0x28b: {  	[sflag:s0] =	ssyncadd.s32 @!p0 s1  }
0x28c: {  	[bflag:$0x3] =	sbarrier.arrive $0xFFFF  }
0x28d: {  	_ =	shalt  }

</sc_bundles>
